<compile_context>
chip_gen: v7x
topology: tpu7x:2x2x1
jax: 0.10.2.dev20260603
libtpu: 0.0.44.dev20260713+nightly
codegen_flags: <defaults>
</compile_context>

<pallas_src>
import functools

import numpy as np
import jax
import jax.numpy as jnp
from jax import lax
from jax.experimental import pallas as pl
from jax.experimental.pallas import tpu as pltpu
from jax.experimental.pallas import tpu_sc as plsc

N = 10000
E = 160000
D = 256
L = 3

NT = 32
NPT = 313
NROWS = NT * NPT
JUNK = NPT
CAP = 5632
ECH = 8000
CH = 64
NCH = CAP // CH
SBLK = 64
NBLK = 157
NPAD = NBLK * SBLK
BCAP = 72
NBUCK = NBLK + 1
CAP2 = NBUCK * BCAP
JSENT = NBLK * SBLK + 63
JENTRY = 63 | (JUNK << 7)

ROW_BLK = 1000

_mesh = plsc.VectorSubcoreMesh(core_axis_name="c", subcore_axis_name="s")
_sc_params = pltpu.CompilerParams(needs_layout_passes=False)


def _wid():
    return lax.axis_index("s") * 2 + lax.axis_index("c")


def _const_table():
    rows = [np.full(16, 15)]
    for k in range(4):
        rows.append(np.maximum(np.arange(16) - (1 << k), 0))
    for k in range(4):
        rows.append((np.arange(16) >= (1 << k)).astype(np.int64))
    for w in range(NT):
        rows.append(np.full(16, w * NPT))
    return jnp.asarray(np.concatenate(rows).astype(np.int32))


TAB_ROWS = 9 + NT


@functools.partial(
    pl.kernel,
    mesh=_mesh,
    compiler_params=_sc_params,
    out_type=jax.ShapeDtypeStruct((NT * CAP2,), jnp.int32),
    scratch_types=[
        pltpu.VMEM((ECH,), jnp.int32),
        pltpu.VMEM((ECH,), jnp.int32),
        pltpu.VMEM((CAP + 16,), jnp.int32),
        pltpu.VMEM((CAP + 16,), jnp.int32),
        pltpu.VMEM((TAB_ROWS * 16,), jnp.int32),
        pltpu.VMEM((160,), jnp.int32),
        pltpu.VMEM((CAP2,), jnp.int32),
    ],
)
def _edge_partition(src_hbm, dst_hbm, tab_hbm, list_out,
                    sv, dv, osrc, oldst, tv, cur, olist):
    wid = _wid()
    pltpu.sync_copy(tab_hbm, tv)
    splat15 = tv[pl.ds(0, 16)]
    shs = [tv[pl.ds((1 + k) * 16, 16)] for k in range(4)]
    zms = [tv[pl.ds((5 + k) * 16, 16)] for k in range(4)]
    lo_vec = tv[pl.ds((9 + wid) * 16, 16)]

    iota16 = lax.iota(jnp.int32, 16)
    zero16 = iota16 * 0
    junk16 = zero16 + JUNK
    sent16 = zero16 + JSENT
    lane0 = iota16 < 1

    def init_body(i, _):
        osrc[pl.ds(i * 16, 16)] = sent16
        oldst[pl.ds(i * 16, 16)] = junk16
        return 0

    lax.fori_loop(0, (CAP + 16) // 16, init_body, 0)

    def chunk_body(k, cnt_vec):
        pltpu.sync_copy(src_hbm.at[pl.ds(k * ECH, ECH)], sv)
        pltpu.sync_copy(dst_hbm.at[pl.ds(k * ECH, ECH)], dv)

        def grp_body(q, cnt_vec):
            d = dv[pl.ds(q * 16, 16)]
            s = sv[pl.ds(q * 16, 16)]
            ld = d - lo_vec
            m = (ld >= 0) & (ld < NPT)
            ps = m.astype(jnp.int32)
            for k4 in range(4):
                ps = ps + jnp.take(ps, shs[k4]) * zms[k4]
            offs = cnt_vec + ps - 1
            plsc.store_scatter(osrc, [offs], s, mask=m)
            plsc.store_scatter(oldst, [offs], ld, mask=m)
            return cnt_vec + jnp.take(ps, splat15)

        return plsc.parallel_loop(0, ECH // 16, carry=cnt_vec,
                                  unroll=2)(grp_body)

    lax.fori_loop(0, E // ECH, chunk_body, zero16)

    def curinit_body(i, _):
        cur[pl.ds(i * 16, 16)] = (iota16 + i * 16) * BCAP
        return 0

    lax.fori_loop(0, 10, curinit_body, 0)

    def listinit_body(i, _):
        olist[pl.ds(i * 16, 16)] = zero16 + JENTRY
        return 0

    lax.fori_loop(0, CAP2 // 16, listinit_body, 0)

    def seq_body(e, _):
        s = jnp.take(osrc[pl.ds(e, 16)], zero16)
        l = jnp.take(oldst[pl.ds(e, 16)], zero16)
        bv = s >> 6
        old_c = plsc.load_gather(cur, [bv], mask=lane0)
        m_ok = lane0 & (old_c < (bv + 1) * BCAP)
        entry = (s - (bv << 6)) | (l << 7)
        plsc.store_scatter(olist, [old_c], entry, mask=m_ok)
        plsc.store_scatter(cur, [bv], old_c + 1, mask=m_ok)
        return 0

    lax.fori_loop(0, CAP, seq_body, 0)
    pltpu.sync_copy(olist, list_out.at[pl.ds(wid * CAP2, CAP2)])


@functools.partial(
    pl.kernel,
    mesh=_mesh,
    compiler_params=_sc_params,
    out_type=jax.ShapeDtypeStruct((NROWS * D,), jnp.float32),
    scratch_types=[
        pltpu.VMEM(((NPT + 1) * D,), jnp.float32),
        pltpu.VMEM((SBLK, D), jnp.float32),
        pltpu.VMEM((SBLK, D), jnp.float32),
        pltpu.VMEM((CAP2,), jnp.int32),
        pltpu.SemaphoreType.DMA,
        pltpu.SemaphoreType.DMA,
    ],
)
def _segsum(h_hbm, list_hbm, agg_out, acc, stg0, stg1, lv, sem0, sem1):
    wid = _wid()
    zero16 = lax.iota(jnp.int32, 16) * 0
    fzero16 = zero16.astype(jnp.float32)
    stgs = [stg0, stg1]
    sems = [sem0, sem1]

    def zero_body(i):
        acc[pl.ds(i * 16, 16)] = fzero16

    plsc.parallel_loop(0, (NPT + 1) * D // 16, unroll=4)(zero_body)

    pltpu.sync_copy(list_hbm.at[pl.ds(wid * CAP2, CAP2)], lv)

    cvecs = [lax.iota(jnp.int32, 16) + 16 * c for c in range(16)]

    pltpu.async_copy(h_hbm.at[pl.ds(0, SBLK)], stg0, sem0)
    pltpu.async_copy(h_hbm.at[pl.ds(SBLK, SBLK)], stg1, sem1)

    def process_block(blk, b2):
        pltpu.make_async_copy(
            h_hbm.at[pl.ds(blk * SBLK, SBLK)], stgs[b2], sems[b2]
        ).wait()

        def edge_body(e, _):
            entry = jnp.take(lv[pl.ds(blk * BCAP + e, 16)], zero16)
            sl = entry & 127
            dbase = (entry >> 7) * D
            vals = [plsc.load_gather(stgs[b2], [sl, cvecs[c]])
                    for c in range(16)]
            for c in range(16):
                plsc.addupdate_scatter(acc, [dbase + cvecs[c]], vals[c])
            return 0

        lax.fori_loop(0, BCAP, edge_body, 0)

        @pl.when(blk + 2 < NBLK)
        def _():
            pltpu.async_copy(
                h_hbm.at[pl.ds((blk + 2) * SBLK, SBLK)],
                stgs[b2], sems[b2])

    def pair_body(gg, _):
        for b2 in range(2):
            process_block(gg * 2 + b2, b2)
        return 0

    lax.fori_loop(0, NBLK // 2, pair_body, 0)
    process_block(NBLK - 1, 0)
    pltpu.sync_copy(acc.at[pl.ds(0, NPT * D)],
                    agg_out.at[pl.ds(wid * NPT * D, NPT * D)])


B_TOT = 16384
B_PER_W = B_TOT // NT


@functools.partial(
    pl.kernel,
    mesh=_mesh,
    compiler_params=_sc_params,
    out_type=jax.ShapeDtypeStruct((B_TOT, D), jnp.float32),
    scratch_types=[
        pltpu.VMEM((B_PER_W,), jnp.int32),
        pltpu.VMEM((CH, D), jnp.float32),
        pltpu.SemaphoreType.DMA,
    ],
)
def _take_rows(node_hbm, flat_hbm, out_hbm, idx_v, stg, sem):
    wid = _wid()
    base = wid * B_PER_W
    pltpu.sync_copy(flat_hbm.at[pl.ds(base, B_PER_W)], idx_v)
    for cc in range(B_PER_W // CH):
        pltpu.async_copy(
            node_hbm.at[idx_v.at[pl.ds(cc * CH, CH)]], stg, sem).wait()
        pltpu.sync_copy(stg, out_hbm.at[pl.ds(base + cc * CH, CH)])


def _gin_layer_body(scale_ref, h_ref, agg_ref, w_ref, b_ref, r_ref, rb_ref, out_ref):
    x = scale_ref[0, 0] * h_ref[...] + agg_ref[...]
    h1 = jnp.dot(x, w_ref[...], preferred_element_type=jnp.float32) + b_ref[...]
    hr = jnp.maximum(h1, 0.0)
    h2 = jnp.dot(hr, r_ref[...], preferred_element_type=jnp.float32) + rb_ref[...]
    out_ref[...] = hr + jnp.maximum(h2, 0.0)


def _gin_layer3_attn_body(scale_ref, h_ref, agg_ref, w_ref, b_ref, r_ref, rb_ref,
                          h1_ref, h2_ref, aw_ref, ab_ref, out_ref):
    x = scale_ref[0, 0] * h_ref[...] + agg_ref[...]
    t1 = jnp.dot(x, w_ref[...], preferred_element_type=jnp.float32) + b_ref[...]
    hr = jnp.maximum(t1, 0.0)
    t2 = jnp.dot(hr, r_ref[...], preferred_element_type=jnp.float32) + rb_ref[...]
    h3 = hr + jnp.maximum(t2, 0.0)
    h1 = h1_ref[...]
    h2 = h2_ref[...]
    aw = aw_ref[...]
    ab = ab_ref[0, 0]
    s1 = jnp.sum(h1 * aw, axis=1, keepdims=True) + ab
    s2 = jnp.sum(h2 * aw, axis=1, keepdims=True) + ab
    s3 = jnp.sum(h3 * aw, axis=1, keepdims=True) + ab
    m = jnp.maximum(jnp.maximum(s1, s2), s3)
    e1 = jnp.exp(s1 - m)
    e2 = jnp.exp(s2 - m)
    e3 = jnp.exp(s3 - m)
    denom = e1 + e2 + e3
    out_ref[...] = (e1 * h1 + e2 * h2 + e3 * h3) / denom


def _row_spec():
    return pl.BlockSpec((ROW_BLK, D), lambda i: (i, 0))


def _full_spec(shape):
    return pl.BlockSpec(shape, lambda i: tuple(0 for _ in shape))


def _smem_spec(shape):
    return pl.BlockSpec(shape, lambda i: tuple(0 for _ in shape),
                        memory_space=pltpu.SMEM)


def _gin_layer(scale, h, agg, w, b, r, rb):
    grid = (N // ROW_BLK,)
    return pl.pallas_call(
        _gin_layer_body,
        grid=grid,
        in_specs=[
            _smem_spec((1, 1)),
            _row_spec(), _row_spec(),
            _full_spec((D, D)), _full_spec((1, D)),
            _full_spec((D, D)), _full_spec((1, D)),
        ],
        out_specs=_row_spec(),
        out_shape=jax.ShapeDtypeStruct((N, D), jnp.float32),
    )(scale, h, agg, w, b.reshape(1, D), r, rb.reshape(1, D))


def _gin_layer3_attn(scale, h, agg, w, b, r, rb, h1, h2, aw, ab):
    grid = (N // ROW_BLK,)
    return pl.pallas_call(
        _gin_layer3_attn_body,
        grid=grid,
        in_specs=[
            _smem_spec((1, 1)),
            _row_spec(), _row_spec(),
            _full_spec((D, D)), _full_spec((1, D)),
            _full_spec((D, D)), _full_spec((1, D)),
            _row_spec(), _row_spec(),
            _full_spec((1, D)), _smem_spec((1, 1)),
        ],
        out_specs=_row_spec(),
        out_shape=jax.ShapeDtypeStruct((N, D), jnp.float32),
    )(scale, h, agg, w, b.reshape(1, D), r, rb.reshape(1, D),
      h1, h2, aw.reshape(1, D), ab.reshape(1, 1))


def kernel(inputs, edge_index, emb, eps,
           W0, b0, W1, b1, W2, b2,
           R0, rb0, R1, rb1, R2, rb2,
           attn_W, attn_b):
    src = edge_index[0]
    dst = edge_index[1]
    Ws = [(W0, b0), (W1, b1), (W2, b2)]
    Rs = [(R0, rb0), (R1, rb1), (R2, rb2)]

    tab = _const_table()
    lists = _edge_partition(src, dst, tab)

    h = emb
    hidden = []
    node_out = None
    pad = jnp.zeros((NPAD - N, D), jnp.float32)
    for i in range(L):
        hp = jnp.concatenate([h, pad], axis=0)
        agg = _segsum(hp, lists).reshape(NROWS, D)
        scale = (1.0 + eps[i]).reshape(1, 1)
        if i < L - 1:
            h = _gin_layer(scale, h, agg, Ws[i][0], Ws[i][1], Rs[i][0], Rs[i][1])
            hidden.append(h)
        else:
            node_out = _gin_layer3_attn(scale, h, agg, Ws[i][0], Ws[i][1],
                                        Rs[i][0], Rs[i][1],
                                        hidden[0], hidden[1], attn_W, attn_b)

    flat = inputs.reshape(-1)
    out = _take_rows(node_out, flat)
    return out.reshape(inputs.shape + (D,))

# --- scband reference (transcript-rebuilt; emitter-appended) ---
"""Pipeline reference for scband-label-ginencoder-56246891709058 (READ-ONLY COPY).

The authoritative reference and input builder live on the scoring server;
editing this copy changes nothing except your own understanding.
"""

import jax, jax.numpy as jnp
import numpy as np

N = 10000   # num_labels / graph nodes
E = 160000  # edges (avg_degree 16)
D = 256     # emb_size = hidden = output_size
L = 3       # GIN layers (len(fanouts))


def setup_inputs(seed: int = 0) -> dict:
    key = jax.random.key(seed)
    ks = jax.random.split(key, 16)
    inp = {}
    # forward args
    inp["inputs"] = jax.random.randint(ks[0], (1024, 16), 0, N, dtype=jnp.int32)
    # graph (stand-in for dgl.DGLGraph passed at __init__)
    inp["edge_index"] = jax.random.randint(ks[1], (2, E), 0, N, dtype=jnp.int32)
    # learned parameters
    inp["emb"] = jax.random.normal(ks[2], (N, D), dtype=jnp.float32) * 0.02
    inp["eps"] = jnp.zeros((L,), dtype=jnp.float32)  # learn_eps per GINConv
    for i in range(L):
        inp[f"W{i}"] = jax.random.normal(ks[3 + i], (D, D), dtype=jnp.float32) * 0.05
        inp[f"b{i}"] = jnp.zeros((D,), dtype=jnp.float32)
        inp[f"R{i}"] = jax.random.normal(ks[6 + i], (D, D), dtype=jnp.float32) * 0.05
        inp[f"rb{i}"] = jnp.zeros((D,), dtype=jnp.float32)
    inp["attn_W"] = jax.random.normal(ks[9], (D, 1), dtype=jnp.float32) * 0.05
    inp["attn_b"] = jnp.zeros((1,), dtype=jnp.float32)
    return inp


def reference(inputs, edge_index, emb, eps,
              W0, b0, W1, b1, W2, b2,
              R0, rb0, R1, rb1, R2, rb2,
              attn_W, attn_b):
    src = edge_index[0]
    dst = edge_index[1]
    Ws = [(W0, b0), (W1, b1), (W2, b2)]
    Rs = [(R0, rb0), (R1, rb1), (R2, rb2)]
    # LabelEmbedding: table lookup happens over (sampled) node ids; here full-graph
    h = emb
    hidden_list = []
    for i in range(L):
        # GINConv (sum aggregation, learnable eps): h' = Linear((1+eps)*h + sum_{j in N(i)} h_j)
        msg = jnp.take(h, src, axis=0)
        agg = jax.ops.segment_sum(msg, dst, num_segments=N)
        h = ((1.0 + eps[i]) * h + agg) @ Ws[i][0] + Ws[i][1]
        # residual branch: ReLU -> Dropout(eval=identity) -> Residual(linear + relu + skip)
        hr = jax.nn.relu(h)
        h = hr + jax.nn.relu(hr @ Rs[i][0] + Rs[i][1])
        hidden_list.append(h)
    # stack_embed + MLAttention2(1, output_size): attention over the L layer outputs
    st = jnp.stack(hidden_list, axis=1)              # [N, L, D]
    scores = st @ attn_W + attn_b                    # [N, L, 1]
    w = jax.nn.softmax(scores, axis=1)
    node_out = jnp.sum(w * st, axis=1)               # [N, D]
    # unique/counts/argsort machinery in torch reduces to per-input-id gather
    flat = inputs.reshape(-1)
    out = jnp.take(node_out, flat, axis=0).reshape(inputs.shape + (D,))
    return out

if __name__ == "__main__":
    import jax
    _d = setup_inputs()
    print(jax.jit(kernel)(*tuple(_d.values())))

</pallas_src>

<mosaic_0001>
#map = affine_map<(d0, d1) -> (0, 0)>
#map1 = affine_map<(d0, d1) -> (0)>
module attributes {stable_mosaic.version = 14 : i64} {
  func.func @_segsum(%arg0: i32, %arg1: i32, %arg2: memref<10048x256xf32, #tpu.memory_space<hbm>>, %arg3: memref<364032xi32, #tpu.memory_space<hbm>>, %arg4: memref<2564096xf32, #tpu.memory_space<hbm>>, %arg5: memref<80384xf32, #tpu.memory_space<vmem>>, %arg6: memref<64x256xf32, #tpu.memory_space<vmem>>, %arg7: memref<64x256xf32, #tpu.memory_space<vmem>>, %arg8: memref<11376xi32, #tpu.memory_space<vmem>>, %arg9: memref<!tpu.dma_semaphore, #tpu.memory_space<semaphore_mem>>, %arg10: memref<!tpu.dma_semaphore, #tpu.memory_space<semaphore_mem>>) attributes {dimension_semantics = [#tpu.dimension_semantics<core_parallel>, #tpu.dimension_semantics<subcore_parallel>], iteration_bounds = array<i64: 2, 16>, scalar_prefetch = 0 : i64, scratch_operands = 6 : i64, tpu.core_type = #tpu.core_type<sc_vector_subcore>, window_params = [{transform_indices = #map}, {transform_indices = #map1}, {transform_indices = #map1}]} {
    %mul3A = arith.constant 2 : i32
    %mul3A_0 = arith.muli %arg1, %mul3A : i32
    %add3A = arith.addi %mul3A_0, %arg0 : i32
    %iota3A = tpu.iota {dimensions = array<i32: 0>} : vector<16xi32>
    %mul3A_1 = arith.constant 0 : i32
    %mul3A_2 = vector.broadcast %mul3A_1 : i32 to vector<16xi32>
    %mul3A_3 = arith.muli %iota3A, %mul3A_2 : vector<16xi32>
    %convert_element_type3A = arith.sitofp %mul3A_3 : vector<16xi32> to vector<16xf32>
    %parallel_loop3A = arith.constant 0 : i32
    %parallel_loop3A_4 = arith.constant 5024 : i32
    %parallel_loop3A_5 = arith.constant 1 : i32
    scf.for %parallel_loop3A_105 = %parallel_loop3A to %parallel_loop3A_4 step %parallel_loop3A_5  : i32 {
      %parallel_loop3A_106 = arith.constant 16 : i32
      %parallel_loop3A_107 = arith.muli %parallel_loop3A_105, %parallel_loop3A_106 : i32
      %parallel_loop3A_108 = arith.index_cast %parallel_loop3A_107 : i32 to index
      %parallel_loop3A_109 = tpu.vector_load %arg5[%parallel_loop3A_108] {strides = array<i32>} : memref<80384xf32, #tpu.memory_space<vmem>>, vector<16xf32>,
      tpu.vector_store %arg5[%parallel_loop3A_108], %convert_element_type3A {strides = array<i32>} : memref<80384xf32, #tpu.memory_space<vmem>>, vector<16xf32>,
    } {sc.loop_unroll_factor = 4 : i64, sc.parallel_access}
    %mul3A_6 = arith.constant 11376 : i32
    %mul3A_7 = arith.muli %add3A, %mul3A_6 : i32
    "tpu.region"() ({
      %run_scoped3A = tpu.sem_alloc : memref<!tpu.dma_semaphore, #tpu.memory_space<semaphore_mem>>
      %dma_start3A_105 = tpu.memref_slice %arg3[%mul3A_7] : memref<364032xi32, #tpu.memory_space<hbm>> -> memref<11376xi32, #tpu.memory_space<hbm>>
      %dma_start3A_106 = tpu.memref_slice %arg3[%mul3A_7] : memref<364032xi32, #tpu.memory_space<hbm>> -> memref<11376xi32, #tpu.memory_space<hbm>>
      tpu.enqueue_dma source(%dma_start3A_106 : memref<11376xi32, #tpu.memory_space<hbm>>) target(%arg8 : memref<11376xi32, #tpu.memory_space<vmem>>) target_semaphore(%run_scoped3A : memref<!tpu.dma_semaphore, #tpu.memory_space<semaphore_mem>>)
      %dma_wait3A_107 = tpu.memref_slice %arg3[%mul3A_7] : memref<364032xi32, #tpu.memory_space<hbm>> -> memref<11376xi32, #tpu.memory_space<hbm>>
      %dma_wait3A_108 = tpu.memref_slice %arg3[%mul3A_7] : memref<364032xi32, #tpu.memory_space<hbm>> -> memref<11376xi32, #tpu.memory_space<hbm>>
      tpu.wait_dma2 semaphore(%run_scoped3A : memref<!tpu.dma_semaphore, #tpu.memory_space<semaphore_mem>>) src(%dma_wait3A_108 : memref<11376xi32, #tpu.memory_space<hbm>>) dst(%arg8 : memref<11376xi32, #tpu.memory_space<vmem>>)
      tpu.yield
    }) : () -> ()
    %iota3A_8 = tpu.iota {dimensions = array<i32: 0>} : vector<16xi32>
    %add3A_9 = arith.constant 0 : i32
    %add3A_10 = vector.broadcast %add3A_9 : i32 to vector<16xi32>
    %add3A_11 = arith.addi %iota3A_8, %add3A_10 : vector<16xi32>
    %iota3A_12 = tpu.iota {dimensions = array<i32: 0>} : vector<16xi32>
    %add3A_13 = arith.constant 16 : i32
    %add3A_14 = vector.broadcast %add3A_13 : i32 to vector<16xi32>
    %add3A_15 = arith.addi %iota3A_12, %add3A_14 : vector<16xi32>
    %iota3A_16 = tpu.iota {dimensions = array<i32: 0>} : vector<16xi32>
    %add3A_17 = arith.constant 32 : i32
    %add3A_18 = vector.broadcast %add3A_17 : i32 to vector<16xi32>
    %add3A_19 = arith.addi %iota3A_16, %add3A_18 : vector<16xi32>
    %iota3A_20 = tpu.iota {dimensions = array<i32: 0>} : vector<16xi32>
    %add3A_21 = arith.constant 48 : i32
    %add3A_22 = vector.broadcast %add3A_21 : i32 to vector<16xi32>
    %add3A_23 = arith.addi %iota3A_20, %add3A_22 : vector<16xi32>
    %iota3A_24 = tpu.iota {dimensions = array<i32: 0>} : vector<16xi32>
    %add3A_25 = arith.constant 64 : i32
    %add3A_26 = vector.broadcast %add3A_25 : i32 to vector<16xi32>
    %add3A_27 = arith.addi %iota3A_24, %add3A_26 : vector<16xi32>
    %iota3A_28 = tpu.iota {dimensions = array<i32: 0>} : vector<16xi32>
    %add3A_29 = arith.constant 80 : i32
    %add3A_30 = vector.broadcast %add3A_29 : i32 to vector<16xi32>
    %add3A_31 = arith.addi %iota3A_28, %add3A_30 : vector<16xi32>
    %iota3A_32 = tpu.iota {dimensions = array<i32: 0>} : vector<16xi32>
    %add3A_33 = arith.constant 96 : i32
    %add3A_34 = vector.broadcast %add3A_33 : i32 to vector<16xi32>
    %add3A_35 = arith.addi %iota3A_32, %add3A_34 : vector<16xi32>
    %iota3A_36 = tpu.iota {dimensions = array<i32: 0>} : vector<16xi32>
    %add3A_37 = arith.constant 112 : i32
    %add3A_38 = vector.broadcast %add3A_37 : i32 to vector<16xi32>
    %add3A_39 = arith.addi %iota3A_36, %add3A_38 : vector<16xi32>
    %iota3A_40 = tpu.iota {dimensions = array<i32: 0>} : vector<16xi32>
    %add3A_41 = arith.constant 128 : i32
    %add3A_42 = vector.broadcast %add3A_41 : i32 to vector<16xi32>
    %add3A_43 = arith.addi %iota3A_40, %add3A_42 : vector<16xi32>
    %iota3A_44 = tpu.iota {dimensions = array<i32: 0>} : vector<16xi32>
    %add3A_45 = arith.constant 144 : i32
    %add3A_46 = vector.broadcast %add3A_45 : i32 to vector<16xi32>
    %add3A_47 = arith.addi %iota3A_44, %add3A_46 : vector<16xi32>
    %iota3A_48 = tpu.iota {dimensions = array<i32: 0>} : vector<16xi32>
    %add3A_49 = arith.constant 160 : i32
    %add3A_50 = vector.broadcast %add3A_49 : i32 to vector<16xi32>
    %add3A_51 = arith.addi %iota3A_48, %add3A_50 : vector<16xi32>
    %iota3A_52 = tpu.iota {dimensions = array<i32: 0>} : vector<16xi32>
    %add3A_53 = arith.constant 176 : i32
    %add3A_54 = vector.broadcast %add3A_53 : i32 to vector<16xi32>
    %add3A_55 = arith.addi %iota3A_52, %add3A_54 : vector<16xi32>
    %iota3A_56 = tpu.iota {dimensions = array<i32: 0>} : vector<16xi32>
    %add3A_57 = arith.constant 192 : i32
    %add3A_58 = vector.broadcast %add3A_57 : i32 to vector<16xi32>
    %add3A_59 = arith.addi %iota3A_56, %add3A_58 : vector<16xi32>
    %iota3A_60 = tpu.iota {dimensions = array<i32: 0>} : vector<16xi32>
    %add3A_61 = arith.constant 208 : i32
    %add3A_62 = vector.broadcast %add3A_61 : i32 to vector<16xi32>
    %add3A_63 = arith.addi %iota3A_60, %add3A_62 : vector<16xi32>
    %iota3A_64 = tpu.iota {dimensions = array<i32: 0>} : vector<16xi32>
    %add3A_65 = arith.constant 224 : i32
    %add3A_66 = vector.broadcast %add3A_65 : i32 to vector<16xi32>
    %add3A_67 = arith.addi %iota3A_64, %add3A_66 : vector<16xi32>
    %iota3A_68 = tpu.iota {dimensions = array<i32: 0>} : vector<16xi32>
    %add3A_69 = arith.constant 240 : i32
    %add3A_70 = vector.broadcast %add3A_69 : i32 to vector<16xi32>
    %add3A_71 = arith.addi %iota3A_68, %add3A_70 : vector<16xi32>
    %dma_start3A = arith.constant 0 : i32
    %dma_start3A_72 = arith.constant 0 : i32
    %dma_start3A_73 = tpu.memref_slice %arg2[%dma_start3A, %dma_start3A_72] : memref<10048x256xf32, #tpu.memory_space<hbm>> -> memref<64x256xf32, #tpu.memory_space<hbm>>
    %dma_start3A_74 = arith.constant 0 : i32
    %dma_start3A_75 = arith.constant 0 : i32
    %dma_start3A_76 = tpu.memref_slice %arg2[%dma_start3A_74, %dma_start3A_75] : memref<10048x256xf32, #tpu.memory_space<hbm>> -> memref<64x256xf32, #tpu.memory_space<hbm>>
    tpu.enqueue_dma source(%dma_start3A_76 : memref<64x256xf32, #tpu.memory_space<hbm>>) target(%arg6 : memref<64x256xf32, #tpu.memory_space<vmem>>) target_semaphore(%arg9 : memref<!tpu.dma_semaphore, #tpu.memory_space<semaphore_mem>>)
    %dma_start3A_77 = arith.constant 64 : i32
    %dma_start3A_78 = arith.constant 0 : i32
    %dma_start3A_79 = tpu.memref_slice %arg2[%dma_start3A_77, %dma_start3A_78] : memref<10048x256xf32, #tpu.memory_space<hbm>> -> memref<64x256xf32, #tpu.memory_space<hbm>>
    %dma_start3A_80 = arith.constant 64 : i32
    %dma_start3A_81 = arith.constant 0 : i32
    %dma_start3A_82 = tpu.memref_slice %arg2[%dma_start3A_80, %dma_start3A_81] : memref<10048x256xf32, #tpu.memory_space<hbm>> -> memref<64x256xf32, #tpu.memory_space<hbm>>
    tpu.enqueue_dma source(%dma_start3A_82 : memref<64x256xf32, #tpu.memory_space<hbm>>) target(%arg7 : memref<64x256xf32, #tpu.memory_space<vmem>>) target_semaphore(%arg10 : memref<!tpu.dma_semaphore, #tpu.memory_space<semaphore_mem>>)
    %scan3A = arith.constant 0 : i32
    %scan3A_83 = arith.constant 0 : i32
    %scan3A_84 = arith.constant 78 : i32
    %scan3A_85 = arith.addi %scan3A_83, %scan3A_84 : i32
    %scan3A_86 = arith.constant 1 : i32
    %scan3A_87 = scf.for %scan3A_105 = %scan3A_83 to %scan3A_85 step %scan3A_86 iter_args(%scan3A_106 = %scan3A) -> (i32)  : i32 {
      %mul3A_107 = arith.constant 2 : i32
      %mul3A_108 = arith.muli %scan3A_105, %mul3A_107 : i32
      %add3A_109 = arith.constant 0 : i32
      %add3A_110 = arith.addi %mul3A_108, %add3A_109 : i32
      %mul3A_111 = arith.constant 64 : i32
      %mul3A_112 = arith.muli %add3A_110, %mul3A_111 : i32
      %dma_wait3A_113 = arith.constant 0 : i32
      %dma_wait3A_114 = tpu.memref_slice %arg2[%mul3A_112, %dma_wait3A_113] : memref<10048x256xf32, #tpu.memory_space<hbm>> -> memref<64x256xf32, #tpu.memory_space<hbm>>
      %dma_wait3A_115 = arith.constant 0 : i32
      %dma_wait3A_116 = tpu.memref_slice %arg2[%mul3A_112, %dma_wait3A_115] : memref<10048x256xf32, #tpu.memory_space<hbm>> -> memref<64x256xf32, #tpu.memory_space<hbm>>
      tpu.wait_dma2 semaphore(%arg9 : memref<!tpu.dma_semaphore, #tpu.memory_space<semaphore_mem>>) src(%dma_wait3A_116 : memref<64x256xf32, #tpu.memory_space<hbm>>) dst(%arg6 : memref<64x256xf32, #tpu.memory_space<vmem>>)
      %scan3A_117 = arith.constant 0 : i32
      %scan3A_118 = arith.constant 0 : i32
      %scan3A_119 = arith.constant 72 : i32
      %scan3A_120 = arith.addi %scan3A_118, %scan3A_119 : i32
      %scan3A_121 = arith.constant 1 : i32
      %scan3A_122 = scf.for %scan3A_154 = %scan3A_118 to %scan3A_120 step %scan3A_121 iter_args(%scan3A_155 = %scan3A_117) -> (i32)  : i32 {
        %mul3A_156 = arith.constant 72 : i32
        %mul3A_157 = arith.muli %add3A_110, %mul3A_156 : i32
        %add3A_158 = arith.addi %mul3A_157, %scan3A_154 : i32
        %get3A = arith.index_cast %add3A_158 : i32 to index
        %get3A_159 = tpu.vector_load %arg8[%get3A] {strides = array<i32>} : memref<11376xi32, #tpu.memory_space<vmem>>, vector<16xi32>,
        %lt3A_160 = arith.constant 0 : i32
        %lt3A_161 = vector.broadcast %lt3A_160 : i32 to vector<16xi32>
        %lt3A_162 = arith.cmpi slt, %mul3A_3, %lt3A_161 : vector<16xi32>
        %add3A_163 = arith.constant 16 : i32
        %add3A_164 = vector.broadcast %add3A_163 : i32 to vector<16xi32>
        %add3A_165 = arith.addi %mul3A_3, %add3A_164 : vector<16xi32>
        %select_n3A = arith.select %lt3A_162, %add3A_165, %mul3A_3 : vector<16xi1>, vector<16xi32>
        %broadcast_in_dim3A = vector.shape_cast %select_n3A : vector<16xi32> to vector<16x1xi32>
        %gather3A = vector.shape_cast %broadcast_in_dim3A : vector<16x1xi32> to vector<16xi32>
        %gather3A_166 = tpu.dynamic_gather %get3A_159[%gather3A] in [0] : vector<16xi32>, vector<16xi32> -> vector<16xi32>
        %and3A = arith.constant 127 : i32
        %and3A_167 = vector.broadcast %and3A : i32 to vector<16xi32>
        %and3A_168 = arith.andi %gather3A_166, %and3A_167 : vector<16xi32>
        %shift_right_arithmetic3A = arith.constant 7 : i32
        %shift_right_arithmetic3A_169 = vector.broadcast %shift_right_arithmetic3A : i32 to vector<16xi32>
        %shift_right_arithmetic3A_170 = arith.shrsi %gather3A_166, %shift_right_arithmetic3A_169 : vector<16xi32>
        %mul3A_171 = arith.constant 256 : i32
        %mul3A_172 = vector.broadcast %mul3A_171 : i32 to vector<16xi32>
        %mul3A_173 = arith.muli %shift_right_arithmetic3A_170, %mul3A_172 : vector<16xi32>
        %gather3A_174 = tpu.vector_load_idx %arg6[%and3A_168, %add3A_11] : memref<64x256xf32, #tpu.memory_space<vmem>>[vector<16xi32>, vector<16xi32>], vector<16xf32>,
        %gather3A_175 = tpu.vector_load_idx %arg6[%and3A_168, %add3A_15] : memref<64x256xf32, #tpu.memory_space<vmem>>[vector<16xi32>, vector<16xi32>], vector<16xf32>,
        %gather3A_176 = tpu.vector_load_idx %arg6[%and3A_168, %add3A_19] : memref<64x256xf32, #tpu.memory_space<vmem>>[vector<16xi32>, vector<16xi32>], vector<16xf32>,
        %gather3A_177 = tpu.vector_load_idx %arg6[%and3A_168, %add3A_23] : memref<64x256xf32, #tpu.memory_space<vmem>>[vector<16xi32>, vector<16xi32>], vector<16xf32>,
        %gather3A_178 = tpu.vector_load_idx %arg6[%and3A_168, %add3A_27] : memref<64x256xf32, #tpu.memory_space<vmem>>[vector<16xi32>, vector<16xi32>], vector<16xf32>,
        %gather3A_179 = tpu.vector_load_idx %arg6[%and3A_168, %add3A_31] : memref<64x256xf32, #tpu.memory_space<vmem>>[vector<16xi32>, vector<16xi32>], vector<16xf32>,
        %gather3A_180 = tpu.vector_load_idx %arg6[%and3A_168, %add3A_35] : memref<64x256xf32, #tpu.memory_space<vmem>>[vector<16xi32>, vector<16xi32>], vector<16xf32>,
        %gather3A_181 = tpu.vector_load_idx %arg6[%and3A_168, %add3A_39] : memref<64x256xf32, #tpu.memory_space<vmem>>[vector<16xi32>, vector<16xi32>], vector<16xf32>,
        %gather3A_182 = tpu.vector_load_idx %arg6[%and3A_168, %add3A_43] : memref<64x256xf32, #tpu.memory_space<vmem>>[vector<16xi32>, vector<16xi32>], vector<16xf32>,
        %gather3A_183 = tpu.vector_load_idx %arg6[%and3A_168, %add3A_47] : memref<64x256xf32, #tpu.memory_space<vmem>>[vector<16xi32>, vector<16xi32>], vector<16xf32>,
        %gather3A_184 = tpu.vector_load_idx %arg6[%and3A_168, %add3A_51] : memref<64x256xf32, #tpu.memory_space<vmem>>[vector<16xi32>, vector<16xi32>], vector<16xf32>,
        %gather3A_185 = tpu.vector_load_idx %arg6[%and3A_168, %add3A_55] : memref<64x256xf32, #tpu.memory_space<vmem>>[vector<16xi32>, vector<16xi32>], vector<16xf32>,
        %gather3A_186 = tpu.vector_load_idx %arg6[%and3A_168, %add3A_59] : memref<64x256xf32, #tpu.memory_space<vmem>>[vector<16xi32>, vector<16xi32>], vector<16xf32>,
        %gather3A_187 = tpu.vector_load_idx %arg6[%and3A_168, %add3A_63] : memref<64x256xf32, #tpu.memory_space<vmem>>[vector<16xi32>, vector<16xi32>], vector<16xf32>,
        %gather3A_188 = tpu.vector_load_idx %arg6[%and3A_168, %add3A_67] : memref<64x256xf32, #tpu.memory_space<vmem>>[vector<16xi32>, vector<16xi32>], vector<16xf32>,
        %gather3A_189 = tpu.vector_load_idx %arg6[%and3A_168, %add3A_71] : memref<64x256xf32, #tpu.memory_space<vmem>>[vector<16xi32>, vector<16xi32>], vector<16xf32>,
        %add3A_190 = arith.addi %mul3A_173, %add3A_11 : vector<16xi32>
        tpu.vector_store_idx %arg5[%add3A_190], %gather3A_174 {add = true} : memref<80384xf32, #tpu.memory_space<vmem>>[vector<16xi32>], vector<16xf32>,
        %add3A_191 = arith.addi %mul3A_173, %add3A_15 : vector<16xi32>
        tpu.vector_store_idx %arg5[%add3A_191], %gather3A_175 {add = true} : memref<80384xf32, #tpu.memory_space<vmem>>[vector<16xi32>], vector<16xf32>,
        %add3A_192 = arith.addi %mul3A_173, %add3A_19 : vector<16xi32>
        tpu.vector_store_idx %arg5[%add3A_192], %gather3A_176 {add = true} : memref<80384xf32, #tpu.memory_space<vmem>>[vector<16xi32>], vector<16xf32>,
        %add3A_193 = arith.addi %mul3A_173, %add3A_23 : vector<16xi32>
        tpu.vector_store_idx %arg5[%add3A_193], %gather3A_177 {add = true} : memref<80384xf32, #tpu.memory_space<vmem>>[vector<16xi32>], vector<16xf32>,
        %add3A_194 = arith.addi %mul3A_173, %add3A_27 : vector<16xi32>
        tpu.vector_store_idx %arg5[%add3A_194], %gather3A_178 {add = true} : memref<80384xf32, #tpu.memory_space<vmem>>[vector<16xi32>], vector<16xf32>,
        %add3A_195 = arith.addi %mul3A_173, %add3A_31 : vector<16xi32>
        tpu.vector_store_idx %arg5[%add3A_195], %gather3A_179 {add = true} : memref<80384xf32, #tpu.memory_space<vmem>>[vector<16xi32>], vector<16xf32>,
        %add3A_196 = arith.addi %mul3A_173, %add3A_35 : vector<16xi32>
        tpu.vector_store_idx %arg5[%add3A_196], %gather3A_180 {add = true} : memref<80384xf32, #tpu.memory_space<vmem>>[vector<16xi32>], vector<16xf32>,
        %add3A_197 = arith.addi %mul3A_173, %add3A_39 : vector<16xi32>
        tpu.vector_store_idx %arg5[%add3A_197], %gather3A_181 {add = true} : memref<80384xf32, #tpu.memory_space<vmem>>[vector<16xi32>], vector<16xf32>,
        %add3A_198 = arith.addi %mul3A_173, %add3A_43 : vector<16xi32>
        tpu.vector_store_idx %arg5[%add3A_198], %gather3A_182 {add = true} : memref<80384xf32, #tpu.memory_space<vmem>>[vector<16xi32>], vector<16xf32>,
        %add3A_199 = arith.addi %mul3A_173, %add3A_47 : vector<16xi32>
        tpu.vector_store_idx %arg5[%add3A_199], %gather3A_183 {add = true} : memref<80384xf32, #tpu.memory_space<vmem>>[vector<16xi32>], vector<16xf32>,
        %add3A_200 = arith.addi %mul3A_173, %add3A_51 : vector<16xi32>
        tpu.vector_store_idx %arg5[%add3A_200], %gather3A_184 {add = true} : memref<80384xf32, #tpu.memory_space<vmem>>[vector<16xi32>], vector<16xf32>,
        %add3A_201 = arith.addi %mul3A_173, %add3A_55 : vector<16xi32>
        tpu.vector_store_idx %arg5[%add3A_201], %gather3A_185 {add = true} : memref<80384xf32, #tpu.memory_space<vmem>>[vector<16xi32>], vector<16xf32>,
        %add3A_202 = arith.addi %mul3A_173, %add3A_59 : vector<16xi32>
        tpu.vector_store_idx %arg5[%add3A_202], %gather3A_186 {add = true} : memref<80384xf32, #tpu.memory_space<vmem>>[vector<16xi32>], vector<16xf32>,
        %add3A_203 = arith.addi %mul3A_173, %add3A_63 : vector<16xi32>
        tpu.vector_store_idx %arg5[%add3A_203], %gather3A_187 {add = true} : memref<80384xf32, #tpu.memory_space<vmem>>[vector<16xi32>], vector<16xf32>,
        %add3A_204 = arith.addi %mul3A_173, %add3A_67 : vector<16xi32>
        tpu.vector_store_idx %arg5[%add3A_204], %gather3A_188 {add = true} : memref<80384xf32, #tpu.memory_space<vmem>>[vector<16xi32>], vector<16xf32>,
        %add3A_205 = arith.addi %mul3A_173, %add3A_71 : vector<16xi32>
        tpu.vector_store_idx %arg5[%add3A_205], %gather3A_189 {add = true} : memref<80384xf32, #tpu.memory_space<vmem>>[vector<16xi32>], vector<16xf32>,
        %scan3A_206 = arith.constant 0 : i32
        scf.yield %scan3A_206 : i32
      }
      %scan3A_123 = arith.constant 72 : i32
      %add3A_124 = arith.constant 2 : i32
      %add3A_125 = arith.addi %add3A_110, %add3A_124 : i32
      %lt3A = arith.constant 157 : i32
      %lt3A_126 = arith.cmpi slt, %add3A_125, %lt3A : i32
      %convert_element_type3A_127 = arith.extui %lt3A_126 : i1 to i32
      %cond3A = arith.constant 0 : i32
      %cond3A_128 = arith.cmpi ne, %convert_element_type3A_127, %cond3A : i32
      scf.if %cond3A_128 {
        %add3A_154 = arith.constant 2 : i32
        %add3A_155 = arith.addi %add3A_110, %add3A_154 : i32
        %mul3A_156 = arith.constant 64 : i32
        %mul3A_157 = arith.muli %add3A_155, %mul3A_156 : i32
        %dma_start3A_158 = arith.constant 0 : i32
        %dma_start3A_159 = tpu.memref_slice %arg2[%mul3A_157, %dma_start3A_158] : memref<10048x256xf32, #tpu.memory_space<hbm>> -> memref<64x256xf32, #tpu.memory_space<hbm>>
        %dma_start3A_160 = arith.constant 0 : i32
        %dma_start3A_161 = tpu.memref_slice %arg2[%mul3A_157, %dma_start3A_160] : memref<10048x256xf32, #tpu.memory_space<hbm>> -> memref<64x256xf32, #tpu.memory_space<hbm>>
        tpu.enqueue_dma source(%dma_start3A_161 : memref<64x256xf32, #tpu.memory_space<hbm>>) target(%arg6 : memref<64x256xf32, #tpu.memory_space<vmem>>) target_semaphore(%arg9 : memref<!tpu.dma_semaphore, #tpu.memory_space<semaphore_mem>>)
      } else {
      }
      %mul3A_129 = arith.constant 2 : i32
      %mul3A_130 = arith.muli %scan3A_105, %mul3A_129 : i32
      %add3A_131 = arith.constant 1 : i32
      %add3A_132 = arith.addi %mul3A_130, %add3A_131 : i32
      %mul3A_133 = arith.constant 64 : i32
      %mul3A_134 = arith.muli %add3A_132, %mul3A_133 : i32
      %dma_wait3A_135 = arith.constant 0 : i32
      %dma_wait3A_136 = tpu.memref_slice %arg2[%mul3A_134, %dma_wait3A_135] : memref<10048x256xf32, #tpu.memory_space<hbm>> -> memref<64x256xf32, #tpu.memory_space<hbm>>
      %dma_wait3A_137 = arith.constant 0 : i32
      %dma_wait3A_138 = tpu.memref_slice %arg2[%mul3A_134, %dma_wait3A_137] : memref<10048x256xf32, #tpu.memory_space<hbm>> -> memref<64x256xf32, #tpu.memory_space<hbm>>
      tpu.wait_dma2 semaphore(%arg10 : memref<!tpu.dma_semaphore, #tpu.memory_space<semaphore_mem>>) src(%dma_wait3A_138 : memref<64x256xf32, #tpu.memory_space<hbm>>) dst(%arg7 : memref<64x256xf32, #tpu.memory_space<vmem>>)
      %scan3A_139 = arith.constant 0 : i32
      %scan3A_140 = arith.constant 0 : i32
      %scan3A_141 = arith.constant 72 : i32
      %scan3A_142 = arith.addi %scan3A_140, %scan3A_141 : i32
      %scan3A_143 = arith.constant 1 : i32
      %scan3A_144 = scf.for %scan3A_154 = %scan3A_140 to %scan3A_142 step %scan3A_143 iter_args(%scan3A_155 = %scan3A_139) -> (i32)  : i32 {
        %mul3A_156 = arith.constant 72 : i32
        %mul3A_157 = arith.muli %add3A_132, %mul3A_156 : i32
        %add3A_158 = arith.addi %mul3A_157, %scan3A_154 : i32
        %get3A = arith.index_cast %add3A_158 : i32 to index
        %get3A_159 = tpu.vector_load %arg8[%get3A] {strides = array<i32>} : memref<11376xi32, #tpu.memory_space<vmem>>, vector<16xi32>,
        %lt3A_160 = arith.constant 0 : i32
        %lt3A_161 = vector.broadcast %lt3A_160 : i32 to vector<16xi32>
        %lt3A_162 = arith.cmpi slt, %mul3A_3, %lt3A_161 : vector<16xi32>
        %add3A_163 = arith.constant 16 : i32
        %add3A_164 = vector.broadcast %add3A_163 : i32 to vector<16xi32>
        %add3A_165 = arith.addi %mul3A_3, %add3A_164 : vector<16xi32>
        %select_n3A = arith.select %lt3A_162, %add3A_165, %mul3A_3 : vector<16xi1>, vector<16xi32>
        %broadcast_in_dim3A = vector.shape_cast %select_n3A : vector<16xi32> to vector<16x1xi32>
        %gather3A = vector.shape_cast %broadcast_in_dim3A : vector<16x1xi32> to vector<16xi32>
        %gather3A_166 = tpu.dynamic_gather %get3A_159[%gather3A] in [0] : vector<16xi32>, vector<16xi32> -> vector<16xi32>
        %and3A = arith.constant 127 : i32
        %and3A_167 = vector.broadcast %and3A : i32 to vector<16xi32>
        %and3A_168 = arith.andi %gather3A_166, %and3A_167 : vector<16xi32>
        %shift_right_arithmetic3A = arith.constant 7 : i32
        %shift_right_arithmetic3A_169 = vector.broadcast %shift_right_arithmetic3A : i32 to vector<16xi32>
        %shift_right_arithmetic3A_170 = arith.shrsi %gather3A_166, %shift_right_arithmetic3A_169 : vector<16xi32>
        %mul3A_171 = arith.constant 256 : i32
        %mul3A_172 = vector.broadcast %mul3A_171 : i32 to vector<16xi32>
        %mul3A_173 = arith.muli %shift_right_arithmetic3A_170, %mul3A_172 : vector<16xi32>
        %gather3A_174 = tpu.vector_load_idx %arg7[%and3A_168, %add3A_11] : memref<64x256xf32, #tpu.memory_space<vmem>>[vector<16xi32>, vector<16xi32>], vector<16xf32>,
        %gather3A_175 = tpu.vector_load_idx %arg7[%and3A_168, %add3A_15] : memref<64x256xf32, #tpu.memory_space<vmem>>[vector<16xi32>, vector<16xi32>], vector<16xf32>,
        %gather3A_176 = tpu.vector_load_idx %arg7[%and3A_168, %add3A_19] : memref<64x256xf32, #tpu.memory_space<vmem>>[vector<16xi32>, vector<16xi32>], vector<16xf32>,
        %gather3A_177 = tpu.vector_load_idx %arg7[%and3A_168, %add3A_23] : memref<64x256xf32, #tpu.memory_space<vmem>>[vector<16xi32>, vector<16xi32>], vector<16xf32>,
        %gather3A_178 = tpu.vector_load_idx %arg7[%and3A_168, %add3A_27] : memref<64x256xf32, #tpu.memory_space<vmem>>[vector<16xi32>, vector<16xi32>], vector<16xf32>,
        %gather3A_179 = tpu.vector_load_idx %arg7[%and3A_168, %add3A_31] : memref<64x256xf32, #tpu.memory_space<vmem>>[vector<16xi32>, vector<16xi32>], vector<16xf32>,
        %gather3A_180 = tpu.vector_load_idx %arg7[%and3A_168, %add3A_35] : memref<64x256xf32, #tpu.memory_space<vmem>>[vector<16xi32>, vector<16xi32>], vector<16xf32>,
        %gather3A_181 = tpu.vector_load_idx %arg7[%and3A_168, %add3A_39] : memref<64x256xf32, #tpu.memory_space<vmem>>[vector<16xi32>, vector<16xi32>], vector<16xf32>,
        %gather3A_182 = tpu.vector_load_idx %arg7[%and3A_168, %add3A_43] : memref<64x256xf32, #tpu.memory_space<vmem>>[vector<16xi32>, vector<16xi32>], vector<16xf32>,
        %gather3A_183 = tpu.vector_load_idx %arg7[%and3A_168, %add3A_47] : memref<64x256xf32, #tpu.memory_space<vmem>>[vector<16xi32>, vector<16xi32>], vector<16xf32>,
        %gather3A_184 = tpu.vector_load_idx %arg7[%and3A_168, %add3A_51] : memref<64x256xf32, #tpu.memory_space<vmem>>[vector<16xi32>, vector<16xi32>], vector<16xf32>,
        %gather3A_185 = tpu.vector_load_idx %arg7[%and3A_168, %add3A_55] : memref<64x256xf32, #tpu.memory_space<vmem>>[vector<16xi32>, vector<16xi32>], vector<16xf32>,
        %gather3A_186 = tpu.vector_load_idx %arg7[%and3A_168, %add3A_59] : memref<64x256xf32, #tpu.memory_space<vmem>>[vector<16xi32>, vector<16xi32>], vector<16xf32>,
        %gather3A_187 = tpu.vector_load_idx %arg7[%and3A_168, %add3A_63] : memref<64x256xf32, #tpu.memory_space<vmem>>[vector<16xi32>, vector<16xi32>], vector<16xf32>,
        %gather3A_188 = tpu.vector_load_idx %arg7[%and3A_168, %add3A_67] : memref<64x256xf32, #tpu.memory_space<vmem>>[vector<16xi32>, vector<16xi32>], vector<16xf32>,
        %gather3A_189 = tpu.vector_load_idx %arg7[%and3A_168, %add3A_71] : memref<64x256xf32, #tpu.memory_space<vmem>>[vector<16xi32>, vector<16xi32>], vector<16xf32>,
        %add3A_190 = arith.addi %mul3A_173, %add3A_11 : vector<16xi32>
        tpu.vector_store_idx %arg5[%add3A_190], %gather3A_174 {add = true} : memref<80384xf32, #tpu.memory_space<vmem>>[vector<16xi32>], vector<16xf32>,
        %add3A_191 = arith.addi %mul3A_173, %add3A_15 : vector<16xi32>
        tpu.vector_store_idx %arg5[%add3A_191], %gather3A_175 {add = true} : memref<80384xf32, #tpu.memory_space<vmem>>[vector<16xi32>], vector<16xf32>,
        %add3A_192 = arith.addi %mul3A_173, %add3A_19 : vector<16xi32>
        tpu.vector_store_idx %arg5[%add3A_192], %gather3A_176 {add = true} : memref<80384xf32, #tpu.memory_space<vmem>>[vector<16xi32>], vector<16xf32>,
        %add3A_193 = arith.addi %mul3A_173, %add3A_23 : vector<16xi32>
        tpu.vector_store_idx %arg5[%add3A_193], %gather3A_177 {add = true} : memref<80384xf32, #tpu.memory_space<vmem>>[vector<16xi32>], vector<16xf32>,
        %add3A_194 = arith.addi %mul3A_173, %add3A_27 : vector<16xi32>
        tpu.vector_store_idx %arg5[%add3A_194], %gather3A_178 {add = true} : memref<80384xf32, #tpu.memory_space<vmem>>[vector<16xi32>], vector<16xf32>,
        %add3A_195 = arith.addi %mul3A_173, %add3A_31 : vector<16xi32>
        tpu.vector_store_idx %arg5[%add3A_195], %gather3A_179 {add = true} : memref<80384xf32, #tpu.memory_space<vmem>>[vector<16xi32>], vector<16xf32>,
        %add3A_196 = arith.addi %mul3A_173, %add3A_35 : vector<16xi32>
        tpu.vector_store_idx %arg5[%add3A_196], %gather3A_180 {add = true} : memref<80384xf32, #tpu.memory_space<vmem>>[vector<16xi32>], vector<16xf32>,
        %add3A_197 = arith.addi %mul3A_173, %add3A_39 : vector<16xi32>
        tpu.vector_store_idx %arg5[%add3A_197], %gather3A_181 {add = true} : memref<80384xf32, #tpu.memory_space<vmem>>[vector<16xi32>], vector<16xf32>,
        %add3A_198 = arith.addi %mul3A_173, %add3A_43 : vector<16xi32>
        tpu.vector_store_idx %arg5[%add3A_198], %gather3A_182 {add = true} : memref<80384xf32, #tpu.memory_space<vmem>>[vector<16xi32>], vector<16xf32>,
        %add3A_199 = arith.addi %mul3A_173, %add3A_47 : vector<16xi32>
        tpu.vector_store_idx %arg5[%add3A_199], %gather3A_183 {add = true} : memref<80384xf32, #tpu.memory_space<vmem>>[vector<16xi32>], vector<16xf32>,
        %add3A_200 = arith.addi %mul3A_173, %add3A_51 : vector<16xi32>
        tpu.vector_store_idx %arg5[%add3A_200], %gather3A_184 {add = true} : memref<80384xf32, #tpu.memory_space<vmem>>[vector<16xi32>], vector<16xf32>,
        %add3A_201 = arith.addi %mul3A_173, %add3A_55 : vector<16xi32>
        tpu.vector_store_idx %arg5[%add3A_201], %gather3A_185 {add = true} : memref<80384xf32, #tpu.memory_space<vmem>>[vector<16xi32>], vector<16xf32>,
        %add3A_202 = arith.addi %mul3A_173, %add3A_59 : vector<16xi32>
        tpu.vector_store_idx %arg5[%add3A_202], %gather3A_186 {add = true} : memref<80384xf32, #tpu.memory_space<vmem>>[vector<16xi32>], vector<16xf32>,
        %add3A_203 = arith.addi %mul3A_173, %add3A_63 : vector<16xi32>
        tpu.vector_store_idx %arg5[%add3A_203], %gather3A_187 {add = true} : memref<80384xf32, #tpu.memory_space<vmem>>[vector<16xi32>], vector<16xf32>,
        %add3A_204 = arith.addi %mul3A_173, %add3A_67 : vector<16xi32>
        tpu.vector_store_idx %arg5[%add3A_204], %gather3A_188 {add = true} : memref<80384xf32, #tpu.memory_space<vmem>>[vector<16xi32>], vector<16xf32>,
        %add3A_205 = arith.addi %mul3A_173, %add3A_71 : vector<16xi32>
        tpu.vector_store_idx %arg5[%add3A_205], %gather3A_189 {add = true} : memref<80384xf32, #tpu.memory_space<vmem>>[vector<16xi32>], vector<16xf32>,
        %scan3A_206 = arith.constant 0 : i32
        scf.yield %scan3A_206 : i32
      }
      %scan3A_145 = arith.constant 72 : i32
      %add3A_146 = arith.constant 2 : i32
      %add3A_147 = arith.addi %add3A_132, %add3A_146 : i32
      %lt3A_148 = arith.constant 157 : i32
      %lt3A_149 = arith.cmpi slt, %add3A_147, %lt3A_148 : i32
      %convert_element_type3A_150 = arith.extui %lt3A_149 : i1 to i32
      %cond3A_151 = arith.constant 0 : i32
      %cond3A_152 = arith.cmpi ne, %convert_element_type3A_150, %cond3A_151 : i32
      scf.if %cond3A_152 {
        %add3A_154 = arith.constant 2 : i32
        %add3A_155 = arith.addi %add3A_132, %add3A_154 : i32
        %mul3A_156 = arith.constant 64 : i32
        %mul3A_157 = arith.muli %add3A_155, %mul3A_156 : i32
        %dma_start3A_158 = arith.constant 0 : i32
        %dma_start3A_159 = tpu.memref_slice %arg2[%mul3A_157, %dma_start3A_158] : memref<10048x256xf32, #tpu.memory_space<hbm>> -> memref<64x256xf32, #tpu.memory_space<hbm>>
        %dma_start3A_160 = arith.constant 0 : i32
        %dma_start3A_161 = tpu.memref_slice %arg2[%mul3A_157, %dma_start3A_160] : memref<10048x256xf32, #tpu.memory_space<hbm>> -> memref<64x256xf32, #tpu.memory_space<hbm>>
        tpu.enqueue_dma source(%dma_start3A_161 : memref<64x256xf32, #tpu.memory_space<hbm>>) target(%arg7 : memref<64x256xf32, #tpu.memory_space<vmem>>) target_semaphore(%arg10 : memref<!tpu.dma_semaphore, #tpu.memory_space<semaphore_mem>>)
      } else {
      }
      %scan3A_153 = arith.constant 0 : i32
      scf.yield %scan3A_153 : i32
    }
    %scan3A_88 = arith.constant 78 : i32
    %dma_wait3A = arith.constant 9984 : i32
    %dma_wait3A_89 = arith.constant 0 : i32
    %dma_wait3A_90 = tpu.memref_slice %arg2[%dma_wait3A, %dma_wait3A_89] : memref<10048x256xf32, #tpu.memory_space<hbm>> -> memref<64x256xf32, #tpu.memory_space<hbm>>
    %dma_wait3A_91 = arith.constant 9984 : i32
    %dma_wait3A_92 = arith.constant 0 : i32
    %dma_wait3A_93 = tpu.memref_slice %arg2[%dma_wait3A_91, %dma_wait3A_92] : memref<10048x256xf32, #tpu.memory_space<hbm>> -> memref<64x256xf32, #tpu.memory_space<hbm>>
    tpu.wait_dma2 semaphore(%arg9 : memref<!tpu.dma_semaphore, #tpu.memory_space<semaphore_mem>>) src(%dma_wait3A_93 : memref<64x256xf32, #tpu.memory_space<hbm>>) dst(%arg6 : memref<64x256xf32, #tpu.memory_space<vmem>>)
    %scan3A_94 = arith.constant 0 : i32
    %scan3A_95 = arith.constant 0 : i32
    %scan3A_96 = arith.constant 72 : i32
    %scan3A_97 = arith.addi %scan3A_95, %scan3A_96 : i32
    %scan3A_98 = arith.constant 1 : i32
    %scan3A_99 = scf.for %scan3A_105 = %scan3A_95 to %scan3A_97 step %scan3A_98 iter_args(%scan3A_106 = %scan3A_94) -> (i32)  : i32 {
      %add3A_107 = arith.constant 11232 : i32
      %add3A_108 = arith.addi %add3A_107, %scan3A_105 : i32
      %get3A = arith.index_cast %add3A_108 : i32 to index
      %get3A_109 = tpu.vector_load %arg8[%get3A] {strides = array<i32>} : memref<11376xi32, #tpu.memory_space<vmem>>, vector<16xi32>,
      %lt3A = arith.constant 0 : i32
      %lt3A_110 = vector.broadcast %lt3A : i32 to vector<16xi32>
      %lt3A_111 = arith.cmpi slt, %mul3A_3, %lt3A_110 : vector<16xi32>
      %add3A_112 = arith.constant 16 : i32
      %add3A_113 = vector.broadcast %add3A_112 : i32 to vector<16xi32>
      %add3A_114 = arith.addi %mul3A_3, %add3A_113 : vector<16xi32>
      %select_n3A = arith.select %lt3A_111, %add3A_114, %mul3A_3 : vector<16xi1>, vector<16xi32>
      %broadcast_in_dim3A = vector.shape_cast %select_n3A : vector<16xi32> to vector<16x1xi32>
      %gather3A = vector.shape_cast %broadcast_in_dim3A : vector<16x1xi32> to vector<16xi32>
      %gather3A_115 = tpu.dynamic_gather %get3A_109[%gather3A] in [0] : vector<16xi32>, vector<16xi32> -> vector<16xi32>
      %and3A = arith.constant 127 : i32
      %and3A_116 = vector.broadcast %and3A : i32 to vector<16xi32>
      %and3A_117 = arith.andi %gather3A_115, %and3A_116 : vector<16xi32>
      %shift_right_arithmetic3A = arith.constant 7 : i32
      %shift_right_arithmetic3A_118 = vector.broadcast %shift_right_arithmetic3A : i32 to vector<16xi32>
      %shift_right_arithmetic3A_119 = arith.shrsi %gather3A_115, %shift_right_arithmetic3A_118 : vector<16xi32>
      %mul3A_120 = arith.constant 256 : i32
      %mul3A_121 = vector.broadcast %mul3A_120 : i32 to vector<16xi32>
      %mul3A_122 = arith.muli %shift_right_arithmetic3A_119, %mul3A_121 : vector<16xi32>
      %gather3A_123 = tpu.vector_load_idx %arg6[%and3A_117, %add3A_11] : memref<64x256xf32, #tpu.memory_space<vmem>>[vector<16xi32>, vector<16xi32>], vector<16xf32>,
      %gather3A_124 = tpu.vector_load_idx %arg6[%and3A_117, %add3A_15] : memref<64x256xf32, #tpu.memory_space<vmem>>[vector<16xi32>, vector<16xi32>], vector<16xf32>,
      %gather3A_125 = tpu.vector_load_idx %arg6[%and3A_117, %add3A_19] : memref<64x256xf32, #tpu.memory_space<vmem>>[vector<16xi32>, vector<16xi32>], vector<16xf32>,
      %gather3A_126 = tpu.vector_load_idx %arg6[%and3A_117, %add3A_23] : memref<64x256xf32, #tpu.memory_space<vmem>>[vector<16xi32>, vector<16xi32>], vector<16xf32>,
      %gather3A_127 = tpu.vector_load_idx %arg6[%and3A_117, %add3A_27] : memref<64x256xf32, #tpu.memory_space<vmem>>[vector<16xi32>, vector<16xi32>], vector<16xf32>,
      %gather3A_128 = tpu.vector_load_idx %arg6[%and3A_117, %add3A_31] : memref<64x256xf32, #tpu.memory_space<vmem>>[vector<16xi32>, vector<16xi32>], vector<16xf32>,
      %gather3A_129 = tpu.vector_load_idx %arg6[%and3A_117, %add3A_35] : memref<64x256xf32, #tpu.memory_space<vmem>>[vector<16xi32>, vector<16xi32>], vector<16xf32>,
      %gather3A_130 = tpu.vector_load_idx %arg6[%and3A_117, %add3A_39] : memref<64x256xf32, #tpu.memory_space<vmem>>[vector<16xi32>, vector<16xi32>], vector<16xf32>,
      %gather3A_131 = tpu.vector_load_idx %arg6[%and3A_117, %add3A_43] : memref<64x256xf32, #tpu.memory_space<vmem>>[vector<16xi32>, vector<16xi32>], vector<16xf32>,
      %gather3A_132 = tpu.vector_load_idx %arg6[%and3A_117, %add3A_47] : memref<64x256xf32, #tpu.memory_space<vmem>>[vector<16xi32>, vector<16xi32>], vector<16xf32>,
      %gather3A_133 = tpu.vector_load_idx %arg6[%and3A_117, %add3A_51] : memref<64x256xf32, #tpu.memory_space<vmem>>[vector<16xi32>, vector<16xi32>], vector<16xf32>,
      %gather3A_134 = tpu.vector_load_idx %arg6[%and3A_117, %add3A_55] : memref<64x256xf32, #tpu.memory_space<vmem>>[vector<16xi32>, vector<16xi32>], vector<16xf32>,
      %gather3A_135 = tpu.vector_load_idx %arg6[%and3A_117, %add3A_59] : memref<64x256xf32, #tpu.memory_space<vmem>>[vector<16xi32>, vector<16xi32>], vector<16xf32>,
      %gather3A_136 = tpu.vector_load_idx %arg6[%and3A_117, %add3A_63] : memref<64x256xf32, #tpu.memory_space<vmem>>[vector<16xi32>, vector<16xi32>], vector<16xf32>,
      %gather3A_137 = tpu.vector_load_idx %arg6[%and3A_117, %add3A_67] : memref<64x256xf32, #tpu.memory_space<vmem>>[vector<16xi32>, vector<16xi32>], vector<16xf32>,
      %gather3A_138 = tpu.vector_load_idx %arg6[%and3A_117, %add3A_71] : memref<64x256xf32, #tpu.memory_space<vmem>>[vector<16xi32>, vector<16xi32>], vector<16xf32>,
      %add3A_139 = arith.addi %mul3A_122, %add3A_11 : vector<16xi32>
      tpu.vector_store_idx %arg5[%add3A_139], %gather3A_123 {add = true} : memref<80384xf32, #tpu.memory_space<vmem>>[vector<16xi32>], vector<16xf32>,
      %add3A_140 = arith.addi %mul3A_122, %add3A_15 : vector<16xi32>
      tpu.vector_store_idx %arg5[%add3A_140], %gather3A_124 {add = true} : memref<80384xf32, #tpu.memory_space<vmem>>[vector<16xi32>], vector<16xf32>,
      %add3A_141 = arith.addi %mul3A_122, %add3A_19 : vector<16xi32>
      tpu.vector_store_idx %arg5[%add3A_141], %gather3A_125 {add = true} : memref<80384xf32, #tpu.memory_space<vmem>>[vector<16xi32>], vector<16xf32>,
      %add3A_142 = arith.addi %mul3A_122, %add3A_23 : vector<16xi32>
      tpu.vector_store_idx %arg5[%add3A_142], %gather3A_126 {add = true} : memref<80384xf32, #tpu.memory_space<vmem>>[vector<16xi32>], vector<16xf32>,
      %add3A_143 = arith.addi %mul3A_122, %add3A_27 : vector<16xi32>
      tpu.vector_store_idx %arg5[%add3A_143], %gather3A_127 {add = true} : memref<80384xf32, #tpu.memory_space<vmem>>[vector<16xi32>], vector<16xf32>,
      %add3A_144 = arith.addi %mul3A_122, %add3A_31 : vector<16xi32>
      tpu.vector_store_idx %arg5[%add3A_144], %gather3A_128 {add = true} : memref<80384xf32, #tpu.memory_space<vmem>>[vector<16xi32>], vector<16xf32>,
      %add3A_145 = arith.addi %mul3A_122, %add3A_35 : vector<16xi32>
      tpu.vector_store_idx %arg5[%add3A_145], %gather3A_129 {add = true} : memref<80384xf32, #tpu.memory_space<vmem>>[vector<16xi32>], vector<16xf32>,
      %add3A_146 = arith.addi %mul3A_122, %add3A_39 : vector<16xi32>
      tpu.vector_store_idx %arg5[%add3A_146], %gather3A_130 {add = true} : memref<80384xf32, #tpu.memory_space<vmem>>[vector<16xi32>], vector<16xf32>,
      %add3A_147 = arith.addi %mul3A_122, %add3A_43 : vector<16xi32>
      tpu.vector_store_idx %arg5[%add3A_147], %gather3A_131 {add = true} : memref<80384xf32, #tpu.memory_space<vmem>>[vector<16xi32>], vector<16xf32>,
      %add3A_148 = arith.addi %mul3A_122, %add3A_47 : vector<16xi32>
      tpu.vector_store_idx %arg5[%add3A_148], %gather3A_132 {add = true} : memref<80384xf32, #tpu.memory_space<vmem>>[vector<16xi32>], vector<16xf32>,
      %add3A_149 = arith.addi %mul3A_122, %add3A_51 : vector<16xi32>
      tpu.vector_store_idx %arg5[%add3A_149], %gather3A_133 {add = true} : memref<80384xf32, #tpu.memory_space<vmem>>[vector<16xi32>], vector<16xf32>,
      %add3A_150 = arith.addi %mul3A_122, %add3A_55 : vector<16xi32>
      tpu.vector_store_idx %arg5[%add3A_150], %gather3A_134 {add = true} : memref<80384xf32, #tpu.memory_space<vmem>>[vector<16xi32>], vector<16xf32>,
      %add3A_151 = arith.addi %mul3A_122, %add3A_59 : vector<16xi32>
      tpu.vector_store_idx %arg5[%add3A_151], %gather3A_135 {add = true} : memref<80384xf32, #tpu.memory_space<vmem>>[vector<16xi32>], vector<16xf32>,
      %add3A_152 = arith.addi %mul3A_122, %add3A_63 : vector<16xi32>
      tpu.vector_store_idx %arg5[%add3A_152], %gather3A_136 {add = true} : memref<80384xf32, #tpu.memory_space<vmem>>[vector<16xi32>], vector<16xf32>,
      %add3A_153 = arith.addi %mul3A_122, %add3A_67 : vector<16xi32>
      tpu.vector_store_idx %arg5[%add3A_153], %gather3A_137 {add = true} : memref<80384xf32, #tpu.memory_space<vmem>>[vector<16xi32>], vector<16xf32>,
      %add3A_154 = arith.addi %mul3A_122, %add3A_71 : vector<16xi32>
      tpu.vector_store_idx %arg5[%add3A_154], %gather3A_138 {add = true} : memref<80384xf32, #tpu.memory_space<vmem>>[vector<16xi32>], vector<16xf32>,
      %scan3A_155 = arith.constant 0 : i32
      scf.yield %scan3A_155 : i32
    }
    %scan3A_100 = arith.constant 72 : i32
    %mul3A_101 = arith.constant 313 : i32
    %mul3A_102 = arith.muli %add3A, %mul3A_101 : i32
    %mul3A_103 = arith.constant 256 : i32
    %mul3A_104 = arith.muli %mul3A_102, %mul3A_103 : i32
    "tpu.region"() ({
      %run_scoped3A = tpu.sem_alloc : memref<!tpu.dma_semaphore, #tpu.memory_space<semaphore_mem>>
      %dma_start3A_105 = arith.constant 0 : i32
      %dma_start3A_106 = tpu.memref_slice %arg5[%dma_start3A_105] : memref<80384xf32, #tpu.memory_space<vmem>> -> memref<80128xf32, #tpu.memory_space<vmem>>
      %dma_start3A_107 = tpu.memref_slice %arg4[%mul3A_104] : memref<2564096xf32, #tpu.memory_space<hbm>> -> memref<80128xf32, #tpu.memory_space<hbm>>
      %dma_start3A_108 = tpu.memref_slice %arg4[%mul3A_104] : memref<2564096xf32, #tpu.memory_space<hbm>> -> memref<80128xf32, #tpu.memory_space<hbm>>
      %dma_start3A_109 = arith.constant 0 : i32
      %dma_start3A_110 = tpu.memref_slice %arg5[%dma_start3A_109] : memref<80384xf32, #tpu.memory_space<vmem>> -> memref<80128xf32, #tpu.memory_space<vmem>>
      tpu.enqueue_dma source(%dma_start3A_110 : memref<80128xf32, #tpu.memory_space<vmem>>) target(%dma_start3A_108 : memref<80128xf32, #tpu.memory_space<hbm>>) target_semaphore(%run_scoped3A : memref<!tpu.dma_semaphore, #tpu.memory_space<semaphore_mem>>)
      %dma_wait3A_111 = arith.constant 0 : i32
      %dma_wait3A_112 = tpu.memref_slice %arg5[%dma_wait3A_111] : memref<80384xf32, #tpu.memory_space<vmem>> -> memref<80128xf32, #tpu.memory_space<vmem>>
      %dma_wait3A_113 = tpu.memref_slice %arg4[%mul3A_104] : memref<2564096xf32, #tpu.memory_space<hbm>> -> memref<80128xf32, #tpu.memory_space<hbm>>
      %dma_wait3A_114 = tpu.memref_slice %arg4[%mul3A_104] : memref<2564096xf32, #tpu.memory_space<hbm>> -> memref<80128xf32, #tpu.memory_space<hbm>>
      %dma_wait3A_115 = arith.constant 0 : i32
      %dma_wait3A_116 = tpu.memref_slice %arg5[%dma_wait3A_115] : memref<80384xf32, #tpu.memory_space<vmem>> -> memref<80128xf32, #tpu.memory_space<vmem>>
      tpu.wait_dma2 semaphore(%run_scoped3A : memref<!tpu.dma_semaphore, #tpu.memory_space<semaphore_mem>>) src(%dma_wait3A_116 : memref<80128xf32, #tpu.memory_space<vmem>>) dst(%dma_wait3A_114 : memref<80128xf32, #tpu.memory_space<hbm>>)
      tpu.yield
    }) : () -> ()
    return
  }
}

#map = affine_map<(d0, d1) -> (0)>
module attributes {stable_mosaic.version = 14 : i64} {
  func.func @_edge_partition(%arg0: i32, %arg1: i32, %arg2: memref<160000xi32, #tpu.memory_space<hbm>>, %arg3: memref<160000xi32, #tpu.memory_space<hbm>>, %arg4: memref<656xi32, #tpu.memory_space<hbm>>, %arg5: memref<364032xi32, #tpu.memory_space<hbm>>, %arg6: memref<8000xi32, #tpu.memory_space<vmem>>, %arg7: memref<8000xi32, #tpu.memory_space<vmem>>, %arg8: memref<5648xi32, #tpu.memory_space<vmem>>, %arg9: memref<5648xi32, #tpu.memory_space<vmem>>, %arg10: memref<656xi32, #tpu.memory_space<vmem>>, %arg11: memref<160xi32, #tpu.memory_space<vmem>>, %arg12: memref<11376xi32, #tpu.memory_space<vmem>>) attributes {dimension_semantics = [#tpu.dimension_semantics<core_parallel>, #tpu.dimension_semantics<subcore_parallel>], iteration_bounds = array<i64: 2, 16>, scalar_prefetch = 0 : i64, scratch_operands = 7 : i64, tpu.core_type = #tpu.core_type<sc_vector_subcore>, window_params = [{transform_indices = #map}, {transform_indices = #map}, {transform_indices = #map}, {transform_indices = #map}]} {
    %mul3A = arith.constant 2 : i32
    %mul3A_0 = arith.muli %arg1, %mul3A : i32
    %add3A = arith.addi %mul3A_0, %arg0 : i32
    "tpu.region"() ({
      %run_scoped3A = tpu.sem_alloc : memref<!tpu.dma_semaphore, #tpu.memory_space<semaphore_mem>>
      tpu.enqueue_dma source(%arg4 : memref<656xi32, #tpu.memory_space<hbm>>) target(%arg10 : memref<656xi32, #tpu.memory_space<vmem>>) target_semaphore(%run_scoped3A : memref<!tpu.dma_semaphore, #tpu.memory_space<semaphore_mem>>)
      tpu.wait_dma2 semaphore(%run_scoped3A : memref<!tpu.dma_semaphore, #tpu.memory_space<semaphore_mem>>) src(%arg4 : memref<656xi32, #tpu.memory_space<hbm>>) dst(%arg10 : memref<656xi32, #tpu.memory_space<vmem>>)
      tpu.yield
    }) : () -> ()
    %get3A = arith.constant 0 : index
    %get3A_1 = tpu.vector_load %arg10[%get3A] {strides = array<i32>} : memref<656xi32, #tpu.memory_space<vmem>>, vector<16xi32>,
    %get3A_2 = arith.constant 16 : index
    %get3A_3 = tpu.vector_load %arg10[%get3A_2] {strides = array<i32>} : memref<656xi32, #tpu.memory_space<vmem>>, vector<16xi32>,
    %get3A_4 = arith.constant 32 : index
    %get3A_5 = tpu.vector_load %arg10[%get3A_4] {strides = array<i32>} : memref<656xi32, #tpu.memory_space<vmem>>, vector<16xi32>,
    %get3A_6 = arith.constant 48 : index
    %get3A_7 = tpu.vector_load %arg10[%get3A_6] {strides = array<i32>} : memref<656xi32, #tpu.memory_space<vmem>>, vector<16xi32>,
    %get3A_8 = arith.constant 64 : index
    %get3A_9 = tpu.vector_load %arg10[%get3A_8] {strides = array<i32>} : memref<656xi32, #tpu.memory_space<vmem>>, vector<16xi32>,
    %get3A_10 = arith.constant 80 : index
    %get3A_11 = tpu.vector_load %arg10[%get3A_10] {strides = array<i32>} : memref<656xi32, #tpu.memory_space<vmem>>, vector<16xi32>,
    %get3A_12 = arith.constant 96 : index
    %get3A_13 = tpu.vector_load %arg10[%get3A_12] {strides = array<i32>} : memref<656xi32, #tpu.memory_space<vmem>>, vector<16xi32>,
    %get3A_14 = arith.constant 112 : index
    %get3A_15 = tpu.vector_load %arg10[%get3A_14] {strides = array<i32>} : memref<656xi32, #tpu.memory_space<vmem>>, vector<16xi32>,
    %get3A_16 = arith.constant 128 : index
    %get3A_17 = tpu.vector_load %arg10[%get3A_16] {strides = array<i32>} : memref<656xi32, #tpu.memory_space<vmem>>, vector<16xi32>,
    %add3A_18 = arith.constant 9 : i32
    %add3A_19 = arith.addi %add3A_18, %add3A : i32
    %mul3A_20 = arith.constant 16 : i32
    %mul3A_21 = arith.muli %add3A_19, %mul3A_20 : i32
    %get3A_22 = arith.index_cast %mul3A_21 : i32 to index
    %get3A_23 = tpu.vector_load %arg10[%get3A_22] {strides = array<i32>} : memref<656xi32, #tpu.memory_space<vmem>>, vector<16xi32>,
    %iota3A = tpu.iota {dimensions = array<i32: 0>} : vector<16xi32>
    %mul3A_24 = arith.constant 0 : i32
    %mul3A_25 = vector.broadcast %mul3A_24 : i32 to vector<16xi32>
    %mul3A_26 = arith.muli %iota3A, %mul3A_25 : vector<16xi32>
    %add3A_27 = arith.constant 313 : i32
    %add3A_28 = vector.broadcast %add3A_27 : i32 to vector<16xi32>
    %add3A_29 = arith.addi %mul3A_26, %add3A_28 : vector<16xi32>
    %add3A_30 = arith.constant 10111 : i32
    %add3A_31 = vector.broadcast %add3A_30 : i32 to vector<16xi32>
    %add3A_32 = arith.addi %mul3A_26, %add3A_31 : vector<16xi32>
    %lt3A = arith.constant 1 : i32
    %lt3A_33 = vector.broadcast %lt3A : i32 to vector<16xi32>
    %lt3A_34 = arith.cmpi slt, %iota3A, %lt3A_33 : vector<16xi32>
    %scan3A = arith.constant 0 : i32
    %scan3A_35 = arith.constant 0 : i32
    %scan3A_36 = arith.constant 353 : i32
    %scan3A_37 = arith.addi %scan3A_35, %scan3A_36 : i32
    %scan3A_38 = arith.constant 1 : i32
    %scan3A_39 = scf.for %scan3A_70 = %scan3A_35 to %scan3A_37 step %scan3A_38 iter_args(%scan3A_71 = %scan3A) -> (i32)  : i32 {
      %mul3A_72 = arith.constant 16 : i32
      %mul3A_73 = arith.muli %scan3A_70, %mul3A_72 : i32
      %swap3A = arith.index_cast %mul3A_73 : i32 to index
      %swap3A_74 = tpu.vector_load %arg8[%swap3A] {strides = array<i32>} : memref<5648xi32, #tpu.memory_space<vmem>>, vector<16xi32>,
      tpu.vector_store %arg8[%swap3A], %add3A_32 {strides = array<i32>} : memref<5648xi32, #tpu.memory_space<vmem>>, vector<16xi32>,
      %mul3A_75 = arith.constant 16 : i32
      %mul3A_76 = arith.muli %scan3A_70, %mul3A_75 : i32
      %swap3A_77 = arith.index_cast %mul3A_76 : i32 to index
      %swap3A_78 = tpu.vector_load %arg9[%swap3A_77] {strides = array<i32>} : memref<5648xi32, #tpu.memory_space<vmem>>, vector<16xi32>,
      tpu.vector_store %arg9[%swap3A_77], %add3A_29 {strides = array<i32>} : memref<5648xi32, #tpu.memory_space<vmem>>, vector<16xi32>,
      %scan3A_79 = arith.constant 0 : i32
      scf.yield %scan3A_79 : i32
    }
    %scan3A_40 = arith.constant 353 : i32
    %scan3A_41 = arith.constant 0 : i32
    %scan3A_42 = arith.constant 20 : i32
    %scan3A_43 = arith.addi %scan3A_41, %scan3A_42 : i32
    %scan3A_44 = arith.constant 1 : i32
    %scan3A_45 = scf.for %scan3A_70 = %scan3A_41 to %scan3A_43 step %scan3A_44 iter_args(%scan3A_71 = %mul3A_26) -> (vector<16xi32>)  : i32 {
      %mul3A_72 = arith.constant 8000 : i32
      %mul3A_73 = arith.muli %scan3A_70, %mul3A_72 : i32
      "tpu.region"() ({
        %run_scoped3A = tpu.sem_alloc : memref<!tpu.dma_semaphore, #tpu.memory_space<semaphore_mem>>
        %dma_start3A = tpu.memref_slice %arg2[%mul3A_73] : memref<160000xi32, #tpu.memory_space<hbm>> -> memref<8000xi32, #tpu.memory_space<hbm>>
        %dma_start3A_79 = tpu.memref_slice %arg2[%mul3A_73] : memref<160000xi32, #tpu.memory_space<hbm>> -> memref<8000xi32, #tpu.memory_space<hbm>>
        tpu.enqueue_dma source(%dma_start3A_79 : memref<8000xi32, #tpu.memory_space<hbm>>) target(%arg6 : memref<8000xi32, #tpu.memory_space<vmem>>) target_semaphore(%run_scoped3A : memref<!tpu.dma_semaphore, #tpu.memory_space<semaphore_mem>>)
        %dma_wait3A = tpu.memref_slice %arg2[%mul3A_73] : memref<160000xi32, #tpu.memory_space<hbm>> -> memref<8000xi32, #tpu.memory_space<hbm>>
        %dma_wait3A_80 = tpu.memref_slice %arg2[%mul3A_73] : memref<160000xi32, #tpu.memory_space<hbm>> -> memref<8000xi32, #tpu.memory_space<hbm>>
        tpu.wait_dma2 semaphore(%run_scoped3A : memref<!tpu.dma_semaphore, #tpu.memory_space<semaphore_mem>>) src(%dma_wait3A_80 : memref<8000xi32, #tpu.memory_space<hbm>>) dst(%arg6 : memref<8000xi32, #tpu.memory_space<vmem>>)
        tpu.yield
      }) : () -> ()
      %mul3A_74 = arith.constant 8000 : i32
      %mul3A_75 = arith.muli %scan3A_70, %mul3A_74 : i32
      "tpu.region"() ({
        %run_scoped3A = tpu.sem_alloc : memref<!tpu.dma_semaphore, #tpu.memory_space<semaphore_mem>>
        %dma_start3A = tpu.memref_slice %arg3[%mul3A_75] : memref<160000xi32, #tpu.memory_space<hbm>> -> memref<8000xi32, #tpu.memory_space<hbm>>
        %dma_start3A_79 = tpu.memref_slice %arg3[%mul3A_75] : memref<160000xi32, #tpu.memory_space<hbm>> -> memref<8000xi32, #tpu.memory_space<hbm>>
        tpu.enqueue_dma source(%dma_start3A_79 : memref<8000xi32, #tpu.memory_space<hbm>>) target(%arg7 : memref<8000xi32, #tpu.memory_space<vmem>>) target_semaphore(%run_scoped3A : memref<!tpu.dma_semaphore, #tpu.memory_space<semaphore_mem>>)
        %dma_wait3A = tpu.memref_slice %arg3[%mul3A_75] : memref<160000xi32, #tpu.memory_space<hbm>> -> memref<8000xi32, #tpu.memory_space<hbm>>
        %dma_wait3A_80 = tpu.memref_slice %arg3[%mul3A_75] : memref<160000xi32, #tpu.memory_space<hbm>> -> memref<8000xi32, #tpu.memory_space<hbm>>
        tpu.wait_dma2 semaphore(%run_scoped3A : memref<!tpu.dma_semaphore, #tpu.memory_space<semaphore_mem>>) src(%dma_wait3A_80 : memref<8000xi32, #tpu.memory_space<hbm>>) dst(%arg7 : memref<8000xi32, #tpu.memory_space<vmem>>)
        tpu.yield
      }) : () -> ()
      %parallel_loop3A = arith.constant 0 : i32
      %parallel_loop3A_76 = arith.constant 500 : i32
      %parallel_loop3A_77 = arith.constant 1 : i32
      %parallel_loop3A_78 = scf.for %parallel_loop3A_79 = %parallel_loop3A to %parallel_loop3A_76 step %parallel_loop3A_77 iter_args(%parallel_loop3A_80 = %scan3A_71) -> (vector<16xi32>)  : i32 {
        %parallel_loop3A_81 = arith.constant 16 : i32
        %parallel_loop3A_82 = arith.muli %parallel_loop3A_79, %parallel_loop3A_81 : i32
        %parallel_loop3A_83 = arith.index_cast %parallel_loop3A_82 : i32 to index
        %parallel_loop3A_84 = tpu.vector_load %arg7[%parallel_loop3A_83] {strides = array<i32>} : memref<8000xi32, #tpu.memory_space<vmem>>, vector<16xi32>,
        %parallel_loop3A_85 = arith.constant 16 : i32
        %parallel_loop3A_86 = arith.muli %parallel_loop3A_79, %parallel_loop3A_85 : i32
        %parallel_loop3A_87 = arith.index_cast %parallel_loop3A_86 : i32 to index
        %parallel_loop3A_88 = tpu.vector_load %arg6[%parallel_loop3A_87] {strides = array<i32>} : memref<8000xi32, #tpu.memory_space<vmem>>, vector<16xi32>,
        %parallel_loop3A_89 = arith.subi %parallel_loop3A_84, %get3A_23 : vector<16xi32>
        %parallel_loop3A_90 = arith.constant 0 : i32
        %parallel_loop3A_91 = vector.broadcast %parallel_loop3A_90 : i32 to vector<16xi32>
        %parallel_loop3A_92 = arith.cmpi sge, %parallel_loop3A_89, %parallel_loop3A_91 : vector<16xi32>
        %parallel_loop3A_93 = arith.constant 313 : i32
        %parallel_loop3A_94 = vector.broadcast %parallel_loop3A_93 : i32 to vector<16xi32>
        %parallel_loop3A_95 = arith.cmpi slt, %parallel_loop3A_89, %parallel_loop3A_94 : vector<16xi32>
        %parallel_loop3A_96 = arith.andi %parallel_loop3A_92, %parallel_loop3A_95 : vector<16xi1>
        %parallel_loop3A_97 = arith.extui %parallel_loop3A_96 : vector<16xi1> to vector<16xi32>
        %parallel_loop3A_98 = arith.constant 0 : i32
        %parallel_loop3A_99 = vector.broadcast %parallel_loop3A_98 : i32 to vector<16xi32>
        %parallel_loop3A_100 = arith.cmpi slt, %get3A_3, %parallel_loop3A_99 : vector<16xi32>
        %parallel_loop3A_101 = arith.constant 16 : i32
        %parallel_loop3A_102 = vector.broadcast %parallel_loop3A_101 : i32 to vector<16xi32>
        %parallel_loop3A_103 = arith.addi %get3A_3, %parallel_loop3A_102 : vector<16xi32>
        %parallel_loop3A_104 = arith.select %parallel_loop3A_100, %parallel_loop3A_103, %get3A_3 : vector<16xi1>, vector<16xi32>
        %parallel_loop3A_105 = vector.shape_cast %parallel_loop3A_104 : vector<16xi32> to vector<16x1xi32>
        %parallel_loop3A_106 = vector.shape_cast %parallel_loop3A_105 : vector<16x1xi32> to vector<16xi32>
        %parallel_loop3A_107 = tpu.dynamic_gather %parallel_loop3A_97[%parallel_loop3A_106] in [0] : vector<16xi32>, vector<16xi32> -> vector<16xi32>
        %parallel_loop3A_108 = arith.muli %parallel_loop3A_107, %get3A_11 : vector<16xi32>
        %parallel_loop3A_109 = arith.addi %parallel_loop3A_97, %parallel_loop3A_108 : vector<16xi32>
        %parallel_loop3A_110 = arith.constant 0 : i32
        %parallel_loop3A_111 = vector.broadcast %parallel_loop3A_110 : i32 to vector<16xi32>
        %parallel_loop3A_112 = arith.cmpi slt, %get3A_5, %parallel_loop3A_111 : vector<16xi32>
        %parallel_loop3A_113 = arith.constant 16 : i32
        %parallel_loop3A_114 = vector.broadcast %parallel_loop3A_113 : i32 to vector<16xi32>
        %parallel_loop3A_115 = arith.addi %get3A_5, %parallel_loop3A_114 : vector<16xi32>
        %parallel_loop3A_116 = arith.select %parallel_loop3A_112, %parallel_loop3A_115, %get3A_5 : vector<16xi1>, vector<16xi32>
        %parallel_loop3A_117 = vector.shape_cast %parallel_loop3A_116 : vector<16xi32> to vector<16x1xi32>
        %parallel_loop3A_118 = vector.shape_cast %parallel_loop3A_117 : vector<16x1xi32> to vector<16xi32>
        %parallel_loop3A_119 = tpu.dynamic_gather %parallel_loop3A_109[%parallel_loop3A_118] in [0] : vector<16xi32>, vector<16xi32> -> vector<16xi32>
        %parallel_loop3A_120 = arith.muli %parallel_loop3A_119, %get3A_13 : vector<16xi32>
        %parallel_loop3A_121 = arith.addi %parallel_loop3A_109, %parallel_loop3A_120 : vector<16xi32>
        %parallel_loop3A_122 = arith.constant 0 : i32
        %parallel_loop3A_123 = vector.broadcast %parallel_loop3A_122 : i32 to vector<16xi32>
        %parallel_loop3A_124 = arith.cmpi slt, %get3A_7, %parallel_loop3A_123 : vector<16xi32>
        %parallel_loop3A_125 = arith.constant 16 : i32
        %parallel_loop3A_126 = vector.broadcast %parallel_loop3A_125 : i32 to vector<16xi32>
        %parallel_loop3A_127 = arith.addi %get3A_7, %parallel_loop3A_126 : vector<16xi32>
        %parallel_loop3A_128 = arith.select %parallel_loop3A_124, %parallel_loop3A_127, %get3A_7 : vector<16xi1>, vector<16xi32>
        %parallel_loop3A_129 = vector.shape_cast %parallel_loop3A_128 : vector<16xi32> to vector<16x1xi32>
        %parallel_loop3A_130 = vector.shape_cast %parallel_loop3A_129 : vector<16x1xi32> to vector<16xi32>
        %parallel_loop3A_131 = tpu.dynamic_gather %parallel_loop3A_121[%parallel_loop3A_130] in [0] : vector<16xi32>, vector<16xi32> -> vector<16xi32>
        %parallel_loop3A_132 = arith.muli %parallel_loop3A_131, %get3A_15 : vector<16xi32>
        %parallel_loop3A_133 = arith.addi %parallel_loop3A_121, %parallel_loop3A_132 : vector<16xi32>
        %parallel_loop3A_134 = arith.constant 0 : i32
        %parallel_loop3A_135 = vector.broadcast %parallel_loop3A_134 : i32 to vector<16xi32>
        %parallel_loop3A_136 = arith.cmpi slt, %get3A_9, %parallel_loop3A_135 : vector<16xi32>
        %parallel_loop3A_137 = arith.constant 16 : i32
        %parallel_loop3A_138 = vector.broadcast %parallel_loop3A_137 : i32 to vector<16xi32>
        %parallel_loop3A_139 = arith.addi %get3A_9, %parallel_loop3A_138 : vector<16xi32>
        %parallel_loop3A_140 = arith.select %parallel_loop3A_136, %parallel_loop3A_139, %get3A_9 : vector<16xi1>, vector<16xi32>
        %parallel_loop3A_141 = vector.shape_cast %parallel_loop3A_140 : vector<16xi32> to vector<16x1xi32>
        %parallel_loop3A_142 = vector.shape_cast %parallel_loop3A_141 : vector<16x1xi32> to vector<16xi32>
        %parallel_loop3A_143 = tpu.dynamic_gather %parallel_loop3A_133[%parallel_loop3A_142] in [0] : vector<16xi32>, vector<16xi32> -> vector<16xi32>
        %parallel_loop3A_144 = arith.muli %parallel_loop3A_143, %get3A_17 : vector<16xi32>
        %parallel_loop3A_145 = arith.addi %parallel_loop3A_133, %parallel_loop3A_144 : vector<16xi32>
        %parallel_loop3A_146 = arith.addi %parallel_loop3A_80, %parallel_loop3A_145 : vector<16xi32>
        %parallel_loop3A_147 = arith.constant 1 : i32
        %parallel_loop3A_148 = vector.broadcast %parallel_loop3A_147 : i32 to vector<16xi32>
        %parallel_loop3A_149 = arith.subi %parallel_loop3A_146, %parallel_loop3A_148 : vector<16xi32>
        tpu.vector_store_idx %arg8[%parallel_loop3A_149], %parallel_loop3A_88 masked %parallel_loop3A_96 : memref<5648xi32, #tpu.memory_space<vmem>>[vector<16xi32>], vector<16xi32>, vector<16xi1>
        tpu.vector_store_idx %arg9[%parallel_loop3A_149], %parallel_loop3A_89 masked %parallel_loop3A_96 : memref<5648xi32, #tpu.memory_space<vmem>>[vector<16xi32>], vector<16xi32>, vector<16xi1>
        %parallel_loop3A_150 = arith.constant 0 : i32
        %parallel_loop3A_151 = vector.broadcast %parallel_loop3A_150 : i32 to vector<16xi32>
        %parallel_loop3A_152 = arith.cmpi slt, %get3A_1, %parallel_loop3A_151 : vector<16xi32>
        %parallel_loop3A_153 = arith.constant 16 : i32
        %parallel_loop3A_154 = vector.broadcast %parallel_loop3A_153 : i32 to vector<16xi32>
        %parallel_loop3A_155 = arith.addi %get3A_1, %parallel_loop3A_154 : vector<16xi32>
        %parallel_loop3A_156 = arith.select %parallel_loop3A_152, %parallel_loop3A_155, %get3A_1 : vector<16xi1>, vector<16xi32>
        %parallel_loop3A_157 = vector.shape_cast %parallel_loop3A_156 : vector<16xi32> to vector<16x1xi32>
        %parallel_loop3A_158 = vector.shape_cast %parallel_loop3A_157 : vector<16x1xi32> to vector<16xi32>
        %parallel_loop3A_159 = tpu.dynamic_gather %parallel_loop3A_145[%parallel_loop3A_158] in [0] : vector<16xi32>, vector<16xi32> -> vector<16xi32>
        %parallel_loop3A_160 = arith.addi %parallel_loop3A_80, %parallel_loop3A_159 : vector<16xi32>
        scf.yield %parallel_loop3A_160 : vector<16xi32>
      } {sc.loop_unroll_factor = 2 : i64, sc.parallel_access}
      scf.yield %parallel_loop3A_78 : vector<16xi32>
    }
    %scan3A_46 = arith.constant 20 : i32
    %scan3A_47 = arith.constant 0 : i32
    %scan3A_48 = arith.constant 0 : i32
    %scan3A_49 = arith.constant 10 : i32
    %scan3A_50 = arith.addi %scan3A_48, %scan3A_49 : i32
    %scan3A_51 = arith.constant 1 : i32
    %scan3A_52 = scf.for %scan3A_70 = %scan3A_48 to %scan3A_50 step %scan3A_51 iter_args(%scan3A_71 = %scan3A_47) -> (i32)  : i32 {
      %mul3A_72 = arith.constant 16 : i32
      %mul3A_73 = arith.muli %scan3A_70, %mul3A_72 : i32
      %add3A_74 = vector.broadcast %mul3A_73 : i32 to vector<16xi32>
      %add3A_75 = arith.addi %iota3A, %add3A_74 : vector<16xi32>
      %mul3A_76 = arith.constant 72 : i32
      %mul3A_77 = vector.broadcast %mul3A_76 : i32 to vector<16xi32>
      %mul3A_78 = arith.muli %add3A_75, %mul3A_77 : vector<16xi32>
      %mul3A_79 = arith.constant 16 : i32
      %mul3A_80 = arith.muli %scan3A_70, %mul3A_79 : i32
      %swap3A = arith.index_cast %mul3A_80 : i32 to index
      %swap3A_81 = tpu.vector_load %arg11[%swap3A] {strides = array<i32>} : memref<160xi32, #tpu.memory_space<vmem>>, vector<16xi32>,
      tpu.vector_store %arg11[%swap3A], %mul3A_78 {strides = array<i32>} : memref<160xi32, #tpu.memory_space<vmem>>, vector<16xi32>,
      %scan3A_82 = arith.constant 0 : i32
      scf.yield %scan3A_82 : i32
    }
    %scan3A_53 = arith.constant 10 : i32
    %scan3A_54 = arith.constant 0 : i32
    %scan3A_55 = arith.constant 0 : i32
    %scan3A_56 = arith.constant 711 : i32
    %scan3A_57 = arith.addi %scan3A_55, %scan3A_56 : i32
    %scan3A_58 = arith.constant 1 : i32
    %scan3A_59 = scf.for %scan3A_70 = %scan3A_55 to %scan3A_57 step %scan3A_58 iter_args(%scan3A_71 = %scan3A_54) -> (i32)  : i32 {
      %add3A_72 = arith.constant 40127 : i32
      %add3A_73 = vector.broadcast %add3A_72 : i32 to vector<16xi32>
      %add3A_74 = arith.addi %mul3A_26, %add3A_73 : vector<16xi32>
      %mul3A_75 = arith.constant 16 : i32
      %mul3A_76 = arith.muli %scan3A_70, %mul3A_75 : i32
      %swap3A = arith.index_cast %mul3A_76 : i32 to index
      %swap3A_77 = tpu.vector_load %arg12[%swap3A] {strides = array<i32>} : memref<11376xi32, #tpu.memory_space<vmem>>, vector<16xi32>,
      tpu.vector_store %arg12[%swap3A], %add3A_74 {strides = array<i32>} : memref<11376xi32, #tpu.memory_space<vmem>>, vector<16xi32>,
      %scan3A_78 = arith.constant 0 : i32
      scf.yield %scan3A_78 : i32
    }
    %scan3A_60 = arith.constant 711 : i32
    %scan3A_61 = arith.constant 0 : i32
    %scan3A_62 = arith.constant 0 : i32
    %scan3A_63 = arith.constant 5632 : i32
    %scan3A_64 = arith.addi %scan3A_62, %scan3A_63 : i32
    %scan3A_65 = arith.constant 1 : i32
    %scan3A_66 = scf.for %scan3A_70 = %scan3A_62 to %scan3A_64 step %scan3A_65 iter_args(%scan3A_71 = %scan3A_61) -> (i32)  : i32 {
      %get3A_72 = arith.index_cast %scan3A_70 : i32 to index
      %get3A_73 = tpu.vector_load %arg8[%get3A_72] {strides = array<i32>} : memref<5648xi32, #tpu.memory_space<vmem>>, vector<16xi32>,
      %lt3A_74 = arith.constant 0 : i32
      %lt3A_75 = vector.broadcast %lt3A_74 : i32 to vector<16xi32>
      %lt3A_76 = arith.cmpi slt, %mul3A_26, %lt3A_75 : vector<16xi32>
      %add3A_77 = arith.constant 16 : i32
      %add3A_78 = vector.broadcast %add3A_77 : i32 to vector<16xi32>
      %add3A_79 = arith.addi %mul3A_26, %add3A_78 : vector<16xi32>
      %select_n3A = arith.select %lt3A_76, %add3A_79, %mul3A_26 : vector<16xi1>, vector<16xi32>
      %broadcast_in_dim3A = vector.shape_cast %select_n3A : vector<16xi32> to vector<16x1xi32>
      %gather3A = vector.shape_cast %broadcast_in_dim3A : vector<16x1xi32> to vector<16xi32>
      %gather3A_80 = tpu.dynamic_gather %get3A_73[%gather3A] in [0] : vector<16xi32>, vector<16xi32> -> vector<16xi32>
      %get3A_81 = arith.index_cast %scan3A_70 : i32 to index
      %get3A_82 = tpu.vector_load %arg9[%get3A_81] {strides = array<i32>} : memref<5648xi32, #tpu.memory_space<vmem>>, vector<16xi32>,
      %lt3A_83 = arith.constant 0 : i32
      %lt3A_84 = vector.broadcast %lt3A_83 : i32 to vector<16xi32>
      %lt3A_85 = arith.cmpi slt, %mul3A_26, %lt3A_84 : vector<16xi32>
      %add3A_86 = arith.constant 16 : i32
      %add3A_87 = vector.broadcast %add3A_86 : i32 to vector<16xi32>
      %add3A_88 = arith.addi %mul3A_26, %add3A_87 : vector<16xi32>
      %select_n3A_89 = arith.select %lt3A_85, %add3A_88, %mul3A_26 : vector<16xi1>, vector<16xi32>
      %broadcast_in_dim3A_90 = vector.shape_cast %select_n3A_89 : vector<16xi32> to vector<16x1xi32>
      %gather3A_91 = vector.shape_cast %broadcast_in_dim3A_90 : vector<16x1xi32> to vector<16xi32>
      %gather3A_92 = tpu.dynamic_gather %get3A_82[%gather3A_91] in [0] : vector<16xi32>, vector<16xi32> -> vector<16xi32>
      %shift_right_arithmetic3A = arith.constant 6 : i32
      %shift_right_arithmetic3A_93 = vector.broadcast %shift_right_arithmetic3A : i32 to vector<16xi32>
      %shift_right_arithmetic3A_94 = arith.shrsi %gather3A_80, %shift_right_arithmetic3A_93 : vector<16xi32>
      %gather3A_95 = tpu.vector_load_idx %arg11[%shift_right_arithmetic3A_94] masked %lt3A_34 : memref<160xi32, #tpu.memory_space<vmem>>[vector<16xi32>], vector<16xi32>, vector<16xi1>
      %add3A_96 = arith.constant 1 : i32
      %add3A_97 = vector.broadcast %add3A_96 : i32 to vector<16xi32>
      %add3A_98 = arith.addi %shift_right_arithmetic3A_94, %add3A_97 : vector<16xi32>
      %mul3A_99 = arith.constant 72 : i32
      %mul3A_100 = vector.broadcast %mul3A_99 : i32 to vector<16xi32>
      %mul3A_101 = arith.muli %add3A_98, %mul3A_100 : vector<16xi32>
      %lt3A_102 = arith.cmpi slt, %gather3A_95, %mul3A_101 : vector<16xi32>
      %and3A = arith.andi %lt3A_34, %lt3A_102 : vector<16xi1>
      %shift_left3A = arith.constant 6 : i32
      %shift_left3A_103 = vector.broadcast %shift_left3A : i32 to vector<16xi32>
      %shift_left3A_104 = arith.shli %shift_right_arithmetic3A_94, %shift_left3A_103 : vector<16xi32>
      %sub3A = arith.subi %gather3A_80, %shift_left3A_104 : vector<16xi32>
      %shift_left3A_105 = arith.constant 7 : i32
      %shift_left3A_106 = vector.broadcast %shift_left3A_105 : i32 to vector<16xi32>
      %shift_left3A_107 = arith.shli %gather3A_92, %shift_left3A_106 : vector<16xi32>
      %or3A = arith.ori %sub3A, %shift_left3A_107 : vector<16xi32>
      tpu.vector_store_idx %arg12[%gather3A_95], %or3A masked %and3A : memref<11376xi32, #tpu.memory_space<vmem>>[vector<16xi32>], vector<16xi32>, vector<16xi1>
      %add3A_108 = arith.constant 1 : i32
      %add3A_109 = vector.broadcast %add3A_108 : i32 to vector<16xi32>
      %add3A_110 = arith.addi %gather3A_95, %add3A_109 : vector<16xi32>
      tpu.vector_store_idx %arg11[%shift_right_arithmetic3A_94], %add3A_110 masked %and3A : memref<160xi32, #tpu.memory_space<vmem>>[vector<16xi32>], vector<16xi32>, vector<16xi1>
      %scan3A_111 = arith.constant 0 : i32
      scf.yield %scan3A_111 : i32
    }
    %scan3A_67 = arith.constant 5632 : i32
    %mul3A_68 = arith.constant 11376 : i32
    %mul3A_69 = arith.muli %add3A, %mul3A_68 : i32
    "tpu.region"() ({
      %run_scoped3A = tpu.sem_alloc : memref<!tpu.dma_semaphore, #tpu.memory_space<semaphore_mem>>
      %dma_start3A = tpu.memref_slice %arg5[%mul3A_69] : memref<364032xi32, #tpu.memory_space<hbm>> -> memref<11376xi32, #tpu.memory_space<hbm>>
      %dma_start3A_70 = tpu.memref_slice %arg5[%mul3A_69] : memref<364032xi32, #tpu.memory_space<hbm>> -> memref<11376xi32, #tpu.memory_space<hbm>>
      tpu.enqueue_dma source(%arg12 : memref<11376xi32, #tpu.memory_space<vmem>>) target(%dma_start3A_70 : memref<11376xi32, #tpu.memory_space<hbm>>) target_semaphore(%run_scoped3A : memref<!tpu.dma_semaphore, #tpu.memory_space<semaphore_mem>>)
      %dma_wait3A = tpu.memref_slice %arg5[%mul3A_69] : memref<364032xi32, #tpu.memory_space<hbm>> -> memref<11376xi32, #tpu.memory_space<hbm>>
      %dma_wait3A_71 = tpu.memref_slice %arg5[%mul3A_69] : memref<364032xi32, #tpu.memory_space<hbm>> -> memref<11376xi32, #tpu.memory_space<hbm>>
      tpu.wait_dma2 semaphore(%run_scoped3A : memref<!tpu.dma_semaphore, #tpu.memory_space<semaphore_mem>>) src(%arg12 : memref<11376xi32, #tpu.memory_space<vmem>>) dst(%dma_wait3A_71 : memref<11376xi32, #tpu.memory_space<hbm>>)
      tpu.yield
    }) : () -> ()
    return
  }
}

#map = affine_map<(d0, d1) -> (0, 0)>
#map1 = affine_map<(d0, d1) -> (0)>
module attributes {stable_mosaic.version = 14 : i64} {
  func.func @_segsum(%arg0: i32, %arg1: i32, %arg2: memref<10048x256xf32, #tpu.memory_space<hbm>>, %arg3: memref<364032xi32, #tpu.memory_space<hbm>>, %arg4: memref<2564096xf32, #tpu.memory_space<hbm>>, %arg5: memref<80384xf32, #tpu.memory_space<vmem>>, %arg6: memref<64x256xf32, #tpu.memory_space<vmem>>, %arg7: memref<64x256xf32, #tpu.memory_space<vmem>>, %arg8: memref<11376xi32, #tpu.memory_space<vmem>>, %arg9: memref<!tpu.dma_semaphore, #tpu.memory_space<semaphore_mem>>, %arg10: memref<!tpu.dma_semaphore, #tpu.memory_space<semaphore_mem>>) attributes {dimension_semantics = [#tpu.dimension_semantics<core_parallel>, #tpu.dimension_semantics<subcore_parallel>], iteration_bounds = array<i64: 2, 16>, scalar_prefetch = 0 : i64, scratch_operands = 6 : i64, tpu.core_type = #tpu.core_type<sc_vector_subcore>, window_params = [{transform_indices = #map}, {transform_indices = #map1}, {transform_indices = #map1}]} {
    %mul3A = arith.constant 2 : i32
    %mul3A_0 = arith.muli %arg1, %mul3A : i32
    %add3A = arith.addi %mul3A_0, %arg0 : i32
    %iota3A = tpu.iota {dimensions = array<i32: 0>} : vector<16xi32>
    %mul3A_1 = arith.constant 0 : i32
    %mul3A_2 = vector.broadcast %mul3A_1 : i32 to vector<16xi32>
    %mul3A_3 = arith.muli %iota3A, %mul3A_2 : vector<16xi32>
    %convert_element_type3A = arith.sitofp %mul3A_3 : vector<16xi32> to vector<16xf32>
    %parallel_loop3A = arith.constant 0 : i32
    %parallel_loop3A_4 = arith.constant 5024 : i32
    %parallel_loop3A_5 = arith.constant 1 : i32
    scf.for %parallel_loop3A_105 = %parallel_loop3A to %parallel_loop3A_4 step %parallel_loop3A_5  : i32 {
      %parallel_loop3A_106 = arith.constant 16 : i32
      %parallel_loop3A_107 = arith.muli %parallel_loop3A_105, %parallel_loop3A_106 : i32
      %parallel_loop3A_108 = arith.index_cast %parallel_loop3A_107 : i32 to index
      %parallel_loop3A_109 = tpu.vector_load %arg5[%parallel_loop3A_108] {strides = array<i32>} : memref<80384xf32, #tpu.memory_space<vmem>>, vector<16xf32>,
      tpu.vector_store %arg5[%parallel_loop3A_108], %convert_element_type3A {strides = array<i32>} : memref<80384xf32, #tpu.memory_space<vmem>>, vector<16xf32>,
    } {sc.loop_unroll_factor = 4 : i64, sc.parallel_access}
    %mul3A_6 = arith.constant 11376 : i32
    %mul3A_7 = arith.muli %add3A, %mul3A_6 : i32
    "tpu.region"() ({
      %run_scoped3A = tpu.sem_alloc : memref<!tpu.dma_semaphore, #tpu.memory_space<semaphore_mem>>
      %dma_start3A_105 = tpu.memref_slice %arg3[%mul3A_7] : memref<364032xi32, #tpu.memory_space<hbm>> -> memref<11376xi32, #tpu.memory_space<hbm>>
      %dma_start3A_106 = tpu.memref_slice %arg3[%mul3A_7] : memref<364032xi32, #tpu.memory_space<hbm>> -> memref<11376xi32, #tpu.memory_space<hbm>>
      tpu.enqueue_dma source(%dma_start3A_106 : memref<11376xi32, #tpu.memory_space<hbm>>) target(%arg8 : memref<11376xi32, #tpu.memory_space<vmem>>) target_semaphore(%run_scoped3A : memref<!tpu.dma_semaphore, #tpu.memory_space<semaphore_mem>>)
      %dma_wait3A_107 = tpu.memref_slice %arg3[%mul3A_7] : memref<364032xi32, #tpu.memory_space<hbm>> -> memref<11376xi32, #tpu.memory_space<hbm>>
      %dma_wait3A_108 = tpu.memref_slice %arg3[%mul3A_7] : memref<364032xi32, #tpu.memory_space<hbm>> -> memref<11376xi32, #tpu.memory_space<hbm>>
      tpu.wait_dma2 semaphore(%run_scoped3A : memref<!tpu.dma_semaphore, #tpu.memory_space<semaphore_mem>>) src(%dma_wait3A_108 : memref<11376xi32, #tpu.memory_space<hbm>>) dst(%arg8 : memref<11376xi32, #tpu.memory_space<vmem>>)
      tpu.yield
    }) : () -> ()
    %iota3A_8 = tpu.iota {dimensions = array<i32: 0>} : vector<16xi32>
    %add3A_9 = arith.constant 0 : i32
    %add3A_10 = vector.broadcast %add3A_9 : i32 to vector<16xi32>
    %add3A_11 = arith.addi %iota3A_8, %add3A_10 : vector<16xi32>
    %iota3A_12 = tpu.iota {dimensions = array<i32: 0>} : vector<16xi32>
    %add3A_13 = arith.constant 16 : i32
    %add3A_14 = vector.broadcast %add3A_13 : i32 to vector<16xi32>
    %add3A_15 = arith.addi %iota3A_12, %add3A_14 : vector<16xi32>
    %iota3A_16 = tpu.iota {dimensions = array<i32: 0>} : vector<16xi32>
    %add3A_17 = arith.constant 32 : i32
    %add3A_18 = vector.broadcast %add3A_17 : i32 to vector<16xi32>
    %add3A_19 = arith.addi %iota3A_16, %add3A_18 : vector<16xi32>
    %iota3A_20 = tpu.iota {dimensions = array<i32: 0>} : vector<16xi32>
    %add3A_21 = arith.constant 48 : i32
    %add3A_22 = vector.broadcast %add3A_21 : i32 to vector<16xi32>
    %add3A_23 = arith.addi %iota3A_20, %add3A_22 : vector<16xi32>
    %iota3A_24 = tpu.iota {dimensions = array<i32: 0>} : vector<16xi32>
    %add3A_25 = arith.constant 64 : i32
    %add3A_26 = vector.broadcast %add3A_25 : i32 to vector<16xi32>
    %add3A_27 = arith.addi %iota3A_24, %add3A_26 : vector<16xi32>
    %iota3A_28 = tpu.iota {dimensions = array<i32: 0>} : vector<16xi32>
    %add3A_29 = arith.constant 80 : i32
    %add3A_30 = vector.broadcast %add3A_29 : i32 to vector<16xi32>
    %add3A_31 = arith.addi %iota3A_28, %add3A_30 : vector<16xi32>
    %iota3A_32 = tpu.iota {dimensions = array<i32: 0>} : vector<16xi32>
    %add3A_33 = arith.constant 96 : i32
    %add3A_34 = vector.broadcast %add3A_33 : i32 to vector<16xi32>
    %add3A_35 = arith.addi %iota3A_32, %add3A_34 : vector<16xi32>
    %iota3A_36 = tpu.iota {dimensions = array<i32: 0>} : vector<16xi32>
    %add3A_37 = arith.constant 112 : i32
    %add3A_38 = vector.broadcast %add3A_37 : i32 to vector<16xi32>
    %add3A_39 = arith.addi %iota3A_36, %add3A_38 : vector<16xi32>
    %iota3A_40 = tpu.iota {dimensions = array<i32: 0>} : vector<16xi32>
    %add3A_41 = arith.constant 128 : i32
    %add3A_42 = vector.broadcast %add3A_41 : i32 to vector<16xi32>
    %add3A_43 = arith.addi %iota3A_40, %add3A_42 : vector<16xi32>
    %iota3A_44 = tpu.iota {dimensions = array<i32: 0>} : vector<16xi32>
    %add3A_45 = arith.constant 144 : i32
    %add3A_46 = vector.broadcast %add3A_45 : i32 to vector<16xi32>
    %add3A_47 = arith.addi %iota3A_44, %add3A_46 : vector<16xi32>
    %iota3A_48 = tpu.iota {dimensions = array<i32: 0>} : vector<16xi32>
    %add3A_49 = arith.constant 160 : i32
    %add3A_50 = vector.broadcast %add3A_49 : i32 to vector<16xi32>
    %add3A_51 = arith.addi %iota3A_48, %add3A_50 : vector<16xi32>
    %iota3A_52 = tpu.iota {dimensions = array<i32: 0>} : vector<16xi32>
    %add3A_53 = arith.constant 176 : i32
    %add3A_54 = vector.broadcast %add3A_53 : i32 to vector<16xi32>
    %add3A_55 = arith.addi %iota3A_52, %add3A_54 : vector<16xi32>
    %iota3A_56 = tpu.iota {dimensions = array<i32: 0>} : vector<16xi32>
    %add3A_57 = arith.constant 192 : i32
    %add3A_58 = vector.broadcast %add3A_57 : i32 to vector<16xi32>
    %add3A_59 = arith.addi %iota3A_56, %add3A_58 : vector<16xi32>
    %iota3A_60 = tpu.iota {dimensions = array<i32: 0>} : vector<16xi32>
    %add3A_61 = arith.constant 208 : i32
    %add3A_62 = vector.broadcast %add3A_61 : i32 to vector<16xi32>
    %add3A_63 = arith.addi %iota3A_60, %add3A_62 : vector<16xi32>
    %iota3A_64 = tpu.iota {dimensions = array<i32: 0>} : vector<16xi32>
    %add3A_65 = arith.constant 224 : i32
    %add3A_66 = vector.broadcast %add3A_65 : i32 to vector<16xi32>
    %add3A_67 = arith.addi %iota3A_64, %add3A_66 : vector<16xi32>
    %iota3A_68 = tpu.iota {dimensions = array<i32: 0>} : vector<16xi32>
    %add3A_69 = arith.constant 240 : i32
    %add3A_70 = vector.broadcast %add3A_69 : i32 to vector<16xi32>
    %add3A_71 = arith.addi %iota3A_68, %add3A_70 : vector<16xi32>
    %dma_start3A = arith.constant 0 : i32
    %dma_start3A_72 = arith.constant 0 : i32
    %dma_start3A_73 = tpu.memref_slice %arg2[%dma_start3A, %dma_start3A_72] : memref<10048x256xf32, #tpu.memory_space<hbm>> -> memref<64x256xf32, #tpu.memory_space<hbm>>
    %dma_start3A_74 = arith.constant 0 : i32
    %dma_start3A_75 = arith.constant 0 : i32
    %dma_start3A_76 = tpu.memref_slice %arg2[%dma_start3A_74, %dma_start3A_75] : memref<10048x256xf32, #tpu.memory_space<hbm>> -> memref<64x256xf32, #tpu.memory_space<hbm>>
    tpu.enqueue_dma source(%dma_start3A_76 : memref<64x256xf32, #tpu.memory_space<hbm>>) target(%arg6 : memref<64x256xf32, #tpu.memory_space<vmem>>) target_semaphore(%arg9 : memref<!tpu.dma_semaphore, #tpu.memory_space<semaphore_mem>>)
    %dma_start3A_77 = arith.constant 64 : i32
    %dma_start3A_78 = arith.constant 0 : i32
    %dma_start3A_79 = tpu.memref_slice %arg2[%dma_start3A_77, %dma_start3A_78] : memref<10048x256xf32, #tpu.memory_space<hbm>> -> memref<64x256xf32, #tpu.memory_space<hbm>>
    %dma_start3A_80 = arith.constant 64 : i32
    %dma_start3A_81 = arith.constant 0 : i32
    %dma_start3A_82 = tpu.memref_slice %arg2[%dma_start3A_80, %dma_start3A_81] : memref<10048x256xf32, #tpu.memory_space<hbm>> -> memref<64x256xf32, #tpu.memory_space<hbm>>
    tpu.enqueue_dma source(%dma_start3A_82 : memref<64x256xf32, #tpu.memory_space<hbm>>) target(%arg7 : memref<64x256xf32, #tpu.memory_space<vmem>>) target_semaphore(%arg10 : memref<!tpu.dma_semaphore, #tpu.memory_space<semaphore_mem>>)
    %scan3A = arith.constant 0 : i32
    %scan3A_83 = arith.constant 0 : i32
    %scan3A_84 = arith.constant 78 : i32
    %scan3A_85 = arith.addi %scan3A_83, %scan3A_84 : i32
    %scan3A_86 = arith.constant 1 : i32
    %scan3A_87 = scf.for %scan3A_105 = %scan3A_83 to %scan3A_85 step %scan3A_86 iter_args(%scan3A_106 = %scan3A) -> (i32)  : i32 {
      %mul3A_107 = arith.constant 2 : i32
      %mul3A_108 = arith.muli %scan3A_105, %mul3A_107 : i32
      %add3A_109 = arith.constant 0 : i32
      %add3A_110 = arith.addi %mul3A_108, %add3A_109 : i32
      %mul3A_111 = arith.constant 64 : i32
      %mul3A_112 = arith.muli %add3A_110, %mul3A_111 : i32
      %dma_wait3A_113 = arith.constant 0 : i32
      %dma_wait3A_114 = tpu.memref_slice %arg2[%mul3A_112, %dma_wait3A_113] : memref<10048x256xf32, #tpu.memory_space<hbm>> -> memref<64x256xf32, #tpu.memory_space<hbm>>
      %dma_wait3A_115 = arith.constant 0 : i32
      %dma_wait3A_116 = tpu.memref_slice %arg2[%mul3A_112, %dma_wait3A_115] : memref<10048x256xf32, #tpu.memory_space<hbm>> -> memref<64x256xf32, #tpu.memory_space<hbm>>
      tpu.wait_dma2 semaphore(%arg9 : memref<!tpu.dma_semaphore, #tpu.memory_space<semaphore_mem>>) src(%dma_wait3A_116 : memref<64x256xf32, #tpu.memory_space<hbm>>) dst(%arg6 : memref<64x256xf32, #tpu.memory_space<vmem>>)
      %scan3A_117 = arith.constant 0 : i32
      %scan3A_118 = arith.constant 0 : i32
      %scan3A_119 = arith.constant 72 : i32
      %scan3A_120 = arith.addi %scan3A_118, %scan3A_119 : i32
      %scan3A_121 = arith.constant 1 : i32
      %scan3A_122 = scf.for %scan3A_154 = %scan3A_118 to %scan3A_120 step %scan3A_121 iter_args(%scan3A_155 = %scan3A_117) -> (i32)  : i32 {
        %mul3A_156 = arith.constant 72 : i32
        %mul3A_157 = arith.muli %add3A_110, %mul3A_156 : i32
        %add3A_158 = arith.addi %mul3A_157, %scan3A_154 : i32
        %get3A = arith.index_cast %add3A_158 : i32 to index
        %get3A_159 = tpu.vector_load %arg8[%get3A] {strides = array<i32>} : memref<11376xi32, #tpu.memory_space<vmem>>, vector<16xi32>,
        %lt3A_160 = arith.constant 0 : i32
        %lt3A_161 = vector.broadcast %lt3A_160 : i32 to vector<16xi32>
        %lt3A_162 = arith.cmpi slt, %mul3A_3, %lt3A_161 : vector<16xi32>
        %add3A_163 = arith.constant 16 : i32
        %add3A_164 = vector.broadcast %add3A_163 : i32 to vector<16xi32>
        %add3A_165 = arith.addi %mul3A_3, %add3A_164 : vector<16xi32>
        %select_n3A = arith.select %lt3A_162, %add3A_165, %mul3A_3 : vector<16xi1>, vector<16xi32>
        %broadcast_in_dim3A = vector.shape_cast %select_n3A : vector<16xi32> to vector<16x1xi32>
        %gather3A = vector.shape_cast %broadcast_in_dim3A : vector<16x1xi32> to vector<16xi32>
        %gather3A_166 = tpu.dynamic_gather %get3A_159[%gather3A] in [0] : vector<16xi32>, vector<16xi32> -> vector<16xi32>
        %and3A = arith.constant 127 : i32
        %and3A_167 = vector.broadcast %and3A : i32 to vector<16xi32>
        %and3A_168 = arith.andi %gather3A_166, %and3A_167 : vector<16xi32>
        %shift_right_arithmetic3A = arith.constant 7 : i32
        %shift_right_arithmetic3A_169 = vector.broadcast %shift_right_arithmetic3A : i32 to vector<16xi32>
        %shift_right_arithmetic3A_170 = arith.shrsi %gather3A_166, %shift_right_arithmetic3A_169 : vector<16xi32>
        %mul3A_171 = arith.constant 256 : i32
        %mul3A_172 = vector.broadcast %mul3A_171 : i32 to vector<16xi32>
        %mul3A_173 = arith.muli %shift_right_arithmetic3A_170, %mul3A_172 : vector<16xi32>
        %gather3A_174 = tpu.vector_load_idx %arg6[%and3A_168, %add3A_11] : memref<64x256xf32, #tpu.memory_space<vmem>>[vector<16xi32>, vector<16xi32>], vector<16xf32>,
        %gather3A_175 = tpu.vector_load_idx %arg6[%and3A_168, %add3A_15] : memref<64x256xf32, #tpu.memory_space<vmem>>[vector<16xi32>, vector<16xi32>], vector<16xf32>,
        %gather3A_176 = tpu.vector_load_idx %arg6[%and3A_168, %add3A_19] : memref<64x256xf32, #tpu.memory_space<vmem>>[vector<16xi32>, vector<16xi32>], vector<16xf32>,
        %gather3A_177 = tpu.vector_load_idx %arg6[%and3A_168, %add3A_23] : memref<64x256xf32, #tpu.memory_space<vmem>>[vector<16xi32>, vector<16xi32>], vector<16xf32>,
        %gather3A_178 = tpu.vector_load_idx %arg6[%and3A_168, %add3A_27] : memref<64x256xf32, #tpu.memory_space<vmem>>[vector<16xi32>, vector<16xi32>], vector<16xf32>,
        %gather3A_179 = tpu.vector_load_idx %arg6[%and3A_168, %add3A_31] : memref<64x256xf32, #tpu.memory_space<vmem>>[vector<16xi32>, vector<16xi32>], vector<16xf32>,
        %gather3A_180 = tpu.vector_load_idx %arg6[%and3A_168, %add3A_35] : memref<64x256xf32, #tpu.memory_space<vmem>>[vector<16xi32>, vector<16xi32>], vector<16xf32>,
        %gather3A_181 = tpu.vector_load_idx %arg6[%and3A_168, %add3A_39] : memref<64x256xf32, #tpu.memory_space<vmem>>[vector<16xi32>, vector<16xi32>], vector<16xf32>,
        %gather3A_182 = tpu.vector_load_idx %arg6[%and3A_168, %add3A_43] : memref<64x256xf32, #tpu.memory_space<vmem>>[vector<16xi32>, vector<16xi32>], vector<16xf32>,
        %gather3A_183 = tpu.vector_load_idx %arg6[%and3A_168, %add3A_47] : memref<64x256xf32, #tpu.memory_space<vmem>>[vector<16xi32>, vector<16xi32>], vector<16xf32>,
        %gather3A_184 = tpu.vector_load_idx %arg6[%and3A_168, %add3A_51] : memref<64x256xf32, #tpu.memory_space<vmem>>[vector<16xi32>, vector<16xi32>], vector<16xf32>,
        %gather3A_185 = tpu.vector_load_idx %arg6[%and3A_168, %add3A_55] : memref<64x256xf32, #tpu.memory_space<vmem>>[vector<16xi32>, vector<16xi32>], vector<16xf32>,
        %gather3A_186 = tpu.vector_load_idx %arg6[%and3A_168, %add3A_59] : memref<64x256xf32, #tpu.memory_space<vmem>>[vector<16xi32>, vector<16xi32>], vector<16xf32>,
        %gather3A_187 = tpu.vector_load_idx %arg6[%and3A_168, %add3A_63] : memref<64x256xf32, #tpu.memory_space<vmem>>[vector<16xi32>, vector<16xi32>], vector<16xf32>,
        %gather3A_188 = tpu.vector_load_idx %arg6[%and3A_168, %add3A_67] : memref<64x256xf32, #tpu.memory_space<vmem>>[vector<16xi32>, vector<16xi32>], vector<16xf32>,
        %gather3A_189 = tpu.vector_load_idx %arg6[%and3A_168, %add3A_71] : memref<64x256xf32, #tpu.memory_space<vmem>>[vector<16xi32>, vector<16xi32>], vector<16xf32>,
        %add3A_190 = arith.addi %mul3A_173, %add3A_11 : vector<16xi32>
        tpu.vector_store_idx %arg5[%add3A_190], %gather3A_174 {add = true} : memref<80384xf32, #tpu.memory_space<vmem>>[vector<16xi32>], vector<16xf32>,
        %add3A_191 = arith.addi %mul3A_173, %add3A_15 : vector<16xi32>
        tpu.vector_store_idx %arg5[%add3A_191], %gather3A_175 {add = true} : memref<80384xf32, #tpu.memory_space<vmem>>[vector<16xi32>], vector<16xf32>,
        %add3A_192 = arith.addi %mul3A_173, %add3A_19 : vector<16xi32>
        tpu.vector_store_idx %arg5[%add3A_192], %gather3A_176 {add = true} : memref<80384xf32, #tpu.memory_space<vmem>>[vector<16xi32>], vector<16xf32>,
        %add3A_193 = arith.addi %mul3A_173, %add3A_23 : vector<16xi32>
        tpu.vector_store_idx %arg5[%add3A_193], %gather3A_177 {add = true} : memref<80384xf32, #tpu.memory_space<vmem>>[vector<16xi32>], vector<16xf32>,
        %add3A_194 = arith.addi %mul3A_173, %add3A_27 : vector<16xi32>
        tpu.vector_store_idx %arg5[%add3A_194], %gather3A_178 {add = true} : memref<80384xf32, #tpu.memory_space<vmem>>[vector<16xi32>], vector<16xf32>,
        %add3A_195 = arith.addi %mul3A_173, %add3A_31 : vector<16xi32>
        tpu.vector_store_idx %arg5[%add3A_195], %gather3A_179 {add = true} : memref<80384xf32, #tpu.memory_space<vmem>>[vector<16xi32>], vector<16xf32>,
        %add3A_196 = arith.addi %mul3A_173, %add3A_35 : vector<16xi32>
        tpu.vector_store_idx %arg5[%add3A_196], %gather3A_180 {add = true} : memref<80384xf32, #tpu.memory_space<vmem>>[vector<16xi32>], vector<16xf32>,
        %add3A_197 = arith.addi %mul3A_173, %add3A_39 : vector<16xi32>
        tpu.vector_store_idx %arg5[%add3A_197], %gather3A_181 {add = true} : memref<80384xf32, #tpu.memory_space<vmem>>[vector<16xi32>], vector<16xf32>,
        %add3A_198 = arith.addi %mul3A_173, %add3A_43 : vector<16xi32>
        tpu.vector_store_idx %arg5[%add3A_198], %gather3A_182 {add = true} : memref<80384xf32, #tpu.memory_space<vmem>>[vector<16xi32>], vector<16xf32>,
        %add3A_199 = arith.addi %mul3A_173, %add3A_47 : vector<16xi32>
        tpu.vector_store_idx %arg5[%add3A_199], %gather3A_183 {add = true} : memref<80384xf32, #tpu.memory_space<vmem>>[vector<16xi32>], vector<16xf32>,
        %add3A_200 = arith.addi %mul3A_173, %add3A_51 : vector<16xi32>
        tpu.vector_store_idx %arg5[%add3A_200], %gather3A_184 {add = true} : memref<80384xf32, #tpu.memory_space<vmem>>[vector<16xi32>], vector<16xf32>,
        %add3A_201 = arith.addi %mul3A_173, %add3A_55 : vector<16xi32>
        tpu.vector_store_idx %arg5[%add3A_201], %gather3A_185 {add = true} : memref<80384xf32, #tpu.memory_space<vmem>>[vector<16xi32>], vector<16xf32>,
        %add3A_202 = arith.addi %mul3A_173, %add3A_59 : vector<16xi32>
        tpu.vector_store_idx %arg5[%add3A_202], %gather3A_186 {add = true} : memref<80384xf32, #tpu.memory_space<vmem>>[vector<16xi32>], vector<16xf32>,
        %add3A_203 = arith.addi %mul3A_173, %add3A_63 : vector<16xi32>
        tpu.vector_store_idx %arg5[%add3A_203], %gather3A_187 {add = true} : memref<80384xf32, #tpu.memory_space<vmem>>[vector<16xi32>], vector<16xf32>,
        %add3A_204 = arith.addi %mul3A_173, %add3A_67 : vector<16xi32>
        tpu.vector_store_idx %arg5[%add3A_204], %gather3A_188 {add = true} : memref<80384xf32, #tpu.memory_space<vmem>>[vector<16xi32>], vector<16xf32>,
        %add3A_205 = arith.addi %mul3A_173, %add3A_71 : vector<16xi32>
        tpu.vector_store_idx %arg5[%add3A_205], %gather3A_189 {add = true} : memref<80384xf32, #tpu.memory_space<vmem>>[vector<16xi32>], vector<16xf32>,
        %scan3A_206 = arith.constant 0 : i32
        scf.yield %scan3A_206 : i32
      }
      %scan3A_123 = arith.constant 72 : i32
      %add3A_124 = arith.constant 2 : i32
      %add3A_125 = arith.addi %add3A_110, %add3A_124 : i32
      %lt3A = arith.constant 157 : i32
      %lt3A_126 = arith.cmpi slt, %add3A_125, %lt3A : i32
      %convert_element_type3A_127 = arith.extui %lt3A_126 : i1 to i32
      %cond3A = arith.constant 0 : i32
      %cond3A_128 = arith.cmpi ne, %convert_element_type3A_127, %cond3A : i32
      scf.if %cond3A_128 {
        %add3A_154 = arith.constant 2 : i32
        %add3A_155 = arith.addi %add3A_110, %add3A_154 : i32
        %mul3A_156 = arith.constant 64 : i32
        %mul3A_157 = arith.muli %add3A_155, %mul3A_156 : i32
        %dma_start3A_158 = arith.constant 0 : i32
        %dma_start3A_159 = tpu.memref_slice %arg2[%mul3A_157, %dma_start3A_158] : memref<10048x256xf32, #tpu.memory_space<hbm>> -> memref<64x256xf32, #tpu.memory_space<hbm>>
        %dma_start3A_160 = arith.constant 0 : i32
        %dma_start3A_161 = tpu.memref_slice %arg2[%mul3A_157, %dma_start3A_160] : memref<10048x256xf32, #tpu.memory_space<hbm>> -> memref<64x256xf32, #tpu.memory_space<hbm>>
        tpu.enqueue_dma source(%dma_start3A_161 : memref<64x256xf32, #tpu.memory_space<hbm>>) target(%arg6 : memref<64x256xf32, #tpu.memory_space<vmem>>) target_semaphore(%arg9 : memref<!tpu.dma_semaphore, #tpu.memory_space<semaphore_mem>>)
      } else {
      }
      %mul3A_129 = arith.constant 2 : i32
      %mul3A_130 = arith.muli %scan3A_105, %mul3A_129 : i32
      %add3A_131 = arith.constant 1 : i32
      %add3A_132 = arith.addi %mul3A_130, %add3A_131 : i32
      %mul3A_133 = arith.constant 64 : i32
      %mul3A_134 = arith.muli %add3A_132, %mul3A_133 : i32
      %dma_wait3A_135 = arith.constant 0 : i32
      %dma_wait3A_136 = tpu.memref_slice %arg2[%mul3A_134, %dma_wait3A_135] : memref<10048x256xf32, #tpu.memory_space<hbm>> -> memref<64x256xf32, #tpu.memory_space<hbm>>
      %dma_wait3A_137 = arith.constant 0 : i32
      %dma_wait3A_138 = tpu.memref_slice %arg2[%mul3A_134, %dma_wait3A_137] : memref<10048x256xf32, #tpu.memory_space<hbm>> -> memref<64x256xf32, #tpu.memory_space<hbm>>
      tpu.wait_dma2 semaphore(%arg10 : memref<!tpu.dma_semaphore, #tpu.memory_space<semaphore_mem>>) src(%dma_wait3A_138 : memref<64x256xf32, #tpu.memory_space<hbm>>) dst(%arg7 : memref<64x256xf32, #tpu.memory_space<vmem>>)
      %scan3A_139 = arith.constant 0 : i32
      %scan3A_140 = arith.constant 0 : i32
      %scan3A_141 = arith.constant 72 : i32
      %scan3A_142 = arith.addi %scan3A_140, %scan3A_141 : i32
      %scan3A_143 = arith.constant 1 : i32
      %scan3A_144 = scf.for %scan3A_154 = %scan3A_140 to %scan3A_142 step %scan3A_143 iter_args(%scan3A_155 = %scan3A_139) -> (i32)  : i32 {
        %mul3A_156 = arith.constant 72 : i32
        %mul3A_157 = arith.muli %add3A_132, %mul3A_156 : i32
        %add3A_158 = arith.addi %mul3A_157, %scan3A_154 : i32
        %get3A = arith.index_cast %add3A_158 : i32 to index
        %get3A_159 = tpu.vector_load %arg8[%get3A] {strides = array<i32>} : memref<11376xi32, #tpu.memory_space<vmem>>, vector<16xi32>,
        %lt3A_160 = arith.constant 0 : i32
        %lt3A_161 = vector.broadcast %lt3A_160 : i32 to vector<16xi32>
        %lt3A_162 = arith.cmpi slt, %mul3A_3, %lt3A_161 : vector<16xi32>
        %add3A_163 = arith.constant 16 : i32
        %add3A_164 = vector.broadcast %add3A_163 : i32 to vector<16xi32>
        %add3A_165 = arith.addi %mul3A_3, %add3A_164 : vector<16xi32>
        %select_n3A = arith.select %lt3A_162, %add3A_165, %mul3A_3 : vector<16xi1>, vector<16xi32>
        %broadcast_in_dim3A = vector.shape_cast %select_n3A : vector<16xi32> to vector<16x1xi32>
        %gather3A = vector.shape_cast %broadcast_in_dim3A : vector<16x1xi32> to vector<16xi32>
        %gather3A_166 = tpu.dynamic_gather %get3A_159[%gather3A] in [0] : vector<16xi32>, vector<16xi32> -> vector<16xi32>
        %and3A = arith.constant 127 : i32
        %and3A_167 = vector.broadcast %and3A : i32 to vector<16xi32>
        %and3A_168 = arith.andi %gather3A_166, %and3A_167 : vector<16xi32>
        %shift_right_arithmetic3A = arith.constant 7 : i32
        %shift_right_arithmetic3A_169 = vector.broadcast %shift_right_arithmetic3A : i32 to vector<16xi32>
        %shift_right_arithmetic3A_170 = arith.shrsi %gather3A_166, %shift_right_arithmetic3A_169 : vector<16xi32>
        %mul3A_171 = arith.constant 256 : i32
        %mul3A_172 = vector.broadcast %mul3A_171 : i32 to vector<16xi32>
        %mul3A_173 = arith.muli %shift_right_arithmetic3A_170, %mul3A_172 : vector<16xi32>
        %gather3A_174 = tpu.vector_load_idx %arg7[%and3A_168, %add3A_11] : memref<64x256xf32, #tpu.memory_space<vmem>>[vector<16xi32>, vector<16xi32>], vector<16xf32>,
        %gather3A_175 = tpu.vector_load_idx %arg7[%and3A_168, %add3A_15] : memref<64x256xf32, #tpu.memory_space<vmem>>[vector<16xi32>, vector<16xi32>], vector<16xf32>,
        %gather3A_176 = tpu.vector_load_idx %arg7[%and3A_168, %add3A_19] : memref<64x256xf32, #tpu.memory_space<vmem>>[vector<16xi32>, vector<16xi32>], vector<16xf32>,
        %gather3A_177 = tpu.vector_load_idx %arg7[%and3A_168, %add3A_23] : memref<64x256xf32, #tpu.memory_space<vmem>>[vector<16xi32>, vector<16xi32>], vector<16xf32>,
        %gather3A_178 = tpu.vector_load_idx %arg7[%and3A_168, %add3A_27] : memref<64x256xf32, #tpu.memory_space<vmem>>[vector<16xi32>, vector<16xi32>], vector<16xf32>,
        %gather3A_179 = tpu.vector_load_idx %arg7[%and3A_168, %add3A_31] : memref<64x256xf32, #tpu.memory_space<vmem>>[vector<16xi32>, vector<16xi32>], vector<16xf32>,
        %gather3A_180 = tpu.vector_load_idx %arg7[%and3A_168, %add3A_35] : memref<64x256xf32, #tpu.memory_space<vmem>>[vector<16xi32>, vector<16xi32>], vector<16xf32>,
        %gather3A_181 = tpu.vector_load_idx %arg7[%and3A_168, %add3A_39] : memref<64x256xf32, #tpu.memory_space<vmem>>[vector<16xi32>, vector<16xi32>], vector<16xf32>,
        %gather3A_182 = tpu.vector_load_idx %arg7[%and3A_168, %add3A_43] : memref<64x256xf32, #tpu.memory_space<vmem>>[vector<16xi32>, vector<16xi32>], vector<16xf32>,
        %gather3A_183 = tpu.vector_load_idx %arg7[%and3A_168, %add3A_47] : memref<64x256xf32, #tpu.memory_space<vmem>>[vector<16xi32>, vector<16xi32>], vector<16xf32>,
        %gather3A_184 = tpu.vector_load_idx %arg7[%and3A_168, %add3A_51] : memref<64x256xf32, #tpu.memory_space<vmem>>[vector<16xi32>, vector<16xi32>], vector<16xf32>,
        %gather3A_185 = tpu.vector_load_idx %arg7[%and3A_168, %add3A_55] : memref<64x256xf32, #tpu.memory_space<vmem>>[vector<16xi32>, vector<16xi32>], vector<16xf32>,
        %gather3A_186 = tpu.vector_load_idx %arg7[%and3A_168, %add3A_59] : memref<64x256xf32, #tpu.memory_space<vmem>>[vector<16xi32>, vector<16xi32>], vector<16xf32>,
        %gather3A_187 = tpu.vector_load_idx %arg7[%and3A_168, %add3A_63] : memref<64x256xf32, #tpu.memory_space<vmem>>[vector<16xi32>, vector<16xi32>], vector<16xf32>,
        %gather3A_188 = tpu.vector_load_idx %arg7[%and3A_168, %add3A_67] : memref<64x256xf32, #tpu.memory_space<vmem>>[vector<16xi32>, vector<16xi32>], vector<16xf32>,
        %gather3A_189 = tpu.vector_load_idx %arg7[%and3A_168, %add3A_71] : memref<64x256xf32, #tpu.memory_space<vmem>>[vector<16xi32>, vector<16xi32>], vector<16xf32>,
        %add3A_190 = arith.addi %mul3A_173, %add3A_11 : vector<16xi32>
        tpu.vector_store_idx %arg5[%add3A_190], %gather3A_174 {add = true} : memref<80384xf32, #tpu.memory_space<vmem>>[vector<16xi32>], vector<16xf32>,
        %add3A_191 = arith.addi %mul3A_173, %add3A_15 : vector<16xi32>
        tpu.vector_store_idx %arg5[%add3A_191], %gather3A_175 {add = true} : memref<80384xf32, #tpu.memory_space<vmem>>[vector<16xi32>], vector<16xf32>,
        %add3A_192 = arith.addi %mul3A_173, %add3A_19 : vector<16xi32>
        tpu.vector_store_idx %arg5[%add3A_192], %gather3A_176 {add = true} : memref<80384xf32, #tpu.memory_space<vmem>>[vector<16xi32>], vector<16xf32>,
        %add3A_193 = arith.addi %mul3A_173, %add3A_23 : vector<16xi32>
        tpu.vector_store_idx %arg5[%add3A_193], %gather3A_177 {add = true} : memref<80384xf32, #tpu.memory_space<vmem>>[vector<16xi32>], vector<16xf32>,
        %add3A_194 = arith.addi %mul3A_173, %add3A_27 : vector<16xi32>
        tpu.vector_store_idx %arg5[%add3A_194], %gather3A_178 {add = true} : memref<80384xf32, #tpu.memory_space<vmem>>[vector<16xi32>], vector<16xf32>,
        %add3A_195 = arith.addi %mul3A_173, %add3A_31 : vector<16xi32>
        tpu.vector_store_idx %arg5[%add3A_195], %gather3A_179 {add = true} : memref<80384xf32, #tpu.memory_space<vmem>>[vector<16xi32>], vector<16xf32>,
        %add3A_196 = arith.addi %mul3A_173, %add3A_35 : vector<16xi32>
        tpu.vector_store_idx %arg5[%add3A_196], %gather3A_180 {add = true} : memref<80384xf32, #tpu.memory_space<vmem>>[vector<16xi32>], vector<16xf32>,
        %add3A_197 = arith.addi %mul3A_173, %add3A_39 : vector<16xi32>
        tpu.vector_store_idx %arg5[%add3A_197], %gather3A_181 {add = true} : memref<80384xf32, #tpu.memory_space<vmem>>[vector<16xi32>], vector<16xf32>,
        %add3A_198 = arith.addi %mul3A_173, %add3A_43 : vector<16xi32>
        tpu.vector_store_idx %arg5[%add3A_198], %gather3A_182 {add = true} : memref<80384xf32, #tpu.memory_space<vmem>>[vector<16xi32>], vector<16xf32>,
        %add3A_199 = arith.addi %mul3A_173, %add3A_47 : vector<16xi32>
        tpu.vector_store_idx %arg5[%add3A_199], %gather3A_183 {add = true} : memref<80384xf32, #tpu.memory_space<vmem>>[vector<16xi32>], vector<16xf32>,
        %add3A_200 = arith.addi %mul3A_173, %add3A_51 : vector<16xi32>
        tpu.vector_store_idx %arg5[%add3A_200], %gather3A_184 {add = true} : memref<80384xf32, #tpu.memory_space<vmem>>[vector<16xi32>], vector<16xf32>,
        %add3A_201 = arith.addi %mul3A_173, %add3A_55 : vector<16xi32>
        tpu.vector_store_idx %arg5[%add3A_201], %gather3A_185 {add = true} : memref<80384xf32, #tpu.memory_space<vmem>>[vector<16xi32>], vector<16xf32>,
        %add3A_202 = arith.addi %mul3A_173, %add3A_59 : vector<16xi32>
        tpu.vector_store_idx %arg5[%add3A_202], %gather3A_186 {add = true} : memref<80384xf32, #tpu.memory_space<vmem>>[vector<16xi32>], vector<16xf32>,
        %add3A_203 = arith.addi %mul3A_173, %add3A_63 : vector<16xi32>
        tpu.vector_store_idx %arg5[%add3A_203], %gather3A_187 {add = true} : memref<80384xf32, #tpu.memory_space<vmem>>[vector<16xi32>], vector<16xf32>,
        %add3A_204 = arith.addi %mul3A_173, %add3A_67 : vector<16xi32>
        tpu.vector_store_idx %arg5[%add3A_204], %gather3A_188 {add = true} : memref<80384xf32, #tpu.memory_space<vmem>>[vector<16xi32>], vector<16xf32>,
        %add3A_205 = arith.addi %mul3A_173, %add3A_71 : vector<16xi32>
        tpu.vector_store_idx %arg5[%add3A_205], %gather3A_189 {add = true} : memref<80384xf32, #tpu.memory_space<vmem>>[vector<16xi32>], vector<16xf32>,
        %scan3A_206 = arith.constant 0 : i32
        scf.yield %scan3A_206 : i32
      }
      %scan3A_145 = arith.constant 72 : i32
      %add3A_146 = arith.constant 2 : i32
      %add3A_147 = arith.addi %add3A_132, %add3A_146 : i32
      %lt3A_148 = arith.constant 157 : i32
      %lt3A_149 = arith.cmpi slt, %add3A_147, %lt3A_148 : i32
      %convert_element_type3A_150 = arith.extui %lt3A_149 : i1 to i32
      %cond3A_151 = arith.constant 0 : i32
      %cond3A_152 = arith.cmpi ne, %convert_element_type3A_150, %cond3A_151 : i32
      scf.if %cond3A_152 {
        %add3A_154 = arith.constant 2 : i32
        %add3A_155 = arith.addi %add3A_132, %add3A_154 : i32
        %mul3A_156 = arith.constant 64 : i32
        %mul3A_157 = arith.muli %add3A_155, %mul3A_156 : i32
        %dma_start3A_158 = arith.constant 0 : i32
        %dma_start3A_159 = tpu.memref_slice %arg2[%mul3A_157, %dma_start3A_158] : memref<10048x256xf32, #tpu.memory_space<hbm>> -> memref<64x256xf32, #tpu.memory_space<hbm>>
        %dma_start3A_160 = arith.constant 0 : i32
        %dma_start3A_161 = tpu.memref_slice %arg2[%mul3A_157, %dma_start3A_160] : memref<10048x256xf32, #tpu.memory_space<hbm>> -> memref<64x256xf32, #tpu.memory_space<hbm>>
        tpu.enqueue_dma source(%dma_start3A_161 : memref<64x256xf32, #tpu.memory_space<hbm>>) target(%arg7 : memref<64x256xf32, #tpu.memory_space<vmem>>) target_semaphore(%arg10 : memref<!tpu.dma_semaphore, #tpu.memory_space<semaphore_mem>>)
      } else {
      }
      %scan3A_153 = arith.constant 0 : i32
      scf.yield %scan3A_153 : i32
    }
    %scan3A_88 = arith.constant 78 : i32
    %dma_wait3A = arith.constant 9984 : i32
    %dma_wait3A_89 = arith.constant 0 : i32
    %dma_wait3A_90 = tpu.memref_slice %arg2[%dma_wait3A, %dma_wait3A_89] : memref<10048x256xf32, #tpu.memory_space<hbm>> -> memref<64x256xf32, #tpu.memory_space<hbm>>
    %dma_wait3A_91 = arith.constant 9984 : i32
    %dma_wait3A_92 = arith.constant 0 : i32
    %dma_wait3A_93 = tpu.memref_slice %arg2[%dma_wait3A_91, %dma_wait3A_92] : memref<10048x256xf32, #tpu.memory_space<hbm>> -> memref<64x256xf32, #tpu.memory_space<hbm>>
    tpu.wait_dma2 semaphore(%arg9 : memref<!tpu.dma_semaphore, #tpu.memory_space<semaphore_mem>>) src(%dma_wait3A_93 : memref<64x256xf32, #tpu.memory_space<hbm>>) dst(%arg6 : memref<64x256xf32, #tpu.memory_space<vmem>>)
    %scan3A_94 = arith.constant 0 : i32
    %scan3A_95 = arith.constant 0 : i32
    %scan3A_96 = arith.constant 72 : i32
    %scan3A_97 = arith.addi %scan3A_95, %scan3A_96 : i32
    %scan3A_98 = arith.constant 1 : i32
    %scan3A_99 = scf.for %scan3A_105 = %scan3A_95 to %scan3A_97 step %scan3A_98 iter_args(%scan3A_106 = %scan3A_94) -> (i32)  : i32 {
      %add3A_107 = arith.constant 11232 : i32
      %add3A_108 = arith.addi %add3A_107, %scan3A_105 : i32
      %get3A = arith.index_cast %add3A_108 : i32 to index
      %get3A_109 = tpu.vector_load %arg8[%get3A] {strides = array<i32>} : memref<11376xi32, #tpu.memory_space<vmem>>, vector<16xi32>,
      %lt3A = arith.constant 0 : i32
      %lt3A_110 = vector.broadcast %lt3A : i32 to vector<16xi32>
      %lt3A_111 = arith.cmpi slt, %mul3A_3, %lt3A_110 : vector<16xi32>
      %add3A_112 = arith.constant 16 : i32
      %add3A_113 = vector.broadcast %add3A_112 : i32 to vector<16xi32>
      %add3A_114 = arith.addi %mul3A_3, %add3A_113 : vector<16xi32>
      %select_n3A = arith.select %lt3A_111, %add3A_114, %mul3A_3 : vector<16xi1>, vector<16xi32>
      %broadcast_in_dim3A = vector.shape_cast %select_n3A : vector<16xi32> to vector<16x1xi32>
      %gather3A = vector.shape_cast %broadcast_in_dim3A : vector<16x1xi32> to vector<16xi32>
      %gather3A_115 = tpu.dynamic_gather %get3A_109[%gather3A] in [0] : vector<16xi32>, vector<16xi32> -> vector<16xi32>
      %and3A = arith.constant 127 : i32
      %and3A_116 = vector.broadcast %and3A : i32 to vector<16xi32>
      %and3A_117 = arith.andi %gather3A_115, %and3A_116 : vector<16xi32>
      %shift_right_arithmetic3A = arith.constant 7 : i32
      %shift_right_arithmetic3A_118 = vector.broadcast %shift_right_arithmetic3A : i32 to vector<16xi32>
      %shift_right_arithmetic3A_119 = arith.shrsi %gather3A_115, %shift_right_arithmetic3A_118 : vector<16xi32>
      %mul3A_120 = arith.constant 256 : i32
      %mul3A_121 = vector.broadcast %mul3A_120 : i32 to vector<16xi32>
      %mul3A_122 = arith.muli %shift_right_arithmetic3A_119, %mul3A_121 : vector<16xi32>
      %gather3A_123 = tpu.vector_load_idx %arg6[%and3A_117, %add3A_11] : memref<64x256xf32, #tpu.memory_space<vmem>>[vector<16xi32>, vector<16xi32>], vector<16xf32>,
      %gather3A_124 = tpu.vector_load_idx %arg6[%and3A_117, %add3A_15] : memref<64x256xf32, #tpu.memory_space<vmem>>[vector<16xi32>, vector<16xi32>], vector<16xf32>,
      %gather3A_125 = tpu.vector_load_idx %arg6[%and3A_117, %add3A_19] : memref<64x256xf32, #tpu.memory_space<vmem>>[vector<16xi32>, vector<16xi32>], vector<16xf32>,
      %gather3A_126 = tpu.vector_load_idx %arg6[%and3A_117, %add3A_23] : memref<64x256xf32, #tpu.memory_space<vmem>>[vector<16xi32>, vector<16xi32>], vector<16xf32>,
      %gather3A_127 = tpu.vector_load_idx %arg6[%and3A_117, %add3A_27] : memref<64x256xf32, #tpu.memory_space<vmem>>[vector<16xi32>, vector<16xi32>], vector<16xf32>,
      %gather3A_128 = tpu.vector_load_idx %arg6[%and3A_117, %add3A_31] : memref<64x256xf32, #tpu.memory_space<vmem>>[vector<16xi32>, vector<16xi32>], vector<16xf32>,
      %gather3A_129 = tpu.vector_load_idx %arg6[%and3A_117, %add3A_35] : memref<64x256xf32, #tpu.memory_space<vmem>>[vector<16xi32>, vector<16xi32>], vector<16xf32>,
      %gather3A_130 = tpu.vector_load_idx %arg6[%and3A_117, %add3A_39] : memref<64x256xf32, #tpu.memory_space<vmem>>[vector<16xi32>, vector<16xi32>], vector<16xf32>,
      %gather3A_131 = tpu.vector_load_idx %arg6[%and3A_117, %add3A_43] : memref<64x256xf32, #tpu.memory_space<vmem>>[vector<16xi32>, vector<16xi32>], vector<16xf32>,
      %gather3A_132 = tpu.vector_load_idx %arg6[%and3A_117, %add3A_47] : memref<64x256xf32, #tpu.memory_space<vmem>>[vector<16xi32>, vector<16xi32>], vector<16xf32>,
      %gather3A_133 = tpu.vector_load_idx %arg6[%and3A_117, %add3A_51] : memref<64x256xf32, #tpu.memory_space<vmem>>[vector<16xi32>, vector<16xi32>], vector<16xf32>,
      %gather3A_134 = tpu.vector_load_idx %arg6[%and3A_117, %add3A_55] : memref<64x256xf32, #tpu.memory_space<vmem>>[vector<16xi32>, vector<16xi32>], vector<16xf32>,
      %gather3A_135 = tpu.vector_load_idx %arg6[%and3A_117, %add3A_59] : memref<64x256xf32, #tpu.memory_space<vmem>>[vector<16xi32>, vector<16xi32>], vector<16xf32>,
      %gather3A_136 = tpu.vector_load_idx %arg6[%and3A_117, %add3A_63] : memref<64x256xf32, #tpu.memory_space<vmem>>[vector<16xi32>, vector<16xi32>], vector<16xf32>,
      %gather3A_137 = tpu.vector_load_idx %arg6[%and3A_117, %add3A_67] : memref<64x256xf32, #tpu.memory_space<vmem>>[vector<16xi32>, vector<16xi32>], vector<16xf32>,
      %gather3A_138 = tpu.vector_load_idx %arg6[%and3A_117, %add3A_71] : memref<64x256xf32, #tpu.memory_space<vmem>>[vector<16xi32>, vector<16xi32>], vector<16xf32>,
      %add3A_139 = arith.addi %mul3A_122, %add3A_11 : vector<16xi32>
      tpu.vector_store_idx %arg5[%add3A_139], %gather3A_123 {add = true} : memref<80384xf32, #tpu.memory_space<vmem>>[vector<16xi32>], vector<16xf32>,
      %add3A_140 = arith.addi %mul3A_122, %add3A_15 : vector<16xi32>
      tpu.vector_store_idx %arg5[%add3A_140], %gather3A_124 {add = true} : memref<80384xf32, #tpu.memory_space<vmem>>[vector<16xi32>], vector<16xf32>,
      %add3A_141 = arith.addi %mul3A_122, %add3A_19 : vector<16xi32>
      tpu.vector_store_idx %arg5[%add3A_141], %gather3A_125 {add = true} : memref<80384xf32, #tpu.memory_space<vmem>>[vector<16xi32>], vector<16xf32>,
      %add3A_142 = arith.addi %mul3A_122, %add3A_23 : vector<16xi32>
      tpu.vector_store_idx %arg5[%add3A_142], %gather3A_126 {add = true} : memref<80384xf32, #tpu.memory_space<vmem>>[vector<16xi32>], vector<16xf32>,
      %add3A_143 = arith.addi %mul3A_122, %add3A_27 : vector<16xi32>
      tpu.vector_store_idx %arg5[%add3A_143], %gather3A_127 {add = true} : memref<80384xf32, #tpu.memory_space<vmem>>[vector<16xi32>], vector<16xf32>,
      %add3A_144 = arith.addi %mul3A_122, %add3A_31 : vector<16xi32>
      tpu.vector_store_idx %arg5[%add3A_144], %gather3A_128 {add = true} : memref<80384xf32, #tpu.memory_space<vmem>>[vector<16xi32>], vector<16xf32>,
      %add3A_145 = arith.addi %mul3A_122, %add3A_35 : vector<16xi32>
      tpu.vector_store_idx %arg5[%add3A_145], %gather3A_129 {add = true} : memref<80384xf32, #tpu.memory_space<vmem>>[vector<16xi32>], vector<16xf32>,
      %add3A_146 = arith.addi %mul3A_122, %add3A_39 : vector<16xi32>
      tpu.vector_store_idx %arg5[%add3A_146], %gather3A_130 {add = true} : memref<80384xf32, #tpu.memory_space<vmem>>[vector<16xi32>], vector<16xf32>,
      %add3A_147 = arith.addi %mul3A_122, %add3A_43 : vector<16xi32>
      tpu.vector_store_idx %arg5[%add3A_147], %gather3A_131 {add = true} : memref<80384xf32, #tpu.memory_space<vmem>>[vector<16xi32>], vector<16xf32>,
      %add3A_148 = arith.addi %mul3A_122, %add3A_47 : vector<16xi32>
      tpu.vector_store_idx %arg5[%add3A_148], %gather3A_132 {add = true} : memref<80384xf32, #tpu.memory_space<vmem>>[vector<16xi32>], vector<16xf32>,
      %add3A_149 = arith.addi %mul3A_122, %add3A_51 : vector<16xi32>
      tpu.vector_store_idx %arg5[%add3A_149], %gather3A_133 {add = true} : memref<80384xf32, #tpu.memory_space<vmem>>[vector<16xi32>], vector<16xf32>,
      %add3A_150 = arith.addi %mul3A_122, %add3A_55 : vector<16xi32>
      tpu.vector_store_idx %arg5[%add3A_150], %gather3A_134 {add = true} : memref<80384xf32, #tpu.memory_space<vmem>>[vector<16xi32>], vector<16xf32>,
      %add3A_151 = arith.addi %mul3A_122, %add3A_59 : vector<16xi32>
      tpu.vector_store_idx %arg5[%add3A_151], %gather3A_135 {add = true} : memref<80384xf32, #tpu.memory_space<vmem>>[vector<16xi32>], vector<16xf32>,
      %add3A_152 = arith.addi %mul3A_122, %add3A_63 : vector<16xi32>
      tpu.vector_store_idx %arg5[%add3A_152], %gather3A_136 {add = true} : memref<80384xf32, #tpu.memory_space<vmem>>[vector<16xi32>], vector<16xf32>,
      %add3A_153 = arith.addi %mul3A_122, %add3A_67 : vector<16xi32>
      tpu.vector_store_idx %arg5[%add3A_153], %gather3A_137 {add = true} : memref<80384xf32, #tpu.memory_space<vmem>>[vector<16xi32>], vector<16xf32>,
      %add3A_154 = arith.addi %mul3A_122, %add3A_71 : vector<16xi32>
      tpu.vector_store_idx %arg5[%add3A_154], %gather3A_138 {add = true} : memref<80384xf32, #tpu.memory_space<vmem>>[vector<16xi32>], vector<16xf32>,
      %scan3A_155 = arith.constant 0 : i32
      scf.yield %scan3A_155 : i32
    }
    %scan3A_100 = arith.constant 72 : i32
    %mul3A_101 = arith.constant 313 : i32
    %mul3A_102 = arith.muli %add3A, %mul3A_101 : i32
    %mul3A_103 = arith.constant 256 : i32
    %mul3A_104 = arith.muli %mul3A_102, %mul3A_103 : i32
    "tpu.region"() ({
      %run_scoped3A = tpu.sem_alloc : memref<!tpu.dma_semaphore, #tpu.memory_space<semaphore_mem>>
      %dma_start3A_105 = arith.constant 0 : i32
      %dma_start3A_106 = tpu.memref_slice %arg5[%dma_start3A_105] : memref<80384xf32, #tpu.memory_space<vmem>> -> memref<80128xf32, #tpu.memory_space<vmem>>
      %dma_start3A_107 = tpu.memref_slice %arg4[%mul3A_104] : memref<2564096xf32, #tpu.memory_space<hbm>> -> memref<80128xf32, #tpu.memory_space<hbm>>
      %dma_start3A_108 = tpu.memref_slice %arg4[%mul3A_104] : memref<2564096xf32, #tpu.memory_space<hbm>> -> memref<80128xf32, #tpu.memory_space<hbm>>
      %dma_start3A_109 = arith.constant 0 : i32
      %dma_start3A_110 = tpu.memref_slice %arg5[%dma_start3A_109] : memref<80384xf32, #tpu.memory_space<vmem>> -> memref<80128xf32, #tpu.memory_space<vmem>>
      tpu.enqueue_dma source(%dma_start3A_110 : memref<80128xf32, #tpu.memory_space<vmem>>) target(%dma_start3A_108 : memref<80128xf32, #tpu.memory_space<hbm>>) target_semaphore(%run_scoped3A : memref<!tpu.dma_semaphore, #tpu.memory_space<semaphore_mem>>)
      %dma_wait3A_111 = arith.constant 0 : i32
      %dma_wait3A_112 = tpu.memref_slice %arg5[%dma_wait3A_111] : memref<80384xf32, #tpu.memory_space<vmem>> -> memref<80128xf32, #tpu.memory_space<vmem>>
      %dma_wait3A_113 = tpu.memref_slice %arg4[%mul3A_104] : memref<2564096xf32, #tpu.memory_space<hbm>> -> memref<80128xf32, #tpu.memory_space<hbm>>
      %dma_wait3A_114 = tpu.memref_slice %arg4[%mul3A_104] : memref<2564096xf32, #tpu.memory_space<hbm>> -> memref<80128xf32, #tpu.memory_space<hbm>>
      %dma_wait3A_115 = arith.constant 0 : i32
      %dma_wait3A_116 = tpu.memref_slice %arg5[%dma_wait3A_115] : memref<80384xf32, #tpu.memory_space<vmem>> -> memref<80128xf32, #tpu.memory_space<vmem>>
      tpu.wait_dma2 semaphore(%run_scoped3A : memref<!tpu.dma_semaphore, #tpu.memory_space<semaphore_mem>>) src(%dma_wait3A_116 : memref<80128xf32, #tpu.memory_space<vmem>>) dst(%dma_wait3A_114 : memref<80128xf32, #tpu.memory_space<hbm>>)
      tpu.yield
    }) : () -> ()
    return
  }
}

#map = affine_map<(d0, d1) -> (0, 0)>
#map1 = affine_map<(d0, d1) -> (0)>
module attributes {stable_mosaic.version = 14 : i64} {
  func.func @_segsum(%arg0: i32, %arg1: i32, %arg2: memref<10048x256xf32, #tpu.memory_space<hbm>>, %arg3: memref<364032xi32, #tpu.memory_space<hbm>>, %arg4: memref<2564096xf32, #tpu.memory_space<hbm>>, %arg5: memref<80384xf32, #tpu.memory_space<vmem>>, %arg6: memref<64x256xf32, #tpu.memory_space<vmem>>, %arg7: memref<64x256xf32, #tpu.memory_space<vmem>>, %arg8: memref<11376xi32, #tpu.memory_space<vmem>>, %arg9: memref<!tpu.dma_semaphore, #tpu.memory_space<semaphore_mem>>, %arg10: memref<!tpu.dma_semaphore, #tpu.memory_space<semaphore_mem>>) attributes {dimension_semantics = [#tpu.dimension_semantics<core_parallel>, #tpu.dimension_semantics<subcore_parallel>], iteration_bounds = array<i64: 2, 16>, scalar_prefetch = 0 : i64, scratch_operands = 6 : i64, tpu.core_type = #tpu.core_type<sc_vector_subcore>, window_params = [{transform_indices = #map}, {transform_indices = #map1}, {transform_indices = #map1}]} {
    %mul3A = arith.constant 2 : i32
    %mul3A_0 = arith.muli %arg1, %mul3A : i32
    %add3A = arith.addi %mul3A_0, %arg0 : i32
    %iota3A = tpu.iota {dimensions = array<i32: 0>} : vector<16xi32>
    %mul3A_1 = arith.constant 0 : i32
    %mul3A_2 = vector.broadcast %mul3A_1 : i32 to vector<16xi32>
    %mul3A_3 = arith.muli %iota3A, %mul3A_2 : vector<16xi32>
    %convert_element_type3A = arith.sitofp %mul3A_3 : vector<16xi32> to vector<16xf32>
    %parallel_loop3A = arith.constant 0 : i32
    %parallel_loop3A_4 = arith.constant 5024 : i32
    %parallel_loop3A_5 = arith.constant 1 : i32
    scf.for %parallel_loop3A_105 = %parallel_loop3A to %parallel_loop3A_4 step %parallel_loop3A_5  : i32 {
      %parallel_loop3A_106 = arith.constant 16 : i32
      %parallel_loop3A_107 = arith.muli %parallel_loop3A_105, %parallel_loop3A_106 : i32
      %parallel_loop3A_108 = arith.index_cast %parallel_loop3A_107 : i32 to index
      %parallel_loop3A_109 = tpu.vector_load %arg5[%parallel_loop3A_108] {strides = array<i32>} : memref<80384xf32, #tpu.memory_space<vmem>>, vector<16xf32>,
      tpu.vector_store %arg5[%parallel_loop3A_108], %convert_element_type3A {strides = array<i32>} : memref<80384xf32, #tpu.memory_space<vmem>>, vector<16xf32>,
    } {sc.loop_unroll_factor = 4 : i64, sc.parallel_access}
    %mul3A_6 = arith.constant 11376 : i32
    %mul3A_7 = arith.muli %add3A, %mul3A_6 : i32
    "tpu.region"() ({
      %run_scoped3A = tpu.sem_alloc : memref<!tpu.dma_semaphore, #tpu.memory_space<semaphore_mem>>
      %dma_start3A_105 = tpu.memref_slice %arg3[%mul3A_7] : memref<364032xi32, #tpu.memory_space<hbm>> -> memref<11376xi32, #tpu.memory_space<hbm>>
      %dma_start3A_106 = tpu.memref_slice %arg3[%mul3A_7] : memref<364032xi32, #tpu.memory_space<hbm>> -> memref<11376xi32, #tpu.memory_space<hbm>>
      tpu.enqueue_dma source(%dma_start3A_106 : memref<11376xi32, #tpu.memory_space<hbm>>) target(%arg8 : memref<11376xi32, #tpu.memory_space<vmem>>) target_semaphore(%run_scoped3A : memref<!tpu.dma_semaphore, #tpu.memory_space<semaphore_mem>>)
      %dma_wait3A_107 = tpu.memref_slice %arg3[%mul3A_7] : memref<364032xi32, #tpu.memory_space<hbm>> -> memref<11376xi32, #tpu.memory_space<hbm>>
      %dma_wait3A_108 = tpu.memref_slice %arg3[%mul3A_7] : memref<364032xi32, #tpu.memory_space<hbm>> -> memref<11376xi32, #tpu.memory_space<hbm>>
      tpu.wait_dma2 semaphore(%run_scoped3A : memref<!tpu.dma_semaphore, #tpu.memory_space<semaphore_mem>>) src(%dma_wait3A_108 : memref<11376xi32, #tpu.memory_space<hbm>>) dst(%arg8 : memref<11376xi32, #tpu.memory_space<vmem>>)
      tpu.yield
    }) : () -> ()
    %iota3A_8 = tpu.iota {dimensions = array<i32: 0>} : vector<16xi32>
    %add3A_9 = arith.constant 0 : i32
    %add3A_10 = vector.broadcast %add3A_9 : i32 to vector<16xi32>
    %add3A_11 = arith.addi %iota3A_8, %add3A_10 : vector<16xi32>
    %iota3A_12 = tpu.iota {dimensions = array<i32: 0>} : vector<16xi32>
    %add3A_13 = arith.constant 16 : i32
    %add3A_14 = vector.broadcast %add3A_13 : i32 to vector<16xi32>
    %add3A_15 = arith.addi %iota3A_12, %add3A_14 : vector<16xi32>
    %iota3A_16 = tpu.iota {dimensions = array<i32: 0>} : vector<16xi32>
    %add3A_17 = arith.constant 32 : i32
    %add3A_18 = vector.broadcast %add3A_17 : i32 to vector<16xi32>
    %add3A_19 = arith.addi %iota3A_16, %add3A_18 : vector<16xi32>
    %iota3A_20 = tpu.iota {dimensions = array<i32: 0>} : vector<16xi32>
    %add3A_21 = arith.constant 48 : i32
    %add3A_22 = vector.broadcast %add3A_21 : i32 to vector<16xi32>
    %add3A_23 = arith.addi %iota3A_20, %add3A_22 : vector<16xi32>
    %iota3A_24 = tpu.iota {dimensions = array<i32: 0>} : vector<16xi32>
    %add3A_25 = arith.constant 64 : i32
    %add3A_26 = vector.broadcast %add3A_25 : i32 to vector<16xi32>
    %add3A_27 = arith.addi %iota3A_24, %add3A_26 : vector<16xi32>
    %iota3A_28 = tpu.iota {dimensions = array<i32: 0>} : vector<16xi32>
    %add3A_29 = arith.constant 80 : i32
    %add3A_30 = vector.broadcast %add3A_29 : i32 to vector<16xi32>
    %add3A_31 = arith.addi %iota3A_28, %add3A_30 : vector<16xi32>
    %iota3A_32 = tpu.iota {dimensions = array<i32: 0>} : vector<16xi32>
    %add3A_33 = arith.constant 96 : i32
    %add3A_34 = vector.broadcast %add3A_33 : i32 to vector<16xi32>
    %add3A_35 = arith.addi %iota3A_32, %add3A_34 : vector<16xi32>
    %iota3A_36 = tpu.iota {dimensions = array<i32: 0>} : vector<16xi32>
    %add3A_37 = arith.constant 112 : i32
    %add3A_38 = vector.broadcast %add3A_37 : i32 to vector<16xi32>
    %add3A_39 = arith.addi %iota3A_36, %add3A_38 : vector<16xi32>
    %iota3A_40 = tpu.iota {dimensions = array<i32: 0>} : vector<16xi32>
    %add3A_41 = arith.constant 128 : i32
    %add3A_42 = vector.broadcast %add3A_41 : i32 to vector<16xi32>
    %add3A_43 = arith.addi %iota3A_40, %add3A_42 : vector<16xi32>
    %iota3A_44 = tpu.iota {dimensions = array<i32: 0>} : vector<16xi32>
    %add3A_45 = arith.constant 144 : i32
    %add3A_46 = vector.broadcast %add3A_45 : i32 to vector<16xi32>
    %add3A_47 = arith.addi %iota3A_44, %add3A_46 : vector<16xi32>
    %iota3A_48 = tpu.iota {dimensions = array<i32: 0>} : vector<16xi32>
    %add3A_49 = arith.constant 160 : i32
    %add3A_50 = vector.broadcast %add3A_49 : i32 to vector<16xi32>
    %add3A_51 = arith.addi %iota3A_48, %add3A_50 : vector<16xi32>
    %iota3A_52 = tpu.iota {dimensions = array<i32: 0>} : vector<16xi32>
    %add3A_53 = arith.constant 176 : i32
    %add3A_54 = vector.broadcast %add3A_53 : i32 to vector<16xi32>
    %add3A_55 = arith.addi %iota3A_52, %add3A_54 : vector<16xi32>
    %iota3A_56 = tpu.iota {dimensions = array<i32: 0>} : vector<16xi32>
    %add3A_57 = arith.constant 192 : i32
    %add3A_58 = vector.broadcast %add3A_57 : i32 to vector<16xi32>
    %add3A_59 = arith.addi %iota3A_56, %add3A_58 : vector<16xi32>
    %iota3A_60 = tpu.iota {dimensions = array<i32: 0>} : vector<16xi32>
    %add3A_61 = arith.constant 208 : i32
    %add3A_62 = vector.broadcast %add3A_61 : i32 to vector<16xi32>
    %add3A_63 = arith.addi %iota3A_60, %add3A_62 : vector<16xi32>
    %iota3A_64 = tpu.iota {dimensions = array<i32: 0>} : vector<16xi32>
    %add3A_65 = arith.constant 224 : i32
    %add3A_66 = vector.broadcast %add3A_65 : i32 to vector<16xi32>
    %add3A_67 = arith.addi %iota3A_64, %add3A_66 : vector<16xi32>
    %iota3A_68 = tpu.iota {dimensions = array<i32: 0>} : vector<16xi32>
    %add3A_69 = arith.constant 240 : i32
    %add3A_70 = vector.broadcast %add3A_69 : i32 to vector<16xi32>
    %add3A_71 = arith.addi %iota3A_68, %add3A_70 : vector<16xi32>
    %dma_start3A = arith.constant 0 : i32
    %dma_start3A_72 = arith.constant 0 : i32
    %dma_start3A_73 = tpu.memref_slice %arg2[%dma_start3A, %dma_start3A_72] : memref<10048x256xf32, #tpu.memory_space<hbm>> -> memref<64x256xf32, #tpu.memory_space<hbm>>
    %dma_start3A_74 = arith.constant 0 : i32
    %dma_start3A_75 = arith.constant 0 : i32
    %dma_start3A_76 = tpu.memref_slice %arg2[%dma_start3A_74, %dma_start3A_75] : memref<10048x256xf32, #tpu.memory_space<hbm>> -> memref<64x256xf32, #tpu.memory_space<hbm>>
    tpu.enqueue_dma source(%dma_start3A_76 : memref<64x256xf32, #tpu.memory_space<hbm>>) target(%arg6 : memref<64x256xf32, #tpu.memory_space<vmem>>) target_semaphore(%arg9 : memref<!tpu.dma_semaphore, #tpu.memory_space<semaphore_mem>>)
    %dma_start3A_77 = arith.constant 64 : i32
    %dma_start3A_78 = arith.constant 0 : i32
    %dma_start3A_79 = tpu.memref_slice %arg2[%dma_start3A_77, %dma_start3A_78] : memref<10048x256xf32, #tpu.memory_space<hbm>> -> memref<64x256xf32, #tpu.memory_space<hbm>>
    %dma_start3A_80 = arith.constant 64 : i32
    %dma_start3A_81 = arith.constant 0 : i32
    %dma_start3A_82 = tpu.memref_slice %arg2[%dma_start3A_80, %dma_start3A_81] : memref<10048x256xf32, #tpu.memory_space<hbm>> -> memref<64x256xf32, #tpu.memory_space<hbm>>
    tpu.enqueue_dma source(%dma_start3A_82 : memref<64x256xf32, #tpu.memory_space<hbm>>) target(%arg7 : memref<64x256xf32, #tpu.memory_space<vmem>>) target_semaphore(%arg10 : memref<!tpu.dma_semaphore, #tpu.memory_space<semaphore_mem>>)
    %scan3A = arith.constant 0 : i32
    %scan3A_83 = arith.constant 0 : i32
    %scan3A_84 = arith.constant 78 : i32
    %scan3A_85 = arith.addi %scan3A_83, %scan3A_84 : i32
    %scan3A_86 = arith.constant 1 : i32
    %scan3A_87 = scf.for %scan3A_105 = %scan3A_83 to %scan3A_85 step %scan3A_86 iter_args(%scan3A_106 = %scan3A) -> (i32)  : i32 {
      %mul3A_107 = arith.constant 2 : i32
      %mul3A_108 = arith.muli %scan3A_105, %mul3A_107 : i32
      %add3A_109 = arith.constant 0 : i32
      %add3A_110 = arith.addi %mul3A_108, %add3A_109 : i32
      %mul3A_111 = arith.constant 64 : i32
      %mul3A_112 = arith.muli %add3A_110, %mul3A_111 : i32
      %dma_wait3A_113 = arith.constant 0 : i32
      %dma_wait3A_114 = tpu.memref_slice %arg2[%mul3A_112, %dma_wait3A_113] : memref<10048x256xf32, #tpu.memory_space<hbm>> -> memref<64x256xf32, #tpu.memory_space<hbm>>
      %dma_wait3A_115 = arith.constant 0 : i32
      %dma_wait3A_116 = tpu.memref_slice %arg2[%mul3A_112, %dma_wait3A_115] : memref<10048x256xf32, #tpu.memory_space<hbm>> -> memref<64x256xf32, #tpu.memory_space<hbm>>
      tpu.wait_dma2 semaphore(%arg9 : memref<!tpu.dma_semaphore, #tpu.memory_space<semaphore_mem>>) src(%dma_wait3A_116 : memref<64x256xf32, #tpu.memory_space<hbm>>) dst(%arg6 : memref<64x256xf32, #tpu.memory_space<vmem>>)
      %scan3A_117 = arith.constant 0 : i32
      %scan3A_118 = arith.constant 0 : i32
      %scan3A_119 = arith.constant 72 : i32
      %scan3A_120 = arith.addi %scan3A_118, %scan3A_119 : i32
      %scan3A_121 = arith.constant 1 : i32
      %scan3A_122 = scf.for %scan3A_154 = %scan3A_118 to %scan3A_120 step %scan3A_121 iter_args(%scan3A_155 = %scan3A_117) -> (i32)  : i32 {
        %mul3A_156 = arith.constant 72 : i32
        %mul3A_157 = arith.muli %add3A_110, %mul3A_156 : i32
        %add3A_158 = arith.addi %mul3A_157, %scan3A_154 : i32
        %get3A = arith.index_cast %add3A_158 : i32 to index
        %get3A_159 = tpu.vector_load %arg8[%get3A] {strides = array<i32>} : memref<11376xi32, #tpu.memory_space<vmem>>, vector<16xi32>,
        %lt3A_160 = arith.constant 0 : i32
        %lt3A_161 = vector.broadcast %lt3A_160 : i32 to vector<16xi32>
        %lt3A_162 = arith.cmpi slt, %mul3A_3, %lt3A_161 : vector<16xi32>
        %add3A_163 = arith.constant 16 : i32
        %add3A_164 = vector.broadcast %add3A_163 : i32 to vector<16xi32>
        %add3A_165 = arith.addi %mul3A_3, %add3A_164 : vector<16xi32>
        %select_n3A = arith.select %lt3A_162, %add3A_165, %mul3A_3 : vector<16xi1>, vector<16xi32>
        %broadcast_in_dim3A = vector.shape_cast %select_n3A : vector<16xi32> to vector<16x1xi32>
        %gather3A = vector.shape_cast %broadcast_in_dim3A : vector<16x1xi32> to vector<16xi32>
        %gather3A_166 = tpu.dynamic_gather %get3A_159[%gather3A] in [0] : vector<16xi32>, vector<16xi32> -> vector<16xi32>
        %and3A = arith.constant 127 : i32
        %and3A_167 = vector.broadcast %and3A : i32 to vector<16xi32>
        %and3A_168 = arith.andi %gather3A_166, %and3A_167 : vector<16xi32>
        %shift_right_arithmetic3A = arith.constant 7 : i32
        %shift_right_arithmetic3A_169 = vector.broadcast %shift_right_arithmetic3A : i32 to vector<16xi32>
        %shift_right_arithmetic3A_170 = arith.shrsi %gather3A_166, %shift_right_arithmetic3A_169 : vector<16xi32>
        %mul3A_171 = arith.constant 256 : i32
        %mul3A_172 = vector.broadcast %mul3A_171 : i32 to vector<16xi32>
        %mul3A_173 = arith.muli %shift_right_arithmetic3A_170, %mul3A_172 : vector<16xi32>
        %gather3A_174 = tpu.vector_load_idx %arg6[%and3A_168, %add3A_11] : memref<64x256xf32, #tpu.memory_space<vmem>>[vector<16xi32>, vector<16xi32>], vector<16xf32>,
        %gather3A_175 = tpu.vector_load_idx %arg6[%and3A_168, %add3A_15] : memref<64x256xf32, #tpu.memory_space<vmem>>[vector<16xi32>, vector<16xi32>], vector<16xf32>,
        %gather3A_176 = tpu.vector_load_idx %arg6[%and3A_168, %add3A_19] : memref<64x256xf32, #tpu.memory_space<vmem>>[vector<16xi32>, vector<16xi32>], vector<16xf32>,
        %gather3A_177 = tpu.vector_load_idx %arg6[%and3A_168, %add3A_23] : memref<64x256xf32, #tpu.memory_space<vmem>>[vector<16xi32>, vector<16xi32>], vector<16xf32>,
        %gather3A_178 = tpu.vector_load_idx %arg6[%and3A_168, %add3A_27] : memref<64x256xf32, #tpu.memory_space<vmem>>[vector<16xi32>, vector<16xi32>], vector<16xf32>,
        %gather3A_179 = tpu.vector_load_idx %arg6[%and3A_168, %add3A_31] : memref<64x256xf32, #tpu.memory_space<vmem>>[vector<16xi32>, vector<16xi32>], vector<16xf32>,
        %gather3A_180 = tpu.vector_load_idx %arg6[%and3A_168, %add3A_35] : memref<64x256xf32, #tpu.memory_space<vmem>>[vector<16xi32>, vector<16xi32>], vector<16xf32>,
        %gather3A_181 = tpu.vector_load_idx %arg6[%and3A_168, %add3A_39] : memref<64x256xf32, #tpu.memory_space<vmem>>[vector<16xi32>, vector<16xi32>], vector<16xf32>,
        %gather3A_182 = tpu.vector_load_idx %arg6[%and3A_168, %add3A_43] : memref<64x256xf32, #tpu.memory_space<vmem>>[vector<16xi32>, vector<16xi32>], vector<16xf32>,
        %gather3A_183 = tpu.vector_load_idx %arg6[%and3A_168, %add3A_47] : memref<64x256xf32, #tpu.memory_space<vmem>>[vector<16xi32>, vector<16xi32>], vector<16xf32>,
        %gather3A_184 = tpu.vector_load_idx %arg6[%and3A_168, %add3A_51] : memref<64x256xf32, #tpu.memory_space<vmem>>[vector<16xi32>, vector<16xi32>], vector<16xf32>,
        %gather3A_185 = tpu.vector_load_idx %arg6[%and3A_168, %add3A_55] : memref<64x256xf32, #tpu.memory_space<vmem>>[vector<16xi32>, vector<16xi32>], vector<16xf32>,
        %gather3A_186 = tpu.vector_load_idx %arg6[%and3A_168, %add3A_59] : memref<64x256xf32, #tpu.memory_space<vmem>>[vector<16xi32>, vector<16xi32>], vector<16xf32>,
        %gather3A_187 = tpu.vector_load_idx %arg6[%and3A_168, %add3A_63] : memref<64x256xf32, #tpu.memory_space<vmem>>[vector<16xi32>, vector<16xi32>], vector<16xf32>,
        %gather3A_188 = tpu.vector_load_idx %arg6[%and3A_168, %add3A_67] : memref<64x256xf32, #tpu.memory_space<vmem>>[vector<16xi32>, vector<16xi32>], vector<16xf32>,
        %gather3A_189 = tpu.vector_load_idx %arg6[%and3A_168, %add3A_71] : memref<64x256xf32, #tpu.memory_space<vmem>>[vector<16xi32>, vector<16xi32>], vector<16xf32>,
        %add3A_190 = arith.addi %mul3A_173, %add3A_11 : vector<16xi32>
        tpu.vector_store_idx %arg5[%add3A_190], %gather3A_174 {add = true} : memref<80384xf32, #tpu.memory_space<vmem>>[vector<16xi32>], vector<16xf32>,
        %add3A_191 = arith.addi %mul3A_173, %add3A_15 : vector<16xi32>
        tpu.vector_store_idx %arg5[%add3A_191], %gather3A_175 {add = true} : memref<80384xf32, #tpu.memory_space<vmem>>[vector<16xi32>], vector<16xf32>,
        %add3A_192 = arith.addi %mul3A_173, %add3A_19 : vector<16xi32>
        tpu.vector_store_idx %arg5[%add3A_192], %gather3A_176 {add = true} : memref<80384xf32, #tpu.memory_space<vmem>>[vector<16xi32>], vector<16xf32>,
        %add3A_193 = arith.addi %mul3A_173, %add3A_23 : vector<16xi32>
        tpu.vector_store_idx %arg5[%add3A_193], %gather3A_177 {add = true} : memref<80384xf32, #tpu.memory_space<vmem>>[vector<16xi32>], vector<16xf32>,
        %add3A_194 = arith.addi %mul3A_173, %add3A_27 : vector<16xi32>
        tpu.vector_store_idx %arg5[%add3A_194], %gather3A_178 {add = true} : memref<80384xf32, #tpu.memory_space<vmem>>[vector<16xi32>], vector<16xf32>,
        %add3A_195 = arith.addi %mul3A_173, %add3A_31 : vector<16xi32>
        tpu.vector_store_idx %arg5[%add3A_195], %gather3A_179 {add = true} : memref<80384xf32, #tpu.memory_space<vmem>>[vector<16xi32>], vector<16xf32>,
        %add3A_196 = arith.addi %mul3A_173, %add3A_35 : vector<16xi32>
        tpu.vector_store_idx %arg5[%add3A_196], %gather3A_180 {add = true} : memref<80384xf32, #tpu.memory_space<vmem>>[vector<16xi32>], vector<16xf32>,
        %add3A_197 = arith.addi %mul3A_173, %add3A_39 : vector<16xi32>
        tpu.vector_store_idx %arg5[%add3A_197], %gather3A_181 {add = true} : memref<80384xf32, #tpu.memory_space<vmem>>[vector<16xi32>], vector<16xf32>,
        %add3A_198 = arith.addi %mul3A_173, %add3A_43 : vector<16xi32>
        tpu.vector_store_idx %arg5[%add3A_198], %gather3A_182 {add = true} : memref<80384xf32, #tpu.memory_space<vmem>>[vector<16xi32>], vector<16xf32>,
        %add3A_199 = arith.addi %mul3A_173, %add3A_47 : vector<16xi32>
        tpu.vector_store_idx %arg5[%add3A_199], %gather3A_183 {add = true} : memref<80384xf32, #tpu.memory_space<vmem>>[vector<16xi32>], vector<16xf32>,
        %add3A_200 = arith.addi %mul3A_173, %add3A_51 : vector<16xi32>
        tpu.vector_store_idx %arg5[%add3A_200], %gather3A_184 {add = true} : memref<80384xf32, #tpu.memory_space<vmem>>[vector<16xi32>], vector<16xf32>,
        %add3A_201 = arith.addi %mul3A_173, %add3A_55 : vector<16xi32>
        tpu.vector_store_idx %arg5[%add3A_201], %gather3A_185 {add = true} : memref<80384xf32, #tpu.memory_space<vmem>>[vector<16xi32>], vector<16xf32>,
        %add3A_202 = arith.addi %mul3A_173, %add3A_59 : vector<16xi32>
        tpu.vector_store_idx %arg5[%add3A_202], %gather3A_186 {add = true} : memref<80384xf32, #tpu.memory_space<vmem>>[vector<16xi32>], vector<16xf32>,
        %add3A_203 = arith.addi %mul3A_173, %add3A_63 : vector<16xi32>
        tpu.vector_store_idx %arg5[%add3A_203], %gather3A_187 {add = true} : memref<80384xf32, #tpu.memory_space<vmem>>[vector<16xi32>], vector<16xf32>,
        %add3A_204 = arith.addi %mul3A_173, %add3A_67 : vector<16xi32>
        tpu.vector_store_idx %arg5[%add3A_204], %gather3A_188 {add = true} : memref<80384xf32, #tpu.memory_space<vmem>>[vector<16xi32>], vector<16xf32>,
        %add3A_205 = arith.addi %mul3A_173, %add3A_71 : vector<16xi32>
        tpu.vector_store_idx %arg5[%add3A_205], %gather3A_189 {add = true} : memref<80384xf32, #tpu.memory_space<vmem>>[vector<16xi32>], vector<16xf32>,
        %scan3A_206 = arith.constant 0 : i32
        scf.yield %scan3A_206 : i32
      }
      %scan3A_123 = arith.constant 72 : i32
      %add3A_124 = arith.constant 2 : i32
      %add3A_125 = arith.addi %add3A_110, %add3A_124 : i32
      %lt3A = arith.constant 157 : i32
      %lt3A_126 = arith.cmpi slt, %add3A_125, %lt3A : i32
      %convert_element_type3A_127 = arith.extui %lt3A_126 : i1 to i32
      %cond3A = arith.constant 0 : i32
      %cond3A_128 = arith.cmpi ne, %convert_element_type3A_127, %cond3A : i32
      scf.if %cond3A_128 {
        %add3A_154 = arith.constant 2 : i32
        %add3A_155 = arith.addi %add3A_110, %add3A_154 : i32
        %mul3A_156 = arith.constant 64 : i32
        %mul3A_157 = arith.muli %add3A_155, %mul3A_156 : i32
        %dma_start3A_158 = arith.constant 0 : i32
        %dma_start3A_159 = tpu.memref_slice %arg2[%mul3A_157, %dma_start3A_158] : memref<10048x256xf32, #tpu.memory_space<hbm>> -> memref<64x256xf32, #tpu.memory_space<hbm>>
        %dma_start3A_160 = arith.constant 0 : i32
        %dma_start3A_161 = tpu.memref_slice %arg2[%mul3A_157, %dma_start3A_160] : memref<10048x256xf32, #tpu.memory_space<hbm>> -> memref<64x256xf32, #tpu.memory_space<hbm>>
        tpu.enqueue_dma source(%dma_start3A_161 : memref<64x256xf32, #tpu.memory_space<hbm>>) target(%arg6 : memref<64x256xf32, #tpu.memory_space<vmem>>) target_semaphore(%arg9 : memref<!tpu.dma_semaphore, #tpu.memory_space<semaphore_mem>>)
      } else {
      }
      %mul3A_129 = arith.constant 2 : i32
      %mul3A_130 = arith.muli %scan3A_105, %mul3A_129 : i32
      %add3A_131 = arith.constant 1 : i32
      %add3A_132 = arith.addi %mul3A_130, %add3A_131 : i32
      %mul3A_133 = arith.constant 64 : i32
      %mul3A_134 = arith.muli %add3A_132, %mul3A_133 : i32
      %dma_wait3A_135 = arith.constant 0 : i32
      %dma_wait3A_136 = tpu.memref_slice %arg2[%mul3A_134, %dma_wait3A_135] : memref<10048x256xf32, #tpu.memory_space<hbm>> -> memref<64x256xf32, #tpu.memory_space<hbm>>
      %dma_wait3A_137 = arith.constant 0 : i32
      %dma_wait3A_138 = tpu.memref_slice %arg2[%mul3A_134, %dma_wait3A_137] : memref<10048x256xf32, #tpu.memory_space<hbm>> -> memref<64x256xf32, #tpu.memory_space<hbm>>
      tpu.wait_dma2 semaphore(%arg10 : memref<!tpu.dma_semaphore, #tpu.memory_space<semaphore_mem>>) src(%dma_wait3A_138 : memref<64x256xf32, #tpu.memory_space<hbm>>) dst(%arg7 : memref<64x256xf32, #tpu.memory_space<vmem>>)
      %scan3A_139 = arith.constant 0 : i32
      %scan3A_140 = arith.constant 0 : i32
      %scan3A_141 = arith.constant 72 : i32
      %scan3A_142 = arith.addi %scan3A_140, %scan3A_141 : i32
      %scan3A_143 = arith.constant 1 : i32
      %scan3A_144 = scf.for %scan3A_154 = %scan3A_140 to %scan3A_142 step %scan3A_143 iter_args(%scan3A_155 = %scan3A_139) -> (i32)  : i32 {
        %mul3A_156 = arith.constant 72 : i32
        %mul3A_157 = arith.muli %add3A_132, %mul3A_156 : i32
        %add3A_158 = arith.addi %mul3A_157, %scan3A_154 : i32
        %get3A = arith.index_cast %add3A_158 : i32 to index
        %get3A_159 = tpu.vector_load %arg8[%get3A] {strides = array<i32>} : memref<11376xi32, #tpu.memory_space<vmem>>, vector<16xi32>,
        %lt3A_160 = arith.constant 0 : i32
        %lt3A_161 = vector.broadcast %lt3A_160 : i32 to vector<16xi32>
        %lt3A_162 = arith.cmpi slt, %mul3A_3, %lt3A_161 : vector<16xi32>
        %add3A_163 = arith.constant 16 : i32
        %add3A_164 = vector.broadcast %add3A_163 : i32 to vector<16xi32>
        %add3A_165 = arith.addi %mul3A_3, %add3A_164 : vector<16xi32>
        %select_n3A = arith.select %lt3A_162, %add3A_165, %mul3A_3 : vector<16xi1>, vector<16xi32>
        %broadcast_in_dim3A = vector.shape_cast %select_n3A : vector<16xi32> to vector<16x1xi32>
        %gather3A = vector.shape_cast %broadcast_in_dim3A : vector<16x1xi32> to vector<16xi32>
        %gather3A_166 = tpu.dynamic_gather %get3A_159[%gather3A] in [0] : vector<16xi32>, vector<16xi32> -> vector<16xi32>
        %and3A = arith.constant 127 : i32
        %and3A_167 = vector.broadcast %and3A : i32 to vector<16xi32>
        %and3A_168 = arith.andi %gather3A_166, %and3A_167 : vector<16xi32>
        %shift_right_arithmetic3A = arith.constant 7 : i32
        %shift_right_arithmetic3A_169 = vector.broadcast %shift_right_arithmetic3A : i32 to vector<16xi32>
        %shift_right_arithmetic3A_170 = arith.shrsi %gather3A_166, %shift_right_arithmetic3A_169 : vector<16xi32>
        %mul3A_171 = arith.constant 256 : i32
        %mul3A_172 = vector.broadcast %mul3A_171 : i32 to vector<16xi32>
        %mul3A_173 = arith.muli %shift_right_arithmetic3A_170, %mul3A_172 : vector<16xi32>
        %gather3A_174 = tpu.vector_load_idx %arg7[%and3A_168, %add3A_11] : memref<64x256xf32, #tpu.memory_space<vmem>>[vector<16xi32>, vector<16xi32>], vector<16xf32>,
        %gather3A_175 = tpu.vector_load_idx %arg7[%and3A_168, %add3A_15] : memref<64x256xf32, #tpu.memory_space<vmem>>[vector<16xi32>, vector<16xi32>], vector<16xf32>,
        %gather3A_176 = tpu.vector_load_idx %arg7[%and3A_168, %add3A_19] : memref<64x256xf32, #tpu.memory_space<vmem>>[vector<16xi32>, vector<16xi32>], vector<16xf32>,
        %gather3A_177 = tpu.vector_load_idx %arg7[%and3A_168, %add3A_23] : memref<64x256xf32, #tpu.memory_space<vmem>>[vector<16xi32>, vector<16xi32>], vector<16xf32>,
        %gather3A_178 = tpu.vector_load_idx %arg7[%and3A_168, %add3A_27] : memref<64x256xf32, #tpu.memory_space<vmem>>[vector<16xi32>, vector<16xi32>], vector<16xf32>,
        %gather3A_179 = tpu.vector_load_idx %arg7[%and3A_168, %add3A_31] : memref<64x256xf32, #tpu.memory_space<vmem>>[vector<16xi32>, vector<16xi32>], vector<16xf32>,
        %gather3A_180 = tpu.vector_load_idx %arg7[%and3A_168, %add3A_35] : memref<64x256xf32, #tpu.memory_space<vmem>>[vector<16xi32>, vector<16xi32>], vector<16xf32>,
        %gather3A_181 = tpu.vector_load_idx %arg7[%and3A_168, %add3A_39] : memref<64x256xf32, #tpu.memory_space<vmem>>[vector<16xi32>, vector<16xi32>], vector<16xf32>,
        %gather3A_182 = tpu.vector_load_idx %arg7[%and3A_168, %add3A_43] : memref<64x256xf32, #tpu.memory_space<vmem>>[vector<16xi32>, vector<16xi32>], vector<16xf32>,
        %gather3A_183 = tpu.vector_load_idx %arg7[%and3A_168, %add3A_47] : memref<64x256xf32, #tpu.memory_space<vmem>>[vector<16xi32>, vector<16xi32>], vector<16xf32>,
        %gather3A_184 = tpu.vector_load_idx %arg7[%and3A_168, %add3A_51] : memref<64x256xf32, #tpu.memory_space<vmem>>[vector<16xi32>, vector<16xi32>], vector<16xf32>,
        %gather3A_185 = tpu.vector_load_idx %arg7[%and3A_168, %add3A_55] : memref<64x256xf32, #tpu.memory_space<vmem>>[vector<16xi32>, vector<16xi32>], vector<16xf32>,
        %gather3A_186 = tpu.vector_load_idx %arg7[%and3A_168, %add3A_59] : memref<64x256xf32, #tpu.memory_space<vmem>>[vector<16xi32>, vector<16xi32>], vector<16xf32>,
        %gather3A_187 = tpu.vector_load_idx %arg7[%and3A_168, %add3A_63] : memref<64x256xf32, #tpu.memory_space<vmem>>[vector<16xi32>, vector<16xi32>], vector<16xf32>,
        %gather3A_188 = tpu.vector_load_idx %arg7[%and3A_168, %add3A_67] : memref<64x256xf32, #tpu.memory_space<vmem>>[vector<16xi32>, vector<16xi32>], vector<16xf32>,
        %gather3A_189 = tpu.vector_load_idx %arg7[%and3A_168, %add3A_71] : memref<64x256xf32, #tpu.memory_space<vmem>>[vector<16xi32>, vector<16xi32>], vector<16xf32>,
        %add3A_190 = arith.addi %mul3A_173, %add3A_11 : vector<16xi32>
        tpu.vector_store_idx %arg5[%add3A_190], %gather3A_174 {add = true} : memref<80384xf32, #tpu.memory_space<vmem>>[vector<16xi32>], vector<16xf32>,
        %add3A_191 = arith.addi %mul3A_173, %add3A_15 : vector<16xi32>
        tpu.vector_store_idx %arg5[%add3A_191], %gather3A_175 {add = true} : memref<80384xf32, #tpu.memory_space<vmem>>[vector<16xi32>], vector<16xf32>,
        %add3A_192 = arith.addi %mul3A_173, %add3A_19 : vector<16xi32>
        tpu.vector_store_idx %arg5[%add3A_192], %gather3A_176 {add = true} : memref<80384xf32, #tpu.memory_space<vmem>>[vector<16xi32>], vector<16xf32>,
        %add3A_193 = arith.addi %mul3A_173, %add3A_23 : vector<16xi32>
        tpu.vector_store_idx %arg5[%add3A_193], %gather3A_177 {add = true} : memref<80384xf32, #tpu.memory_space<vmem>>[vector<16xi32>], vector<16xf32>,
        %add3A_194 = arith.addi %mul3A_173, %add3A_27 : vector<16xi32>
        tpu.vector_store_idx %arg5[%add3A_194], %gather3A_178 {add = true} : memref<80384xf32, #tpu.memory_space<vmem>>[vector<16xi32>], vector<16xf32>,
        %add3A_195 = arith.addi %mul3A_173, %add3A_31 : vector<16xi32>
        tpu.vector_store_idx %arg5[%add3A_195], %gather3A_179 {add = true} : memref<80384xf32, #tpu.memory_space<vmem>>[vector<16xi32>], vector<16xf32>,
        %add3A_196 = arith.addi %mul3A_173, %add3A_35 : vector<16xi32>
        tpu.vector_store_idx %arg5[%add3A_196], %gather3A_180 {add = true} : memref<80384xf32, #tpu.memory_space<vmem>>[vector<16xi32>], vector<16xf32>,
        %add3A_197 = arith.addi %mul3A_173, %add3A_39 : vector<16xi32>
        tpu.vector_store_idx %arg5[%add3A_197], %gather3A_181 {add = true} : memref<80384xf32, #tpu.memory_space<vmem>>[vector<16xi32>], vector<16xf32>,
        %add3A_198 = arith.addi %mul3A_173, %add3A_43 : vector<16xi32>
        tpu.vector_store_idx %arg5[%add3A_198], %gather3A_182 {add = true} : memref<80384xf32, #tpu.memory_space<vmem>>[vector<16xi32>], vector<16xf32>,
        %add3A_199 = arith.addi %mul3A_173, %add3A_47 : vector<16xi32>
        tpu.vector_store_idx %arg5[%add3A_199], %gather3A_183 {add = true} : memref<80384xf32, #tpu.memory_space<vmem>>[vector<16xi32>], vector<16xf32>,
        %add3A_200 = arith.addi %mul3A_173, %add3A_51 : vector<16xi32>
        tpu.vector_store_idx %arg5[%add3A_200], %gather3A_184 {add = true} : memref<80384xf32, #tpu.memory_space<vmem>>[vector<16xi32>], vector<16xf32>,
        %add3A_201 = arith.addi %mul3A_173, %add3A_55 : vector<16xi32>
        tpu.vector_store_idx %arg5[%add3A_201], %gather3A_185 {add = true} : memref<80384xf32, #tpu.memory_space<vmem>>[vector<16xi32>], vector<16xf32>,
        %add3A_202 = arith.addi %mul3A_173, %add3A_59 : vector<16xi32>
        tpu.vector_store_idx %arg5[%add3A_202], %gather3A_186 {add = true} : memref<80384xf32, #tpu.memory_space<vmem>>[vector<16xi32>], vector<16xf32>,
        %add3A_203 = arith.addi %mul3A_173, %add3A_63 : vector<16xi32>
        tpu.vector_store_idx %arg5[%add3A_203], %gather3A_187 {add = true} : memref<80384xf32, #tpu.memory_space<vmem>>[vector<16xi32>], vector<16xf32>,
        %add3A_204 = arith.addi %mul3A_173, %add3A_67 : vector<16xi32>
        tpu.vector_store_idx %arg5[%add3A_204], %gather3A_188 {add = true} : memref<80384xf32, #tpu.memory_space<vmem>>[vector<16xi32>], vector<16xf32>,
        %add3A_205 = arith.addi %mul3A_173, %add3A_71 : vector<16xi32>
        tpu.vector_store_idx %arg5[%add3A_205], %gather3A_189 {add = true} : memref<80384xf32, #tpu.memory_space<vmem>>[vector<16xi32>], vector<16xf32>,
        %scan3A_206 = arith.constant 0 : i32
        scf.yield %scan3A_206 : i32
      }
      %scan3A_145 = arith.constant 72 : i32
      %add3A_146 = arith.constant 2 : i32
      %add3A_147 = arith.addi %add3A_132, %add3A_146 : i32
      %lt3A_148 = arith.constant 157 : i32
      %lt3A_149 = arith.cmpi slt, %add3A_147, %lt3A_148 : i32
      %convert_element_type3A_150 = arith.extui %lt3A_149 : i1 to i32
      %cond3A_151 = arith.constant 0 : i32
      %cond3A_152 = arith.cmpi ne, %convert_element_type3A_150, %cond3A_151 : i32
      scf.if %cond3A_152 {
        %add3A_154 = arith.constant 2 : i32
        %add3A_155 = arith.addi %add3A_132, %add3A_154 : i32
        %mul3A_156 = arith.constant 64 : i32
        %mul3A_157 = arith.muli %add3A_155, %mul3A_156 : i32
        %dma_start3A_158 = arith.constant 0 : i32
        %dma_start3A_159 = tpu.memref_slice %arg2[%mul3A_157, %dma_start3A_158] : memref<10048x256xf32, #tpu.memory_space<hbm>> -> memref<64x256xf32, #tpu.memory_space<hbm>>
        %dma_start3A_160 = arith.constant 0 : i32
        %dma_start3A_161 = tpu.memref_slice %arg2[%mul3A_157, %dma_start3A_160] : memref<10048x256xf32, #tpu.memory_space<hbm>> -> memref<64x256xf32, #tpu.memory_space<hbm>>
        tpu.enqueue_dma source(%dma_start3A_161 : memref<64x256xf32, #tpu.memory_space<hbm>>) target(%arg7 : memref<64x256xf32, #tpu.memory_space<vmem>>) target_semaphore(%arg10 : memref<!tpu.dma_semaphore, #tpu.memory_space<semaphore_mem>>)
      } else {
      }
      %scan3A_153 = arith.constant 0 : i32
      scf.yield %scan3A_153 : i32
    }
    %scan3A_88 = arith.constant 78 : i32
    %dma_wait3A = arith.constant 9984 : i32
    %dma_wait3A_89 = arith.constant 0 : i32
    %dma_wait3A_90 = tpu.memref_slice %arg2[%dma_wait3A, %dma_wait3A_89] : memref<10048x256xf32, #tpu.memory_space<hbm>> -> memref<64x256xf32, #tpu.memory_space<hbm>>
    %dma_wait3A_91 = arith.constant 9984 : i32
    %dma_wait3A_92 = arith.constant 0 : i32
    %dma_wait3A_93 = tpu.memref_slice %arg2[%dma_wait3A_91, %dma_wait3A_92] : memref<10048x256xf32, #tpu.memory_space<hbm>> -> memref<64x256xf32, #tpu.memory_space<hbm>>
    tpu.wait_dma2 semaphore(%arg9 : memref<!tpu.dma_semaphore, #tpu.memory_space<semaphore_mem>>) src(%dma_wait3A_93 : memref<64x256xf32, #tpu.memory_space<hbm>>) dst(%arg6 : memref<64x256xf32, #tpu.memory_space<vmem>>)
    %scan3A_94 = arith.constant 0 : i32
    %scan3A_95 = arith.constant 0 : i32
    %scan3A_96 = arith.constant 72 : i32
    %scan3A_97 = arith.addi %scan3A_95, %scan3A_96 : i32
    %scan3A_98 = arith.constant 1 : i32
    %scan3A_99 = scf.for %scan3A_105 = %scan3A_95 to %scan3A_97 step %scan3A_98 iter_args(%scan3A_106 = %scan3A_94) -> (i32)  : i32 {
      %add3A_107 = arith.constant 11232 : i32
      %add3A_108 = arith.addi %add3A_107, %scan3A_105 : i32
      %get3A = arith.index_cast %add3A_108 : i32 to index
      %get3A_109 = tpu.vector_load %arg8[%get3A] {strides = array<i32>} : memref<11376xi32, #tpu.memory_space<vmem>>, vector<16xi32>,
      %lt3A = arith.constant 0 : i32
      %lt3A_110 = vector.broadcast %lt3A : i32 to vector<16xi32>
      %lt3A_111 = arith.cmpi slt, %mul3A_3, %lt3A_110 : vector<16xi32>
      %add3A_112 = arith.constant 16 : i32
      %add3A_113 = vector.broadcast %add3A_112 : i32 to vector<16xi32>
      %add3A_114 = arith.addi %mul3A_3, %add3A_113 : vector<16xi32>
      %select_n3A = arith.select %lt3A_111, %add3A_114, %mul3A_3 : vector<16xi1>, vector<16xi32>
      %broadcast_in_dim3A = vector.shape_cast %select_n3A : vector<16xi32> to vector<16x1xi32>
      %gather3A = vector.shape_cast %broadcast_in_dim3A : vector<16x1xi32> to vector<16xi32>
      %gather3A_115 = tpu.dynamic_gather %get3A_109[%gather3A] in [0] : vector<16xi32>, vector<16xi32> -> vector<16xi32>
      %and3A = arith.constant 127 : i32
      %and3A_116 = vector.broadcast %and3A : i32 to vector<16xi32>
      %and3A_117 = arith.andi %gather3A_115, %and3A_116 : vector<16xi32>
      %shift_right_arithmetic3A = arith.constant 7 : i32
      %shift_right_arithmetic3A_118 = vector.broadcast %shift_right_arithmetic3A : i32 to vector<16xi32>
      %shift_right_arithmetic3A_119 = arith.shrsi %gather3A_115, %shift_right_arithmetic3A_118 : vector<16xi32>
      %mul3A_120 = arith.constant 256 : i32
      %mul3A_121 = vector.broadcast %mul3A_120 : i32 to vector<16xi32>
      %mul3A_122 = arith.muli %shift_right_arithmetic3A_119, %mul3A_121 : vector<16xi32>
      %gather3A_123 = tpu.vector_load_idx %arg6[%and3A_117, %add3A_11] : memref<64x256xf32, #tpu.memory_space<vmem>>[vector<16xi32>, vector<16xi32>], vector<16xf32>,
      %gather3A_124 = tpu.vector_load_idx %arg6[%and3A_117, %add3A_15] : memref<64x256xf32, #tpu.memory_space<vmem>>[vector<16xi32>, vector<16xi32>], vector<16xf32>,
      %gather3A_125 = tpu.vector_load_idx %arg6[%and3A_117, %add3A_19] : memref<64x256xf32, #tpu.memory_space<vmem>>[vector<16xi32>, vector<16xi32>], vector<16xf32>,
      %gather3A_126 = tpu.vector_load_idx %arg6[%and3A_117, %add3A_23] : memref<64x256xf32, #tpu.memory_space<vmem>>[vector<16xi32>, vector<16xi32>], vector<16xf32>,
      %gather3A_127 = tpu.vector_load_idx %arg6[%and3A_117, %add3A_27] : memref<64x256xf32, #tpu.memory_space<vmem>>[vector<16xi32>, vector<16xi32>], vector<16xf32>,
      %gather3A_128 = tpu.vector_load_idx %arg6[%and3A_117, %add3A_31] : memref<64x256xf32, #tpu.memory_space<vmem>>[vector<16xi32>, vector<16xi32>], vector<16xf32>,
      %gather3A_129 = tpu.vector_load_idx %arg6[%and3A_117, %add3A_35] : memref<64x256xf32, #tpu.memory_space<vmem>>[vector<16xi32>, vector<16xi32>], vector<16xf32>,
      %gather3A_130 = tpu.vector_load_idx %arg6[%and3A_117, %add3A_39] : memref<64x256xf32, #tpu.memory_space<vmem>>[vector<16xi32>, vector<16xi32>], vector<16xf32>,
      %gather3A_131 = tpu.vector_load_idx %arg6[%and3A_117, %add3A_43] : memref<64x256xf32, #tpu.memory_space<vmem>>[vector<16xi32>, vector<16xi32>], vector<16xf32>,
      %gather3A_132 = tpu.vector_load_idx %arg6[%and3A_117, %add3A_47] : memref<64x256xf32, #tpu.memory_space<vmem>>[vector<16xi32>, vector<16xi32>], vector<16xf32>,
      %gather3A_133 = tpu.vector_load_idx %arg6[%and3A_117, %add3A_51] : memref<64x256xf32, #tpu.memory_space<vmem>>[vector<16xi32>, vector<16xi32>], vector<16xf32>,
      %gather3A_134 = tpu.vector_load_idx %arg6[%and3A_117, %add3A_55] : memref<64x256xf32, #tpu.memory_space<vmem>>[vector<16xi32>, vector<16xi32>], vector<16xf32>,
      %gather3A_135 = tpu.vector_load_idx %arg6[%and3A_117, %add3A_59] : memref<64x256xf32, #tpu.memory_space<vmem>>[vector<16xi32>, vector<16xi32>], vector<16xf32>,
      %gather3A_136 = tpu.vector_load_idx %arg6[%and3A_117, %add3A_63] : memref<64x256xf32, #tpu.memory_space<vmem>>[vector<16xi32>, vector<16xi32>], vector<16xf32>,
      %gather3A_137 = tpu.vector_load_idx %arg6[%and3A_117, %add3A_67] : memref<64x256xf32, #tpu.memory_space<vmem>>[vector<16xi32>, vector<16xi32>], vector<16xf32>,
      %gather3A_138 = tpu.vector_load_idx %arg6[%and3A_117, %add3A_71] : memref<64x256xf32, #tpu.memory_space<vmem>>[vector<16xi32>, vector<16xi32>], vector<16xf32>,
      %add3A_139 = arith.addi %mul3A_122, %add3A_11 : vector<16xi32>
      tpu.vector_store_idx %arg5[%add3A_139], %gather3A_123 {add = true} : memref<80384xf32, #tpu.memory_space<vmem>>[vector<16xi32>], vector<16xf32>,
      %add3A_140 = arith.addi %mul3A_122, %add3A_15 : vector<16xi32>
      tpu.vector_store_idx %arg5[%add3A_140], %gather3A_124 {add = true} : memref<80384xf32, #tpu.memory_space<vmem>>[vector<16xi32>], vector<16xf32>,
      %add3A_141 = arith.addi %mul3A_122, %add3A_19 : vector<16xi32>
      tpu.vector_store_idx %arg5[%add3A_141], %gather3A_125 {add = true} : memref<80384xf32, #tpu.memory_space<vmem>>[vector<16xi32>], vector<16xf32>,
      %add3A_142 = arith.addi %mul3A_122, %add3A_23 : vector<16xi32>
      tpu.vector_store_idx %arg5[%add3A_142], %gather3A_126 {add = true} : memref<80384xf32, #tpu.memory_space<vmem>>[vector<16xi32>], vector<16xf32>,
      %add3A_143 = arith.addi %mul3A_122, %add3A_27 : vector<16xi32>
      tpu.vector_store_idx %arg5[%add3A_143], %gather3A_127 {add = true} : memref<80384xf32, #tpu.memory_space<vmem>>[vector<16xi32>], vector<16xf32>,
      %add3A_144 = arith.addi %mul3A_122, %add3A_31 : vector<16xi32>
      tpu.vector_store_idx %arg5[%add3A_144], %gather3A_128 {add = true} : memref<80384xf32, #tpu.memory_space<vmem>>[vector<16xi32>], vector<16xf32>,
      %add3A_145 = arith.addi %mul3A_122, %add3A_35 : vector<16xi32>
      tpu.vector_store_idx %arg5[%add3A_145], %gather3A_129 {add = true} : memref<80384xf32, #tpu.memory_space<vmem>>[vector<16xi32>], vector<16xf32>,
      %add3A_146 = arith.addi %mul3A_122, %add3A_39 : vector<16xi32>
      tpu.vector_store_idx %arg5[%add3A_146], %gather3A_130 {add = true} : memref<80384xf32, #tpu.memory_space<vmem>>[vector<16xi32>], vector<16xf32>,
      %add3A_147 = arith.addi %mul3A_122, %add3A_43 : vector<16xi32>
      tpu.vector_store_idx %arg5[%add3A_147], %gather3A_131 {add = true} : memref<80384xf32, #tpu.memory_space<vmem>>[vector<16xi32>], vector<16xf32>,
      %add3A_148 = arith.addi %mul3A_122, %add3A_47 : vector<16xi32>
      tpu.vector_store_idx %arg5[%add3A_148], %gather3A_132 {add = true} : memref<80384xf32, #tpu.memory_space<vmem>>[vector<16xi32>], vector<16xf32>,
      %add3A_149 = arith.addi %mul3A_122, %add3A_51 : vector<16xi32>
      tpu.vector_store_idx %arg5[%add3A_149], %gather3A_133 {add = true} : memref<80384xf32, #tpu.memory_space<vmem>>[vector<16xi32>], vector<16xf32>,
      %add3A_150 = arith.addi %mul3A_122, %add3A_55 : vector<16xi32>
      tpu.vector_store_idx %arg5[%add3A_150], %gather3A_134 {add = true} : memref<80384xf32, #tpu.memory_space<vmem>>[vector<16xi32>], vector<16xf32>,
      %add3A_151 = arith.addi %mul3A_122, %add3A_59 : vector<16xi32>
      tpu.vector_store_idx %arg5[%add3A_151], %gather3A_135 {add = true} : memref<80384xf32, #tpu.memory_space<vmem>>[vector<16xi32>], vector<16xf32>,
      %add3A_152 = arith.addi %mul3A_122, %add3A_63 : vector<16xi32>
      tpu.vector_store_idx %arg5[%add3A_152], %gather3A_136 {add = true} : memref<80384xf32, #tpu.memory_space<vmem>>[vector<16xi32>], vector<16xf32>,
      %add3A_153 = arith.addi %mul3A_122, %add3A_67 : vector<16xi32>
      tpu.vector_store_idx %arg5[%add3A_153], %gather3A_137 {add = true} : memref<80384xf32, #tpu.memory_space<vmem>>[vector<16xi32>], vector<16xf32>,
      %add3A_154 = arith.addi %mul3A_122, %add3A_71 : vector<16xi32>
      tpu.vector_store_idx %arg5[%add3A_154], %gather3A_138 {add = true} : memref<80384xf32, #tpu.memory_space<vmem>>[vector<16xi32>], vector<16xf32>,
      %scan3A_155 = arith.constant 0 : i32
      scf.yield %scan3A_155 : i32
    }
    %scan3A_100 = arith.constant 72 : i32
    %mul3A_101 = arith.constant 313 : i32
    %mul3A_102 = arith.muli %add3A, %mul3A_101 : i32
    %mul3A_103 = arith.constant 256 : i32
    %mul3A_104 = arith.muli %mul3A_102, %mul3A_103 : i32
    "tpu.region"() ({
      %run_scoped3A = tpu.sem_alloc : memref<!tpu.dma_semaphore, #tpu.memory_space<semaphore_mem>>
      %dma_start3A_105 = arith.constant 0 : i32
      %dma_start3A_106 = tpu.memref_slice %arg5[%dma_start3A_105] : memref<80384xf32, #tpu.memory_space<vmem>> -> memref<80128xf32, #tpu.memory_space<vmem>>
      %dma_start3A_107 = tpu.memref_slice %arg4[%mul3A_104] : memref<2564096xf32, #tpu.memory_space<hbm>> -> memref<80128xf32, #tpu.memory_space<hbm>>
      %dma_start3A_108 = tpu.memref_slice %arg4[%mul3A_104] : memref<2564096xf32, #tpu.memory_space<hbm>> -> memref<80128xf32, #tpu.memory_space<hbm>>
      %dma_start3A_109 = arith.constant 0 : i32
      %dma_start3A_110 = tpu.memref_slice %arg5[%dma_start3A_109] : memref<80384xf32, #tpu.memory_space<vmem>> -> memref<80128xf32, #tpu.memory_space<vmem>>
      tpu.enqueue_dma source(%dma_start3A_110 : memref<80128xf32, #tpu.memory_space<vmem>>) target(%dma_start3A_108 : memref<80128xf32, #tpu.memory_space<hbm>>) target_semaphore(%run_scoped3A : memref<!tpu.dma_semaphore, #tpu.memory_space<semaphore_mem>>)
      %dma_wait3A_111 = arith.constant 0 : i32
      %dma_wait3A_112 = tpu.memref_slice %arg5[%dma_wait3A_111] : memref<80384xf32, #tpu.memory_space<vmem>> -> memref<80128xf32, #tpu.memory_space<vmem>>
      %dma_wait3A_113 = tpu.memref_slice %arg4[%mul3A_104] : memref<2564096xf32, #tpu.memory_space<hbm>> -> memref<80128xf32, #tpu.memory_space<hbm>>
      %dma_wait3A_114 = tpu.memref_slice %arg4[%mul3A_104] : memref<2564096xf32, #tpu.memory_space<hbm>> -> memref<80128xf32, #tpu.memory_space<hbm>>
      %dma_wait3A_115 = arith.constant 0 : i32
      %dma_wait3A_116 = tpu.memref_slice %arg5[%dma_wait3A_115] : memref<80384xf32, #tpu.memory_space<vmem>> -> memref<80128xf32, #tpu.memory_space<vmem>>
      tpu.wait_dma2 semaphore(%run_scoped3A : memref<!tpu.dma_semaphore, #tpu.memory_space<semaphore_mem>>) src(%dma_wait3A_116 : memref<80128xf32, #tpu.memory_space<vmem>>) dst(%dma_wait3A_114 : memref<80128xf32, #tpu.memory_space<hbm>>)
      tpu.yield
    }) : () -> ()
    return
  }
}

#map = affine_map<(d0, d1) -> (0, 0)>
#map1 = affine_map<(d0, d1) -> (0)>
module attributes {stable_mosaic.version = 14 : i64} {
  func.func @_take_rows(%arg0: i32, %arg1: i32, %arg2: memref<10000x256xf32, #tpu.memory_space<hbm>>, %arg3: memref<16384xi32, #tpu.memory_space<hbm>>, %arg4: memref<16384x256xf32, #tpu.memory_space<hbm>>, %arg5: memref<512xi32, #tpu.memory_space<vmem>>, %arg6: memref<64x256xf32, #tpu.memory_space<vmem>>, %arg7: memref<!tpu.dma_semaphore, #tpu.memory_space<semaphore_mem>>) attributes {dimension_semantics = [#tpu.dimension_semantics<core_parallel>, #tpu.dimension_semantics<subcore_parallel>], iteration_bounds = array<i64: 2, 16>, scalar_prefetch = 0 : i64, scratch_operands = 3 : i64, tpu.core_type = #tpu.core_type<sc_vector_subcore>, window_params = [{transform_indices = #map}, {transform_indices = #map1}, {transform_indices = #map}]} {
    %mul3A = arith.constant 2 : i32
    %mul3A_0 = arith.muli %arg1, %mul3A : i32
    %add3A = arith.addi %mul3A_0, %arg0 : i32
    %mul3A_1 = arith.constant 512 : i32
    %mul3A_2 = arith.muli %add3A, %mul3A_1 : i32
    "tpu.region"() ({
      %run_scoped3A = tpu.sem_alloc : memref<!tpu.dma_semaphore, #tpu.memory_space<semaphore_mem>>
      %dma_start3A_97 = tpu.memref_slice %arg3[%mul3A_2] : memref<16384xi32, #tpu.memory_space<hbm>> -> memref<512xi32, #tpu.memory_space<hbm>>
      %dma_start3A_98 = tpu.memref_slice %arg3[%mul3A_2] : memref<16384xi32, #tpu.memory_space<hbm>> -> memref<512xi32, #tpu.memory_space<hbm>>
      tpu.enqueue_dma source(%dma_start3A_98 : memref<512xi32, #tpu.memory_space<hbm>>) target(%arg5 : memref<512xi32, #tpu.memory_space<vmem>>) target_semaphore(%run_scoped3A : memref<!tpu.dma_semaphore, #tpu.memory_space<semaphore_mem>>)
      %dma_wait3A_99 = tpu.memref_slice %arg3[%mul3A_2] : memref<16384xi32, #tpu.memory_space<hbm>> -> memref<512xi32, #tpu.memory_space<hbm>>
      %dma_wait3A_100 = tpu.memref_slice %arg3[%mul3A_2] : memref<16384xi32, #tpu.memory_space<hbm>> -> memref<512xi32, #tpu.memory_space<hbm>>
      tpu.wait_dma2 semaphore(%run_scoped3A : memref<!tpu.dma_semaphore, #tpu.memory_space<semaphore_mem>>) src(%dma_wait3A_100 : memref<512xi32, #tpu.memory_space<hbm>>) dst(%arg5 : memref<512xi32, #tpu.memory_space<vmem>>)
      tpu.yield
    }) : () -> ()
    %dma_start3A = arith.constant 0 : i32
    %dma_start3A_3 = tpu.memref_slice %arg5[%dma_start3A] : memref<512xi32, #tpu.memory_space<vmem>> -> memref<64xi32, #tpu.memory_space<vmem>>
    %dma_start3A_4 = arith.constant 0 : i32
    %dma_start3A_5 = arith.constant 0 : i32
    %dma_start3A_6 = tpu.memref_slice %arg2[%dma_start3A_4, %dma_start3A_5] : memref<10000x256xf32, #tpu.memory_space<hbm>> -> memref<10000x256xf32, #tpu.memory_space<hbm>>
    tpu.enqueue_indirect_dma source(%dma_start3A_6 : memref<10000x256xf32, #tpu.memory_space<hbm>>) target(%arg6 : memref<64x256xf32, #tpu.memory_space<vmem>>) offsets(%dma_start3A_3 : memref<64xi32, #tpu.memory_space<vmem>>) semaphore(%arg7 : memref<!tpu.dma_semaphore, #tpu.memory_space<semaphore_mem>>)
    %dma_wait3A = arith.constant 0 : i32
    %dma_wait3A_7 = tpu.memref_slice %arg5[%dma_wait3A] : memref<512xi32, #tpu.memory_space<vmem>> -> memref<64xi32, #tpu.memory_space<vmem>>
    %dma_wait3A_8 = arith.constant 0 : i32
    %dma_wait3A_9 = arith.constant 0 : i32
    %dma_wait3A_10 = tpu.memref_slice %arg2[%dma_wait3A_8, %dma_wait3A_9] : memref<10000x256xf32, #tpu.memory_space<hbm>> -> memref<10000x256xf32, #tpu.memory_space<hbm>>
    tpu.wait_indirect_dma semaphore(%arg7 : memref<!tpu.dma_semaphore, #tpu.memory_space<semaphore_mem>>) src(%dma_wait3A_10 : memref<10000x256xf32, #tpu.memory_space<hbm>>) dst(%arg6 : memref<64x256xf32, #tpu.memory_space<vmem>>)
    %add3A_11 = arith.constant 0 : i32
    %add3A_12 = arith.addi %mul3A_2, %add3A_11 : i32
    "tpu.region"() ({
      %run_scoped3A = tpu.sem_alloc : memref<!tpu.dma_semaphore, #tpu.memory_space<semaphore_mem>>
      %dma_start3A_97 = arith.constant 0 : i32
      %dma_start3A_98 = tpu.memref_slice %arg4[%add3A_12, %dma_start3A_97] : memref<16384x256xf32, #tpu.memory_space<hbm>> -> memref<64x256xf32, #tpu.memory_space<hbm>>
      %dma_start3A_99 = arith.constant 0 : i32
      %dma_start3A_100 = tpu.memref_slice %arg4[%add3A_12, %dma_start3A_99] : memref<16384x256xf32, #tpu.memory_space<hbm>> -> memref<64x256xf32, #tpu.memory_space<hbm>>
      tpu.enqueue_dma source(%arg6 : memref<64x256xf32, #tpu.memory_space<vmem>>) target(%dma_start3A_100 : memref<64x256xf32, #tpu.memory_space<hbm>>) target_semaphore(%run_scoped3A : memref<!tpu.dma_semaphore, #tpu.memory_space<semaphore_mem>>)
      %dma_wait3A_101 = arith.constant 0 : i32
      %dma_wait3A_102 = tpu.memref_slice %arg4[%add3A_12, %dma_wait3A_101] : memref<16384x256xf32, #tpu.memory_space<hbm>> -> memref<64x256xf32, #tpu.memory_space<hbm>>
      %dma_wait3A_103 = arith.constant 0 : i32
      %dma_wait3A_104 = tpu.memref_slice %arg4[%add3A_12, %dma_wait3A_103] : memref<16384x256xf32, #tpu.memory_space<hbm>> -> memref<64x256xf32, #tpu.memory_space<hbm>>
      tpu.wait_dma2 semaphore(%run_scoped3A : memref<!tpu.dma_semaphore, #tpu.memory_space<semaphore_mem>>) src(%arg6 : memref<64x256xf32, #tpu.memory_space<vmem>>) dst(%dma_wait3A_104 : memref<64x256xf32, #tpu.memory_space<hbm>>)
      tpu.yield
    }) : () -> ()
    %dma_start3A_13 = arith.constant 64 : i32
    %dma_start3A_14 = tpu.memref_slice %arg5[%dma_start3A_13] : memref<512xi32, #tpu.memory_space<vmem>> -> memref<64xi32, #tpu.memory_space<vmem>>
    %dma_start3A_15 = arith.constant 0 : i32
    %dma_start3A_16 = arith.constant 0 : i32
    %dma_start3A_17 = tpu.memref_slice %arg2[%dma_start3A_15, %dma_start3A_16] : memref<10000x256xf32, #tpu.memory_space<hbm>> -> memref<10000x256xf32, #tpu.memory_space<hbm>>
    tpu.enqueue_indirect_dma source(%dma_start3A_17 : memref<10000x256xf32, #tpu.memory_space<hbm>>) target(%arg6 : memref<64x256xf32, #tpu.memory_space<vmem>>) offsets(%dma_start3A_14 : memref<64xi32, #tpu.memory_space<vmem>>) semaphore(%arg7 : memref<!tpu.dma_semaphore, #tpu.memory_space<semaphore_mem>>)
    %dma_wait3A_18 = arith.constant 64 : i32
    %dma_wait3A_19 = tpu.memref_slice %arg5[%dma_wait3A_18] : memref<512xi32, #tpu.memory_space<vmem>> -> memref<64xi32, #tpu.memory_space<vmem>>
    %dma_wait3A_20 = arith.constant 0 : i32
    %dma_wait3A_21 = arith.constant 0 : i32
    %dma_wait3A_22 = tpu.memref_slice %arg2[%dma_wait3A_20, %dma_wait3A_21] : memref<10000x256xf32, #tpu.memory_space<hbm>> -> memref<10000x256xf32, #tpu.memory_space<hbm>>
    tpu.wait_indirect_dma semaphore(%arg7 : memref<!tpu.dma_semaphore, #tpu.memory_space<semaphore_mem>>) src(%dma_wait3A_22 : memref<10000x256xf32, #tpu.memory_space<hbm>>) dst(%arg6 : memref<64x256xf32, #tpu.memory_space<vmem>>)
    %add3A_23 = arith.constant 64 : i32
    %add3A_24 = arith.addi %mul3A_2, %add3A_23 : i32
    "tpu.region"() ({
      %run_scoped3A = tpu.sem_alloc : memref<!tpu.dma_semaphore, #tpu.memory_space<semaphore_mem>>
      %dma_start3A_97 = arith.constant 0 : i32
      %dma_start3A_98 = tpu.memref_slice %arg4[%add3A_24, %dma_start3A_97] : memref<16384x256xf32, #tpu.memory_space<hbm>> -> memref<64x256xf32, #tpu.memory_space<hbm>>
      %dma_start3A_99 = arith.constant 0 : i32
      %dma_start3A_100 = tpu.memref_slice %arg4[%add3A_24, %dma_start3A_99] : memref<16384x256xf32, #tpu.memory_space<hbm>> -> memref<64x256xf32, #tpu.memory_space<hbm>>
      tpu.enqueue_dma source(%arg6 : memref<64x256xf32, #tpu.memory_space<vmem>>) target(%dma_start3A_100 : memref<64x256xf32, #tpu.memory_space<hbm>>) target_semaphore(%run_scoped3A : memref<!tpu.dma_semaphore, #tpu.memory_space<semaphore_mem>>)
      %dma_wait3A_101 = arith.constant 0 : i32
      %dma_wait3A_102 = tpu.memref_slice %arg4[%add3A_24, %dma_wait3A_101] : memref<16384x256xf32, #tpu.memory_space<hbm>> -> memref<64x256xf32, #tpu.memory_space<hbm>>
      %dma_wait3A_103 = arith.constant 0 : i32
      %dma_wait3A_104 = tpu.memref_slice %arg4[%add3A_24, %dma_wait3A_103] : memref<16384x256xf32, #tpu.memory_space<hbm>> -> memref<64x256xf32, #tpu.memory_space<hbm>>
      tpu.wait_dma2 semaphore(%run_scoped3A : memref<!tpu.dma_semaphore, #tpu.memory_space<semaphore_mem>>) src(%arg6 : memref<64x256xf32, #tpu.memory_space<vmem>>) dst(%dma_wait3A_104 : memref<64x256xf32, #tpu.memory_space<hbm>>)
      tpu.yield
    }) : () -> ()
    %dma_start3A_25 = arith.constant 128 : i32
    %dma_start3A_26 = tpu.memref_slice %arg5[%dma_start3A_25] : memref<512xi32, #tpu.memory_space<vmem>> -> memref<64xi32, #tpu.memory_space<vmem>>
    %dma_start3A_27 = arith.constant 0 : i32
    %dma_start3A_28 = arith.constant 0 : i32
    %dma_start3A_29 = tpu.memref_slice %arg2[%dma_start3A_27, %dma_start3A_28] : memref<10000x256xf32, #tpu.memory_space<hbm>> -> memref<10000x256xf32, #tpu.memory_space<hbm>>
    tpu.enqueue_indirect_dma source(%dma_start3A_29 : memref<10000x256xf32, #tpu.memory_space<hbm>>) target(%arg6 : memref<64x256xf32, #tpu.memory_space<vmem>>) offsets(%dma_start3A_26 : memref<64xi32, #tpu.memory_space<vmem>>) semaphore(%arg7 : memref<!tpu.dma_semaphore, #tpu.memory_space<semaphore_mem>>)
    %dma_wait3A_30 = arith.constant 128 : i32
    %dma_wait3A_31 = tpu.memref_slice %arg5[%dma_wait3A_30] : memref<512xi32, #tpu.memory_space<vmem>> -> memref<64xi32, #tpu.memory_space<vmem>>
    %dma_wait3A_32 = arith.constant 0 : i32
    %dma_wait3A_33 = arith.constant 0 : i32
    %dma_wait3A_34 = tpu.memref_slice %arg2[%dma_wait3A_32, %dma_wait3A_33] : memref<10000x256xf32, #tpu.memory_space<hbm>> -> memref<10000x256xf32, #tpu.memory_space<hbm>>
    tpu.wait_indirect_dma semaphore(%arg7 : memref<!tpu.dma_semaphore, #tpu.memory_space<semaphore_mem>>) src(%dma_wait3A_34 : memref<10000x256xf32, #tpu.memory_space<hbm>>) dst(%arg6 : memref<64x256xf32, #tpu.memory_space<vmem>>)
    %add3A_35 = arith.constant 128 : i32
    %add3A_36 = arith.addi %mul3A_2, %add3A_35 : i32
    "tpu.region"() ({
      %run_scoped3A = tpu.sem_alloc : memref<!tpu.dma_semaphore, #tpu.memory_space<semaphore_mem>>
      %dma_start3A_97 = arith.constant 0 : i32
      %dma_start3A_98 = tpu.memref_slice %arg4[%add3A_36, %dma_start3A_97] : memref<16384x256xf32, #tpu.memory_space<hbm>> -> memref<64x256xf32, #tpu.memory_space<hbm>>
      %dma_start3A_99 = arith.constant 0 : i32
      %dma_start3A_100 = tpu.memref_slice %arg4[%add3A_36, %dma_start3A_99] : memref<16384x256xf32, #tpu.memory_space<hbm>> -> memref<64x256xf32, #tpu.memory_space<hbm>>
      tpu.enqueue_dma source(%arg6 : memref<64x256xf32, #tpu.memory_space<vmem>>) target(%dma_start3A_100 : memref<64x256xf32, #tpu.memory_space<hbm>>) target_semaphore(%run_scoped3A : memref<!tpu.dma_semaphore, #tpu.memory_space<semaphore_mem>>)
      %dma_wait3A_101 = arith.constant 0 : i32
      %dma_wait3A_102 = tpu.memref_slice %arg4[%add3A_36, %dma_wait3A_101] : memref<16384x256xf32, #tpu.memory_space<hbm>> -> memref<64x256xf32, #tpu.memory_space<hbm>>
      %dma_wait3A_103 = arith.constant 0 : i32
      %dma_wait3A_104 = tpu.memref_slice %arg4[%add3A_36, %dma_wait3A_103] : memref<16384x256xf32, #tpu.memory_space<hbm>> -> memref<64x256xf32, #tpu.memory_space<hbm>>
      tpu.wait_dma2 semaphore(%run_scoped3A : memref<!tpu.dma_semaphore, #tpu.memory_space<semaphore_mem>>) src(%arg6 : memref<64x256xf32, #tpu.memory_space<vmem>>) dst(%dma_wait3A_104 : memref<64x256xf32, #tpu.memory_space<hbm>>)
      tpu.yield
    }) : () -> ()
    %dma_start3A_37 = arith.constant 192 : i32
    %dma_start3A_38 = tpu.memref_slice %arg5[%dma_start3A_37] : memref<512xi32, #tpu.memory_space<vmem>> -> memref<64xi32, #tpu.memory_space<vmem>>
    %dma_start3A_39 = arith.constant 0 : i32
    %dma_start3A_40 = arith.constant 0 : i32
    %dma_start3A_41 = tpu.memref_slice %arg2[%dma_start3A_39, %dma_start3A_40] : memref<10000x256xf32, #tpu.memory_space<hbm>> -> memref<10000x256xf32, #tpu.memory_space<hbm>>
    tpu.enqueue_indirect_dma source(%dma_start3A_41 : memref<10000x256xf32, #tpu.memory_space<hbm>>) target(%arg6 : memref<64x256xf32, #tpu.memory_space<vmem>>) offsets(%dma_start3A_38 : memref<64xi32, #tpu.memory_space<vmem>>) semaphore(%arg7 : memref<!tpu.dma_semaphore, #tpu.memory_space<semaphore_mem>>)
    %dma_wait3A_42 = arith.constant 192 : i32
    %dma_wait3A_43 = tpu.memref_slice %arg5[%dma_wait3A_42] : memref<512xi32, #tpu.memory_space<vmem>> -> memref<64xi32, #tpu.memory_space<vmem>>
    %dma_wait3A_44 = arith.constant 0 : i32
    %dma_wait3A_45 = arith.constant 0 : i32
    %dma_wait3A_46 = tpu.memref_slice %arg2[%dma_wait3A_44, %dma_wait3A_45] : memref<10000x256xf32, #tpu.memory_space<hbm>> -> memref<10000x256xf32, #tpu.memory_space<hbm>>
    tpu.wait_indirect_dma semaphore(%arg7 : memref<!tpu.dma_semaphore, #tpu.memory_space<semaphore_mem>>) src(%dma_wait3A_46 : memref<10000x256xf32, #tpu.memory_space<hbm>>) dst(%arg6 : memref<64x256xf32, #tpu.memory_space<vmem>>)
    %add3A_47 = arith.constant 192 : i32
    %add3A_48 = arith.addi %mul3A_2, %add3A_47 : i32
    "tpu.region"() ({
      %run_scoped3A = tpu.sem_alloc : memref<!tpu.dma_semaphore, #tpu.memory_space<semaphore_mem>>
      %dma_start3A_97 = arith.constant 0 : i32
      %dma_start3A_98 = tpu.memref_slice %arg4[%add3A_48, %dma_start3A_97] : memref<16384x256xf32, #tpu.memory_space<hbm>> -> memref<64x256xf32, #tpu.memory_space<hbm>>
      %dma_start3A_99 = arith.constant 0 : i32
      %dma_start3A_100 = tpu.memref_slice %arg4[%add3A_48, %dma_start3A_99] : memref<16384x256xf32, #tpu.memory_space<hbm>> -> memref<64x256xf32, #tpu.memory_space<hbm>>
      tpu.enqueue_dma source(%arg6 : memref<64x256xf32, #tpu.memory_space<vmem>>) target(%dma_start3A_100 : memref<64x256xf32, #tpu.memory_space<hbm>>) target_semaphore(%run_scoped3A : memref<!tpu.dma_semaphore, #tpu.memory_space<semaphore_mem>>)
      %dma_wait3A_101 = arith.constant 0 : i32
      %dma_wait3A_102 = tpu.memref_slice %arg4[%add3A_48, %dma_wait3A_101] : memref<16384x256xf32, #tpu.memory_space<hbm>> -> memref<64x256xf32, #tpu.memory_space<hbm>>
      %dma_wait3A_103 = arith.constant 0 : i32
      %dma_wait3A_104 = tpu.memref_slice %arg4[%add3A_48, %dma_wait3A_103] : memref<16384x256xf32, #tpu.memory_space<hbm>> -> memref<64x256xf32, #tpu.memory_space<hbm>>
      tpu.wait_dma2 semaphore(%run_scoped3A : memref<!tpu.dma_semaphore, #tpu.memory_space<semaphore_mem>>) src(%arg6 : memref<64x256xf32, #tpu.memory_space<vmem>>) dst(%dma_wait3A_104 : memref<64x256xf32, #tpu.memory_space<hbm>>)
      tpu.yield
    }) : () -> ()
    %dma_start3A_49 = arith.constant 256 : i32
    %dma_start3A_50 = tpu.memref_slice %arg5[%dma_start3A_49] : memref<512xi32, #tpu.memory_space<vmem>> -> memref<64xi32, #tpu.memory_space<vmem>>
    %dma_start3A_51 = arith.constant 0 : i32
    %dma_start3A_52 = arith.constant 0 : i32
    %dma_start3A_53 = tpu.memref_slice %arg2[%dma_start3A_51, %dma_start3A_52] : memref<10000x256xf32, #tpu.memory_space<hbm>> -> memref<10000x256xf32, #tpu.memory_space<hbm>>
    tpu.enqueue_indirect_dma source(%dma_start3A_53 : memref<10000x256xf32, #tpu.memory_space<hbm>>) target(%arg6 : memref<64x256xf32, #tpu.memory_space<vmem>>) offsets(%dma_start3A_50 : memref<64xi32, #tpu.memory_space<vmem>>) semaphore(%arg7 : memref<!tpu.dma_semaphore, #tpu.memory_space<semaphore_mem>>)
    %dma_wait3A_54 = arith.constant 256 : i32
    %dma_wait3A_55 = tpu.memref_slice %arg5[%dma_wait3A_54] : memref<512xi32, #tpu.memory_space<vmem>> -> memref<64xi32, #tpu.memory_space<vmem>>
    %dma_wait3A_56 = arith.constant 0 : i32
    %dma_wait3A_57 = arith.constant 0 : i32
    %dma_wait3A_58 = tpu.memref_slice %arg2[%dma_wait3A_56, %dma_wait3A_57] : memref<10000x256xf32, #tpu.memory_space<hbm>> -> memref<10000x256xf32, #tpu.memory_space<hbm>>
    tpu.wait_indirect_dma semaphore(%arg7 : memref<!tpu.dma_semaphore, #tpu.memory_space<semaphore_mem>>) src(%dma_wait3A_58 : memref<10000x256xf32, #tpu.memory_space<hbm>>) dst(%arg6 : memref<64x256xf32, #tpu.memory_space<vmem>>)
    %add3A_59 = arith.constant 256 : i32
    %add3A_60 = arith.addi %mul3A_2, %add3A_59 : i32
    "tpu.region"() ({
      %run_scoped3A = tpu.sem_alloc : memref<!tpu.dma_semaphore, #tpu.memory_space<semaphore_mem>>
      %dma_start3A_97 = arith.constant 0 : i32
      %dma_start3A_98 = tpu.memref_slice %arg4[%add3A_60, %dma_start3A_97] : memref<16384x256xf32, #tpu.memory_space<hbm>> -> memref<64x256xf32, #tpu.memory_space<hbm>>
      %dma_start3A_99 = arith.constant 0 : i32
      %dma_start3A_100 = tpu.memref_slice %arg4[%add3A_60, %dma_start3A_99] : memref<16384x256xf32, #tpu.memory_space<hbm>> -> memref<64x256xf32, #tpu.memory_space<hbm>>
      tpu.enqueue_dma source(%arg6 : memref<64x256xf32, #tpu.memory_space<vmem>>) target(%dma_start3A_100 : memref<64x256xf32, #tpu.memory_space<hbm>>) target_semaphore(%run_scoped3A : memref<!tpu.dma_semaphore, #tpu.memory_space<semaphore_mem>>)
      %dma_wait3A_101 = arith.constant 0 : i32
      %dma_wait3A_102 = tpu.memref_slice %arg4[%add3A_60, %dma_wait3A_101] : memref<16384x256xf32, #tpu.memory_space<hbm>> -> memref<64x256xf32, #tpu.memory_space<hbm>>
      %dma_wait3A_103 = arith.constant 0 : i32
      %dma_wait3A_104 = tpu.memref_slice %arg4[%add3A_60, %dma_wait3A_103] : memref<16384x256xf32, #tpu.memory_space<hbm>> -> memref<64x256xf32, #tpu.memory_space<hbm>>
      tpu.wait_dma2 semaphore(%run_scoped3A : memref<!tpu.dma_semaphore, #tpu.memory_space<semaphore_mem>>) src(%arg6 : memref<64x256xf32, #tpu.memory_space<vmem>>) dst(%dma_wait3A_104 : memref<64x256xf32, #tpu.memory_space<hbm>>)
      tpu.yield
    }) : () -> ()
    %dma_start3A_61 = arith.constant 320 : i32
    %dma_start3A_62 = tpu.memref_slice %arg5[%dma_start3A_61] : memref<512xi32, #tpu.memory_space<vmem>> -> memref<64xi32, #tpu.memory_space<vmem>>
    %dma_start3A_63 = arith.constant 0 : i32
    %dma_start3A_64 = arith.constant 0 : i32
    %dma_start3A_65 = tpu.memref_slice %arg2[%dma_start3A_63, %dma_start3A_64] : memref<10000x256xf32, #tpu.memory_space<hbm>> -> memref<10000x256xf32, #tpu.memory_space<hbm>>
    tpu.enqueue_indirect_dma source(%dma_start3A_65 : memref<10000x256xf32, #tpu.memory_space<hbm>>) target(%arg6 : memref<64x256xf32, #tpu.memory_space<vmem>>) offsets(%dma_start3A_62 : memref<64xi32, #tpu.memory_space<vmem>>) semaphore(%arg7 : memref<!tpu.dma_semaphore, #tpu.memory_space<semaphore_mem>>)
    %dma_wait3A_66 = arith.constant 320 : i32
    %dma_wait3A_67 = tpu.memref_slice %arg5[%dma_wait3A_66] : memref<512xi32, #tpu.memory_space<vmem>> -> memref<64xi32, #tpu.memory_space<vmem>>
    %dma_wait3A_68 = arith.constant 0 : i32
    %dma_wait3A_69 = arith.constant 0 : i32
    %dma_wait3A_70 = tpu.memref_slice %arg2[%dma_wait3A_68, %dma_wait3A_69] : memref<10000x256xf32, #tpu.memory_space<hbm>> -> memref<10000x256xf32, #tpu.memory_space<hbm>>
    tpu.wait_indirect_dma semaphore(%arg7 : memref<!tpu.dma_semaphore, #tpu.memory_space<semaphore_mem>>) src(%dma_wait3A_70 : memref<10000x256xf32, #tpu.memory_space<hbm>>) dst(%arg6 : memref<64x256xf32, #tpu.memory_space<vmem>>)
    %add3A_71 = arith.constant 320 : i32
    %add3A_72 = arith.addi %mul3A_2, %add3A_71 : i32
    "tpu.region"() ({
      %run_scoped3A = tpu.sem_alloc : memref<!tpu.dma_semaphore, #tpu.memory_space<semaphore_mem>>
      %dma_start3A_97 = arith.constant 0 : i32
      %dma_start3A_98 = tpu.memref_slice %arg4[%add3A_72, %dma_start3A_97] : memref<16384x256xf32, #tpu.memory_space<hbm>> -> memref<64x256xf32, #tpu.memory_space<hbm>>
      %dma_start3A_99 = arith.constant 0 : i32
      %dma_start3A_100 = tpu.memref_slice %arg4[%add3A_72, %dma_start3A_99] : memref<16384x256xf32, #tpu.memory_space<hbm>> -> memref<64x256xf32, #tpu.memory_space<hbm>>
      tpu.enqueue_dma source(%arg6 : memref<64x256xf32, #tpu.memory_space<vmem>>) target(%dma_start3A_100 : memref<64x256xf32, #tpu.memory_space<hbm>>) target_semaphore(%run_scoped3A : memref<!tpu.dma_semaphore, #tpu.memory_space<semaphore_mem>>)
      %dma_wait3A_101 = arith.constant 0 : i32
      %dma_wait3A_102 = tpu.memref_slice %arg4[%add3A_72, %dma_wait3A_101] : memref<16384x256xf32, #tpu.memory_space<hbm>> -> memref<64x256xf32, #tpu.memory_space<hbm>>
      %dma_wait3A_103 = arith.constant 0 : i32
      %dma_wait3A_104 = tpu.memref_slice %arg4[%add3A_72, %dma_wait3A_103] : memref<16384x256xf32, #tpu.memory_space<hbm>> -> memref<64x256xf32, #tpu.memory_space<hbm>>
      tpu.wait_dma2 semaphore(%run_scoped3A : memref<!tpu.dma_semaphore, #tpu.memory_space<semaphore_mem>>) src(%arg6 : memref<64x256xf32, #tpu.memory_space<vmem>>) dst(%dma_wait3A_104 : memref<64x256xf32, #tpu.memory_space<hbm>>)
      tpu.yield
    }) : () -> ()
    %dma_start3A_73 = arith.constant 384 : i32
    %dma_start3A_74 = tpu.memref_slice %arg5[%dma_start3A_73] : memref<512xi32, #tpu.memory_space<vmem>> -> memref<64xi32, #tpu.memory_space<vmem>>
    %dma_start3A_75 = arith.constant 0 : i32
    %dma_start3A_76 = arith.constant 0 : i32
    %dma_start3A_77 = tpu.memref_slice %arg2[%dma_start3A_75, %dma_start3A_76] : memref<10000x256xf32, #tpu.memory_space<hbm>> -> memref<10000x256xf32, #tpu.memory_space<hbm>>
    tpu.enqueue_indirect_dma source(%dma_start3A_77 : memref<10000x256xf32, #tpu.memory_space<hbm>>) target(%arg6 : memref<64x256xf32, #tpu.memory_space<vmem>>) offsets(%dma_start3A_74 : memref<64xi32, #tpu.memory_space<vmem>>) semaphore(%arg7 : memref<!tpu.dma_semaphore, #tpu.memory_space<semaphore_mem>>)
    %dma_wait3A_78 = arith.constant 384 : i32
    %dma_wait3A_79 = tpu.memref_slice %arg5[%dma_wait3A_78] : memref<512xi32, #tpu.memory_space<vmem>> -> memref<64xi32, #tpu.memory_space<vmem>>
    %dma_wait3A_80 = arith.constant 0 : i32
    %dma_wait3A_81 = arith.constant 0 : i32
    %dma_wait3A_82 = tpu.memref_slice %arg2[%dma_wait3A_80, %dma_wait3A_81] : memref<10000x256xf32, #tpu.memory_space<hbm>> -> memref<10000x256xf32, #tpu.memory_space<hbm>>
    tpu.wait_indirect_dma semaphore(%arg7 : memref<!tpu.dma_semaphore, #tpu.memory_space<semaphore_mem>>) src(%dma_wait3A_82 : memref<10000x256xf32, #tpu.memory_space<hbm>>) dst(%arg6 : memref<64x256xf32, #tpu.memory_space<vmem>>)
    %add3A_83 = arith.constant 384 : i32
    %add3A_84 = arith.addi %mul3A_2, %add3A_83 : i32
    "tpu.region"() ({
      %run_scoped3A = tpu.sem_alloc : memref<!tpu.dma_semaphore, #tpu.memory_space<semaphore_mem>>
      %dma_start3A_97 = arith.constant 0 : i32
      %dma_start3A_98 = tpu.memref_slice %arg4[%add3A_84, %dma_start3A_97] : memref<16384x256xf32, #tpu.memory_space<hbm>> -> memref<64x256xf32, #tpu.memory_space<hbm>>
      %dma_start3A_99 = arith.constant 0 : i32
      %dma_start3A_100 = tpu.memref_slice %arg4[%add3A_84, %dma_start3A_99] : memref<16384x256xf32, #tpu.memory_space<hbm>> -> memref<64x256xf32, #tpu.memory_space<hbm>>
      tpu.enqueue_dma source(%arg6 : memref<64x256xf32, #tpu.memory_space<vmem>>) target(%dma_start3A_100 : memref<64x256xf32, #tpu.memory_space<hbm>>) target_semaphore(%run_scoped3A : memref<!tpu.dma_semaphore, #tpu.memory_space<semaphore_mem>>)
      %dma_wait3A_101 = arith.constant 0 : i32
      %dma_wait3A_102 = tpu.memref_slice %arg4[%add3A_84, %dma_wait3A_101] : memref<16384x256xf32, #tpu.memory_space<hbm>> -> memref<64x256xf32, #tpu.memory_space<hbm>>
      %dma_wait3A_103 = arith.constant 0 : i32
      %dma_wait3A_104 = tpu.memref_slice %arg4[%add3A_84, %dma_wait3A_103] : memref<16384x256xf32, #tpu.memory_space<hbm>> -> memref<64x256xf32, #tpu.memory_space<hbm>>
      tpu.wait_dma2 semaphore(%run_scoped3A : memref<!tpu.dma_semaphore, #tpu.memory_space<semaphore_mem>>) src(%arg6 : memref<64x256xf32, #tpu.memory_space<vmem>>) dst(%dma_wait3A_104 : memref<64x256xf32, #tpu.memory_space<hbm>>)
      tpu.yield
    }) : () -> ()
    %dma_start3A_85 = arith.constant 448 : i32
    %dma_start3A_86 = tpu.memref_slice %arg5[%dma_start3A_85] : memref<512xi32, #tpu.memory_space<vmem>> -> memref<64xi32, #tpu.memory_space<vmem>>
    %dma_start3A_87 = arith.constant 0 : i32
    %dma_start3A_88 = arith.constant 0 : i32
    %dma_start3A_89 = tpu.memref_slice %arg2[%dma_start3A_87, %dma_start3A_88] : memref<10000x256xf32, #tpu.memory_space<hbm>> -> memref<10000x256xf32, #tpu.memory_space<hbm>>
    tpu.enqueue_indirect_dma source(%dma_start3A_89 : memref<10000x256xf32, #tpu.memory_space<hbm>>) target(%arg6 : memref<64x256xf32, #tpu.memory_space<vmem>>) offsets(%dma_start3A_86 : memref<64xi32, #tpu.memory_space<vmem>>) semaphore(%arg7 : memref<!tpu.dma_semaphore, #tpu.memory_space<semaphore_mem>>)
    %dma_wait3A_90 = arith.constant 448 : i32
    %dma_wait3A_91 = tpu.memref_slice %arg5[%dma_wait3A_90] : memref<512xi32, #tpu.memory_space<vmem>> -> memref<64xi32, #tpu.memory_space<vmem>>
    %dma_wait3A_92 = arith.constant 0 : i32
    %dma_wait3A_93 = arith.constant 0 : i32
    %dma_wait3A_94 = tpu.memref_slice %arg2[%dma_wait3A_92, %dma_wait3A_93] : memref<10000x256xf32, #tpu.memory_space<hbm>> -> memref<10000x256xf32, #tpu.memory_space<hbm>>
    tpu.wait_indirect_dma semaphore(%arg7 : memref<!tpu.dma_semaphore, #tpu.memory_space<semaphore_mem>>) src(%dma_wait3A_94 : memref<10000x256xf32, #tpu.memory_space<hbm>>) dst(%arg6 : memref<64x256xf32, #tpu.memory_space<vmem>>)
    %add3A_95 = arith.constant 448 : i32
    %add3A_96 = arith.addi %mul3A_2, %add3A_95 : i32
    "tpu.region"() ({
      %run_scoped3A = tpu.sem_alloc : memref<!tpu.dma_semaphore, #tpu.memory_space<semaphore_mem>>
      %dma_start3A_97 = arith.constant 0 : i32
      %dma_start3A_98 = tpu.memref_slice %arg4[%add3A_96, %dma_start3A_97] : memref<16384x256xf32, #tpu.memory_space<hbm>> -> memref<64x256xf32, #tpu.memory_space<hbm>>
      %dma_start3A_99 = arith.constant 0 : i32
      %dma_start3A_100 = tpu.memref_slice %arg4[%add3A_96, %dma_start3A_99] : memref<16384x256xf32, #tpu.memory_space<hbm>> -> memref<64x256xf32, #tpu.memory_space<hbm>>
      tpu.enqueue_dma source(%arg6 : memref<64x256xf32, #tpu.memory_space<vmem>>) target(%dma_start3A_100 : memref<64x256xf32, #tpu.memory_space<hbm>>) target_semaphore(%run_scoped3A : memref<!tpu.dma_semaphore, #tpu.memory_space<semaphore_mem>>)
      %dma_wait3A_101 = arith.constant 0 : i32
      %dma_wait3A_102 = tpu.memref_slice %arg4[%add3A_96, %dma_wait3A_101] : memref<16384x256xf32, #tpu.memory_space<hbm>> -> memref<64x256xf32, #tpu.memory_space<hbm>>
      %dma_wait3A_103 = arith.constant 0 : i32
      %dma_wait3A_104 = tpu.memref_slice %arg4[%add3A_96, %dma_wait3A_103] : memref<16384x256xf32, #tpu.memory_space<hbm>> -> memref<64x256xf32, #tpu.memory_space<hbm>>
      tpu.wait_dma2 semaphore(%run_scoped3A : memref<!tpu.dma_semaphore, #tpu.memory_space<semaphore_mem>>) src(%arg6 : memref<64x256xf32, #tpu.memory_space<vmem>>) dst(%dma_wait3A_104 : memref<64x256xf32, #tpu.memory_space<hbm>>)
      tpu.yield
    }) : () -> ()
    return
  }
}

module attributes {stable_mosaic.version = 14 : i64} {
  func.func @_gin_layer_body(%arg0: i32, %arg1: memref<1x1xf32, #tpu.memory_space<smem>>, %arg2: memref<1000x256xf32, #tpu.memory_space<vmem>>, %arg3: memref<1000x256xf32, #tpu.memory_space<vmem>>, %arg4: memref<256x256xf32, #tpu.memory_space<vmem>>, %arg5: memref<1x256xf32, #tpu.memory_space<vmem>>, %arg6: memref<256x256xf32, #tpu.memory_space<vmem>>, %arg7: memref<1x256xf32, #tpu.memory_space<vmem>>, %arg8: memref<1000x256xf32, #tpu.memory_space<vmem>>) attributes {dimension_semantics = [#tpu.dimension_semantics<arbitrary>], iteration_bounds = array<i64: 10>, scalar_prefetch = 0 : i64, scratch_operands = 0 : i64, tpu.core_type = #tpu.core_type<tc>, window_params = [{transform_indices = @transform_0, window_bounds = array<i64: 1, 1>}, {transform_indices = @transform_1, window_bounds = array<i64: 1000, 256>}, {transform_indices = @transform_2, window_bounds = array<i64: 1000, 256>}, {pipeline_mode = #tpu.pipeline_mode<synchronous>, transform_indices = @transform_3, window_bounds = array<i64: 256, 256>}, {pipeline_mode = #tpu.pipeline_mode<synchronous>, transform_indices = @transform_4, window_bounds = array<i64: 1, 256>}, {pipeline_mode = #tpu.pipeline_mode<synchronous>, transform_indices = @transform_5, window_bounds = array<i64: 256, 256>}, {pipeline_mode = #tpu.pipeline_mode<synchronous>, transform_indices = @transform_6, window_bounds = array<i64: 1, 256>}, {transform_indices = @transform_7, window_bounds = array<i64: 1000, 256>}]} {
    %get3A = arith.constant 0 : index
    %get3A_0 = arith.constant 0 : index
    %get3A_1 = memref.load %arg1[%get3A, %get3A_0] : memref<1x1xf32, #tpu.memory_space<smem>>
    %get3A_2 = arith.constant 0 : index
    %get3A_3 = arith.constant 0 : index
    %get3A_4 = vector.load %arg2[%get3A_2, %get3A_3] : memref<1000x256xf32, #tpu.memory_space<vmem>>, vector<1000x256xf32>
    %mul3A = vector.broadcast %get3A_1 : f32 to vector<1000x256xf32>
    %mul3A_5 = arith.mulf %mul3A, %get3A_4 : vector<1000x256xf32>
    %get3A_6 = arith.constant 0 : index
    %get3A_7 = arith.constant 0 : index
    %get3A_8 = vector.load %arg3[%get3A_6, %get3A_7] : memref<1000x256xf32, #tpu.memory_space<vmem>>, vector<1000x256xf32>
    %add3A = arith.addf %mul3A_5, %get3A_8 : vector<1000x256xf32>
    %get3A_9 = arith.constant 0 : index
    %get3A_10 = arith.constant 0 : index
    %get3A_11 = vector.load %arg4[%get3A_9, %get3A_10] : memref<256x256xf32, #tpu.memory_space<vmem>>, vector<256x256xf32>
    %dot_general3A = arith.constant dense<0.000000e+00> : vector<1000x256xf32>
    %dot_general3A_12 = tpu.matmul %add3A, %get3A_11, %dot_general3A {dimension_numbers = #tpu.dot_dimension_numbers<[1], [0], [0], [1], [0, 0, 1, 1], [], []>, transpose_lhs_hint = false} : vector<1000x256xf32>, vector<256x256xf32>, vector<1000x256xf32> -> vector<1000x256xf32>
    %get3A_13 = arith.constant 0 : index
    %get3A_14 = arith.constant 0 : index
    %get3A_15 = vector.load %arg5[%get3A_13, %get3A_14] : memref<1x256xf32, #tpu.memory_space<vmem>>, vector<1x256xf32>
    %add3A_16 = vector.broadcast %get3A_15 : vector<1x256xf32> to vector<1000x256xf32>
    %add3A_17 = arith.addf %dot_general3A_12, %add3A_16 : vector<1000x256xf32>
    %max3A = arith.constant 0.000000e+00 : f32
    %max3A_18 = vector.broadcast %max3A : f32 to vector<1000x256xf32>
    %max3A_19 = arith.maximumf %add3A_17, %max3A_18 : vector<1000x256xf32>
    %get3A_20 = arith.constant 0 : index
    %get3A_21 = arith.constant 0 : index
    %get3A_22 = vector.load %arg6[%get3A_20, %get3A_21] : memref<256x256xf32, #tpu.memory_space<vmem>>, vector<256x256xf32>
    %dot_general3A_23 = arith.constant dense<0.000000e+00> : vector<1000x256xf32>
    %dot_general3A_24 = tpu.matmul %max3A_19, %get3A_22, %dot_general3A_23 {dimension_numbers = #tpu.dot_dimension_numbers<[1], [0], [0], [1], [0, 0, 1, 1], [], []>, transpose_lhs_hint = false} : vector<1000x256xf32>, vector<256x256xf32>, vector<1000x256xf32> -> vector<1000x256xf32>
    %get3A_25 = arith.constant 0 : index
    %get3A_26 = arith.constant 0 : index
    %get3A_27 = vector.load %arg7[%get3A_25, %get3A_26] : memref<1x256xf32, #tpu.memory_space<vmem>>, vector<1x256xf32>
    %add3A_28 = vector.broadcast %get3A_27 : vector<1x256xf32> to vector<1000x256xf32>
    %add3A_29 = arith.addf %dot_general3A_24, %add3A_28 : vector<1000x256xf32>
    %max3A_30 = arith.constant 0.000000e+00 : f32
    %max3A_31 = vector.broadcast %max3A_30 : f32 to vector<1000x256xf32>
    %max3A_32 = arith.maximumf %add3A_29, %max3A_31 : vector<1000x256xf32>
    %add3A_33 = arith.addf %max3A_19, %max3A_32 : vector<1000x256xf32>
    %swap3A = arith.constant 0 : index
    %swap3A_34 = arith.constant 0 : index
    %swap3A_35 = vector.load %arg8[%swap3A, %swap3A_34] : memref<1000x256xf32, #tpu.memory_space<vmem>>, vector<1000x256xf32>
    tpu.vector_store %arg8[%swap3A, %swap3A_34], %add3A_33 {strides = array<i32>} : memref<1000x256xf32, #tpu.memory_space<vmem>>, vector<1000x256xf32>,
    return
  }
  func.func @transform_0(%arg0: i32) -> (i32, i32) {
    %c0_i32 = arith.constant 0 : i32
    %c0_i32_0 = arith.constant 0 : i32
    %c0_i32_1 = arith.constant 0 : i32
    return %c0_i32, %c0_i32_0 : i32, i32
  }
  func.func @transform_1(%arg0: i32) -> (i32, i32) {
    %c0_i32 = arith.constant 0 : i32
    %c0_i32_0 = arith.constant 0 : i32
    return %arg0, %c0_i32 : i32, i32
  }
  func.func @transform_2(%arg0: i32) -> (i32, i32) {
    %c0_i32 = arith.constant 0 : i32
    %c0_i32_0 = arith.constant 0 : i32
    return %arg0, %c0_i32 : i32, i32
  }
  func.func @transform_3(%arg0: i32) -> (i32, i32) {
    %c0_i32 = arith.constant 0 : i32
    %c0_i32_0 = arith.constant 0 : i32
    %c0_i32_1 = arith.constant 0 : i32
    return %c0_i32, %c0_i32_0 : i32, i32
  }
  func.func @transform_4(%arg0: i32) -> (i32, i32) {
    %c0_i32 = arith.constant 0 : i32
    %c0_i32_0 = arith.constant 0 : i32
    %c0_i32_1 = arith.constant 0 : i32
    return %c0_i32, %c0_i32_0 : i32, i32
  }
  func.func @transform_5(%arg0: i32) -> (i32, i32) {
    %c0_i32 = arith.constant 0 : i32
    %c0_i32_0 = arith.constant 0 : i32
    %c0_i32_1 = arith.constant 0 : i32
    return %c0_i32, %c0_i32_0 : i32, i32
  }
  func.func @transform_6(%arg0: i32) -> (i32, i32) {
    %c0_i32 = arith.constant 0 : i32
    %c0_i32_0 = arith.constant 0 : i32
    %c0_i32_1 = arith.constant 0 : i32
    return %c0_i32, %c0_i32_0 : i32, i32
  }
  func.func @transform_7(%arg0: i32) -> (i32, i32) {
    %c0_i32 = arith.constant 0 : i32
    %c0_i32_0 = arith.constant 0 : i32
    return %arg0, %c0_i32 : i32, i32
  }
}

module attributes {stable_mosaic.version = 14 : i64} {
  func.func @_gin_layer3_attn_body(%arg0: i32, %arg1: memref<1x1xf32, #tpu.memory_space<smem>>, %arg2: memref<1000x256xf32, #tpu.memory_space<vmem>>, %arg3: memref<1000x256xf32, #tpu.memory_space<vmem>>, %arg4: memref<256x256xf32, #tpu.memory_space<vmem>>, %arg5: memref<1x256xf32, #tpu.memory_space<vmem>>, %arg6: memref<256x256xf32, #tpu.memory_space<vmem>>, %arg7: memref<1x256xf32, #tpu.memory_space<vmem>>, %arg8: memref<1000x256xf32, #tpu.memory_space<vmem>>, %arg9: memref<1000x256xf32, #tpu.memory_space<vmem>>, %arg10: memref<1x256xf32, #tpu.memory_space<vmem>>, %arg11: memref<1x1xf32, #tpu.memory_space<smem>>, %arg12: memref<1000x256xf32, #tpu.memory_space<vmem>>) attributes {dimension_semantics = [#tpu.dimension_semantics<arbitrary>], iteration_bounds = array<i64: 10>, scalar_prefetch = 0 : i64, scratch_operands = 0 : i64, tpu.core_type = #tpu.core_type<tc>, window_params = [{transform_indices = @transform_0, window_bounds = array<i64: 1, 1>}, {transform_indices = @transform_1, window_bounds = array<i64: 1000, 256>}, {transform_indices = @transform_2, window_bounds = array<i64: 1000, 256>}, {pipeline_mode = #tpu.pipeline_mode<synchronous>, transform_indices = @transform_3, window_bounds = array<i64: 256, 256>}, {pipeline_mode = #tpu.pipeline_mode<synchronous>, transform_indices = @transform_4, window_bounds = array<i64: 1, 256>}, {pipeline_mode = #tpu.pipeline_mode<synchronous>, transform_indices = @transform_5, window_bounds = array<i64: 256, 256>}, {pipeline_mode = #tpu.pipeline_mode<synchronous>, transform_indices = @transform_6, window_bounds = array<i64: 1, 256>}, {transform_indices = @transform_7, window_bounds = array<i64: 1000, 256>}, {transform_indices = @transform_8, window_bounds = array<i64: 1000, 256>}, {pipeline_mode = #tpu.pipeline_mode<synchronous>, transform_indices = @transform_9, window_bounds = array<i64: 1, 256>}, {transform_indices = @transform_10, window_bounds = array<i64: 1, 1>}, {transform_indices = @transform_11, window_bounds = array<i64: 1000, 256>}]} {
    %get3A = arith.constant 0 : index
    %get3A_0 = arith.constant 0 : index
    %get3A_1 = memref.load %arg1[%get3A, %get3A_0] : memref<1x1xf32, #tpu.memory_space<smem>>
    %get3A_2 = arith.constant 0 : index
    %get3A_3 = arith.constant 0 : index
    %get3A_4 = vector.load %arg2[%get3A_2, %get3A_3] : memref<1000x256xf32, #tpu.memory_space<vmem>>, vector<1000x256xf32>
    %mul3A = vector.broadcast %get3A_1 : f32 to vector<1000x256xf32>
    %mul3A_5 = arith.mulf %mul3A, %get3A_4 : vector<1000x256xf32>
    %get3A_6 = arith.constant 0 : index
    %get3A_7 = arith.constant 0 : index
    %get3A_8 = vector.load %arg3[%get3A_6, %get3A_7] : memref<1000x256xf32, #tpu.memory_space<vmem>>, vector<1000x256xf32>
    %add3A = arith.addf %mul3A_5, %get3A_8 : vector<1000x256xf32>
    %get3A_9 = arith.constant 0 : index
    %get3A_10 = arith.constant 0 : index
    %get3A_11 = vector.load %arg4[%get3A_9, %get3A_10] : memref<256x256xf32, #tpu.memory_space<vmem>>, vector<256x256xf32>
    %dot_general3A = arith.constant dense<0.000000e+00> : vector<1000x256xf32>
    %dot_general3A_12 = tpu.matmul %add3A, %get3A_11, %dot_general3A {dimension_numbers = #tpu.dot_dimension_numbers<[1], [0], [0], [1], [0, 0, 1, 1], [], []>, transpose_lhs_hint = false} : vector<1000x256xf32>, vector<256x256xf32>, vector<1000x256xf32> -> vector<1000x256xf32>
    %get3A_13 = arith.constant 0 : index
    %get3A_14 = arith.constant 0 : index
    %get3A_15 = vector.load %arg5[%get3A_13, %get3A_14] : memref<1x256xf32, #tpu.memory_space<vmem>>, vector<1x256xf32>
    %add3A_16 = vector.broadcast %get3A_15 : vector<1x256xf32> to vector<1000x256xf32>
    %add3A_17 = arith.addf %dot_general3A_12, %add3A_16 : vector<1000x256xf32>
    %max3A = arith.constant 0.000000e+00 : f32
    %max3A_18 = vector.broadcast %max3A : f32 to vector<1000x256xf32>
    %max3A_19 = arith.maximumf %add3A_17, %max3A_18 : vector<1000x256xf32>
    %get3A_20 = arith.constant 0 : index
    %get3A_21 = arith.constant 0 : index
    %get3A_22 = vector.load %arg6[%get3A_20, %get3A_21] : memref<256x256xf32, #tpu.memory_space<vmem>>, vector<256x256xf32>
    %dot_general3A_23 = arith.constant dense<0.000000e+00> : vector<1000x256xf32>
    %dot_general3A_24 = tpu.matmul %max3A_19, %get3A_22, %dot_general3A_23 {dimension_numbers = #tpu.dot_dimension_numbers<[1], [0], [0], [1], [0, 0, 1, 1], [], []>, transpose_lhs_hint = false} : vector<1000x256xf32>, vector<256x256xf32>, vector<1000x256xf32> -> vector<1000x256xf32>
    %get3A_25 = arith.constant 0 : index
    %get3A_26 = arith.constant 0 : index
    %get3A_27 = vector.load %arg7[%get3A_25, %get3A_26] : memref<1x256xf32, #tpu.memory_space<vmem>>, vector<1x256xf32>
    %add3A_28 = vector.broadcast %get3A_27 : vector<1x256xf32> to vector<1000x256xf32>
    %add3A_29 = arith.addf %dot_general3A_24, %add3A_28 : vector<1000x256xf32>
    %max3A_30 = arith.constant 0.000000e+00 : f32
    %max3A_31 = vector.broadcast %max3A_30 : f32 to vector<1000x256xf32>
    %max3A_32 = arith.maximumf %add3A_29, %max3A_31 : vector<1000x256xf32>
    %add3A_33 = arith.addf %max3A_19, %max3A_32 : vector<1000x256xf32>
    %get3A_34 = arith.constant 0 : index
    %get3A_35 = arith.constant 0 : index
    %get3A_36 = vector.load %arg8[%get3A_34, %get3A_35] : memref<1000x256xf32, #tpu.memory_space<vmem>>, vector<1000x256xf32>
    %get3A_37 = arith.constant 0 : index
    %get3A_38 = arith.constant 0 : index
    %get3A_39 = vector.load %arg9[%get3A_37, %get3A_38] : memref<1000x256xf32, #tpu.memory_space<vmem>>, vector<1000x256xf32>
    %get3A_40 = arith.constant 0 : index
    %get3A_41 = arith.constant 0 : index
    %get3A_42 = vector.load %arg10[%get3A_40, %get3A_41] : memref<1x256xf32, #tpu.memory_space<vmem>>, vector<1x256xf32>
    %get3A_43 = arith.constant 0 : index
    %get3A_44 = arith.constant 0 : index
    %get3A_45 = memref.load %arg11[%get3A_43, %get3A_44] : memref<1x1xf32, #tpu.memory_space<smem>>
    %mul3A_46 = vector.broadcast %get3A_42 : vector<1x256xf32> to vector<1000x256xf32>
    %mul3A_47 = arith.mulf %get3A_36, %mul3A_46 : vector<1000x256xf32>
    %reduce_sum3A = arith.constant dense<0.000000e+00> : vector<1000xf32>
    %reduce_sum3A_48 = vector.multi_reduction <add>, %mul3A_47, %reduce_sum3A [1] : vector<1000x256xf32> to vector<1000xf32>
    %broadcast_in_dim3A = vector.shape_cast %reduce_sum3A_48 : vector<1000xf32> to vector<1000x1xf32>
    %add3A_49 = vector.broadcast %get3A_45 : f32 to vector<1000x1xf32>
    %add3A_50 = arith.addf %broadcast_in_dim3A, %add3A_49 : vector<1000x1xf32>
    %mul3A_51 = vector.broadcast %get3A_42 : vector<1x256xf32> to vector<1000x256xf32>
    %mul3A_52 = arith.mulf %get3A_39, %mul3A_51 : vector<1000x256xf32>
    %reduce_sum3A_53 = arith.constant dense<0.000000e+00> : vector<1000xf32>
    %reduce_sum3A_54 = vector.multi_reduction <add>, %mul3A_52, %reduce_sum3A_53 [1] : vector<1000x256xf32> to vector<1000xf32>
    %broadcast_in_dim3A_55 = vector.shape_cast %reduce_sum3A_54 : vector<1000xf32> to vector<1000x1xf32>
    %add3A_56 = vector.broadcast %get3A_45 : f32 to vector<1000x1xf32>
    %add3A_57 = arith.addf %broadcast_in_dim3A_55, %add3A_56 : vector<1000x1xf32>
    %mul3A_58 = vector.broadcast %get3A_42 : vector<1x256xf32> to vector<1000x256xf32>
    %mul3A_59 = arith.mulf %add3A_33, %mul3A_58 : vector<1000x256xf32>
    %reduce_sum3A_60 = arith.constant dense<0.000000e+00> : vector<1000xf32>
    %reduce_sum3A_61 = vector.multi_reduction <add>, %mul3A_59, %reduce_sum3A_60 [1] : vector<1000x256xf32> to vector<1000xf32>
    %broadcast_in_dim3A_62 = vector.shape_cast %reduce_sum3A_61 : vector<1000xf32> to vector<1000x1xf32>
    %add3A_63 = vector.broadcast %get3A_45 : f32 to vector<1000x1xf32>
    %add3A_64 = arith.addf %broadcast_in_dim3A_62, %add3A_63 : vector<1000x1xf32>
    %max3A_65 = arith.maximumf %add3A_50, %add3A_57 : vector<1000x1xf32>
    %max3A_66 = arith.maximumf %max3A_65, %add3A_64 : vector<1000x1xf32>
    %sub3A = arith.subf %add3A_50, %max3A_66 : vector<1000x1xf32>
    %exp3A = math.exp %sub3A : vector<1000x1xf32>
    %sub3A_67 = arith.subf %add3A_57, %max3A_66 : vector<1000x1xf32>
    %exp3A_68 = math.exp %sub3A_67 : vector<1000x1xf32>
    %sub3A_69 = arith.subf %add3A_64, %max3A_66 : vector<1000x1xf32>
    %exp3A_70 = math.exp %sub3A_69 : vector<1000x1xf32>
    %add3A_71 = arith.addf %exp3A, %exp3A_68 : vector<1000x1xf32>
    %add3A_72 = arith.addf %add3A_71, %exp3A_70 : vector<1000x1xf32>
    %mul3A_73 = vector.broadcast %exp3A : vector<1000x1xf32> to vector<1000x256xf32>
    %mul3A_74 = arith.mulf %mul3A_73, %get3A_36 : vector<1000x256xf32>
    %mul3A_75 = vector.broadcast %exp3A_68 : vector<1000x1xf32> to vector<1000x256xf32>
    %mul3A_76 = arith.mulf %mul3A_75, %get3A_39 : vector<1000x256xf32>
    %add3A_77 = arith.addf %mul3A_74, %mul3A_76 : vector<1000x256xf32>
    %mul3A_78 = vector.broadcast %exp3A_70 : vector<1000x1xf32> to vector<1000x256xf32>
    %mul3A_79 = arith.mulf %mul3A_78, %add3A_33 : vector<1000x256xf32>
    %add3A_80 = arith.addf %add3A_77, %mul3A_79 : vector<1000x256xf32>
    %div3A = vector.broadcast %add3A_72 : vector<1000x1xf32> to vector<1000x256xf32>
    %div3A_81 = arith.divf %add3A_80, %div3A : vector<1000x256xf32>
    %swap3A = arith.constant 0 : index
    %swap3A_82 = arith.constant 0 : index
    %swap3A_83 = vector.load %arg12[%swap3A, %swap3A_82] : memref<1000x256xf32, #tpu.memory_space<vmem>>, vector<1000x256xf32>
    tpu.vector_store %arg12[%swap3A, %swap3A_82], %div3A_81 {strides = array<i32>} : memref<1000x256xf32, #tpu.memory_space<vmem>>, vector<1000x256xf32>,
    return
  }
  func.func @transform_0(%arg0: i32) -> (i32, i32) {
    %c0_i32 = arith.constant 0 : i32
    %c0_i32_0 = arith.constant 0 : i32
    %c0_i32_1 = arith.constant 0 : i32
    return %c0_i32, %c0_i32_0 : i32, i32
  }
  func.func @transform_1(%arg0: i32) -> (i32, i32) {
    %c0_i32 = arith.constant 0 : i32
    %c0_i32_0 = arith.constant 0 : i32
    return %arg0, %c0_i32 : i32, i32
  }
  func.func @transform_2(%arg0: i32) -> (i32, i32) {
    %c0_i32 = arith.constant 0 : i32
    %c0_i32_0 = arith.constant 0 : i32
    return %arg0, %c0_i32 : i32, i32
  }
  func.func @transform_3(%arg0: i32) -> (i32, i32) {
    %c0_i32 = arith.constant 0 : i32
    %c0_i32_0 = arith.constant 0 : i32
    %c0_i32_1 = arith.constant 0 : i32
    return %c0_i32, %c0_i32_0 : i32, i32
  }
  func.func @transform_4(%arg0: i32) -> (i32, i32) {
    %c0_i32 = arith.constant 0 : i32
    %c0_i32_0 = arith.constant 0 : i32
    %c0_i32_1 = arith.constant 0 : i32
    return %c0_i32, %c0_i32_0 : i32, i32
  }
  func.func @transform_5(%arg0: i32) -> (i32, i32) {
    %c0_i32 = arith.constant 0 : i32
    %c0_i32_0 = arith.constant 0 : i32
    %c0_i32_1 = arith.constant 0 : i32
    return %c0_i32, %c0_i32_0 : i32, i32
  }
  func.func @transform_6(%arg0: i32) -> (i32, i32) {
    %c0_i32 = arith.constant 0 : i32
    %c0_i32_0 = arith.constant 0 : i32
    %c0_i32_1 = arith.constant 0 : i32
    return %c0_i32, %c0_i32_0 : i32, i32
  }
  func.func @transform_7(%arg0: i32) -> (i32, i32) {
    %c0_i32 = arith.constant 0 : i32
    %c0_i32_0 = arith.constant 0 : i32
    return %arg0, %c0_i32 : i32, i32
  }
  func.func @transform_8(%arg0: i32) -> (i32, i32) {
    %c0_i32 = arith.constant 0 : i32
    %c0_i32_0 = arith.constant 0 : i32
    return %arg0, %c0_i32 : i32, i32
  }
  func.func @transform_9(%arg0: i32) -> (i32, i32) {
    %c0_i32 = arith.constant 0 : i32
    %c0_i32_0 = arith.constant 0 : i32
    %c0_i32_1 = arith.constant 0 : i32
    return %c0_i32, %c0_i32_0 : i32, i32
  }
  func.func @transform_10(%arg0: i32) -> (i32, i32) {
    %c0_i32 = arith.constant 0 : i32
    %c0_i32_0 = arith.constant 0 : i32
    %c0_i32_1 = arith.constant 0 : i32
    return %c0_i32, %c0_i32_0 : i32, i32
  }
  func.func @transform_11(%arg0: i32) -> (i32, i32) {
    %c0_i32 = arith.constant 0 : i32
    %c0_i32_0 = arith.constant 0 : i32
    return %arg0, %c0_i32 : i32, i32
  }
}

</mosaic_0001>

<sc_bundles>
// kernel: kernel.10.cloned.1.call-start
scs
__scs_entry_jumppad:
0x0: {  	(pc) =	sbr.rel $0x88, $3  }
0x1: {  	(tag) =	ssettag $0x0;
	lr =	simm.s32 $0x1  }
0x2: {  	[smem:$0x3F8F] =	sst lr;
	_ =	strace $0xD0000000  }
0x3: {  	_ = 	snop  }
0x4: {  	_ = 	snop  }
0x5: {  	_ = 	snop  }
0x6: {  	_ = 	snop  }
0x7: {  	_ = 	snop  }
__scs_overlays_trampoline_lowered:
0x8: {  	[smem:$0x3F9E] =	sst s0  }
0x9: {  	[smem:$0x3F9F] =	sst s1  }
0xa: {  	[smem:$0x3FA0] =	sst s2  }
0xb: {  	[smem:$0x3FA1] =	sst s3  }
0xc: {  	[smem:$0x3FA2] =	sst s4  }
0xd: {  	[smem:$0x3FA3] =	sst s5  }
0xe: {  	[smem:$0x3FA4] =	sst s6  }
0xf: {  	[smem:$0x3FA5] =	sst s7  }
0x10: {  	[smem:$0x3FA6] =	sst s8  }
0x11: {  	[smem:$0x3FA7] =	sst s9;
	s0 =	simm.s32 @!p0 $0x0  }
0x12: {  	s1 =	sld [smem:$0x3F8D];
	s0 =	simm.s32 @p0 $0x1  }
0x13: {  	[smem:$0x3FA8] =	sst s0;
	s0 =	simm.s32 @!p1 $0x0  }
0x14: {  	s2 =	sld [smem:$0x3F8C];
	s0 =	simm.s32 @p1 $0x1  }
0x15: {  	[smem:$0x3FA9] =	sst s0;
	s0 =	simm.s32 @!p2 $0x0  }
0x16: {  	s3 =	sld [smem:$0x3FDB];
	s0 =	simm.s32 @p2 $0x1  }
0x17: {  	s4 =	simm.s32 $0x1BF5;
	[smem:$0x3FAB] =	sst s0  }
0x18: {  	s0 =	sld [smem:$0x3F8E];
	_ =	swait.ge [sflag:s4], $0x0  }
0x19: {  	s7 =	sld [smem:$0x3F8F]  }
0x1a: {  	s8 =	sadd.s32 $0xFFFFE003, lr  }
0x1b: {  	s9 =	sadd.s32 $0xFFFFFEF7, lr;
	s5 =	simm.s32 $0xFFFFFFFF;
	p2 =	slt.u32 s8, $0xFFFFF086  }
0x1c: {  	p1 =	slt.u32 s9, $0xF7A;
	s5 =	simm.s32 @!p2 $0x0  }
0x1d: {  	s5 =	simm.s32 @p1 $0x1;
	p0 =	seq.s32 s7, s2  }
0x1e: {  	s7 =	smul.u32 @!p0 $0xF7A, s2;
	p2 =	seq.s32 @!p0 s5, $0x0  }
0x1f: {  	s9 =	smul.u32 $0xF7A, s1;
	s8 =	simm.s32 @!p0 $0x1BF5;
	p2 =	por !p2, p0  }
0x20: {  	[sflag:s8] =	ssyncset.s32 @!p0 $0xFFFFF086;
	s6 =	sadd.s32 @!p0 s3, s7;
	s7 =	simm.s32 @!p0 $0x108  }
0x21: {  	s3 =	sadd.s32 s3, s9;
	s6 =	sadd.s32 @!p0 $0x88, s6;
	s7 =	simm.s32 @p2 $0x1082  }
0x22: {  	[simem:s7], [sflag:s8] =	dma.local @!p0 [hbm:s6], $0xF7A  }
0x23: {  	s9 =	sor.u32 $0xD0000000, s2;
	s6 =	simm.s32 $0x108;
	_ =	swait.ge @!p0 [sflag:s8], $0x0  }
0x24: {  	s3 =	sadd.s32 $0x88, s3;
	s6 =	simm.s32 @!p1 $0x1082;
	[sflag:s4] =	ssyncset.s32 $0xFFFFF086  }
0x25: {  	[simem:s6], [sflag:s4] =	dma.local [hbm:s3], $0xF7A  }
0x26: {  	[smem:$0x3F8F] =	sst s1;
	(tag) =	ssettag s2;
	_ =	strace s9  }
0x27: {  	s1 =	sld [smem:$0x3F9F]  }
0x28: {  	s2 =	sld [smem:$0x3FA0]  }
0x29: {  	s4 =	sld [smem:$0x3FA2]  }
0x2a: {  	p0 =	seq.s32 s5, $0x0;
	s5 =	sld [smem:$0x3FA3]  }
0x2b: {  	s6 =	sld [smem:$0x3FA4]  }
0x2c: {  	s7 =	sld [smem:$0x3FA5]  }
0x2d: {  	s3 =	simm.s32 $0x108;
	s8 =	sld [smem:$0x3FA6]  }
0x2e: {  	s3 =	simm.s32 @!p0 $0x1082;
	s9 =	sld [smem:$0x3FA7]  }
0x2f: {  	lr =	sadd.s32 s0, s3;
	s0 =	sld [smem:$0x3F9E]  }
0x30: {  	s3 =	sld [smem:$0x3FA1]  }
0x31: {  	[smem:$0x3FAA] =	sst s10  }
0x32: {  	s10 =	sld [smem:$0x3FA8];
	_ =	sdelay $0x3  }
0x33: {  	p0 =	seq.s32 s10, $0x1;
	s10 =	sld [smem:$0x3FAA];
	_ =	sdelay $0x3  }
0x34: {  	[smem:$0x3FAA] =	sst s10  }
0x35: {  	s10 =	sld [smem:$0x3FA9];
	_ =	sdelay $0x3  }
0x36: {  	p1 =	seq.s32 s10, $0x1;
	s10 =	sld [smem:$0x3FAA];
	_ =	sdelay $0x3  }
0x37: {  	[smem:$0x3FAA] =	sst s10  }
0x38: {  	s10 =	sld [smem:$0x3FAB]  }
0x39: {  	_ = 	snop;
	(pc) =	sbr.ind lr, $3  }
0x3a: {  	_ = 	snop  }
0x3b: {  	_ = 	snop  }
0x3c: {  	p2 =	seq.s32 s10, $0x1;
	s10 =	sld [smem:$0x3FAA]  }
0x3d: {  	_ =	shalt  }
0x3e: {  	_ =	shalt  }
0x3f: {  	_ =	shalt  }
0x40: {  	_ =	shalt  }
0x41: {  	_ =	shalt  }
0x42: {  	_ =	shalt  }
0x43: {  	_ =	shalt  }
0x44: {  	_ =	shalt  }
0x45: {  	_ =	shalt  }
0x46: {  	_ =	shalt  }
0x47: {  	_ =	shalt  }
0x48: {  	_ =	shalt  }
0x49: {  	_ =	shalt  }
0x4a: {  	_ =	shalt  }
0x4b: {  	_ =	shalt  }
0x4c: {  	_ =	shalt  }
0x4d: {  	_ =	shalt  }
0x4e: {  	_ =	shalt  }
0x4f: {  	_ =	shalt  }
0x50: {  	_ =	shalt  }
0x51: {  	_ =	shalt  }
0x52: {  	_ =	shalt  }
0x53: {  	_ =	shalt  }
0x54: {  	_ =	shalt  }
0x55: {  	_ =	shalt  }
0x56: {  	_ =	shalt  }
0x57: {  	_ =	shalt  }
0x58: {  	_ =	shalt  }
0x59: {  	_ =	shalt  }
0x5a: {  	_ =	shalt  }
0x5b: {  	_ =	shalt  }
0x5c: {  	_ =	shalt  }
0x5d: {  	_ =	shalt  }
0x5e: {  	_ =	shalt  }
0x5f: {  	_ =	shalt  }
0x60: {  	_ =	shalt  }
0x61: {  	_ =	shalt  }
0x62: {  	_ =	shalt  }
0x63: {  	_ =	shalt  }
0x64: {  	_ =	shalt  }
0x65: {  	_ =	shalt  }
0x66: {  	_ =	shalt  }
0x67: {  	_ =	shalt  }
0x68: {  	_ =	shalt  }
0x69: {  	_ =	shalt  }
0x6a: {  	_ =	shalt  }
0x6b: {  	_ =	shalt  }
0x6c: {  	_ =	shalt  }
0x6d: {  	_ =	shalt  }
0x6e: {  	_ =	shalt  }
0x6f: {  	_ =	shalt  }
0x70: {  	_ =	shalt  }
0x71: {  	_ =	shalt  }
0x72: {  	_ =	shalt  }
0x73: {  	_ =	shalt  }
0x74: {  	_ =	shalt  }
0x75: {  	_ =	shalt  }
0x76: {  	_ =	shalt  }
0x77: {  	_ =	shalt  }
0x78: {  	_ =	shalt  }
0x79: {  	_ =	shalt  }
0x7a: {  	_ =	shalt  }
0x7b: {  	_ =	shalt  }
0x7c: {  	_ =	shalt  }
0x7d: {  	_ =	shalt  }
0x7e: {  	_ =	shalt  }
0x7f: {  	_ =	shalt  }
0x80: {  	_ =	shalt  }
0x81: {  	_ =	shalt  }
0x82: {  	_ =	shalt  }
0x83: {  	_ =	shalt  }
0x84: {  	_ =	shalt  }
0x85: {  	_ =	shalt  }
0x86: {  	_ =	shalt  }
0x87: {  	_ =	shalt  }
.Lfunc_end0:
.L_simem_size_0:
called_computation_lowered:
.L_overlay_start_0:
0x88: {  	s2 =	sld [smem:$0x3FD9]  }
0x89: {  	s3 =	sld [smem:$0x3FFE];
	_ =	sdelay $0x1  }
0x8a: {  	s1 =	srdreg.scid  }
0x8b: {  	s0 =	sand.u32 $0x1, s1  }
0x8c: {  	s16 =	sshll.u32 s0, $0xA;
	s2 =	sadd.s32 s3, s2  }
0x8d: {  	s2 =	sadd.s32 s2, s16  }
0x8e: {  	[smem:$0x3FB6] =	sst s2  }
0x8f: {  	_ = 	snop  }
0x90: {  	(tm) =	ssettm $0x1  }
0x91: {  	s17 =	sld [smem:$0x3FFB];
	_ =	sdelay $0x3  }
0x92: {  	_ =	strace s17  }
0x93: {  	s2 =	sld [smem:$0x3FFC];
	_ =	sdelay $0x3  }
0x94: {  	_ =	strace s2  }
0x95: {  	s2 =	sld [smem:$0x3FFD];
	_ =	sdelay $0x3  }
0x96: {  	_ =	strace s2  }
0x97: {  	_ =	strace $0x8FFFFFFF  }
0x98: {  	s18 =	sld [smem:$0x3FDB];
	_ =	sdelay $0x1  }
0x99: {  	s19 =	simm.s32 $_scs_section_size  }
0x9a: {  	s4 =	simm.s32 $_size__tile_overlayer_lowered;
	s5 =	simm.s32 $_tile_overlayer_lowered  }
0x9b: {  	s22 =	simm.s32 $0x1BFF;
	s21 =	sshll.u32 s5, $0x1;
	s2 =	sadd.s32 s19, s18  }
0x9c: {  	s6 =	simm.s32 $0x0;
	s20 =	sshll.u32 s4, $0x1;
	s4 =	sadd.s32 s21, s2  }
0x9d: {  	[timem:s6], [sflag:s22] =	dma.local [hbm:s4], s20  }
0x9e: {  	_ =	swait.ge [sflag:s22], s20  }
0x9f: {  	s3 =	ssub.s32 $0x0, s20;
	[sflag:s22] =	ssyncset.done $0x0  }
0xa0: {  	[sflag:s22] =	ssyncadd.s32 s3;
	_ =	sdelay $0x1  }
0xa1: {  	s23 =	simm.s32 $0x1B8B  }
0xa2: {  	_ =	swait.ge [sflag:s23], $0x1  }
0xa3: {  	[sflag:s23] =	ssyncset.done $0x0  }
0xa4: {  	s25 =	simm.s32 $0x1B8E;
	s24 =	sld [smem:$0x3FFE];
	[sflag:s23] =	ssyncadd.s32 $0xFFFFFFFF  }
0xa5: {  	s26 =	simm.s32 $execute0_lowered;
	[smem:$0x3FD2] =	sst s25  }
0xa6: {  	s4 =	sshll.u32 s26, $0x1;
	_ =	strace $0x80000046;
	[dreg:$0x1] =	wrdreg $0xFFFFFFFF  }
0xa7: {  	s28 =	simm.s32 $_size_execute0_lowered;
	s2 =	sadd.s32 s2, s4;
	[dreg:$0x0] =	wrdreg $0x0  }
0xa8: {  	s4 =	sshll.u32 s28, $0x1;
	[dreg:$0x2] =	wrdreg s2  }
0xa9: {  	[dreg:$0x3] =	wrdreg s4  }
0xaa: {  	[dreg:$0x4] =	wrdreg $0xC0  }
0xab: {  	_ =	task [dreg:s6], $0x5FFFF  }
0xac: {  	[dreg:$0x1] =	wrdreg $0xFFFFFFFF  }
0xad: {  	[dreg:$0x0] =	wrdreg $0x60  }
0xae: {  	[dreg:$0x2] =	wrdreg s24  }
0xaf: {  	[dreg:$0x3] =	wrdreg $0x9  }
0xb0: {  	_ =	task.clear_ibuf [dreg:s6], $0x4FFFF;
	_ =	strace $0x90000046  }
0xb1: {  	s29 =	simm.s32 $0x9;
	_ =	strace $0x80000048  }
0xb2: {  	_ =	swait.ge [sflag:s29], $0x1  }
0xb3: {  	[sflag:s29] =	ssyncadd.s32 $0xFFFFFFFF  }
0xb4: {  	_ =	strace $0x90000048  }
0xb5: {  	_ =	sfence  }
0xb6: {  	s30 =	sld [smem:$0x0];
	_ =	sdelay $0x2  }
0xb7: {  	s31 =	sshll.u32 s1, $0xD;
	s1 =	sshrl.u32 s1, $0x2  }
0xb8: {  	s3 =	sand.u32 $0x4000, s31;
	s1 =	sadd.s32 s1, s30  }
0xb9: {  	s0 =	sor.u32 s3, s0;
	s1 =	sshll.u32 s1, $0x11  }
0xba: {  	s0 =	sor.u32 s1, s0  }
0xbb: {  	s0 =	sadd.s32 $0x8F2B, s0  }
0xbc: {  	[sflag:s0] =	ssyncadd.remote.s32 $0x1  }
0xbd: {  	_ =	sfence.sel $0xFFFF  }
0xbe: {  	[dreg:$0x0] =	wrdreg $0xFFFFFFFF;
	(pc) =	sbr.abs _section_cstart, $3  }
0xbf: {  	[dreg:$0x1] =	wrdreg $0xFFFFFFFF  }
0xc0: {  	_ =	task.clear_ibuf [dreg:s6], $0x2FFFF;
	_ =	strace $0x9FFFFFFF  }
0xc1: {  	(tm) =	ssettm $0x7FFFFFFF  }
tec
execute0_lowered:
.L_overlay_start_1:
0x0: {  	(tag) =	ssettag $0x1  }
0x1: {  	s6 =	rddreg [dreg:$0x0]  }
0x2: {  	s0 =	rddreg [dreg:$0x1]  }
0x3: {  	s3 =	srdreg.scid;
	s1 =	stileid.u32;
	s2 =	simm.s32 $0x0  }
0x4: {  	s10 =	simm.s32 $0x1;
	s11 =	simm.s32 $0x1F80;
	s12 =	simm.s32 $0x3F00  }
0x5: {  	s13 =	simm.s32 $0x5580;
	s14 =	simm.s32 $0x6F00;
	s15 =	simm.s32 $0x7000  }
0x6: {  	s16 =	simm.s32 $0x0;
	s5 =	sand.u32 $0x1, s3;
	s30 =	sshll.u32 s1, $0x1  }
0x7: {  	[smem:$0x7FF] =	sst s2;
	s3 =	sadd.s32 $0x9000, s6;
	s7 =	sor.u32 s5, s30  }
0x8: {  	s4 =	sadd.s32 $0x4000, s6;
	s9 =	ssub.s32 $0x2, s5;
	s8 =	smul.u32 $0x58E, s7  }
0x9: {  	v0 =	vimm.s32 $0x277F;
	_ =	strace $0x80000047;
	s5 =	sadd.s32 $0xE000, s6;
	s31 =	sshrl.u32 s9, $0x1  }
0xa: {  	v1 =	vimm.s32 $0x139;
	v2 =	vimm.s32 $0x0;
	v3 =	vlaneseq.u32;
	s9 =	ssub.s32 s9, s31;
	s8 =	sadd.s32 s8, s6;
	s6 =	sshll.u32 s7, $0x4  }
0xb: {  	v4 =	vimm.s32 $0x9CBF;
	vm0 =	vmmov $0x1;
	v3 =	vmul.u32 $0x48, v3;
	s7 =	sadd.s32 $0xE200, s8;
	s8 =	smax.u32 s9, $0x1;
	s9 =	simm.s32 $0x6C00  }
.LBB2_1:
0xc: {  	[tilespmem:s9], [sflag:$0x1] =	stream.linear.gather [hbm4b:s5+s2], $0x300, $0x38;
	[tilespmem:$0x9C80] =	vst v63  }
0xd: {  	_ =	swait.ge [sflag:s10], $0x300  }
0xe: {  	[sflag:s10] =	ssyncset.done $0x0  }
0xf: {  	[sflag:s10] =	ssyncadd.s32 $0xFFFFFD00  }
0x10: {  	v14 =	vld [tilespmem:$0x6C00]  }
0x11: {  	v10 =	vld [tilespmem:$0x6C10]  }
0x12: {  	v11 =	vld [tilespmem:$0x6C20]  }
0x13: {  	v12 =	vld [tilespmem:$0x6C30]  }
0x14: {  	v13 =	vld [tilespmem:$0x6C40]  }
0x15: {  	v5 =	vld [tilespmem:$0x6C50]  }
0x16: {  	v8 =	vld [tilespmem:$0x6C80]  }
0x17: {  	v6 =	vld [tilespmem:$0x6C60]  }
0x18: {  	v7 =	vld [tilespmem:$0x6C70]  }
0x19: {  	s17 =	simm.s32 $0x40;
	s18 =	simm.s32 $0x0;
	v9 =	vld [tilespmem:s6+$0x6C90]  }
.LBB2_2:
0x1a: {  	p0 =	seq.s32 s17, $0x5800;
	[tilespmem:s18+$0x3F00] =	vst v0;
	s19 =	smov.u32 s17;
	s17 =	sadd.s32 $0x40, s17  }
.Ltmp0:
0x1b: {  	[tilespmem:s18+$0x5580] =	vst v1;
	(pc) =	sbr.rel @!p0 .LBB2_2-.Ltmp0, $2  }
0x1c: {  	_ =	sdelay $0x2  }
0x1d: {  	s18 =	sshra.s32 s19, $0x2  }
0x1e: {  	v15 =	vshrl.u32 v10, $0x1B  }
0x1f: {  	v16 =	vshrl.u32 v11, $0x1B;
	v17 =	vshrl.u32 v14, $0x1B;
	v15 =	vand.u32 $0x10, v15  }
0x20: {  	v16 =	vand.u32 $0x10, v16;
	v10 =	vadd.s32 v10, v15;
	v15 =	vshrl.u32 v12, $0x1B  }
0x21: {  	v11 =	vadd.s32 v11, v16;
	v16 =	vshrl.u32 v13, $0x1B;
	v15 =	vand.u32 $0x10, v15  }
0x22: {  	[tilespmem:s18+$0x3F00] =	vst v0;
	v12 =	vadd.s32 v12, v15;
	v15 =	vand.u32 $0x10, v16;
	v16 =	vand.u32 $0x10, v17  }
0x23: {  	[tilespmem:s18+$0x5580] =	vst v1;
	s17 =	simm.s32 $0x0;
	v18 =	vimm.s32 $0x0;
	v13 =	vadd.s32 v13, v15;
	v14 =	vadd.s32 v14, v16  }
.LBB2_4:
0x24: {  	s18 =	smul.u32 $0x3E8, s17;
	_ =	sdelay $0x1  }
0x25: {  	s19 =	sadd.s32 s3, s18  }
0x26: {  	[tilespmem:s2], [sflag:$0x1] =	stream.linear.gather [hbm4b:s19+s2], $0x1F40, $0x38;
	[tilespmem:$0x9C80] =	vst v63  }
0x27: {  	_ =	swait.ge [sflag:s10], $0x1F40  }
0x28: {  	[sflag:s10] =	ssyncset.done $0x0  }
0x29: {  	s18 =	sadd.s32 s4, s18;
	[sflag:s10] =	ssyncadd.s32 $0xFFFFE0C0  }
0x2a: {  	[tilespmem:s11], [sflag:$0x1] =	stream.linear.gather [hbm4b:s18+s2], $0x1F40, $0x38;
	[tilespmem:$0x9C80] =	vst v63  }
0x2b: {  	_ =	swait.ge [sflag:s10], $0x1F40  }
0x2c: {  	[sflag:s10] =	ssyncset.done $0x0  }
0x2d: {  	s30 =	simm.s32 $0x1F90;
	[sflag:s10] =	ssyncadd.s32 $0xFFFFE0C0  }
0x2e: {  	v15 =	vld [tilespmem:s30+$0xFFFFFFF0];
	_ =	sdelay $0x1  }
0x2f: {  	v16 =	vld [tilespmem:s30+$0x0];
	_ =	sdelay $0x2  }
0x30: {  	v22 =	vsub.s32 v15, v9  }
0x31: {  	vm1 =	vlt.u32 v22, $0x139  }
0x32: {  	v15 =	vsub.s32 v16, v9;
	v16 =	vsel vm1, $0x1, v2  }
0x33: {  	vm4 =	vlt.u32 v15, $0x139;
	v19 =	vperm.xlane v16, v10  }
0x34: {  	v17 =	vsel vm4, $0x1, v2  }
0x35: {  	v20 =	vperm.xlane v17, v10;
	v19 =	vmul.u32 v5, v19;
	_ =	sdelay $0x1  }
0x36: {  	v20 =	vmul.u32 v5, v20;
	v16 =	vadd.s32 v16, v19  }
0x37: {  	s31 =	simm.s32 $0x1FB0;
	v19 =	vperm.xlane v16, v11  }
0x38: {  	v17 =	vadd.s32 v17, v20;
	v20 =	vld [tilespmem:s31+$0x0]  }
0x39: {  	v23 =	vld [tilespmem:s31+$0xFFFFFFF0];
	v21 =	vperm.xlane v17, v11;
	v19 =	vmul.u32 v6, v19;
	_ =	sdelay $0x1  }
0x3a: {  	v21 =	vmul.u32 v6, v21;
	v19 =	vadd.s32 v19, v16  }
0x3b: {  	v24 =	vperm.xlane v19, v12  }
0x3c: {  	v21 =	vadd.s32 v21, v17;
	v16 =	vsub.s32 v20, v9  }
0x3d: {  	v17 =	vsub.s32 v23, v9;
	v25 =	vperm.xlane v21, v12;
	v20 =	vmul.u32 v7, v24  }
0x3e: {  	vm4 =	vmmov vm4;
	vm3 =	vlt.u32 v16, $0x139;
	vm2 =	vlt.u32 v17, $0x139  }
0x3f: {  	v23 =	vmul.u32 v7, v25;
	v25 =	vsel vm2, $0x1, v2;
	v19 =	vadd.s32 v20, v19  }
0x40: {  	v24 =	vsel vm3, $0x1, v2;
	v20 =	vperm.xlane v25, v10;
	v26 =	vperm.xlane v19, v13  }
0x41: {  	vm5 =	vmmov vm1;
	v21 =	vadd.s32 v23, v21;
	v23 =	vperm.xlane v24, v10  }
0x42: {  	v27 =	vperm.xlane v21, v13;
	v20 =	vmul.u32 v5, v20;
	v26 =	vmul.u32 v8, v26  }
0x43: {  	vm1 =	vmmov vm4;
	vm6 =	vmmov vm5;
	v23 =	vmul.u32 v5, v23  }
0x44: {  	s19 =	simm.s32 $0x1FD0;
	v27 =	vmul.u32 v8, v27;
	v20 =	vadd.s32 v25, v20;
	v19 =	vadd.s32 v26, v19  }
0x45: {  	v29 =	vld [tilespmem:s19+$0xFFFFFFF0];
	v23 =	vadd.s32 v24, v23;
	v24 =	vperm.xlane v20, v11;
	v26 =	vperm.xlane v19, v14  }
0x46: {  	s18 =	simm.s32 $0x10;
	v21 =	vadd.s32 v27, v21;
	v27 =	vld [tilespmem:s19+$0x0];
	v28 =	vperm.xlane v23, v11;
	v19 =	vadd.s32 v19, v18  }
0x47: {  	v25 =	vld [tilespmem:s18+$0xFFFFFFF0];
	v24 =	vmul.u32 v6, v24;
	v30 =	vadd.s32 $0xFFFFFFFF, v19;
	v18 =	vadd.s32 v18, v26  }
0x48: {  	v19 =	vperm.xlane v21, v14;
	v26 =	vmul.u32 v6, v28;
	v21 =	vadd.s32 v21, v18  }
0x49: {  	vm5 =	vmmov vm2;
	v28 =	vld [tilespmem:s18+$0x0];
	v24 =	vadd.s32 v24, v20;
	v21 =	vadd.s32 $0xFFFFFFFF, v21  }
0x4a: {  	vm3 =	vmmov vm3;
	v31 =	vperm.xlane v24, v12;
	v32 =	vadd.s32 v26, v23  }
0x4b: {  	v19 =	vadd.s32 v18, v19;
	v20 =	vsub.s32 v27, v9;
	v26 =	vperm.xlane v32, v12  }
0x4c: {  	v18 =	vsub.s32 v29, v9;
	vm4 =	vlt.u32 v20, $0x139;
	v27 =	vmul.u32 v7, v31;
	[tilespmem:v30+s12+$0x0] =	vst.idx.msk vm6, v25  }
0x4d: {  	vm2 =	vlt.u32 v18, $0x139;
	v23 =	vsel vm4, $0x1, v2;
	v29 =	vmul.u32 v7, v26;
	[tilespmem:v30+s13+$0x0] =	vst.idx.msk vm6, v22  }
0x4e: {  	v25 =	vsel vm2, $0x1, v2;
	v26 =	vperm.xlane v23, v10;
	v24 =	vadd.s32 v27, v24;
	[tilespmem:v21+s12+$0x0] =	vst.idx.msk vm1, v28  }
0x4f: {  	s20 =	simm.s32 $0x4;
	v28 =	vperm.xlane v25, v10;
	v27 =	vperm.xlane v24, v13;
	v22 =	vadd.s32 v29, v32  }
.LBB2_5:
0x50: {  	s20 =	sadd.s32 $0x2, s20;
	v29 =	vperm.xlane v22, v13;
	[tilespmem:v21+s13+$0x0] =	vst.idx.msk vm1, v15;
	v15 =	vmovc v16;
	v16 =	vmov v20;
	vm1 =	vmmov vm3  }
0x51: {  	v21 =	vmul.u32 v5, v26;
	p0 =	slt.u32 s20, $0x1F2;
	v20 =	vmul.u32 v5, v28;
	v26 =	vmul.u32 v8, v27  }
0x52: {  	vm3 =	vmmov vm4;
	vm6 =	vmmov vm5;
	v27 =	vmul.u32 v8, v29  }
0x53: {  	s18 =	sadd.s32 $0x20, s18;
	v23 =	vadd.s32 v23, v21;
	v20 =	vadd.s32 v25, v20;
	v21 =	vadd.s32 v26, v24  }
0x54: {  	s19 =	sadd.s32 $0x20, s19;
	v24 =	vperm.xlane v20, v11;
	v25 =	vld [tilespmem:s18+$0xFFFFFFF0];
	v26 =	vperm.xlane v21, v14;
	v22 =	vadd.s32 v27, v22  }
0x55: {  	v28 =	vperm.xlane v23, v11;
	v21 =	vadd.s32 v21, v19;
	v27 =	vld [tilespmem:s19+$0x0];
	v29 =	vperm.xlane v22, v14  }
0x56: {  	v31 =	vadd.s32 $0xFFFFFFFF, v21;
	v30 =	vld [tilespmem:s19+$0xFFFFFFF0];
	v24 =	vmul.u32 v6, v24;
	v19 =	vadd.s32 v19, v26  }
0x57: {  	v26 =	vmul.u32 v6, v28;
	v21 =	vadd.s32 v22, v19;
	v19 =	vadd.s32 v19, v29  }
0x58: {  	vm5 =	vmmov vm2;
	v22 =	vadd.s32 v24, v20;
	v28 =	vld [tilespmem:s18+$0x0];
	v21 =	vadd.s32 $0xFFFFFFFF, v21  }
0x59: {  	v29 =	vadd.s32 v26, v23;
	v24 =	vperm.xlane v22, v12  }
.Ltmp1:
0x5a: {  	v26 =	vperm.xlane v29, v12;
	v20 =	vsub.s32 v27, v9;
	(pc) =	sbr.rel @p0 .LBB2_5-.Ltmp1, $4  }
0x5b: {  	v30 =	vsub.s32 v30, v9;
	vm4 =	vlt.u32 v20, $0x139;
	v24 =	vmul.u32 v7, v24;
	[tilespmem:v31+s12+$0x0] =	vst.idx.msk vm6, v25  }
0x5c: {  	v32 =	vmul.u32 v7, v26;
	vm2 =	vlt.u32 v30, $0x139;
	v23 =	vsel vm4, $0x1, v2;
	[tilespmem:v31+s13+$0x0] =	vst.idx.msk vm6, v17;
	v17 =	vmovc v18  }
0x5d: {  	v25 =	vsel vm2, $0x1, v2;
	v26 =	vperm.xlane v23, v10;
	v24 =	vadd.s32 v24, v22;
	[tilespmem:v21+s12+$0x0] =	vst.idx.msk vm1, v28  }
0x5e: {  	v18 =	vmovc v30;
	v22 =	vadd.s32 v32, v29;
	v28 =	vperm.xlane v25, v10;
	v27 =	vperm.xlane v24, v13  }
0x5f: {  	_ = 	snop  }
0x60: {  	v28 =	vmul.u32 v5, v28;
	_ =	sdelay $0x1  }
0x61: {  	v25 =	vadd.s32 v25, v28  }
0x62: {  	v26 =	vmul.u32 v5, v26;
	v28 =	vperm.xlane v25, v11;
	_ =	sdelay $0x1  }
0x63: {  	v23 =	vadd.s32 v23, v26;
	v43 =	vmul.u32 v6, v28  }
0x64: {  	v44 =	vperm.xlane v23, v11  }
0x65: {  	v25 =	vadd.s32 v43, v25  }
0x66: {  	v45 =	vmul.u32 v6, v44;
	v46 =	vperm.xlane v25, v12  }
0x67: {  	v29 =	vperm.xlane v22, v13  }
0x68: {  	vm3 =	vmmov vm3;
	v23 =	vadd.s32 v45, v23;
	v47 =	vmul.u32 v7, v46  }
0x69: {  	vm5 =	vmmov vm5;
	v27 =	vmul.u32 v8, v27;
	v49 =	vperm.xlane v23, v12  }
0x6a: {  	vm2 =	vmmov vm2;
	v48 =	vmul.u32 v8, v29;
	v25 =	vadd.s32 v47, v25  }
0x6b: {  	v24 =	vadd.s32 v27, v24;
	v52 =	vmul.u32 v7, v49;
	v53 =	vperm.xlane v25, v13  }
0x6c: {  	v50 =	vperm.xlane v24, v14;
	v51 =	vadd.s32 v48, v22;
	v24 =	vadd.s32 v24, v19  }
0x6d: {  	s18 =	sadd.s32 $0x20, s18;
	v28 =	vperm.xlane v51, v14;
	v23 =	vadd.s32 v52, v23;
	v54 =	vmul.u32 v8, v53  }
0x6e: {  	v55 =	vld [tilespmem:s18+$0xFFFFFFF0];
	v24 =	vadd.s32 $0xFFFFFFFF, v24;
	v19 =	vadd.s32 v19, v50;
	v56 =	vperm.xlane v23, v13  }
0x6f: {  	v22 =	vadd.s32 v51, v19;
	v19 =	vadd.s32 v19, v28;
	v25 =	vadd.s32 v54, v25  }
0x70: {  	v57 =	vld [tilespmem:s18+$0x0];
	v22 =	vadd.s32 $0xFFFFFFFF, v22;
	v58 =	vmul.u32 v8, v56;
	v59 =	vperm.xlane v25, v14  }
0x71: {  	vm2 =	vmmov vm2;
	s18 =	sadd.s32 $0x20, s18;
	v25 =	vadd.s32 v25, v19  }
0x72: {  	[tilespmem:v21+s13+$0x0] =	vst.idx.msk vm1, v15;
	v15 =	vld [tilespmem:s18+$0xFFFFFFF0];
	v60 =	vadd.s32 v58, v23;
	v61 =	vadd.s32 $0xFFFFFFFF, v25;
	v19 =	vadd.s32 v19, v59  }
0x73: {  	vm4 =	vmmov vm4;
	[tilespmem:v24+s12+$0x0] =	vst.idx.msk vm5, v55;
	v62 =	vadd.s32 v60, v19  }
0x74: {  	s17 =	sadd.s32 $0x1, s17;
	[tilespmem:v24+s13+$0x0] =	vst.idx.msk vm5, v17;
	v17 =	vld [tilespmem:s18+$0x0];
	v63 =	vadd.s32 $0xFFFFFFFF, v62  }
0x75: {  	p0 =	sne.s32 s17, $0x14;
	[tilespmem:v22+s12+$0x0] =	vst.idx.msk vm3, v57  }
.Ltmp2:
0x76: {  	[tilespmem:v22+s13+$0x0] =	vst.idx.msk vm3, v16;
	(pc) =	sbr.rel @p0 .LBB2_4-.Ltmp2, $4  }
0x77: {  	[tilespmem:v61+s12+$0x0] =	vst.idx.msk vm2, v15  }
0x78: {  	v15 =	vperm.xlane v60, v14;
	[tilespmem:v61+s13+$0x0] =	vst.idx.msk vm2, v18  }
0x79: {  	[tilespmem:v63+s12+$0x0] =	vst.idx.msk vm4, v17  }
0x7a: {  	vm1 =	vmmov vm4;
	v18 =	vadd.s32 v19, v15;
	[tilespmem:v63+s13+$0x0] =	vst.idx.msk vm4, v20  }
0x7b: {  	s17 =	simm.s32 $0x0  }
0x7c: {  	v5 =	vmov s17  }
0x7d: {  	v5 =	vmul.u32 $0x48, v5;
	_ =	sdelay $0x1  }
0x7e: {  	v5 =	vbroadcast v5, $0x0;
	_ =	sdelay $0x1  }
0x7f: {  	s18 =	simm.s32 $0x6F00;
	s19 =	simm.s32 $0x10;
	v5 =	vadd.s32 v3, v5  }
.LBB2_8:
0x80: {  	v6 =	vmov s19;
	p0 =	sne.s32 s19, $0x90;
	s19 =	sadd.s32 $0x10, s19;
	[tilespmem:s18+$0x0] =	vst v5  }
.Ltmp3:
0x81: {  	v5 =	vmul.u32 $0x48, v6;
	(pc) =	sbr.rel @p0 .LBB2_8-.Ltmp3, $3  }
0x82: {  	_ = 	snop  }
0x83: {  	v5 =	vbroadcast v5, $0x0;
	_ =	sdelay $0x1  }
0x84: {  	s18 =	sadd.s32 $0x10, s18;
	v5 =	vadd.s32 v3, v5  }
0x85: {  	[tilespmem:s18+$0x0] =	vst v5  }
.LBB2_10:
0x86: {  	p0 =	sne.s32 s17, $0xB180  }
.Ltmp4:
0x87: {  	_ = 	snop;
	(pc) =	sbr.rel @p0 .LBB2_10-.Ltmp4, $3  }
0x88: {  	_ =	sdelay $0x1  }
0x89: {  	s18 =	sshra.s32 s17, $0x2  }
0x8a: {  	s17 =	sadd.s32 $0x40, s17;
	[tilespmem:s18+$0x7000] =	vst v4  }
0x8b: {  	s17 =	simm.s32 $0x0  }
.LBB2_12:
0x8c: {  	s18 =	sshra.s32 s17, $0x2  }
0x8d: {  	v5 =	vld [tilespmem:s18+$0x3F00];
	_ =	sdelay $0x4  }
0x8e: {  	v5 =	vperm.xlane v5, v2;
	_ =	sdelay $0x1  }
0x8f: {  	v6 =	vshra.s32 v5, $0x6;
	_ =	sdelay $0x4  }
0x90: {  	v7 =	vld.idx.msk [tilespmem:v6+s14+$0x0], $0x1;
	_ =	sdelay $0x1  }
0x91: {  	v8 =	vmul.u32 $0x48, v6  }
0x92: {  	v9 =	vld [tilespmem:s18+$0x5580]  }
0x93: {  	v8 =	vadd.s32 $0x48, v8  }
0x94: {  	vm1 =	vlt.s32 v7, v8  }
0x95: {  	vm1 =	vmand vm1, vm0;
	_ =	sdelay $0x1  }
0x96: {  	p0 =	sne.s32 s17, $0x57FC;
	v63 =	vperm.xlane v9, v2  }
.Ltmp5:
0x97: {  	_ = 	snop;
	(pc) =	sbr.rel @p0 .LBB2_12-.Ltmp5, $4  }
0x98: {  	v5 =	vand.u32 $0x3F, v5;
	v8 =	vshll.u32 v63, $0x7  }
0x99: {  	v5 =	vor.u32 v5, v8  }
0x9a: {  	[tilespmem:v7+s15+$0x0] =	vst.idx.msk vm1, v5;
	v5 =	vadd.s32 $0x1, v7  }
0x9b: {  	s17 =	sadd.s32 $0x4, s17;
	[tilespmem:v6+s14+$0x0] =	vst.idx.msk vm1, v5  }
0x9c: {  	s16 =	sadd.s32 $0x1, s16  }
0x9d: {  	p0 =	sne.s32 s16, s8  }
.Ltmp6:
0x9e: {  	_ = 	snop;
	(pc) =	sbr.rel @p0 .LBB2_1-.Ltmp6, $4  }
0x9f: {  	[hbm4b:s7+s2] =	stream.linear.scatter [tilespmem:s15], [sflag:$0x1], $0x2C70, $0x38;
	[tilespmem:$0x9C80] =	vst v63  }
0xa0: {  	_ =	swait.ge [sflag:s10], $0x2C70  }
0xa1: {  	[sflag:s10] =	ssyncset.done $0x0  }
0xa2: {  	[sflag:s10] =	ssyncadd.s32 $0xFFFFD390  }
0xa3: {  	_ =	sfence.sel $0x180000  }
0xa4: {  	[bflag:$0x0] =	sbarrier.arrive $0xFFFF  }
0xa5: {  	p0 =	sne.s32 s1, $0x0;
	_ =	strace $0x90000047  }
0xa6: {  	s0 =	sadd.s32 @!p0 $0x100000, s0;
	[bflag:$0x2] =	sbarrier.arrive $0xFFFF  }
0xa7: {  	[sflag:s0] =	ssyncadd.tile.s32 @!p0 $0x1;
	_ =	shalt  }
.Lfunc_end2:
_tile_overlayer_lowered:
.L_overlay_start_2:
0xa8: {  	(tag) =	ssettag $0x2  }
0xa9: {  	s0 =	rddreg [dreg:$0x0];
	s2 =	stileid.u32  }
0xaa: {  	s1 =	rddreg [dreg:$0x1];
	p0 =	sne.s32 s2, $0x0  }
0xab: {  	s3 =	rddreg [dreg:$0x2];
	[bflag:$0x3] =	sbarrier.arrive $0xFFFF;
	s2 =	simm.s32 @!p0 $0x1C01  }
0xac: {  	[timem:s3], [sflag:s2] =	dma.local @!p0 [hbm:s0], s1  }
0xad: {  	s0 =	simm.s32 @!p0 $0x1  }
0xae: {  	_ =	swait.ge @!p0 [sflag:s0], s1  }
0xaf: {  	s1 =	ssub.s32 @!p0 $0x0, s1;
	[sflag:s0] =	ssyncset.done @!p0 $0x0  }
0xb0: {  	[sflag:s0] =	ssyncadd.s32 @!p0 s1  }
0xb1: {  	[bflag:$0x3] =	sbarrier.arrive $0xFFFF  }
0xb2: {  	_ =	shalt  }

// kernel: kernel.13.cloned.1.call-start
scs
__scs_entry_jumppad:
0x0: {  	(pc) =	sbr.rel $0x88, $3  }
0x1: {  	(tag) =	ssettag $0x0;
	lr =	simm.s32 $0x1  }
0x2: {  	[smem:$0x3F8F] =	sst lr;
	_ =	strace $0xD0000000  }
0x3: {  	_ = 	snop  }
0x4: {  	_ = 	snop  }
0x5: {  	_ = 	snop  }
0x6: {  	_ = 	snop  }
0x7: {  	_ = 	snop  }
__scs_overlays_trampoline_lowered:
0x8: {  	[smem:$0x3F9E] =	sst s0  }
0x9: {  	[smem:$0x3F9F] =	sst s1  }
0xa: {  	[smem:$0x3FA0] =	sst s2  }
0xb: {  	[smem:$0x3FA1] =	sst s3  }
0xc: {  	[smem:$0x3FA2] =	sst s4  }
0xd: {  	[smem:$0x3FA3] =	sst s5  }
0xe: {  	[smem:$0x3FA4] =	sst s6  }
0xf: {  	[smem:$0x3FA5] =	sst s7  }
0x10: {  	[smem:$0x3FA6] =	sst s8  }
0x11: {  	[smem:$0x3FA7] =	sst s9;
	s0 =	simm.s32 @!p0 $0x0  }
0x12: {  	s1 =	sld [smem:$0x3F8D];
	s0 =	simm.s32 @p0 $0x1  }
0x13: {  	[smem:$0x3FA8] =	sst s0;
	s0 =	simm.s32 @!p1 $0x0  }
0x14: {  	s2 =	sld [smem:$0x3F8C];
	s0 =	simm.s32 @p1 $0x1  }
0x15: {  	[smem:$0x3FA9] =	sst s0;
	s0 =	simm.s32 @!p2 $0x0  }
0x16: {  	s3 =	sld [smem:$0x3FDB];
	s0 =	simm.s32 @p2 $0x1  }
0x17: {  	s4 =	simm.s32 $0x1BF5;
	[smem:$0x3FAB] =	sst s0  }
0x18: {  	s0 =	sld [smem:$0x3F8E];
	_ =	swait.ge [sflag:s4], $0x0  }
0x19: {  	s7 =	sld [smem:$0x3F8F]  }
0x1a: {  	s8 =	sadd.s32 $0xFFFFE003, lr  }
0x1b: {  	s9 =	sadd.s32 $0xFFFFFEF7, lr;
	s5 =	simm.s32 $0xFFFFFFFF;
	p2 =	slt.u32 s8, $0xFFFFF086  }
0x1c: {  	p1 =	slt.u32 s9, $0xF7A;
	s5 =	simm.s32 @!p2 $0x0  }
0x1d: {  	s5 =	simm.s32 @p1 $0x1;
	p0 =	seq.s32 s7, s2  }
0x1e: {  	s7 =	smul.u32 @!p0 $0xF7A, s2;
	p2 =	seq.s32 @!p0 s5, $0x0  }
0x1f: {  	s9 =	smul.u32 $0xF7A, s1;
	s8 =	simm.s32 @!p0 $0x1BF5;
	p2 =	por !p2, p0  }
0x20: {  	[sflag:s8] =	ssyncset.s32 @!p0 $0xFFFFF086;
	s6 =	sadd.s32 @!p0 s3, s7;
	s7 =	simm.s32 @!p0 $0x108  }
0x21: {  	s3 =	sadd.s32 s3, s9;
	s6 =	sadd.s32 @!p0 $0x88, s6;
	s7 =	simm.s32 @p2 $0x1082  }
0x22: {  	[simem:s7], [sflag:s8] =	dma.local @!p0 [hbm:s6], $0xF7A  }
0x23: {  	s9 =	sor.u32 $0xD0000000, s2;
	s6 =	simm.s32 $0x108;
	_ =	swait.ge @!p0 [sflag:s8], $0x0  }
0x24: {  	s3 =	sadd.s32 $0x88, s3;
	s6 =	simm.s32 @!p1 $0x1082;
	[sflag:s4] =	ssyncset.s32 $0xFFFFF086  }
0x25: {  	[simem:s6], [sflag:s4] =	dma.local [hbm:s3], $0xF7A  }
0x26: {  	[smem:$0x3F8F] =	sst s1;
	(tag) =	ssettag s2;
	_ =	strace s9  }
0x27: {  	s1 =	sld [smem:$0x3F9F]  }
0x28: {  	s2 =	sld [smem:$0x3FA0]  }
0x29: {  	s4 =	sld [smem:$0x3FA2]  }
0x2a: {  	p0 =	seq.s32 s5, $0x0;
	s5 =	sld [smem:$0x3FA3]  }
0x2b: {  	s6 =	sld [smem:$0x3FA4]  }
0x2c: {  	s7 =	sld [smem:$0x3FA5]  }
0x2d: {  	s3 =	simm.s32 $0x108;
	s8 =	sld [smem:$0x3FA6]  }
0x2e: {  	s3 =	simm.s32 @!p0 $0x1082;
	s9 =	sld [smem:$0x3FA7]  }
0x2f: {  	lr =	sadd.s32 s0, s3;
	s0 =	sld [smem:$0x3F9E]  }
0x30: {  	s3 =	sld [smem:$0x3FA1]  }
0x31: {  	[smem:$0x3FAA] =	sst s10  }
0x32: {  	s10 =	sld [smem:$0x3FA8];
	_ =	sdelay $0x3  }
0x33: {  	p0 =	seq.s32 s10, $0x1;
	s10 =	sld [smem:$0x3FAA];
	_ =	sdelay $0x3  }
0x34: {  	[smem:$0x3FAA] =	sst s10  }
0x35: {  	s10 =	sld [smem:$0x3FA9];
	_ =	sdelay $0x3  }
0x36: {  	p1 =	seq.s32 s10, $0x1;
	s10 =	sld [smem:$0x3FAA];
	_ =	sdelay $0x3  }
0x37: {  	[smem:$0x3FAA] =	sst s10  }
0x38: {  	s10 =	sld [smem:$0x3FAB]  }
0x39: {  	_ = 	snop;
	(pc) =	sbr.ind lr, $3  }
0x3a: {  	_ = 	snop  }
0x3b: {  	_ = 	snop  }
0x3c: {  	p2 =	seq.s32 s10, $0x1;
	s10 =	sld [smem:$0x3FAA]  }
0x3d: {  	_ =	shalt  }
0x3e: {  	_ =	shalt  }
0x3f: {  	_ =	shalt  }
0x40: {  	_ =	shalt  }
0x41: {  	_ =	shalt  }
0x42: {  	_ =	shalt  }
0x43: {  	_ =	shalt  }
0x44: {  	_ =	shalt  }
0x45: {  	_ =	shalt  }
0x46: {  	_ =	shalt  }
0x47: {  	_ =	shalt  }
0x48: {  	_ =	shalt  }
0x49: {  	_ =	shalt  }
0x4a: {  	_ =	shalt  }
0x4b: {  	_ =	shalt  }
0x4c: {  	_ =	shalt  }
0x4d: {  	_ =	shalt  }
0x4e: {  	_ =	shalt  }
0x4f: {  	_ =	shalt  }
0x50: {  	_ =	shalt  }
0x51: {  	_ =	shalt  }
0x52: {  	_ =	shalt  }
0x53: {  	_ =	shalt  }
0x54: {  	_ =	shalt  }
0x55: {  	_ =	shalt  }
0x56: {  	_ =	shalt  }
0x57: {  	_ =	shalt  }
0x58: {  	_ =	shalt  }
0x59: {  	_ =	shalt  }
0x5a: {  	_ =	shalt  }
0x5b: {  	_ =	shalt  }
0x5c: {  	_ =	shalt  }
0x5d: {  	_ =	shalt  }
0x5e: {  	_ =	shalt  }
0x5f: {  	_ =	shalt  }
0x60: {  	_ =	shalt  }
0x61: {  	_ =	shalt  }
0x62: {  	_ =	shalt  }
0x63: {  	_ =	shalt  }
0x64: {  	_ =	shalt  }
0x65: {  	_ =	shalt  }
0x66: {  	_ =	shalt  }
0x67: {  	_ =	shalt  }
0x68: {  	_ =	shalt  }
0x69: {  	_ =	shalt  }
0x6a: {  	_ =	shalt  }
0x6b: {  	_ =	shalt  }
0x6c: {  	_ =	shalt  }
0x6d: {  	_ =	shalt  }
0x6e: {  	_ =	shalt  }
0x6f: {  	_ =	shalt  }
0x70: {  	_ =	shalt  }
0x71: {  	_ =	shalt  }
0x72: {  	_ =	shalt  }
0x73: {  	_ =	shalt  }
0x74: {  	_ =	shalt  }
0x75: {  	_ =	shalt  }
0x76: {  	_ =	shalt  }
0x77: {  	_ =	shalt  }
0x78: {  	_ =	shalt  }
0x79: {  	_ =	shalt  }
0x7a: {  	_ =	shalt  }
0x7b: {  	_ =	shalt  }
0x7c: {  	_ =	shalt  }
0x7d: {  	_ =	shalt  }
0x7e: {  	_ =	shalt  }
0x7f: {  	_ =	shalt  }
0x80: {  	_ =	shalt  }
0x81: {  	_ =	shalt  }
0x82: {  	_ =	shalt  }
0x83: {  	_ =	shalt  }
0x84: {  	_ =	shalt  }
0x85: {  	_ =	shalt  }
0x86: {  	_ =	shalt  }
0x87: {  	_ =	shalt  }
.Lfunc_end0:
.L_simem_size_0:
called_computation.1_lowered:
.L_overlay_start_0:
0x88: {  	s2 =	sld [smem:$0x3FD9]  }
0x89: {  	s3 =	sld [smem:$0x3FFE];
	_ =	sdelay $0x1  }
0x8a: {  	s1 =	srdreg.scid  }
0x8b: {  	s0 =	sand.u32 $0x1, s1  }
0x8c: {  	s17 =	sshll.u32 s0, $0xA;
	s2 =	sadd.s32 s3, s2  }
0x8d: {  	s2 =	sadd.s32 s2, s17  }
0x8e: {  	[smem:$0x3FB6] =	sst s2  }
0x8f: {  	_ = 	snop  }
0x90: {  	s2 =	sld [smem:$0x3FD0];
	(tm) =	ssettm $0x1  }
0x91: {  	s18 =	sld [smem:$0x3FFB];
	_ =	sdelay $0x3  }
0x92: {  	_ =	strace s18  }
0x93: {  	s3 =	sld [smem:$0x3FFC];
	_ =	sdelay $0x3  }
0x94: {  	_ =	strace s3  }
0x95: {  	s3 =	sld [smem:$0x3FFD];
	_ =	sdelay $0x3  }
0x96: {  	_ =	strace s3  }
0x97: {  	_ =	strace $0x8FFFFFFF  }
0x98: {  	s19 =	sld [smem:$0x3FDB];
	_ =	sdelay $0x1  }
0x99: {  	s4 =	simm.s32 $_scs_section_size  }
0x9a: {  	s5 =	simm.s32 $_size__tile_overlayer_lowered;
	s6 =	simm.s32 $_tile_overlayer_lowered  }
0x9b: {  	s22 =	simm.s32 $0x1BFF;
	s21 =	sshll.u32 s6, $0x1;
	s3 =	sadd.s32 s4, s19  }
0x9c: {  	s7 =	simm.s32 $0x0;
	s20 =	sshll.u32 s5, $0x1;
	s5 =	sadd.s32 s21, s3  }
0x9d: {  	[timem:s7], [sflag:s22] =	dma.local [hbm:s5], s20  }
0x9e: {  	_ =	swait.ge [sflag:s22], s20  }
0x9f: {  	s4 =	ssub.s32 $0x0, s20;
	[sflag:s22] =	ssyncset.done $0x0  }
0xa0: {  	[sflag:s22] =	ssyncadd.s32 s4;
	_ =	sdelay $0x1  }
0xa1: {  	s23 =	simm.s32 $0x1B8B  }
0xa2: {  	_ =	swait.ge [sflag:s23], $0x1  }
0xa3: {  	[sflag:s23] =	ssyncset.done $0x0  }
0xa4: {  	s25 =	simm.s32 $0x1B8E;
	s24 =	sld [smem:$0x3FFE];
	[sflag:s23] =	ssyncadd.s32 $0xFFFFFFFF  }
0xa5: {  	s26 =	simm.s32 $execute0_lowered;
	[smem:$0x3FD2] =	sst s25  }
0xa6: {  	s5 =	sshll.u32 s26, $0x1;
	_ =	strace $0x80000049;
	[dreg:$0x1] =	wrdreg $0xFFFFFFFF  }
0xa7: {  	s28 =	simm.s32 $_size_execute0_lowered;
	s3 =	sadd.s32 s3, s5;
	[dreg:$0x0] =	wrdreg $0x0  }
0xa8: {  	s5 =	sshll.u32 s28, $0x1;
	[dreg:$0x2] =	wrdreg s3  }
0xa9: {  	[dreg:$0x3] =	wrdreg s5  }
0xaa: {  	[dreg:$0x4] =	wrdreg $0xC0  }
0xab: {  	_ =	task [dreg:s7], $0x5FFFF  }
0xac: {  	[dreg:$0x1] =	wrdreg $0xFFFFFFFF  }
0xad: {  	[dreg:$0x0] =	wrdreg $0x60  }
0xae: {  	[dreg:$0x2] =	wrdreg s2  }
0xaf: {  	[dreg:$0x3] =	wrdreg s24  }
0xb0: {  	[dreg:$0x4] =	wrdreg $0x9  }
0xb1: {  	_ =	task.clear_ibuf [dreg:s7], $0x5FFFF;
	_ =	strace $0x90000049  }
0xb2: {  	s29 =	simm.s32 $0x9;
	_ =	strace $0x8000004B  }
0xb3: {  	_ =	swait.ge [sflag:s29], $0x1  }
0xb4: {  	[sflag:s29] =	ssyncadd.s32 $0xFFFFFFFF  }
0xb5: {  	_ =	strace $0x9000004B  }
0xb6: {  	_ =	sfence  }
0xb7: {  	s30 =	sld [smem:$0x0];
	_ =	sdelay $0x2  }
0xb8: {  	s31 =	sshll.u32 s1, $0xD;
	s1 =	sshrl.u32 s1, $0x2  }
0xb9: {  	s3 =	sand.u32 $0x4000, s31;
	s1 =	sadd.s32 s1, s30  }
0xba: {  	s0 =	sor.u32 s3, s0;
	s1 =	sshll.u32 s1, $0x11  }
0xbb: {  	s0 =	sor.u32 s1, s0  }
0xbc: {  	s0 =	sadd.s32 $0x8F2B, s0  }
0xbd: {  	[sflag:s0] =	ssyncadd.remote.s32 $0x1  }
0xbe: {  	_ =	sfence.sel $0xFFFF  }
0xbf: {  	[dreg:$0x0] =	wrdreg $0xFFFFFFFF;
	(pc) =	sbr.abs _section_cstart, $3  }
0xc0: {  	[dreg:$0x1] =	wrdreg $0xFFFFFFFF  }
0xc1: {  	_ =	task.clear_ibuf [dreg:s7], $0x2FFFF;
	_ =	strace $0x9FFFFFFF  }
0xc2: {  	(tm) =	ssettm $0x7FFFFFFF  }
0xc3: {  	_ =	shalt  }
tec
execute0_lowered:
.L_overlay_start_1:
0x0: {  	(tag) =	ssettag $0x1  }
0x1: {  	s1 =	rddreg [dreg:$0x0]  }
0x2: {  	v10 =	vlaneseq.u32;
	s5 =	rddreg [dreg:$0x1];
	s3 =	simm.s32 $0x0  }
0x3: {  	s2 =	srdreg.scid;
	v3 =	vor.u32 $0x10, v10;
	[smem:$0x7FF] =	sst s3;
	v61 =	vor.u32 $0xF0, v10  }
0x4: {  	s4 =	sand.u32 $0x1, s2;
	v4 =	vor.u32 $0x20, v10;
	v5 =	vor.u32 $0x30, v10;
	s2 =	rddreg [dreg:$0x2];
	v62 =	vor.u32 $0xFFFFFFF0, v10;
	_ =	strace $0x8000004A;
	[tilespmem:$0x1FF60] =	vst v61  }
0x5: {  	s0 =	stileid.u32;
	v6 =	vor.u32 $0x40, v10;
	v7 =	vor.u32 $0x50, v10;
	v32 =	vor.u32 $0xFFFFFFA0, v10;
	[tilespmem:$0x1FF70] =	vst v62  }
0x6: {  	s31 =	sshll.u32 s0, $0x1;
	v8 =	vor.u32 $0x60, v10;
	v9 =	vor.u32 $0x70, v10;
	v29 =	vor.u32 $0xFFFFFF90, v10;
	[tilespmem:$0x1FF80] =	vst v32  }
0x7: {  	s11 =	simm.s32 $0x13A00;
	v12 =	vor.u32 $0x400, v10;
	v13 =	vor.u32 $0x410, v10;
	v28 =	vor.u32 $0xFFFFFF80, v10;
	s6 =	sor.u32 s4, s31;
	[tilespmem:$0x1FF90] =	vst v29  }
0x8: {  	s12 =	simm.s32 $0x17A00;
	v14 =	vor.u32 $0x420, v10;
	v15 =	vor.u32 $0x430, v10;
	v25 =	vor.u32 $0xE0, v10;
	s4 =	ssub.s32 $0x2, s4;
	[tilespmem:$0x1FFA0] =	vst v28;
	s7 =	smul.u32 $0x58E, s6  }
0x9: {  	s13 =	simm.s32 $0x1;
	v16 =	vor.u32 $0x440, v10;
	v17 =	vor.u32 $0x450, v10;
	v30 =	vor.u32 $0xD0, v10;
	[tilespmem:$0x1FFB0] =	vst v25;
	s6 =	smul.u32 $0x2720, s6;
	s8 =	sshrl.u32 s4, $0x1  }
0xa: {  	s14 =	simm.s32 $0x2;
	s15 =	simm.s32 $0x0;
	v18 =	vor.u32 $0x460, v10;
	v19 =	vor.u32 $0x470, v10;
	v23 =	vor.u32 $0xC0, v10;
	[tilespmem:$0x1FFC0] =	vst v30;
	s10 =	ssub.s32 s4, s8  }
0xb: {  	v20 =	vor.u32 $0x80, v10;
	v22 =	vor.u32 $0x90, v10;
	v27 =	vor.u32 $0xFFFFFFB0, v10;
	[tilespmem:$0x1FFD0] =	vst v23;
	s7 =	sadd.s32 s7, s5;
	s9 =	sadd.s32 s6, s5;
	s5 =	sadd.s32 $0x800, s1  }
0xc: {  	v0 =	vimm.f32 $0.0e+00;
	v24 =	vor.u32 $0xA0, v10;
	v26 =	vor.u32 $0xB0, v10;
	[tilespmem:$0x1FFE0] =	vst v27;
	s6 =	sadd.s32 $0x1000, s1;
	s4 =	sadd.s32 $0xE200, s7;
	s7 =	sadd.s32 $0x1800, s1  }
0xd: {  	v11 =	vor.u32 $0xFFFFFFC0, v10;
	v31 =	vor.u32 $0xFFFFFFD0, v10;
	v33 =	vor.u32 $0xFFFFFFE0, v10;
	[tilespmem:$0x1FFF0] =	vst v17;
	s8 =	sadd.s32 $0x19400, s9;
	s9 =	smax.u32 s10, $0x1;
	s10 =	simm.s32 $0x3  }
.LBB2_1:
0xe: {  	s16 =	simm.s32 $0x20  }
0xf: {  	[tilespmem:s16+$0xFFFFFFE0] =	vst v0  }
0x10: {  	v36 =	vmovc v20;
	v34 =	vmovc v32;
	v32 =	vmov v25;
	v35 =	vmov v30;
	v1 =	vmov v23;
	[tilespmem:s16+$0x10] =	vst v0  }
0x11: {  	v20 =	vmovc v27;
	v30 =	vmovc v26;
	v27 =	vmov v22;
	v23 =	vmov v18;
	v25 =	vmov v13;
	s17 =	simm.s32 $0x0;
	[tilespmem:s16+$0x0] =	vst v0  }
.LBB2_2:
0x12: {  	s17 =	sadd.s32 $0x4, s17  }
0x13: {  	[tilespmem:s16+$0xFFFFFFF0] =	vst v0;
	s16 =	sadd.s32 $0x40, s16;
	p0 =	slt.u32 s17, $0x139C  }
.Ltmp0:
0x14: {  	[tilespmem:s16+$0xFFFFFFE0] =	vst v0;
	(pc) =	sbr.rel @p0 .LBB2_2-.Ltmp0, $3  }
0x15: {  	_ =	sdelay $0x1  }
0x16: {  	[tilespmem:s16+$0x10] =	vst v0  }
0x17: {  	[tilespmem:s16+$0x0] =	vst v0  }
0x18: {  	[tilespmem:s16+$0xFFFFFFF0] =	vst v0;
	s16 =	simm.s32 $0x0;
	s17 =	simm.s32 $0x1BA00  }
0x19: {  	[tilespmem:s17], [sflag:$0x3] =	stream.linear.gather [hbm4b:s4+s16], $0x2C70, $0x38;
	[tilespmem:$0x1E680] =	vst v63  }
0x1a: {  	_ =	swait.ge [sflag:s10], $0x2C70  }
0x1b: {  	[sflag:s10] =	ssyncset.done $0x0  }
0x1c: {  	[sflag:s10] =	ssyncadd.s32 $0xFFFFD390  }
0x1d: {  	[tilespmem:s11], [sflag:$0x1] =	stream.linear.gather [hbm4b:s1+s16], $0x4000, $0x38;
	[tilespmem:$0x1E680] =	vst v63  }
0x1e: {  	v29 =	vmov v11;
	s18 =	simm.s32 $0x1BA48;
	v21 =	vimm.s32 $0x0  }
0x1f: {  	v18 =	vmovc v20;
	v28 =	vmovc v1;
	v22 =	vmov v35;
	v13 =	vmov v34;
	v20 =	vmov v36;
	[tilespmem:s12], [sflag:$0x2] =	stream.linear.gather [hbm4b:s5+s16], $0x4000, $0x38;
	[tilespmem:$0x1E680] =	vst v63  }
.LBB2_4:
0x20: {  	v34 =	vmov s17;
	_ =	sdelay $0x1  }
0x21: {  	_ =	swait.ge [sflag:s13], $0x4000  }
0x22: {  	[sflag:s13] =	ssyncset.done $0x0  }
0x23: {  	s19 =	simm.s32 $0x0;
	[sflag:s13] =	ssyncadd.s32 $0xFFFFC000  }
0x24: {  	v35 =	vld.idx.msk [tilespmem:v34+s19+$0x0 ss:$0x1], $0xffff;
	_ =	sdelay $0x4  }
0x25: {  	v39 =	vperm.xlane v35, v21;
	_ =	sdelay $0x1  }
0x26: {  	v35 =	vshll.u32 v39, $0x8;
	v36 =	vshll.u32 v39, $0x7  }
0x27: {  	v35 =	vand.u32 $0x7800, v35;
	v36 =	vand.u32 $0x380, v36  }
0x28: {  	v43 =	vor.u32 v36, v35  }
0x29: {  	v35 =	vor.u32 v3, v43  }
0x2a: {  	v36 =	vor.u32 v7, v43  }
0x2b: {  	v38 =	vor.u32 v8, v43  }
0x2c: {  	v40 =	vor.u32 v6, v43  }
0x2d: {  	v0 =	vld [tilespmem:$0x1FF60];
	v41 =	vor.u32 v9, v43  }
0x2e: {  	v54 =	vor.u32 v19, v43;
	v51 =	vld.idx.msk [tilespmem:v35+s11+$0x0], $0xffff  }
0x2f: {  	v42 =	vor.u32 v17, v43;
	v37 =	vld.idx.msk [tilespmem:v36+s11+$0x0], $0xffff  }
0x30: {  	v44 =	vor.u32 v12, v43;
	v38 =	vld.idx.msk [tilespmem:v38+s11+$0x0], $0xffff  }
0x31: {  	v45 =	vor.u32 v14, v43;
	v1 =	vld.idx.msk [tilespmem:v40+s11+$0x0], $0xffff  }
0x32: {  	v46 =	vor.u32 v5, v43;
	v40 =	vld.idx.msk [tilespmem:v41+s11+$0x0], $0xffff  }
0x33: {  	v47 =	vor.u32 v10, v43;
	v35 =	vld.idx.msk [tilespmem:v54+s11+$0x0], $0xffff  }
0x34: {  	v48 =	vor.u32 v4, v43;
	v36 =	vld.idx.msk [tilespmem:v42+s11+$0x0], $0xffff  }
0x35: {  	v49 =	vor.u32 v25, v43;
	v42 =	vld.idx.msk [tilespmem:v44+s11+$0x0], $0xffff  }
0x36: {  	v44 =	vor.u32 v23, v43;
	v41 =	vld.idx.msk [tilespmem:v45+s11+$0x0], $0xffff  }
0x37: {  	v54 =	vld.idx.msk [tilespmem:v46+s11+$0x0], $0xffff  }
0x38: {  	v52 =	vshll.u32 v39, $0x1;
	v39 =	vor.u32 v16, v43;
	v46 =	vld.idx.msk [tilespmem:v47+s11+$0x0], $0xffff  }
0x39: {  	v53 =	vand.u32 $0xFFFFFF00, v52;
	v45 =	vor.u32 v15, v43;
	v57 =	vld.idx.msk [tilespmem:v48+s11+$0x0], $0xffff  }
0x3a: {  	v56 =	vor.u32 v10, v53;
	v48 =	vld.idx.msk [tilespmem:v49+s11+$0x0], $0xffff  }
0x3b: {  	v58 =	vor.u32 v3, v53;
	v43 =	vld.idx.msk [tilespmem:v44+s11+$0x0], $0xffff  }
0x3c: {  	v11 =	vmov v0;
	v44 =	vor.u32 v0, v52;
	v0 =	vld [tilespmem:$0x1FFA0]  }
0x3d: {  	v49 =	vld.idx.msk [tilespmem:v39+s11+$0x0], $0xffff  }
0x3e: {  	v59 =	vor.u32 v20, v52;
	v50 =	vld.idx.msk [tilespmem:v45+s11+$0x0], $0xffff  }
0x3f: {  	v61 =	vor.u32 v27, v52;
	v60 =	vor.u32 v4, v53;
	[tilespmem:v56+s3+$0x0] =	vst.idx.add.f32.msk $0xffff, v46  }
0x40: {  	v55 =	vor.u32 v30, v52;
	v62 =	vor.u32 v5, v53;
	[tilespmem:v58+s3+$0x0] =	vst.idx.add.f32.msk $0xffff, v51  }
0x41: {  	v39 =	vand.u32 v18, v55;
	v55 =	vor.u32 v6, v53;
	v51 =	vand.u32 v0, v59;
	v0 =	vld [tilespmem:$0x1FF90]  }
0x42: {  	v63 =	vor.u32 v24, v52;
	v47 =	vor.u32 v28, v52;
	v56 =	vor.u32 v7, v53  }
0x43: {  	v26 =	vld [tilespmem:$0x1FF70];
	v45 =	vor.u32 v22, v52;
	v46 =	vor.u32 v32, v52;
	v52 =	vor.u32 v8, v53  }
0x44: {  	v53 =	vor.u32 v9, v53;
	[tilespmem:v60+s3+$0x0] =	vst.idx.add.f32.msk $0xffff, v57  }
0x45: {  	[tilespmem:v62+s3+$0x0] =	vst.idx.add.f32.msk $0xffff, v54  }
0x46: {  	s19 =	simm.s32 $0x4;
	[tilespmem:v55+s3+$0x0] =	vst.idx.add.f32.msk $0xffff, v1;
	v55 =	vand.u32 v13, v63;
	v54 =	vand.u32 v0, v61  }
.LBB2_5:
0x47: {  	[tilespmem:v56+s3+$0x0] =	vst.idx.add.f32.msk $0xffff, v37  }
0x48: {  	[tilespmem:v52+s3+$0x0] =	vst.idx.add.f32.msk $0xffff, v38  }
0x49: {  	v61 =	vand.u32 v29, v47;
	[tilespmem:v53+s3+$0x0] =	vst.idx.add.f32.msk $0xffff, v40  }
0x4a: {  	v62 =	vand.u32 v31, v45;
	[tilespmem:v51+s3+$0x0] =	vst.idx.add.f32.msk $0xffff, v42  }
0x4b: {  	v63 =	vand.u32 v33, v46;
	[tilespmem:v54+s3+$0x0] =	vst.idx.add.f32.msk $0xffff, v48  }
0x4c: {  	v45 =	vand.u32 v26, v44;
	[tilespmem:v55+s3+$0x0] =	vst.idx.add.f32.msk $0xffff, v41  }
0x4d: {  	[tilespmem:v39+s3+$0x0] =	vst.idx.add.f32.msk $0xffff, v50  }
0x4e: {  	[tilespmem:v61+s3+$0x0] =	vst.idx.add.f32.msk $0xffff, v49  }
0x4f: {  	[tilespmem:v62+s3+$0x0] =	vst.idx.add.f32.msk $0xffff, v36  }
0x50: {  	s20 =	smov.u32 s19;
	[tilespmem:v63+s3+$0x0] =	vst.idx.add.f32.msk $0xffff, v43  }
0x51: {  	s20 =	sshra.s32 s20, $0x2;
	[tilespmem:v45+s3+$0x0] =	vst.idx.add.f32.msk $0xffff, v35  }
0x52: {  	v35 =	vld.idx.msk [tilespmem:v34+s20+$0x0 ss:$0x1], $0xffff;
	_ =	sdelay $0x4  }
0x53: {  	v35 =	vperm.xlane v35, v21;
	_ =	sdelay $0x1  }
0x54: {  	v36 =	vshll.u32 v35, $0x1;
	v46 =	vshll.u32 v35, $0x8;
	v35 =	vshll.u32 v35, $0x7  }
0x55: {  	v37 =	vand.u32 $0x7800, v46;
	v35 =	vand.u32 $0x380, v35  }
0x56: {  	v35 =	vor.u32 v35, v37  }
0x57: {  	v37 =	vor.u32 v3, v35  }
0x58: {  	v43 =	vor.u32 v10, v35;
	v48 =	vor.u32 v4, v35;
	v47 =	vor.u32 v7, v35  }
0x59: {  	v49 =	vor.u32 v5, v35;
	v40 =	vor.u32 v6, v35;
	v41 =	vor.u32 v8, v35  }
0x5a: {  	v42 =	vor.u32 v9, v35;
	v50 =	vor.u32 v12, v35;
	v52 =	vor.u32 v25, v35  }
0x5b: {  	v53 =	vor.u32 v14, v35;
	v56 =	vor.u32 v15, v35;
	v57 =	vor.u32 v16, v35  }
0x5c: {  	v58 =	vor.u32 v17, v35;
	v59 =	vor.u32 v23, v35;
	v35 =	vor.u32 v19, v35;
	v60 =	vld.idx.msk [tilespmem:v37+s11+$0x0], $0xffff  }
0x5d: {  	v37 =	vld.idx.msk [tilespmem:v47+s11+$0x0], $0xffff  }
0x5e: {  	v38 =	vld.idx.msk [tilespmem:v41+s11+$0x0], $0xffff  }
0x5f: {  	v62 =	vld.idx.msk [tilespmem:v40+s11+$0x0], $0xffff  }
0x60: {  	v51 =	vand.u32 $0xFFFFFF00, v36;
	v54 =	vor.u32 v20, v36;
	v55 =	vor.u32 v27, v36;
	v40 =	vld.idx.msk [tilespmem:v42+s11+$0x0], $0xffff  }
0x61: {  	v61 =	vor.u32 v24, v36;
	v63 =	vor.u32 v30, v36;
	v45 =	vor.u32 v22, v36;
	v35 =	vld.idx.msk [tilespmem:v35+s11+$0x0], $0xffff  }
0x62: {  	v46 =	vor.u32 v32, v36;
	v44 =	vor.u32 v11, v36;
	v47 =	vor.u32 v28, v36;
	v36 =	vld.idx.msk [tilespmem:v58+s11+$0x0], $0xffff  }
0x63: {  	v42 =	vld.idx.msk [tilespmem:v50+s11+$0x0], $0xffff  }
0x64: {  	v41 =	vld.idx.msk [tilespmem:v53+s11+$0x0], $0xffff  }
0x65: {  	v58 =	vld.idx.msk [tilespmem:v49+s11+$0x0], $0xffff  }
0x66: {  	v53 =	vld.idx.msk [tilespmem:v43+s11+$0x0], $0xffff  }
0x67: {  	v39 =	vand.u32 v18, v63;
	v63 =	vor.u32 v10, v51;
	v1 =	vld.idx.msk [tilespmem:v48+s11+$0x0], $0xffff  }
0x68: {  	v2 =	vor.u32 v3, v51;
	v48 =	vld.idx.msk [tilespmem:v52+s11+$0x0], $0xffff  }
0x69: {  	v0 =	vor.u32 v4, v51;
	v43 =	vld.idx.msk [tilespmem:v59+s11+$0x0], $0xffff  }
0x6a: {  	v49 =	vld.idx.msk [tilespmem:v57+s11+$0x0], $0xffff  }
0x6b: {  	v50 =	vld.idx.msk [tilespmem:v56+s11+$0x0], $0xffff  }
0x6c: {  	[tilespmem:v63+s3+$0x0] =	vst.idx.add.f32.msk $0xffff, v53  }
0x6d: {  	[tilespmem:v2+s3+$0x0] =	vst.idx.add.f32.msk $0xffff, v60  }
0x6e: {  	[tilespmem:v0+s3+$0x0] =	vst.idx.add.f32.msk $0xffff, v1  }
0x6f: {  	v0 =	vld [tilespmem:$0x1FFA0];
	_ =	sdelay $0x3  }
0x70: {  	v59 =	vor.u32 v5, v51;
	v57 =	vor.u32 v6, v51;
	v56 =	vor.u32 v7, v51  }
0x71: {  	p0 =	sne.s32 s19, $0x11C;
	v52 =	vor.u32 v8, v51;
	v53 =	vor.u32 v9, v51;
	v51 =	vand.u32 v0, v54;
	v0 =	vld [tilespmem:$0x1FF90]  }
.Ltmp1:
0x72: {  	_ = 	snop;
	(pc) =	sbr.rel @p0 .LBB2_5-.Ltmp1, $3  }
0x73: {  	_ =	sdelay $0x1  }
0x74: {  	[tilespmem:v59+s3+$0x0] =	vst.idx.add.f32.msk $0xffff, v58  }
0x75: {  	s19 =	sadd.s32 $0x4, s19;
	[tilespmem:v57+s3+$0x0] =	vst.idx.add.f32.msk $0xffff, v62;
	v54 =	vand.u32 v0, v55;
	v55 =	vand.u32 v13, v61  }
0x76: {  	_ =	sdelay $0x3  }
0x77: {  	[tilespmem:v56+s3+$0x0] =	vst.idx.add.f32.msk $0xffff, v37  }
0x78: {  	[tilespmem:v52+s3+$0x0] =	vst.idx.add.f32.msk $0xffff, v38  }
0x79: {  	v0 =	vand.u32 v29, v47;
	[tilespmem:v53+s3+$0x0] =	vst.idx.add.f32.msk $0xffff, v40  }
0x7a: {  	v1 =	vand.u32 v31, v45;
	[tilespmem:v51+s3+$0x0] =	vst.idx.add.f32.msk $0xffff, v42  }
0x7b: {  	v2 =	vand.u32 v33, v46;
	[tilespmem:v54+s3+$0x0] =	vst.idx.add.f32.msk $0xffff, v48  }
0x7c: {  	v34 =	vand.u32 v26, v44;
	[tilespmem:v55+s3+$0x0] =	vst.idx.add.f32.msk $0xffff, v41  }
0x7d: {  	[tilespmem:v39+s3+$0x0] =	vst.idx.add.f32.msk $0xffff, v50  }
0x7e: {  	[tilespmem:v0+s3+$0x0] =	vst.idx.add.f32.msk $0xffff, v49  }
0x7f: {  	[tilespmem:v1+s3+$0x0] =	vst.idx.add.f32.msk $0xffff, v36  }
0x80: {  	s19 =	sshll.u32 s16, $0xC;
	[tilespmem:v2+s3+$0x0] =	vst.idx.add.f32.msk $0xffff, v43  }
0x81: {  	s21 =	simm.s32 $0x0;
	s20 =	sadd.s32 s19, s6;
	[tilespmem:v34+s3+$0x0] =	vst.idx.add.f32.msk $0xffff, v35;
	v34 =	vmov s18  }
0x82: {  	[tilespmem:s11], [sflag:$0x1] =	stream.linear.gather [hbm4b:s20+s21], $0x4000, $0x38;
	[tilespmem:$0x1E680] =	vst v63  }
0x83: {  	_ =	swait.ge [sflag:s14], $0x4000  }
0x84: {  	[sflag:s14] =	ssyncset.done $0x0  }
0x85: {  	s31 =	simm.s32 $0x0;
	[sflag:s14] =	ssyncadd.s32 $0xFFFFC000  }
0x86: {  	v0 =	vld.idx.msk [tilespmem:v34+s31+$0x0 ss:$0x1], $0xffff;
	_ =	sdelay $0x4  }
0x87: {  	v0 =	vperm.xlane v0, v21;
	_ =	sdelay $0x1  }
0x88: {  	v1 =	vshll.u32 v0, $0x8;
	v2 =	vshll.u32 v0, $0x7  }
0x89: {  	v1 =	vand.u32 $0x7800, v1;
	v2 =	vand.u32 $0x380, v2  }
0x8a: {  	v1 =	vor.u32 v2, v1  }
0x8b: {  	v2 =	vor.u32 v3, v1  }
0x8c: {  	v53 =	vor.u32 v7, v1  }
0x8d: {  	v54 =	vor.u32 v8, v1  }
0x8e: {  	v55 =	vor.u32 v6, v1  }
0x8f: {  	v21 =	vld [tilespmem:$0x1FFA0];
	v56 =	vor.u32 v9, v1  }
0x90: {  	v57 =	vor.u32 v19, v1;
	v2 =	vld.idx.msk [tilespmem:v2+s12+$0x0], $0xffff  }
0x91: {  	v58 =	vor.u32 v17, v1;
	v37 =	vld.idx.msk [tilespmem:v53+s12+$0x0], $0xffff  }
0x92: {  	v59 =	vor.u32 v12, v1;
	v38 =	vld.idx.msk [tilespmem:v54+s12+$0x0], $0xffff  }
0x93: {  	v62 =	vor.u32 v14, v1;
	v51 =	vld.idx.msk [tilespmem:v55+s12+$0x0], $0xffff  }
0x94: {  	v49 =	vor.u32 v5, v1;
	v39 =	vld.idx.msk [tilespmem:v56+s12+$0x0], $0xffff  }
0x95: {  	v50 =	vor.u32 v10, v1;
	v35 =	vld.idx.msk [tilespmem:v57+s12+$0x0], $0xffff  }
0x96: {  	v36 =	vld.idx.msk [tilespmem:v58+s12+$0x0], $0xffff  }
0x97: {  	v56 =	vor.u32 v4, v1;
	v42 =	vld.idx.msk [tilespmem:v59+s12+$0x0], $0xffff  }
0x98: {  	v57 =	vor.u32 v25, v1;
	v40 =	vld.idx.msk [tilespmem:v62+s12+$0x0], $0xffff  }
0x99: {  	v58 =	vor.u32 v23, v1;
	v45 =	vld.idx.msk [tilespmem:v49+s12+$0x0], $0xffff  }
0x9a: {  	v0 =	vshll.u32 v0, $0x1;
	v59 =	vor.u32 v16, v1;
	v46 =	vld.idx.msk [tilespmem:v50+s12+$0x0], $0xffff  }
0x9b: {  	v26 =	vmovc v19;
	v52 =	vand.u32 $0xFFFFFF00, v0;
	v19 =	vmov v23;
	v1 =	vor.u32 v15, v1;
	v23 =	vld [tilespmem:$0x1FF90]  }
0x9c: {  	v49 =	vor.u32 v10, v52;
	v41 =	vld.idx.msk [tilespmem:v56+s12+$0x0], $0xffff  }
0x9d: {  	v62 =	vor.u32 v3, v52;
	v48 =	vld.idx.msk [tilespmem:v57+s12+$0x0], $0xffff  }
0x9e: {  	v60 =	vor.u32 v4, v52;
	v43 =	vld.idx.msk [tilespmem:v58+s12+$0x0], $0xffff  }
0x9f: {  	v63 =	vmov v14;
	v44 =	vor.u32 v11, v0;
	v61 =	vor.u32 v5, v52;
	v47 =	vld.idx.msk [tilespmem:v59+s12+$0x0], $0xffff  }
0xa0: {  	v55 =	vor.u32 v8, v52;
	v53 =	vor.u32 v9, v52;
	v56 =	vor.u32 v6, v52;
	v50 =	vld.idx.msk [tilespmem:v1+s12+$0x0], $0xffff  }
0xa1: {  	v14 =	vmov v25;
	[tilespmem:v49+s3+$0x0] =	vst.idx.add.f32.msk $0xffff, v46;
	v1 =	vor.u32 v20, v0;
	v57 =	vor.u32 v24, v0  }
0xa2: {  	v10 =	vmov v27;
	v49 =	vor.u32 v28, v0;
	v46 =	vor.u32 v22, v0;
	[tilespmem:v62+s3+$0x0] =	vst.idx.add.f32.msk $0xffff, v2  }
0xa3: {  	v25 =	vmov v13;
	v2 =	vor.u32 v27, v0;
	v62 =	vor.u32 v30, v0;
	[tilespmem:v60+s3+$0x0] =	vst.idx.add.f32.msk $0xffff, v41  }
0xa4: {  	v59 =	vmovc v30;
	v27 =	vmov v18;
	v30 =	vmov v22;
	v54 =	vand.u32 v21, v1;
	[tilespmem:v61+s3+$0x0] =	vst.idx.add.f32.msk $0xffff, v45  }
0xa5: {  	v22 =	vmov v10;
	v41 =	vand.u32 v18, v62;
	[tilespmem:v56+s3+$0x0] =	vst.idx.add.f32.msk $0xffff, v51;
	v56 =	vor.u32 v7, v52  }
0xa6: {  	v17 =	vld [tilespmem:$0x1FFF0];
	v18 =	vmovc v19;
	v19 =	vmovc v26;
	v26 =	vmov v59;
	v45 =	vor.u32 v32, v0;
	v61 =	vmov v11  }
0xa7: {  	s20 =	simm.s32 $0x4;
	v62 =	vld [tilespmem:$0x1FF70];
	v11 =	vlaneseq.u32;
	v52 =	vand.u32 v23, v2;
	v51 =	vand.u32 v13, v57;
	v13 =	vmovc v14;
	v14 =	vmovc v63  }
.LBB2_7:
0xa8: {  	_ =	sdelay $0x1  }
0xa9: {  	[tilespmem:v56+s3+$0x0] =	vst.idx.add.f32.msk $0xffff, v37  }
0xaa: {  	[tilespmem:v55+s3+$0x0] =	vst.idx.add.f32.msk $0xffff, v38  }
0xab: {  	v0 =	vand.u32 v29, v49;
	[tilespmem:v53+s3+$0x0] =	vst.idx.add.f32.msk $0xffff, v39  }
0xac: {  	v1 =	vand.u32 v31, v46;
	[tilespmem:v54+s3+$0x0] =	vst.idx.add.f32.msk $0xffff, v42  }
0xad: {  	v2 =	vand.u32 v33, v45;
	[tilespmem:v52+s3+$0x0] =	vst.idx.add.f32.msk $0xffff, v48  }
0xae: {  	v62 =	vand.u32 v62, v44;
	[tilespmem:v51+s3+$0x0] =	vst.idx.add.f32.msk $0xffff, v40  }
0xaf: {  	[tilespmem:v41+s3+$0x0] =	vst.idx.add.f32.msk $0xffff, v50  }
0xb0: {  	[tilespmem:v0+s3+$0x0] =	vst.idx.add.f32.msk $0xffff, v47  }
0xb1: {  	[tilespmem:v1+s3+$0x0] =	vst.idx.add.f32.msk $0xffff, v36  }
0xb2: {  	s21 =	smov.u32 s20;
	[tilespmem:v2+s3+$0x0] =	vst.idx.add.f32.msk $0xffff, v43  }
0xb3: {  	s21 =	sshra.s32 s21, $0x2;
	[tilespmem:v62+s3+$0x0] =	vst.idx.add.f32.msk $0xffff, v35  }
0xb4: {  	v0 =	vld.idx.msk [tilespmem:v34+s21+$0x0 ss:$0x1], $0xffff;
	_ =	sdelay $0x3  }
0xb5: {  	v1 =	vimm.s32 $0x0  }
0xb6: {  	v0 =	vperm.xlane v0, v1;
	_ =	sdelay $0x1  }
0xb7: {  	v1 =	vshll.u32 v0, $0x1;
	v2 =	vshll.u32 v0, $0x8;
	v0 =	vshll.u32 v0, $0x7  }
0xb8: {  	v2 =	vand.u32 $0x7800, v2;
	v0 =	vand.u32 $0x380, v0  }
0xb9: {  	v0 =	vor.u32 v0, v2  }
0xba: {  	v63 =	vor.u32 v3, v0  }
0xbb: {  	v43 =	vor.u32 v11, v0;
	v47 =	vor.u32 v4, v0;
	v46 =	vor.u32 v7, v0  }
0xbc: {  	v48 =	vor.u32 v5, v0;
	v36 =	vor.u32 v6, v0;
	v38 =	vor.u32 v8, v0  }
0xbd: {  	v39 =	vor.u32 v9, v0;
	v40 =	vor.u32 v12, v0;
	v50 =	vor.u32 v13, v0  }
0xbe: {  	v60 =	vor.u32 v14, v0;
	v54 =	vor.u32 v15, v0;
	v55 =	vor.u32 v16, v0  }
0xbf: {  	v62 =	vor.u32 v17, v0;
	v56 =	vor.u32 v18, v0;
	v0 =	vor.u32 v19, v0;
	v57 =	vld.idx.msk [tilespmem:v63+s12+$0x0], $0xffff  }
0xc0: {  	v51 =	vand.u32 $0xFFFFFF00, v1;
	v52 =	vor.u32 v22, v1;
	v58 =	vor.u32 v24, v1;
	v37 =	vld.idx.msk [tilespmem:v46+s12+$0x0], $0xffff  }
0xc1: {  	v49 =	vor.u32 v28, v1;
	v45 =	vor.u32 v32, v1;
	v44 =	vor.u32 v61, v1;
	v38 =	vld.idx.msk [tilespmem:v38+s12+$0x0], $0xffff  }
0xc2: {  	v2 =	vor.u32 v20, v1;
	v63 =	vor.u32 v26, v1;
	v46 =	vor.u32 v30, v1;
	v1 =	vld.idx.msk [tilespmem:v36+s12+$0x0], $0xffff  }
0xc3: {  	v39 =	vld.idx.msk [tilespmem:v39+s12+$0x0], $0xffff  }
0xc4: {  	v35 =	vld.idx.msk [tilespmem:v0+s12+$0x0], $0xffff  }
0xc5: {  	v36 =	vld.idx.msk [tilespmem:v62+s12+$0x0], $0xffff  }
0xc6: {  	v42 =	vld.idx.msk [tilespmem:v40+s12+$0x0], $0xffff  }
0xc7: {  	v40 =	vld.idx.msk [tilespmem:v60+s12+$0x0], $0xffff  }
0xc8: {  	v0 =	vld.idx.msk [tilespmem:v48+s12+$0x0], $0xffff  }
0xc9: {  	v53 =	vld.idx.msk [tilespmem:v43+s12+$0x0], $0xffff  }
0xca: {  	v59 =	vor.u32 v11, v51;
	v60 =	vld.idx.msk [tilespmem:v47+s12+$0x0], $0xffff  }
0xcb: {  	v61 =	vor.u32 v3, v51;
	v48 =	vld.idx.msk [tilespmem:v50+s12+$0x0], $0xffff  }
0xcc: {  	v43 =	vld.idx.msk [tilespmem:v56+s12+$0x0], $0xffff  }
0xcd: {  	v62 =	vor.u32 v4, v51;
	v47 =	vld.idx.msk [tilespmem:v55+s12+$0x0], $0xffff  }
0xce: {  	v50 =	vld.idx.msk [tilespmem:v54+s12+$0x0], $0xffff  }
0xcf: {  	v41 =	vand.u32 v27, v63;
	v63 =	vor.u32 v5, v51;
	[tilespmem:v59+s3+$0x0] =	vst.idx.add.f32.msk $0xffff, v53  }
0xd0: {  	p0 =	sne.s32 s20, $0x11C;
	v10 =	vor.u32 v6, v51;
	[tilespmem:v61+s3+$0x0] =	vst.idx.add.f32.msk $0xffff, v57  }
.Ltmp2:
0xd1: {  	v61 =	vld [tilespmem:$0x1FF60];
	(pc) =	sbr.rel @p0 .LBB2_7-.Ltmp2, $4  }
0xd2: {  	[tilespmem:v62+s3+$0x0] =	vst.idx.add.f32.msk $0xffff, v60  }
0xd3: {  	v52 =	vand.u32 v23, v52;
	v56 =	vor.u32 v7, v51;
	v62 =	vld [tilespmem:$0x1FF70]  }
0xd4: {  	v55 =	vor.u32 v8, v51;
	v54 =	vand.u32 v21, v2;
	[tilespmem:v63+s3+$0x0] =	vst.idx.add.f32.msk $0xffff, v0  }
0xd5: {  	s20 =	sadd.s32 $0x4, s20;
	v53 =	vor.u32 v9, v51;
	v51 =	vand.u32 v25, v58;
	[tilespmem:v10+s3+$0x0] =	vst.idx.add.f32.msk $0xffff, v1  }
0xd6: {  	_ =	sdelay $0x3  }
0xd7: {  	[tilespmem:v56+s3+$0x0] =	vst.idx.add.f32.msk $0xffff, v37  }
0xd8: {  	[tilespmem:v55+s3+$0x0] =	vst.idx.add.f32.msk $0xffff, v38  }
0xd9: {  	v0 =	vand.u32 v29, v49;
	[tilespmem:v53+s3+$0x0] =	vst.idx.add.f32.msk $0xffff, v39  }
0xda: {  	v1 =	vand.u32 v31, v46;
	[tilespmem:v54+s3+$0x0] =	vst.idx.add.f32.msk $0xffff, v42  }
0xdb: {  	v2 =	vand.u32 v33, v45;
	[tilespmem:v52+s3+$0x0] =	vst.idx.add.f32.msk $0xffff, v48  }
0xdc: {  	p0 =	seq.s32 s16, $0x4D;
	v10 =	vand.u32 v62, v44;
	[tilespmem:v51+s3+$0x0] =	vst.idx.add.f32.msk $0xffff, v40  }
.Ltmp3:
0xdd: {  	[tilespmem:v41+s3+$0x0] =	vst.idx.add.f32.msk $0xffff, v50;
	(pc) =	sbr.rel @p0 .LBB2_10-.Ltmp3, $4  }
0xde: {  	[tilespmem:v0+s3+$0x0] =	vst.idx.add.f32.msk $0xffff, v47  }
0xdf: {  	[tilespmem:v1+s3+$0x0] =	vst.idx.add.f32.msk $0xffff, v36  }
0xe0: {  	[tilespmem:v2+s3+$0x0] =	vst.idx.add.f32.msk $0xffff, v43  }
0xe1: {  	v11 =	vmov v29;
	[tilespmem:v10+s3+$0x0] =	vst.idx.add.f32.msk $0xffff, v35  }
.Ltmp4:
0xe2: {  	v25 =	vmov v13;
	v13 =	vld [tilespmem:$0x1FF80];
	(pc) =	sbr.rel .LBB2_4-.Ltmp4, $4  }
0xe3: {  	v23 =	vmov v18;
	v18 =	vld [tilespmem:$0x1FFE0]  }
0xe4: {  	s19 =	sadd.s32 s19, s7;
	v28 =	vld [tilespmem:$0x1FFD0]  }
0xe5: {  	s16 =	sadd.s32 $0x1, s16;
	s17 =	sadd.s32 $0x90, s17;
	s18 =	sadd.s32 $0x90, s18;
	v27 =	vmov v22;
	v22 =	vld [tilespmem:$0x1FFC0]  }
0xe6: {  	v29 =	vmovc v11;
	v10 =	vlaneseq.u32;
	v21 =	vimm.s32 $0x0;
	v30 =	vmov v26;
	v32 =	vld [tilespmem:$0x1FFB0];
	[tilespmem:s12], [sflag:$0x2] =	stream.linear.gather [hbm4b:s19+s3], $0x4000, $0x38  }
.LBB2_10:
0xe7: {  	_ =	swait.ge [sflag:s13], $0x4000  }
0xe8: {  	[sflag:s13] =	ssyncset.done $0x0  }
0xe9: {  	s16 =	simm.s32 $0x0;
	[sflag:s13] =	ssyncadd.s32 $0xFFFFC000  }
0xea: {  	v0 =	vld [tilespmem:s16+$0x1E5E0];
	_ =	sdelay $0x3  }
0xeb: {  	v21 =	vimm.s32 $0x0  }
0xec: {  	v0 =	vperm.xlane v0, v21;
	_ =	sdelay $0x1  }
0xed: {  	v1 =	vshll.u32 v0, $0x8;
	v2 =	vshll.u32 v0, $0x7  }
0xee: {  	v27 =	vld [tilespmem:$0x1FFE0];
	v1 =	vand.u32 $0x7800, v1;
	v2 =	vand.u32 $0x380, v2  }
0xef: {  	v23 =	vld [tilespmem:$0x1FFD0];
	v1 =	vor.u32 v2, v1  }
0xf0: {  	v30 =	vld [tilespmem:$0x1FFC0];
	v2 =	vor.u32 v3, v1  }
0xf1: {  	v25 =	vld [tilespmem:$0x1FFB0];
	v10 =	vor.u32 v7, v1  }
0xf2: {  	v28 =	vld [tilespmem:$0x1FFA0];
	v34 =	vor.u32 v8, v1  }
0xf3: {  	v29 =	vld [tilespmem:$0x1FF90];
	v35 =	vor.u32 v6, v1  }
0xf4: {  	v32 =	vld [tilespmem:$0x1FF80];
	v38 =	vor.u32 v9, v1  }
0xf5: {  	v40 =	vor.u32 v19, v1;
	v2 =	vld.idx.msk [tilespmem:v2+s11+$0x0], $0xffff  }
0xf6: {  	v41 =	vor.u32 v17, v1;
	v36 =	vld.idx.msk [tilespmem:v10+s11+$0x0], $0xffff  }
0xf7: {  	v42 =	vor.u32 v14, v1;
	v37 =	vld.idx.msk [tilespmem:v34+s11+$0x0], $0xffff  }
0xf8: {  	v43 =	vor.u32 v5, v1;
	v54 =	vld.idx.msk [tilespmem:v35+s11+$0x0], $0xffff  }
0xf9: {  	v63 =	vlaneseq.u32;
	v10 =	vor.u32 v12, v1;
	v39 =	vld.idx.msk [tilespmem:v38+s11+$0x0], $0xffff  }
0xfa: {  	v59 =	vor.u32 v63, v1;
	v34 =	vld.idx.msk [tilespmem:v40+s11+$0x0], $0xffff  }
0xfb: {  	v44 =	vor.u32 v4, v1;
	v35 =	vld.idx.msk [tilespmem:v41+s11+$0x0], $0xffff  }
0xfc: {  	v45 =	vor.u32 v13, v1;
	v40 =	vld.idx.msk [tilespmem:v42+s11+$0x0], $0xffff  }
0xfd: {  	v46 =	vor.u32 v16, v1;
	v53 =	vld.idx.msk [tilespmem:v43+s11+$0x0], $0xffff  }
0xfe: {  	v0 =	vshll.u32 v0, $0x1;
	v41 =	vld.idx.msk [tilespmem:v10+s11+$0x0], $0xffff;
	v10 =	vor.u32 v18, v1  }
0xff: {  	v50 =	vand.u32 $0xFFFFFF00, v0;
	v43 =	vld.idx.msk [tilespmem:v59+s11+$0x0], $0xffff;
	v1 =	vor.u32 v15, v1  }
0x100: {  	v51 =	vor.u32 v63, v50;
	v52 =	vld.idx.msk [tilespmem:v44+s11+$0x0], $0xffff  }
0x101: {  	v55 =	vor.u32 v3, v50;
	v47 =	vld.idx.msk [tilespmem:v45+s11+$0x0], $0xffff  }
0x102: {  	v56 =	vor.u32 v20, v0;
	v57 =	vor.u32 v4, v50;
	v48 =	vld.idx.msk [tilespmem:v46+s11+$0x0], $0xffff  }
0x103: {  	v60 =	vor.u32 v26, v0;
	v58 =	vor.u32 v5, v50;
	v59 =	vor.u32 v24, v0;
	v42 =	vld.idx.msk [tilespmem:v10+s11+$0x0], $0xffff  }
0x104: {  	v38 =	vand.u32 v27, v60;
	v60 =	vor.u32 v6, v50;
	v46 =	vor.u32 v23, v0;
	v49 =	vld.idx.msk [tilespmem:v1+s11+$0x0], $0xffff  }
0x105: {  	v44 =	vor.u32 v30, v0;
	v45 =	vor.u32 v25, v0;
	[tilespmem:v51+s3+$0x0] =	vst.idx.add.f32.msk $0xffff, v43  }
0x106: {  	v10 =	vor.u32 v22, v0;
	v43 =	vor.u32 v61, v0;
	[tilespmem:v55+s3+$0x0] =	vst.idx.add.f32.msk $0xffff, v2  }
0x107: {  	v51 =	vor.u32 v8, v50;
	v55 =	vor.u32 v7, v50;
	[tilespmem:v57+s3+$0x0] =	vst.idx.add.f32.msk $0xffff, v52  }
0x108: {  	v52 =	vor.u32 v9, v50;
	v50 =	vand.u32 v28, v56;
	[tilespmem:v58+s3+$0x0] =	vst.idx.add.f32.msk $0xffff, v53  }
0x109: {  	s16 =	simm.s32 $0x4;
	v53 =	vand.u32 v29, v10;
	[tilespmem:v60+s3+$0x0] =	vst.idx.add.f32.msk $0xffff, v54;
	v54 =	vand.u32 v32, v59  }
.LBB2_11:
0x10a: {  	_ =	sdelay $0x1  }
0x10b: {  	[tilespmem:v55+s3+$0x0] =	vst.idx.add.f32.msk $0xffff, v36  }
0x10c: {  	[tilespmem:v51+s3+$0x0] =	vst.idx.add.f32.msk $0xffff, v37  }
0x10d: {  	v0 =	vand.u32 v11, v46;
	[tilespmem:v52+s3+$0x0] =	vst.idx.add.f32.msk $0xffff, v39  }
0x10e: {  	v1 =	vand.u32 v31, v44;
	[tilespmem:v50+s3+$0x0] =	vst.idx.add.f32.msk $0xffff, v41  }
0x10f: {  	v2 =	vand.u32 v33, v45;
	[tilespmem:v53+s3+$0x0] =	vst.idx.add.f32.msk $0xffff, v47  }
0x110: {  	v10 =	vand.u32 v62, v43;
	[tilespmem:v54+s3+$0x0] =	vst.idx.add.f32.msk $0xffff, v40  }
0x111: {  	[tilespmem:v38+s3+$0x0] =	vst.idx.add.f32.msk $0xffff, v49  }
0x112: {  	[tilespmem:v0+s3+$0x0] =	vst.idx.add.f32.msk $0xffff, v48  }
0x113: {  	[tilespmem:v1+s3+$0x0] =	vst.idx.add.f32.msk $0xffff, v35  }
0x114: {  	s17 =	smov.u32 s16;
	[tilespmem:v2+s3+$0x0] =	vst.idx.add.f32.msk $0xffff, v42  }
0x115: {  	s17 =	sshra.s32 s17, $0x2;
	[tilespmem:v10+s3+$0x0] =	vst.idx.add.f32.msk $0xffff, v34  }
0x116: {  	v0 =	vld [tilespmem:s17+$0x1E5E0];
	_ =	sdelay $0x4  }
0x117: {  	v0 =	vperm.xlane v0, v21;
	_ =	sdelay $0x1  }
0x118: {  	v1 =	vshll.u32 v0, $0x1;
	v2 =	vshll.u32 v0, $0x8;
	v0 =	vshll.u32 v0, $0x7  }
0x119: {  	v2 =	vand.u32 $0x7800, v2;
	v0 =	vand.u32 $0x380, v0  }
0x11a: {  	v0 =	vor.u32 v0, v2  }
0x11b: {  	v62 =	vor.u32 v3, v0  }
0x11c: {  	v42 =	vor.u32 v63, v0;
	v47 =	vor.u32 v4, v0;
	v46 =	vor.u32 v7, v0  }
0x11d: {  	v48 =	vor.u32 v5, v0;
	v35 =	vor.u32 v6, v0;
	v37 =	vor.u32 v8, v0  }
0x11e: {  	v39 =	vor.u32 v9, v0;
	v40 =	vor.u32 v12, v0;
	v49 =	vor.u32 v13, v0  }
0x11f: {  	v50 =	vor.u32 v14, v0;
	v51 =	vor.u32 v15, v0;
	v52 =	vor.u32 v16, v0  }
0x120: {  	v60 =	vor.u32 v17, v0;
	v54 =	vor.u32 v18, v0;
	v0 =	vor.u32 v19, v0;
	v56 =	vld.idx.msk [tilespmem:v62+s11+$0x0], $0xffff  }
0x121: {  	v10 =	vand.u32 $0xFFFFFF00, v1;
	v53 =	vor.u32 v22, v1;
	v57 =	vor.u32 v24, v1;
	v36 =	vld.idx.msk [tilespmem:v46+s11+$0x0], $0xffff  }
0x122: {  	v44 =	vor.u32 v30, v1;
	v45 =	vor.u32 v25, v1;
	v43 =	vor.u32 v61, v1;
	v37 =	vld.idx.msk [tilespmem:v37+s11+$0x0], $0xffff  }
0x123: {  	v2 =	vor.u32 v20, v1;
	v62 =	vor.u32 v26, v1;
	v46 =	vor.u32 v23, v1;
	v1 =	vld.idx.msk [tilespmem:v35+s11+$0x0], $0xffff  }
0x124: {  	v39 =	vld.idx.msk [tilespmem:v39+s11+$0x0], $0xffff  }
0x125: {  	v34 =	vld.idx.msk [tilespmem:v0+s11+$0x0], $0xffff  }
0x126: {  	v35 =	vld.idx.msk [tilespmem:v60+s11+$0x0], $0xffff  }
0x127: {  	v41 =	vld.idx.msk [tilespmem:v40+s11+$0x0], $0xffff  }
0x128: {  	v40 =	vld.idx.msk [tilespmem:v50+s11+$0x0], $0xffff  }
0x129: {  	v0 =	vld.idx.msk [tilespmem:v48+s11+$0x0], $0xffff  }
0x12a: {  	v50 =	vld.idx.msk [tilespmem:v42+s11+$0x0], $0xffff  }
0x12b: {  	v58 =	vor.u32 v63, v10;
	v59 =	vld.idx.msk [tilespmem:v47+s11+$0x0], $0xffff  }
0x12c: {  	v60 =	vor.u32 v3, v10;
	v47 =	vld.idx.msk [tilespmem:v49+s11+$0x0], $0xffff  }
0x12d: {  	v61 =	vor.u32 v4, v10;
	v42 =	vld.idx.msk [tilespmem:v54+s11+$0x0], $0xffff  }
0x12e: {  	v48 =	vld.idx.msk [tilespmem:v52+s11+$0x0], $0xffff  }
0x12f: {  	v54 =	vor.u32 v5, v10;
	v49 =	vld.idx.msk [tilespmem:v51+s11+$0x0], $0xffff  }
0x130: {  	v38 =	vand.u32 v27, v62;
	v62 =	vor.u32 v6, v10;
	[tilespmem:v58+s3+$0x0] =	vst.idx.add.f32.msk $0xffff, v50  }
0x131: {  	p0 =	sne.s32 s16, $0x11C;
	[tilespmem:v60+s3+$0x0] =	vst.idx.add.f32.msk $0xffff, v56  }
.Ltmp5:
0x132: {  	[tilespmem:v61+s3+$0x0] =	vst.idx.add.f32.msk $0xffff, v59;
	(pc) =	sbr.rel @p0 .LBB2_11-.Ltmp5, $4  }
0x133: {  	v61 =	vld [tilespmem:$0x1FF60]  }
0x134: {  	v55 =	vor.u32 v7, v10;
	[tilespmem:v54+s3+$0x0] =	vst.idx.add.f32.msk $0xffff, v0  }
0x135: {  	v53 =	vand.u32 v29, v53;
	v51 =	vor.u32 v8, v10;
	[tilespmem:v62+s3+$0x0] =	vst.idx.add.f32.msk $0xffff, v1  }
0x136: {  	s16 =	sadd.s32 $0x4, s16;
	v52 =	vor.u32 v9, v10;
	v50 =	vand.u32 v28, v2;
	v54 =	vand.u32 v32, v57;
	v62 =	vld [tilespmem:$0x1FF70]  }
0x137: {  	_ =	sdelay $0x3  }
0x138: {  	[tilespmem:v55+s3+$0x0] =	vst.idx.add.f32.msk $0xffff, v36  }
0x139: {  	[tilespmem:v51+s3+$0x0] =	vst.idx.add.f32.msk $0xffff, v37  }
0x13a: {  	v0 =	vand.u32 v11, v46;
	[tilespmem:v52+s3+$0x0] =	vst.idx.add.f32.msk $0xffff, v39  }
0x13b: {  	v1 =	vand.u32 v31, v44;
	[tilespmem:v50+s3+$0x0] =	vst.idx.add.f32.msk $0xffff, v41  }
0x13c: {  	v2 =	vand.u32 v33, v45;
	[tilespmem:v53+s3+$0x0] =	vst.idx.add.f32.msk $0xffff, v47  }
0x13d: {  	v10 =	vand.u32 v62, v43;
	[tilespmem:v54+s3+$0x0] =	vst.idx.add.f32.msk $0xffff, v40  }
0x13e: {  	[tilespmem:v38+s3+$0x0] =	vst.idx.add.f32.msk $0xffff, v49  }
0x13f: {  	[tilespmem:v0+s3+$0x0] =	vst.idx.add.f32.msk $0xffff, v48  }
0x140: {  	s15 =	sadd.s32 $0x1, s15;
	[tilespmem:v1+s3+$0x0] =	vst.idx.add.f32.msk $0xffff, v35  }
0x141: {  	p0 =	sne.s32 s15, s9;
	[tilespmem:v2+s3+$0x0] =	vst.idx.add.f32.msk $0xffff, v42  }
.Ltmp6:
0x142: {  	[tilespmem:v10+s3+$0x0] =	vst.idx.add.f32.msk $0xffff, v34;
	(pc) =	sbr.rel @p0 .LBB2_1-.Ltmp6, $4  }
0x143: {  	[hbm4b:s8+s3] =	stream.linear.scatter [tilespmem:s3], [sflag:$0x3], $0x13900, $0x38;
	[tilespmem:$0x1E680] =	vst v63  }
0x144: {  	_ =	swait.ge [sflag:s10], $0x13900  }
0x145: {  	[sflag:s10] =	ssyncset.done $0x0  }
0x146: {  	v0 =	vimm.f32 $0.0e+00;
	v10 =	vlaneseq.u32;
	[sflag:s10] =	ssyncadd.s32 $0xFFFEC700  }
0x147: {  	_ =	sfence.sel $0x180000  }
0x148: {  	[bflag:$0x0] =	sbarrier.arrive $0xFFFF  }
0x149: {  	p0 =	sne.s32 s0, $0x0;
	_ =	strace $0x9000004A  }
0x14a: {  	s0 =	sadd.s32 @!p0 $0x100000, s2;
	[bflag:$0x2] =	sbarrier.arrive $0xFFFF  }
0x14b: {  	[sflag:s0] =	ssyncadd.tile.s32 @!p0 $0x1;
	_ =	shalt  }
.Lfunc_end2:
_tile_overlayer_lowered:
.L_overlay_start_2:
0x14c: {  	(tag) =	ssettag $0x2  }
0x14d: {  	s0 =	rddreg [dreg:$0x0];
	s2 =	stileid.u32  }
0x14e: {  	s1 =	rddreg [dreg:$0x1];
	p0 =	sne.s32 s2, $0x0  }
0x14f: {  	s3 =	rddreg [dreg:$0x2];
	[bflag:$0x3] =	sbarrier.arrive $0xFFFF;
	s2 =	simm.s32 @!p0 $0x1C03  }
0x150: {  	[timem:s3], [sflag:s2] =	dma.local @!p0 [hbm:s0], s1  }
0x151: {  	s0 =	simm.s32 @!p0 $0x3  }
0x152: {  	_ =	swait.ge @!p0 [sflag:s0], s1  }
0x153: {  	s1 =	ssub.s32 @!p0 $0x0, s1;
	[sflag:s0] =	ssyncset.done @!p0 $0x0  }
0x154: {  	[sflag:s0] =	ssyncadd.s32 @!p0 s1  }
0x155: {  	[bflag:$0x3] =	sbarrier.arrive $0xFFFF  }
0x156: {  	_ =	shalt  }

// kernel: kernel.16.cloned.1.call-start
scs
__scs_entry_jumppad:
0x0: {  	(pc) =	sbr.rel $0x88, $3  }
0x1: {  	(tag) =	ssettag $0x0;
	lr =	simm.s32 $0x1  }
0x2: {  	[smem:$0x3F8F] =	sst lr;
	_ =	strace $0xD0000000  }
0x3: {  	_ = 	snop  }
0x4: {  	_ = 	snop  }
0x5: {  	_ = 	snop  }
0x6: {  	_ = 	snop  }
0x7: {  	_ = 	snop  }
__scs_overlays_trampoline_lowered:
0x8: {  	[smem:$0x3F9E] =	sst s0  }
0x9: {  	[smem:$0x3F9F] =	sst s1  }
0xa: {  	[smem:$0x3FA0] =	sst s2  }
0xb: {  	[smem:$0x3FA1] =	sst s3  }
0xc: {  	[smem:$0x3FA2] =	sst s4  }
0xd: {  	[smem:$0x3FA3] =	sst s5  }
0xe: {  	[smem:$0x3FA4] =	sst s6  }
0xf: {  	[smem:$0x3FA5] =	sst s7  }
0x10: {  	[smem:$0x3FA6] =	sst s8  }
0x11: {  	[smem:$0x3FA7] =	sst s9;
	s0 =	simm.s32 @!p0 $0x0  }
0x12: {  	s1 =	sld [smem:$0x3F8D];
	s0 =	simm.s32 @p0 $0x1  }
0x13: {  	[smem:$0x3FA8] =	sst s0;
	s0 =	simm.s32 @!p1 $0x0  }
0x14: {  	s2 =	sld [smem:$0x3F8C];
	s0 =	simm.s32 @p1 $0x1  }
0x15: {  	[smem:$0x3FA9] =	sst s0;
	s0 =	simm.s32 @!p2 $0x0  }
0x16: {  	s3 =	sld [smem:$0x3FDB];
	s0 =	simm.s32 @p2 $0x1  }
0x17: {  	s4 =	simm.s32 $0x1BF5;
	[smem:$0x3FAB] =	sst s0  }
0x18: {  	s0 =	sld [smem:$0x3F8E];
	_ =	swait.ge [sflag:s4], $0x0  }
0x19: {  	s7 =	sld [smem:$0x3F8F]  }
0x1a: {  	s8 =	sadd.s32 $0xFFFFE003, lr  }
0x1b: {  	s9 =	sadd.s32 $0xFFFFFEF7, lr;
	s5 =	simm.s32 $0xFFFFFFFF;
	p2 =	slt.u32 s8, $0xFFFFF086  }
0x1c: {  	p1 =	slt.u32 s9, $0xF7A;
	s5 =	simm.s32 @!p2 $0x0  }
0x1d: {  	s5 =	simm.s32 @p1 $0x1;
	p0 =	seq.s32 s7, s2  }
0x1e: {  	s7 =	smul.u32 @!p0 $0xF7A, s2;
	p2 =	seq.s32 @!p0 s5, $0x0  }
0x1f: {  	s9 =	smul.u32 $0xF7A, s1;
	s8 =	simm.s32 @!p0 $0x1BF5;
	p2 =	por !p2, p0  }
0x20: {  	[sflag:s8] =	ssyncset.s32 @!p0 $0xFFFFF086;
	s6 =	sadd.s32 @!p0 s3, s7;
	s7 =	simm.s32 @!p0 $0x108  }
0x21: {  	s3 =	sadd.s32 s3, s9;
	s6 =	sadd.s32 @!p0 $0x88, s6;
	s7 =	simm.s32 @p2 $0x1082  }
0x22: {  	[simem:s7], [sflag:s8] =	dma.local @!p0 [hbm:s6], $0xF7A  }
0x23: {  	s9 =	sor.u32 $0xD0000000, s2;
	s6 =	simm.s32 $0x108;
	_ =	swait.ge @!p0 [sflag:s8], $0x0  }
0x24: {  	s3 =	sadd.s32 $0x88, s3;
	s6 =	simm.s32 @!p1 $0x1082;
	[sflag:s4] =	ssyncset.s32 $0xFFFFF086  }
0x25: {  	[simem:s6], [sflag:s4] =	dma.local [hbm:s3], $0xF7A  }
0x26: {  	[smem:$0x3F8F] =	sst s1;
	(tag) =	ssettag s2;
	_ =	strace s9  }
0x27: {  	s1 =	sld [smem:$0x3F9F]  }
0x28: {  	s2 =	sld [smem:$0x3FA0]  }
0x29: {  	s4 =	sld [smem:$0x3FA2]  }
0x2a: {  	p0 =	seq.s32 s5, $0x0;
	s5 =	sld [smem:$0x3FA3]  }
0x2b: {  	s6 =	sld [smem:$0x3FA4]  }
0x2c: {  	s7 =	sld [smem:$0x3FA5]  }
0x2d: {  	s3 =	simm.s32 $0x108;
	s8 =	sld [smem:$0x3FA6]  }
0x2e: {  	s3 =	simm.s32 @!p0 $0x1082;
	s9 =	sld [smem:$0x3FA7]  }
0x2f: {  	lr =	sadd.s32 s0, s3;
	s0 =	sld [smem:$0x3F9E]  }
0x30: {  	s3 =	sld [smem:$0x3FA1]  }
0x31: {  	[smem:$0x3FAA] =	sst s10  }
0x32: {  	s10 =	sld [smem:$0x3FA8];
	_ =	sdelay $0x3  }
0x33: {  	p0 =	seq.s32 s10, $0x1;
	s10 =	sld [smem:$0x3FAA];
	_ =	sdelay $0x3  }
0x34: {  	[smem:$0x3FAA] =	sst s10  }
0x35: {  	s10 =	sld [smem:$0x3FA9];
	_ =	sdelay $0x3  }
0x36: {  	p1 =	seq.s32 s10, $0x1;
	s10 =	sld [smem:$0x3FAA];
	_ =	sdelay $0x3  }
0x37: {  	[smem:$0x3FAA] =	sst s10  }
0x38: {  	s10 =	sld [smem:$0x3FAB]  }
0x39: {  	_ = 	snop;
	(pc) =	sbr.ind lr, $3  }
0x3a: {  	_ = 	snop  }
0x3b: {  	_ = 	snop  }
0x3c: {  	p2 =	seq.s32 s10, $0x1;
	s10 =	sld [smem:$0x3FAA]  }
0x3d: {  	_ =	shalt  }
0x3e: {  	_ =	shalt  }
0x3f: {  	_ =	shalt  }
0x40: {  	_ =	shalt  }
0x41: {  	_ =	shalt  }
0x42: {  	_ =	shalt  }
0x43: {  	_ =	shalt  }
0x44: {  	_ =	shalt  }
0x45: {  	_ =	shalt  }
0x46: {  	_ =	shalt  }
0x47: {  	_ =	shalt  }
0x48: {  	_ =	shalt  }
0x49: {  	_ =	shalt  }
0x4a: {  	_ =	shalt  }
0x4b: {  	_ =	shalt  }
0x4c: {  	_ =	shalt  }
0x4d: {  	_ =	shalt  }
0x4e: {  	_ =	shalt  }
0x4f: {  	_ =	shalt  }
0x50: {  	_ =	shalt  }
0x51: {  	_ =	shalt  }
0x52: {  	_ =	shalt  }
0x53: {  	_ =	shalt  }
0x54: {  	_ =	shalt  }
0x55: {  	_ =	shalt  }
0x56: {  	_ =	shalt  }
0x57: {  	_ =	shalt  }
0x58: {  	_ =	shalt  }
0x59: {  	_ =	shalt  }
0x5a: {  	_ =	shalt  }
0x5b: {  	_ =	shalt  }
0x5c: {  	_ =	shalt  }
0x5d: {  	_ =	shalt  }
0x5e: {  	_ =	shalt  }
0x5f: {  	_ =	shalt  }
0x60: {  	_ =	shalt  }
0x61: {  	_ =	shalt  }
0x62: {  	_ =	shalt  }
0x63: {  	_ =	shalt  }
0x64: {  	_ =	shalt  }
0x65: {  	_ =	shalt  }
0x66: {  	_ =	shalt  }
0x67: {  	_ =	shalt  }
0x68: {  	_ =	shalt  }
0x69: {  	_ =	shalt  }
0x6a: {  	_ =	shalt  }
0x6b: {  	_ =	shalt  }
0x6c: {  	_ =	shalt  }
0x6d: {  	_ =	shalt  }
0x6e: {  	_ =	shalt  }
0x6f: {  	_ =	shalt  }
0x70: {  	_ =	shalt  }
0x71: {  	_ =	shalt  }
0x72: {  	_ =	shalt  }
0x73: {  	_ =	shalt  }
0x74: {  	_ =	shalt  }
0x75: {  	_ =	shalt  }
0x76: {  	_ =	shalt  }
0x77: {  	_ =	shalt  }
0x78: {  	_ =	shalt  }
0x79: {  	_ =	shalt  }
0x7a: {  	_ =	shalt  }
0x7b: {  	_ =	shalt  }
0x7c: {  	_ =	shalt  }
0x7d: {  	_ =	shalt  }
0x7e: {  	_ =	shalt  }
0x7f: {  	_ =	shalt  }
0x80: {  	_ =	shalt  }
0x81: {  	_ =	shalt  }
0x82: {  	_ =	shalt  }
0x83: {  	_ =	shalt  }
0x84: {  	_ =	shalt  }
0x85: {  	_ =	shalt  }
0x86: {  	_ =	shalt  }
0x87: {  	_ =	shalt  }
.Lfunc_end0:
.L_simem_size_0:
called_computation.2_lowered:
.L_overlay_start_0:
0x88: {  	s2 =	sld [smem:$0x3FD9]  }
0x89: {  	s3 =	sld [smem:$0x3FFE];
	_ =	sdelay $0x1  }
0x8a: {  	s1 =	srdreg.scid  }
0x8b: {  	s0 =	sand.u32 $0x1, s1  }
0x8c: {  	s17 =	sshll.u32 s0, $0xA;
	s2 =	sadd.s32 s3, s2  }
0x8d: {  	s2 =	sadd.s32 s2, s17  }
0x8e: {  	[smem:$0x3FB6] =	sst s2  }
0x8f: {  	_ = 	snop  }
0x90: {  	s2 =	sld [smem:$0x3FD0];
	(tm) =	ssettm $0x1  }
0x91: {  	s18 =	sld [smem:$0x3FFB];
	_ =	sdelay $0x3  }
0x92: {  	_ =	strace s18  }
0x93: {  	s3 =	sld [smem:$0x3FFC];
	_ =	sdelay $0x3  }
0x94: {  	_ =	strace s3  }
0x95: {  	s3 =	sld [smem:$0x3FFD];
	_ =	sdelay $0x3  }
0x96: {  	_ =	strace s3  }
0x97: {  	_ =	strace $0x8FFFFFFF  }
0x98: {  	s19 =	sld [smem:$0x3FDB];
	_ =	sdelay $0x1  }
0x99: {  	s4 =	simm.s32 $_scs_section_size  }
0x9a: {  	s5 =	simm.s32 $_size__tile_overlayer_lowered;
	s6 =	simm.s32 $_tile_overlayer_lowered  }
0x9b: {  	s22 =	simm.s32 $0x1BFF;
	s21 =	sshll.u32 s6, $0x1;
	s3 =	sadd.s32 s4, s19  }
0x9c: {  	s7 =	simm.s32 $0x0;
	s20 =	sshll.u32 s5, $0x1;
	s5 =	sadd.s32 s21, s3  }
0x9d: {  	[timem:s7], [sflag:s22] =	dma.local [hbm:s5], s20  }
0x9e: {  	_ =	swait.ge [sflag:s22], s20  }
0x9f: {  	s4 =	ssub.s32 $0x0, s20;
	[sflag:s22] =	ssyncset.done $0x0  }
0xa0: {  	[sflag:s22] =	ssyncadd.s32 s4;
	_ =	sdelay $0x1  }
0xa1: {  	s23 =	simm.s32 $0x1B8B  }
0xa2: {  	_ =	swait.ge [sflag:s23], $0x1  }
0xa3: {  	[sflag:s23] =	ssyncset.done $0x0  }
0xa4: {  	s25 =	simm.s32 $0x1B8E;
	s24 =	sld [smem:$0x3FFE];
	[sflag:s23] =	ssyncadd.s32 $0xFFFFFFFF  }
0xa5: {  	s26 =	simm.s32 $execute0_lowered;
	[smem:$0x3FD2] =	sst s25  }
0xa6: {  	s5 =	sshll.u32 s26, $0x1;
	_ =	strace $0x8000004C;
	[dreg:$0x1] =	wrdreg $0xFFFFFFFF  }
0xa7: {  	s28 =	simm.s32 $_size_execute0_lowered;
	s3 =	sadd.s32 s3, s5;
	[dreg:$0x0] =	wrdreg $0x0  }
0xa8: {  	s5 =	sshll.u32 s28, $0x1;
	[dreg:$0x2] =	wrdreg s3  }
0xa9: {  	[dreg:$0x3] =	wrdreg s5  }
0xaa: {  	[dreg:$0x4] =	wrdreg $0xC0  }
0xab: {  	_ =	task [dreg:s7], $0x5FFFF  }
0xac: {  	[dreg:$0x1] =	wrdreg $0xFFFFFFFF  }
0xad: {  	[dreg:$0x0] =	wrdreg $0x60  }
0xae: {  	[dreg:$0x2] =	wrdreg s2  }
0xaf: {  	[dreg:$0x3] =	wrdreg s24  }
0xb0: {  	[dreg:$0x4] =	wrdreg $0x9  }
0xb1: {  	_ =	task.clear_ibuf [dreg:s7], $0x5FFFF;
	_ =	strace $0x9000004C  }
0xb2: {  	s29 =	simm.s32 $0x9;
	_ =	strace $0x8000004E  }
0xb3: {  	_ =	swait.ge [sflag:s29], $0x1  }
0xb4: {  	[sflag:s29] =	ssyncadd.s32 $0xFFFFFFFF  }
0xb5: {  	_ =	strace $0x9000004E  }
0xb6: {  	_ =	sfence  }
0xb7: {  	s30 =	sld [smem:$0x0];
	_ =	sdelay $0x2  }
0xb8: {  	s31 =	sshll.u32 s1, $0xD;
	s1 =	sshrl.u32 s1, $0x2  }
0xb9: {  	s3 =	sand.u32 $0x4000, s31;
	s1 =	sadd.s32 s1, s30  }
0xba: {  	s0 =	sor.u32 s3, s0;
	s1 =	sshll.u32 s1, $0x11  }
0xbb: {  	s0 =	sor.u32 s1, s0  }
0xbc: {  	s0 =	sadd.s32 $0x8F2B, s0  }
0xbd: {  	[sflag:s0] =	ssyncadd.remote.s32 $0x1  }
0xbe: {  	_ =	sfence.sel $0xFFFF  }
0xbf: {  	[dreg:$0x0] =	wrdreg $0xFFFFFFFF;
	(pc) =	sbr.abs _section_cstart, $3  }
0xc0: {  	[dreg:$0x1] =	wrdreg $0xFFFFFFFF  }
0xc1: {  	_ =	task.clear_ibuf [dreg:s7], $0x2FFFF;
	_ =	strace $0x9FFFFFFF  }
0xc2: {  	(tm) =	ssettm $0x7FFFFFFF  }
0xc3: {  	_ =	shalt  }
tec
execute0_lowered:
.L_overlay_start_1:
0x0: {  	(tag) =	ssettag $0x1  }
0x1: {  	s1 =	rddreg [dreg:$0x0]  }
0x2: {  	v10 =	vlaneseq.u32;
	s5 =	rddreg [dreg:$0x1];
	s3 =	simm.s32 $0x0  }
0x3: {  	s2 =	srdreg.scid;
	v3 =	vor.u32 $0x10, v10;
	[smem:$0x7FF] =	sst s3;
	v61 =	vor.u32 $0xF0, v10  }
0x4: {  	s4 =	sand.u32 $0x1, s2;
	v4 =	vor.u32 $0x20, v10;
	v5 =	vor.u32 $0x30, v10;
	s2 =	rddreg [dreg:$0x2];
	v62 =	vor.u32 $0xFFFFFFF0, v10;
	_ =	strace $0x8000004D;
	[tilespmem:$0x1FF60] =	vst v61  }
0x5: {  	s0 =	stileid.u32;
	v6 =	vor.u32 $0x40, v10;
	v7 =	vor.u32 $0x50, v10;
	v32 =	vor.u32 $0xFFFFFFA0, v10;
	[tilespmem:$0x1FF70] =	vst v62  }
0x6: {  	s31 =	sshll.u32 s0, $0x1;
	v8 =	vor.u32 $0x60, v10;
	v9 =	vor.u32 $0x70, v10;
	v29 =	vor.u32 $0xFFFFFF90, v10;
	[tilespmem:$0x1FF80] =	vst v32  }
0x7: {  	s11 =	simm.s32 $0x13A00;
	v12 =	vor.u32 $0x400, v10;
	v13 =	vor.u32 $0x410, v10;
	v28 =	vor.u32 $0xFFFFFF80, v10;
	s6 =	sor.u32 s4, s31;
	[tilespmem:$0x1FF90] =	vst v29  }
0x8: {  	s12 =	simm.s32 $0x17A00;
	v14 =	vor.u32 $0x420, v10;
	v15 =	vor.u32 $0x430, v10;
	v25 =	vor.u32 $0xE0, v10;
	s4 =	ssub.s32 $0x2, s4;
	[tilespmem:$0x1FFA0] =	vst v28;
	s7 =	smul.u32 $0x58E, s6  }
0x9: {  	s13 =	simm.s32 $0x1;
	v16 =	vor.u32 $0x440, v10;
	v17 =	vor.u32 $0x450, v10;
	v30 =	vor.u32 $0xD0, v10;
	[tilespmem:$0x1FFB0] =	vst v25;
	s6 =	smul.u32 $0x2720, s6;
	s8 =	sshrl.u32 s4, $0x1  }
0xa: {  	s14 =	simm.s32 $0x2;
	s15 =	simm.s32 $0x0;
	v18 =	vor.u32 $0x460, v10;
	v19 =	vor.u32 $0x470, v10;
	v23 =	vor.u32 $0xC0, v10;
	[tilespmem:$0x1FFC0] =	vst v30;
	s10 =	ssub.s32 s4, s8  }
0xb: {  	v20 =	vor.u32 $0x80, v10;
	v22 =	vor.u32 $0x90, v10;
	v27 =	vor.u32 $0xFFFFFFB0, v10;
	[tilespmem:$0x1FFD0] =	vst v23;
	s7 =	sadd.s32 s7, s5;
	s9 =	sadd.s32 s6, s5;
	s5 =	sadd.s32 $0x800, s1  }
0xc: {  	v0 =	vimm.f32 $0.0e+00;
	v24 =	vor.u32 $0xA0, v10;
	v26 =	vor.u32 $0xB0, v10;
	[tilespmem:$0x1FFE0] =	vst v27;
	s6 =	sadd.s32 $0x1000, s1;
	s4 =	sadd.s32 $0xE200, s7;
	s7 =	sadd.s32 $0x1800, s1  }
0xd: {  	v11 =	vor.u32 $0xFFFFFFC0, v10;
	v31 =	vor.u32 $0xFFFFFFD0, v10;
	v33 =	vor.u32 $0xFFFFFFE0, v10;
	[tilespmem:$0x1FFF0] =	vst v17;
	s8 =	sadd.s32 $0x67600, s9;
	s9 =	smax.u32 s10, $0x1;
	s10 =	simm.s32 $0x3  }
.LBB2_1:
0xe: {  	s16 =	simm.s32 $0x20  }
0xf: {  	[tilespmem:s16+$0xFFFFFFE0] =	vst v0  }
0x10: {  	v36 =	vmovc v20;
	v34 =	vmovc v32;
	v32 =	vmov v25;
	v35 =	vmov v30;
	v1 =	vmov v23;
	[tilespmem:s16+$0x10] =	vst v0  }
0x11: {  	v20 =	vmovc v27;
	v30 =	vmovc v26;
	v27 =	vmov v22;
	v23 =	vmov v18;
	v25 =	vmov v13;
	s17 =	simm.s32 $0x0;
	[tilespmem:s16+$0x0] =	vst v0  }
.LBB2_2:
0x12: {  	s17 =	sadd.s32 $0x4, s17  }
0x13: {  	[tilespmem:s16+$0xFFFFFFF0] =	vst v0;
	s16 =	sadd.s32 $0x40, s16;
	p0 =	slt.u32 s17, $0x139C  }
.Ltmp0:
0x14: {  	[tilespmem:s16+$0xFFFFFFE0] =	vst v0;
	(pc) =	sbr.rel @p0 .LBB2_2-.Ltmp0, $3  }
0x15: {  	_ =	sdelay $0x1  }
0x16: {  	[tilespmem:s16+$0x10] =	vst v0  }
0x17: {  	[tilespmem:s16+$0x0] =	vst v0  }
0x18: {  	[tilespmem:s16+$0xFFFFFFF0] =	vst v0;
	s16 =	simm.s32 $0x0;
	s17 =	simm.s32 $0x1BA00  }
0x19: {  	[tilespmem:s17], [sflag:$0x3] =	stream.linear.gather [hbm4b:s4+s16], $0x2C70, $0x38;
	[tilespmem:$0x1E680] =	vst v63  }
0x1a: {  	_ =	swait.ge [sflag:s10], $0x2C70  }
0x1b: {  	[sflag:s10] =	ssyncset.done $0x0  }
0x1c: {  	[sflag:s10] =	ssyncadd.s32 $0xFFFFD390  }
0x1d: {  	[tilespmem:s11], [sflag:$0x1] =	stream.linear.gather [hbm4b:s1+s16], $0x4000, $0x38;
	[tilespmem:$0x1E680] =	vst v63  }
0x1e: {  	v29 =	vmov v11;
	s18 =	simm.s32 $0x1BA48;
	v21 =	vimm.s32 $0x0  }
0x1f: {  	v18 =	vmovc v20;
	v28 =	vmovc v1;
	v22 =	vmov v35;
	v13 =	vmov v34;
	v20 =	vmov v36;
	[tilespmem:s12], [sflag:$0x2] =	stream.linear.gather [hbm4b:s5+s16], $0x4000, $0x38;
	[tilespmem:$0x1E680] =	vst v63  }
.LBB2_4:
0x20: {  	v34 =	vmov s17;
	_ =	sdelay $0x1  }
0x21: {  	_ =	swait.ge [sflag:s13], $0x4000  }
0x22: {  	[sflag:s13] =	ssyncset.done $0x0  }
0x23: {  	s19 =	simm.s32 $0x0;
	[sflag:s13] =	ssyncadd.s32 $0xFFFFC000  }
0x24: {  	v35 =	vld.idx.msk [tilespmem:v34+s19+$0x0 ss:$0x1], $0xffff;
	_ =	sdelay $0x4  }
0x25: {  	v39 =	vperm.xlane v35, v21;
	_ =	sdelay $0x1  }
0x26: {  	v35 =	vshll.u32 v39, $0x8;
	v36 =	vshll.u32 v39, $0x7  }
0x27: {  	v35 =	vand.u32 $0x7800, v35;
	v36 =	vand.u32 $0x380, v36  }
0x28: {  	v43 =	vor.u32 v36, v35  }
0x29: {  	v35 =	vor.u32 v3, v43  }
0x2a: {  	v36 =	vor.u32 v7, v43  }
0x2b: {  	v38 =	vor.u32 v8, v43  }
0x2c: {  	v40 =	vor.u32 v6, v43  }
0x2d: {  	v0 =	vld [tilespmem:$0x1FF60];
	v41 =	vor.u32 v9, v43  }
0x2e: {  	v54 =	vor.u32 v19, v43;
	v51 =	vld.idx.msk [tilespmem:v35+s11+$0x0], $0xffff  }
0x2f: {  	v42 =	vor.u32 v17, v43;
	v37 =	vld.idx.msk [tilespmem:v36+s11+$0x0], $0xffff  }
0x30: {  	v44 =	vor.u32 v12, v43;
	v38 =	vld.idx.msk [tilespmem:v38+s11+$0x0], $0xffff  }
0x31: {  	v45 =	vor.u32 v14, v43;
	v1 =	vld.idx.msk [tilespmem:v40+s11+$0x0], $0xffff  }
0x32: {  	v46 =	vor.u32 v5, v43;
	v40 =	vld.idx.msk [tilespmem:v41+s11+$0x0], $0xffff  }
0x33: {  	v47 =	vor.u32 v10, v43;
	v35 =	vld.idx.msk [tilespmem:v54+s11+$0x0], $0xffff  }
0x34: {  	v48 =	vor.u32 v4, v43;
	v36 =	vld.idx.msk [tilespmem:v42+s11+$0x0], $0xffff  }
0x35: {  	v49 =	vor.u32 v25, v43;
	v42 =	vld.idx.msk [tilespmem:v44+s11+$0x0], $0xffff  }
0x36: {  	v44 =	vor.u32 v23, v43;
	v41 =	vld.idx.msk [tilespmem:v45+s11+$0x0], $0xffff  }
0x37: {  	v54 =	vld.idx.msk [tilespmem:v46+s11+$0x0], $0xffff  }
0x38: {  	v52 =	vshll.u32 v39, $0x1;
	v39 =	vor.u32 v16, v43;
	v46 =	vld.idx.msk [tilespmem:v47+s11+$0x0], $0xffff  }
0x39: {  	v53 =	vand.u32 $0xFFFFFF00, v52;
	v45 =	vor.u32 v15, v43;
	v57 =	vld.idx.msk [tilespmem:v48+s11+$0x0], $0xffff  }
0x3a: {  	v56 =	vor.u32 v10, v53;
	v48 =	vld.idx.msk [tilespmem:v49+s11+$0x0], $0xffff  }
0x3b: {  	v58 =	vor.u32 v3, v53;
	v43 =	vld.idx.msk [tilespmem:v44+s11+$0x0], $0xffff  }
0x3c: {  	v11 =	vmov v0;
	v44 =	vor.u32 v0, v52;
	v0 =	vld [tilespmem:$0x1FFA0]  }
0x3d: {  	v49 =	vld.idx.msk [tilespmem:v39+s11+$0x0], $0xffff  }
0x3e: {  	v59 =	vor.u32 v20, v52;
	v50 =	vld.idx.msk [tilespmem:v45+s11+$0x0], $0xffff  }
0x3f: {  	v61 =	vor.u32 v27, v52;
	v60 =	vor.u32 v4, v53;
	[tilespmem:v56+s3+$0x0] =	vst.idx.add.f32.msk $0xffff, v46  }
0x40: {  	v55 =	vor.u32 v30, v52;
	v62 =	vor.u32 v5, v53;
	[tilespmem:v58+s3+$0x0] =	vst.idx.add.f32.msk $0xffff, v51  }
0x41: {  	v39 =	vand.u32 v18, v55;
	v55 =	vor.u32 v6, v53;
	v51 =	vand.u32 v0, v59;
	v0 =	vld [tilespmem:$0x1FF90]  }
0x42: {  	v63 =	vor.u32 v24, v52;
	v47 =	vor.u32 v28, v52;
	v56 =	vor.u32 v7, v53  }
0x43: {  	v26 =	vld [tilespmem:$0x1FF70];
	v45 =	vor.u32 v22, v52;
	v46 =	vor.u32 v32, v52;
	v52 =	vor.u32 v8, v53  }
0x44: {  	v53 =	vor.u32 v9, v53;
	[tilespmem:v60+s3+$0x0] =	vst.idx.add.f32.msk $0xffff, v57  }
0x45: {  	[tilespmem:v62+s3+$0x0] =	vst.idx.add.f32.msk $0xffff, v54  }
0x46: {  	s19 =	simm.s32 $0x4;
	[tilespmem:v55+s3+$0x0] =	vst.idx.add.f32.msk $0xffff, v1;
	v55 =	vand.u32 v13, v63;
	v54 =	vand.u32 v0, v61  }
.LBB2_5:
0x47: {  	[tilespmem:v56+s3+$0x0] =	vst.idx.add.f32.msk $0xffff, v37  }
0x48: {  	[tilespmem:v52+s3+$0x0] =	vst.idx.add.f32.msk $0xffff, v38  }
0x49: {  	v61 =	vand.u32 v29, v47;
	[tilespmem:v53+s3+$0x0] =	vst.idx.add.f32.msk $0xffff, v40  }
0x4a: {  	v62 =	vand.u32 v31, v45;
	[tilespmem:v51+s3+$0x0] =	vst.idx.add.f32.msk $0xffff, v42  }
0x4b: {  	v63 =	vand.u32 v33, v46;
	[tilespmem:v54+s3+$0x0] =	vst.idx.add.f32.msk $0xffff, v48  }
0x4c: {  	v45 =	vand.u32 v26, v44;
	[tilespmem:v55+s3+$0x0] =	vst.idx.add.f32.msk $0xffff, v41  }
0x4d: {  	[tilespmem:v39+s3+$0x0] =	vst.idx.add.f32.msk $0xffff, v50  }
0x4e: {  	[tilespmem:v61+s3+$0x0] =	vst.idx.add.f32.msk $0xffff, v49  }
0x4f: {  	[tilespmem:v62+s3+$0x0] =	vst.idx.add.f32.msk $0xffff, v36  }
0x50: {  	s20 =	smov.u32 s19;
	[tilespmem:v63+s3+$0x0] =	vst.idx.add.f32.msk $0xffff, v43  }
0x51: {  	s20 =	sshra.s32 s20, $0x2;
	[tilespmem:v45+s3+$0x0] =	vst.idx.add.f32.msk $0xffff, v35  }
0x52: {  	v35 =	vld.idx.msk [tilespmem:v34+s20+$0x0 ss:$0x1], $0xffff;
	_ =	sdelay $0x4  }
0x53: {  	v35 =	vperm.xlane v35, v21;
	_ =	sdelay $0x1  }
0x54: {  	v36 =	vshll.u32 v35, $0x1;
	v46 =	vshll.u32 v35, $0x8;
	v35 =	vshll.u32 v35, $0x7  }
0x55: {  	v37 =	vand.u32 $0x7800, v46;
	v35 =	vand.u32 $0x380, v35  }
0x56: {  	v35 =	vor.u32 v35, v37  }
0x57: {  	v37 =	vor.u32 v3, v35  }
0x58: {  	v43 =	vor.u32 v10, v35;
	v48 =	vor.u32 v4, v35;
	v47 =	vor.u32 v7, v35  }
0x59: {  	v49 =	vor.u32 v5, v35;
	v40 =	vor.u32 v6, v35;
	v41 =	vor.u32 v8, v35  }
0x5a: {  	v42 =	vor.u32 v9, v35;
	v50 =	vor.u32 v12, v35;
	v52 =	vor.u32 v25, v35  }
0x5b: {  	v53 =	vor.u32 v14, v35;
	v56 =	vor.u32 v15, v35;
	v57 =	vor.u32 v16, v35  }
0x5c: {  	v58 =	vor.u32 v17, v35;
	v59 =	vor.u32 v23, v35;
	v35 =	vor.u32 v19, v35;
	v60 =	vld.idx.msk [tilespmem:v37+s11+$0x0], $0xffff  }
0x5d: {  	v37 =	vld.idx.msk [tilespmem:v47+s11+$0x0], $0xffff  }
0x5e: {  	v38 =	vld.idx.msk [tilespmem:v41+s11+$0x0], $0xffff  }
0x5f: {  	v62 =	vld.idx.msk [tilespmem:v40+s11+$0x0], $0xffff  }
0x60: {  	v51 =	vand.u32 $0xFFFFFF00, v36;
	v54 =	vor.u32 v20, v36;
	v55 =	vor.u32 v27, v36;
	v40 =	vld.idx.msk [tilespmem:v42+s11+$0x0], $0xffff  }
0x61: {  	v61 =	vor.u32 v24, v36;
	v63 =	vor.u32 v30, v36;
	v45 =	vor.u32 v22, v36;
	v35 =	vld.idx.msk [tilespmem:v35+s11+$0x0], $0xffff  }
0x62: {  	v46 =	vor.u32 v32, v36;
	v44 =	vor.u32 v11, v36;
	v47 =	vor.u32 v28, v36;
	v36 =	vld.idx.msk [tilespmem:v58+s11+$0x0], $0xffff  }
0x63: {  	v42 =	vld.idx.msk [tilespmem:v50+s11+$0x0], $0xffff  }
0x64: {  	v41 =	vld.idx.msk [tilespmem:v53+s11+$0x0], $0xffff  }
0x65: {  	v58 =	vld.idx.msk [tilespmem:v49+s11+$0x0], $0xffff  }
0x66: {  	v53 =	vld.idx.msk [tilespmem:v43+s11+$0x0], $0xffff  }
0x67: {  	v39 =	vand.u32 v18, v63;
	v63 =	vor.u32 v10, v51;
	v1 =	vld.idx.msk [tilespmem:v48+s11+$0x0], $0xffff  }
0x68: {  	v2 =	vor.u32 v3, v51;
	v48 =	vld.idx.msk [tilespmem:v52+s11+$0x0], $0xffff  }
0x69: {  	v0 =	vor.u32 v4, v51;
	v43 =	vld.idx.msk [tilespmem:v59+s11+$0x0], $0xffff  }
0x6a: {  	v49 =	vld.idx.msk [tilespmem:v57+s11+$0x0], $0xffff  }
0x6b: {  	v50 =	vld.idx.msk [tilespmem:v56+s11+$0x0], $0xffff  }
0x6c: {  	[tilespmem:v63+s3+$0x0] =	vst.idx.add.f32.msk $0xffff, v53  }
0x6d: {  	[tilespmem:v2+s3+$0x0] =	vst.idx.add.f32.msk $0xffff, v60  }
0x6e: {  	[tilespmem:v0+s3+$0x0] =	vst.idx.add.f32.msk $0xffff, v1  }
0x6f: {  	v0 =	vld [tilespmem:$0x1FFA0];
	_ =	sdelay $0x3  }
0x70: {  	v59 =	vor.u32 v5, v51;
	v57 =	vor.u32 v6, v51;
	v56 =	vor.u32 v7, v51  }
0x71: {  	p0 =	sne.s32 s19, $0x11C;
	v52 =	vor.u32 v8, v51;
	v53 =	vor.u32 v9, v51;
	v51 =	vand.u32 v0, v54;
	v0 =	vld [tilespmem:$0x1FF90]  }
.Ltmp1:
0x72: {  	_ = 	snop;
	(pc) =	sbr.rel @p0 .LBB2_5-.Ltmp1, $3  }
0x73: {  	_ =	sdelay $0x1  }
0x74: {  	[tilespmem:v59+s3+$0x0] =	vst.idx.add.f32.msk $0xffff, v58  }
0x75: {  	s19 =	sadd.s32 $0x4, s19;
	[tilespmem:v57+s3+$0x0] =	vst.idx.add.f32.msk $0xffff, v62;
	v54 =	vand.u32 v0, v55;
	v55 =	vand.u32 v13, v61  }
0x76: {  	_ =	sdelay $0x3  }
0x77: {  	[tilespmem:v56+s3+$0x0] =	vst.idx.add.f32.msk $0xffff, v37  }
0x78: {  	[tilespmem:v52+s3+$0x0] =	vst.idx.add.f32.msk $0xffff, v38  }
0x79: {  	v0 =	vand.u32 v29, v47;
	[tilespmem:v53+s3+$0x0] =	vst.idx.add.f32.msk $0xffff, v40  }
0x7a: {  	v1 =	vand.u32 v31, v45;
	[tilespmem:v51+s3+$0x0] =	vst.idx.add.f32.msk $0xffff, v42  }
0x7b: {  	v2 =	vand.u32 v33, v46;
	[tilespmem:v54+s3+$0x0] =	vst.idx.add.f32.msk $0xffff, v48  }
0x7c: {  	v34 =	vand.u32 v26, v44;
	[tilespmem:v55+s3+$0x0] =	vst.idx.add.f32.msk $0xffff, v41  }
0x7d: {  	[tilespmem:v39+s3+$0x0] =	vst.idx.add.f32.msk $0xffff, v50  }
0x7e: {  	[tilespmem:v0+s3+$0x0] =	vst.idx.add.f32.msk $0xffff, v49  }
0x7f: {  	[tilespmem:v1+s3+$0x0] =	vst.idx.add.f32.msk $0xffff, v36  }
0x80: {  	s19 =	sshll.u32 s16, $0xC;
	[tilespmem:v2+s3+$0x0] =	vst.idx.add.f32.msk $0xffff, v43  }
0x81: {  	s21 =	simm.s32 $0x0;
	s20 =	sadd.s32 s19, s6;
	[tilespmem:v34+s3+$0x0] =	vst.idx.add.f32.msk $0xffff, v35;
	v34 =	vmov s18  }
0x82: {  	[tilespmem:s11], [sflag:$0x1] =	stream.linear.gather [hbm4b:s20+s21], $0x4000, $0x38;
	[tilespmem:$0x1E680] =	vst v63  }
0x83: {  	_ =	swait.ge [sflag:s14], $0x4000  }
0x84: {  	[sflag:s14] =	ssyncset.done $0x0  }
0x85: {  	s31 =	simm.s32 $0x0;
	[sflag:s14] =	ssyncadd.s32 $0xFFFFC000  }
0x86: {  	v0 =	vld.idx.msk [tilespmem:v34+s31+$0x0 ss:$0x1], $0xffff;
	_ =	sdelay $0x4  }
0x87: {  	v0 =	vperm.xlane v0, v21;
	_ =	sdelay $0x1  }
0x88: {  	v1 =	vshll.u32 v0, $0x8;
	v2 =	vshll.u32 v0, $0x7  }
0x89: {  	v1 =	vand.u32 $0x7800, v1;
	v2 =	vand.u32 $0x380, v2  }
0x8a: {  	v1 =	vor.u32 v2, v1  }
0x8b: {  	v2 =	vor.u32 v3, v1  }
0x8c: {  	v53 =	vor.u32 v7, v1  }
0x8d: {  	v54 =	vor.u32 v8, v1  }
0x8e: {  	v55 =	vor.u32 v6, v1  }
0x8f: {  	v21 =	vld [tilespmem:$0x1FFA0];
	v56 =	vor.u32 v9, v1  }
0x90: {  	v57 =	vor.u32 v19, v1;
	v2 =	vld.idx.msk [tilespmem:v2+s12+$0x0], $0xffff  }
0x91: {  	v58 =	vor.u32 v17, v1;
	v37 =	vld.idx.msk [tilespmem:v53+s12+$0x0], $0xffff  }
0x92: {  	v59 =	vor.u32 v12, v1;
	v38 =	vld.idx.msk [tilespmem:v54+s12+$0x0], $0xffff  }
0x93: {  	v62 =	vor.u32 v14, v1;
	v51 =	vld.idx.msk [tilespmem:v55+s12+$0x0], $0xffff  }
0x94: {  	v49 =	vor.u32 v5, v1;
	v39 =	vld.idx.msk [tilespmem:v56+s12+$0x0], $0xffff  }
0x95: {  	v50 =	vor.u32 v10, v1;
	v35 =	vld.idx.msk [tilespmem:v57+s12+$0x0], $0xffff  }
0x96: {  	v36 =	vld.idx.msk [tilespmem:v58+s12+$0x0], $0xffff  }
0x97: {  	v56 =	vor.u32 v4, v1;
	v42 =	vld.idx.msk [tilespmem:v59+s12+$0x0], $0xffff  }
0x98: {  	v57 =	vor.u32 v25, v1;
	v40 =	vld.idx.msk [tilespmem:v62+s12+$0x0], $0xffff  }
0x99: {  	v58 =	vor.u32 v23, v1;
	v45 =	vld.idx.msk [tilespmem:v49+s12+$0x0], $0xffff  }
0x9a: {  	v0 =	vshll.u32 v0, $0x1;
	v59 =	vor.u32 v16, v1;
	v46 =	vld.idx.msk [tilespmem:v50+s12+$0x0], $0xffff  }
0x9b: {  	v26 =	vmovc v19;
	v52 =	vand.u32 $0xFFFFFF00, v0;
	v19 =	vmov v23;
	v1 =	vor.u32 v15, v1;
	v23 =	vld [tilespmem:$0x1FF90]  }
0x9c: {  	v49 =	vor.u32 v10, v52;
	v41 =	vld.idx.msk [tilespmem:v56+s12+$0x0], $0xffff  }
0x9d: {  	v62 =	vor.u32 v3, v52;
	v48 =	vld.idx.msk [tilespmem:v57+s12+$0x0], $0xffff  }
0x9e: {  	v60 =	vor.u32 v4, v52;
	v43 =	vld.idx.msk [tilespmem:v58+s12+$0x0], $0xffff  }
0x9f: {  	v63 =	vmov v14;
	v44 =	vor.u32 v11, v0;
	v61 =	vor.u32 v5, v52;
	v47 =	vld.idx.msk [tilespmem:v59+s12+$0x0], $0xffff  }
0xa0: {  	v55 =	vor.u32 v8, v52;
	v53 =	vor.u32 v9, v52;
	v56 =	vor.u32 v6, v52;
	v50 =	vld.idx.msk [tilespmem:v1+s12+$0x0], $0xffff  }
0xa1: {  	v14 =	vmov v25;
	[tilespmem:v49+s3+$0x0] =	vst.idx.add.f32.msk $0xffff, v46;
	v1 =	vor.u32 v20, v0;
	v57 =	vor.u32 v24, v0  }
0xa2: {  	v10 =	vmov v27;
	v49 =	vor.u32 v28, v0;
	v46 =	vor.u32 v22, v0;
	[tilespmem:v62+s3+$0x0] =	vst.idx.add.f32.msk $0xffff, v2  }
0xa3: {  	v25 =	vmov v13;
	v2 =	vor.u32 v27, v0;
	v62 =	vor.u32 v30, v0;
	[tilespmem:v60+s3+$0x0] =	vst.idx.add.f32.msk $0xffff, v41  }
0xa4: {  	v59 =	vmovc v30;
	v27 =	vmov v18;
	v30 =	vmov v22;
	v54 =	vand.u32 v21, v1;
	[tilespmem:v61+s3+$0x0] =	vst.idx.add.f32.msk $0xffff, v45  }
0xa5: {  	v22 =	vmov v10;
	v41 =	vand.u32 v18, v62;
	[tilespmem:v56+s3+$0x0] =	vst.idx.add.f32.msk $0xffff, v51;
	v56 =	vor.u32 v7, v52  }
0xa6: {  	v17 =	vld [tilespmem:$0x1FFF0];
	v18 =	vmovc v19;
	v19 =	vmovc v26;
	v26 =	vmov v59;
	v45 =	vor.u32 v32, v0;
	v61 =	vmov v11  }
0xa7: {  	s20 =	simm.s32 $0x4;
	v62 =	vld [tilespmem:$0x1FF70];
	v11 =	vlaneseq.u32;
	v52 =	vand.u32 v23, v2;
	v51 =	vand.u32 v13, v57;
	v13 =	vmovc v14;
	v14 =	vmovc v63  }
.LBB2_7:
0xa8: {  	_ =	sdelay $0x1  }
0xa9: {  	[tilespmem:v56+s3+$0x0] =	vst.idx.add.f32.msk $0xffff, v37  }
0xaa: {  	[tilespmem:v55+s3+$0x0] =	vst.idx.add.f32.msk $0xffff, v38  }
0xab: {  	v0 =	vand.u32 v29, v49;
	[tilespmem:v53+s3+$0x0] =	vst.idx.add.f32.msk $0xffff, v39  }
0xac: {  	v1 =	vand.u32 v31, v46;
	[tilespmem:v54+s3+$0x0] =	vst.idx.add.f32.msk $0xffff, v42  }
0xad: {  	v2 =	vand.u32 v33, v45;
	[tilespmem:v52+s3+$0x0] =	vst.idx.add.f32.msk $0xffff, v48  }
0xae: {  	v62 =	vand.u32 v62, v44;
	[tilespmem:v51+s3+$0x0] =	vst.idx.add.f32.msk $0xffff, v40  }
0xaf: {  	[tilespmem:v41+s3+$0x0] =	vst.idx.add.f32.msk $0xffff, v50  }
0xb0: {  	[tilespmem:v0+s3+$0x0] =	vst.idx.add.f32.msk $0xffff, v47  }
0xb1: {  	[tilespmem:v1+s3+$0x0] =	vst.idx.add.f32.msk $0xffff, v36  }
0xb2: {  	s21 =	smov.u32 s20;
	[tilespmem:v2+s3+$0x0] =	vst.idx.add.f32.msk $0xffff, v43  }
0xb3: {  	s21 =	sshra.s32 s21, $0x2;
	[tilespmem:v62+s3+$0x0] =	vst.idx.add.f32.msk $0xffff, v35  }
0xb4: {  	v0 =	vld.idx.msk [tilespmem:v34+s21+$0x0 ss:$0x1], $0xffff;
	_ =	sdelay $0x3  }
0xb5: {  	v1 =	vimm.s32 $0x0  }
0xb6: {  	v0 =	vperm.xlane v0, v1;
	_ =	sdelay $0x1  }
0xb7: {  	v1 =	vshll.u32 v0, $0x1;
	v2 =	vshll.u32 v0, $0x8;
	v0 =	vshll.u32 v0, $0x7  }
0xb8: {  	v2 =	vand.u32 $0x7800, v2;
	v0 =	vand.u32 $0x380, v0  }
0xb9: {  	v0 =	vor.u32 v0, v2  }
0xba: {  	v63 =	vor.u32 v3, v0  }
0xbb: {  	v43 =	vor.u32 v11, v0;
	v47 =	vor.u32 v4, v0;
	v46 =	vor.u32 v7, v0  }
0xbc: {  	v48 =	vor.u32 v5, v0;
	v36 =	vor.u32 v6, v0;
	v38 =	vor.u32 v8, v0  }
0xbd: {  	v39 =	vor.u32 v9, v0;
	v40 =	vor.u32 v12, v0;
	v50 =	vor.u32 v13, v0  }
0xbe: {  	v60 =	vor.u32 v14, v0;
	v54 =	vor.u32 v15, v0;
	v55 =	vor.u32 v16, v0  }
0xbf: {  	v62 =	vor.u32 v17, v0;
	v56 =	vor.u32 v18, v0;
	v0 =	vor.u32 v19, v0;
	v57 =	vld.idx.msk [tilespmem:v63+s12+$0x0], $0xffff  }
0xc0: {  	v51 =	vand.u32 $0xFFFFFF00, v1;
	v52 =	vor.u32 v22, v1;
	v58 =	vor.u32 v24, v1;
	v37 =	vld.idx.msk [tilespmem:v46+s12+$0x0], $0xffff  }
0xc1: {  	v49 =	vor.u32 v28, v1;
	v45 =	vor.u32 v32, v1;
	v44 =	vor.u32 v61, v1;
	v38 =	vld.idx.msk [tilespmem:v38+s12+$0x0], $0xffff  }
0xc2: {  	v2 =	vor.u32 v20, v1;
	v63 =	vor.u32 v26, v1;
	v46 =	vor.u32 v30, v1;
	v1 =	vld.idx.msk [tilespmem:v36+s12+$0x0], $0xffff  }
0xc3: {  	v39 =	vld.idx.msk [tilespmem:v39+s12+$0x0], $0xffff  }
0xc4: {  	v35 =	vld.idx.msk [tilespmem:v0+s12+$0x0], $0xffff  }
0xc5: {  	v36 =	vld.idx.msk [tilespmem:v62+s12+$0x0], $0xffff  }
0xc6: {  	v42 =	vld.idx.msk [tilespmem:v40+s12+$0x0], $0xffff  }
0xc7: {  	v40 =	vld.idx.msk [tilespmem:v60+s12+$0x0], $0xffff  }
0xc8: {  	v0 =	vld.idx.msk [tilespmem:v48+s12+$0x0], $0xffff  }
0xc9: {  	v53 =	vld.idx.msk [tilespmem:v43+s12+$0x0], $0xffff  }
0xca: {  	v59 =	vor.u32 v11, v51;
	v60 =	vld.idx.msk [tilespmem:v47+s12+$0x0], $0xffff  }
0xcb: {  	v61 =	vor.u32 v3, v51;
	v48 =	vld.idx.msk [tilespmem:v50+s12+$0x0], $0xffff  }
0xcc: {  	v43 =	vld.idx.msk [tilespmem:v56+s12+$0x0], $0xffff  }
0xcd: {  	v62 =	vor.u32 v4, v51;
	v47 =	vld.idx.msk [tilespmem:v55+s12+$0x0], $0xffff  }
0xce: {  	v50 =	vld.idx.msk [tilespmem:v54+s12+$0x0], $0xffff  }
0xcf: {  	v41 =	vand.u32 v27, v63;
	v63 =	vor.u32 v5, v51;
	[tilespmem:v59+s3+$0x0] =	vst.idx.add.f32.msk $0xffff, v53  }
0xd0: {  	p0 =	sne.s32 s20, $0x11C;
	v10 =	vor.u32 v6, v51;
	[tilespmem:v61+s3+$0x0] =	vst.idx.add.f32.msk $0xffff, v57  }
.Ltmp2:
0xd1: {  	v61 =	vld [tilespmem:$0x1FF60];
	(pc) =	sbr.rel @p0 .LBB2_7-.Ltmp2, $4  }
0xd2: {  	[tilespmem:v62+s3+$0x0] =	vst.idx.add.f32.msk $0xffff, v60  }
0xd3: {  	v52 =	vand.u32 v23, v52;
	v56 =	vor.u32 v7, v51;
	v62 =	vld [tilespmem:$0x1FF70]  }
0xd4: {  	v55 =	vor.u32 v8, v51;
	v54 =	vand.u32 v21, v2;
	[tilespmem:v63+s3+$0x0] =	vst.idx.add.f32.msk $0xffff, v0  }
0xd5: {  	s20 =	sadd.s32 $0x4, s20;
	v53 =	vor.u32 v9, v51;
	v51 =	vand.u32 v25, v58;
	[tilespmem:v10+s3+$0x0] =	vst.idx.add.f32.msk $0xffff, v1  }
0xd6: {  	_ =	sdelay $0x3  }
0xd7: {  	[tilespmem:v56+s3+$0x0] =	vst.idx.add.f32.msk $0xffff, v37  }
0xd8: {  	[tilespmem:v55+s3+$0x0] =	vst.idx.add.f32.msk $0xffff, v38  }
0xd9: {  	v0 =	vand.u32 v29, v49;
	[tilespmem:v53+s3+$0x0] =	vst.idx.add.f32.msk $0xffff, v39  }
0xda: {  	v1 =	vand.u32 v31, v46;
	[tilespmem:v54+s3+$0x0] =	vst.idx.add.f32.msk $0xffff, v42  }
0xdb: {  	v2 =	vand.u32 v33, v45;
	[tilespmem:v52+s3+$0x0] =	vst.idx.add.f32.msk $0xffff, v48  }
0xdc: {  	p0 =	seq.s32 s16, $0x4D;
	v10 =	vand.u32 v62, v44;
	[tilespmem:v51+s3+$0x0] =	vst.idx.add.f32.msk $0xffff, v40  }
.Ltmp3:
0xdd: {  	[tilespmem:v41+s3+$0x0] =	vst.idx.add.f32.msk $0xffff, v50;
	(pc) =	sbr.rel @p0 .LBB2_10-.Ltmp3, $4  }
0xde: {  	[tilespmem:v0+s3+$0x0] =	vst.idx.add.f32.msk $0xffff, v47  }
0xdf: {  	[tilespmem:v1+s3+$0x0] =	vst.idx.add.f32.msk $0xffff, v36  }
0xe0: {  	[tilespmem:v2+s3+$0x0] =	vst.idx.add.f32.msk $0xffff, v43  }
0xe1: {  	v11 =	vmov v29;
	[tilespmem:v10+s3+$0x0] =	vst.idx.add.f32.msk $0xffff, v35  }
.Ltmp4:
0xe2: {  	v25 =	vmov v13;
	v13 =	vld [tilespmem:$0x1FF80];
	(pc) =	sbr.rel .LBB2_4-.Ltmp4, $4  }
0xe3: {  	v23 =	vmov v18;
	v18 =	vld [tilespmem:$0x1FFE0]  }
0xe4: {  	s19 =	sadd.s32 s19, s7;
	v28 =	vld [tilespmem:$0x1FFD0]  }
0xe5: {  	s16 =	sadd.s32 $0x1, s16;
	s17 =	sadd.s32 $0x90, s17;
	s18 =	sadd.s32 $0x90, s18;
	v27 =	vmov v22;
	v22 =	vld [tilespmem:$0x1FFC0]  }
0xe6: {  	v29 =	vmovc v11;
	v10 =	vlaneseq.u32;
	v21 =	vimm.s32 $0x0;
	v30 =	vmov v26;
	v32 =	vld [tilespmem:$0x1FFB0];
	[tilespmem:s12], [sflag:$0x2] =	stream.linear.gather [hbm4b:s19+s3], $0x4000, $0x38  }
.LBB2_10:
0xe7: {  	_ =	swait.ge [sflag:s13], $0x4000  }
0xe8: {  	[sflag:s13] =	ssyncset.done $0x0  }
0xe9: {  	s16 =	simm.s32 $0x0;
	[sflag:s13] =	ssyncadd.s32 $0xFFFFC000  }
0xea: {  	v0 =	vld [tilespmem:s16+$0x1E5E0];
	_ =	sdelay $0x3  }
0xeb: {  	v21 =	vimm.s32 $0x0  }
0xec: {  	v0 =	vperm.xlane v0, v21;
	_ =	sdelay $0x1  }
0xed: {  	v1 =	vshll.u32 v0, $0x8;
	v2 =	vshll.u32 v0, $0x7  }
0xee: {  	v27 =	vld [tilespmem:$0x1FFE0];
	v1 =	vand.u32 $0x7800, v1;
	v2 =	vand.u32 $0x380, v2  }
0xef: {  	v23 =	vld [tilespmem:$0x1FFD0];
	v1 =	vor.u32 v2, v1  }
0xf0: {  	v30 =	vld [tilespmem:$0x1FFC0];
	v2 =	vor.u32 v3, v1  }
0xf1: {  	v25 =	vld [tilespmem:$0x1FFB0];
	v10 =	vor.u32 v7, v1  }
0xf2: {  	v28 =	vld [tilespmem:$0x1FFA0];
	v34 =	vor.u32 v8, v1  }
0xf3: {  	v29 =	vld [tilespmem:$0x1FF90];
	v35 =	vor.u32 v6, v1  }
0xf4: {  	v32 =	vld [tilespmem:$0x1FF80];
	v38 =	vor.u32 v9, v1  }
0xf5: {  	v40 =	vor.u32 v19, v1;
	v2 =	vld.idx.msk [tilespmem:v2+s11+$0x0], $0xffff  }
0xf6: {  	v41 =	vor.u32 v17, v1;
	v36 =	vld.idx.msk [tilespmem:v10+s11+$0x0], $0xffff  }
0xf7: {  	v42 =	vor.u32 v14, v1;
	v37 =	vld.idx.msk [tilespmem:v34+s11+$0x0], $0xffff  }
0xf8: {  	v43 =	vor.u32 v5, v1;
	v54 =	vld.idx.msk [tilespmem:v35+s11+$0x0], $0xffff  }
0xf9: {  	v63 =	vlaneseq.u32;
	v10 =	vor.u32 v12, v1;
	v39 =	vld.idx.msk [tilespmem:v38+s11+$0x0], $0xffff  }
0xfa: {  	v59 =	vor.u32 v63, v1;
	v34 =	vld.idx.msk [tilespmem:v40+s11+$0x0], $0xffff  }
0xfb: {  	v44 =	vor.u32 v4, v1;
	v35 =	vld.idx.msk [tilespmem:v41+s11+$0x0], $0xffff  }
0xfc: {  	v45 =	vor.u32 v13, v1;
	v40 =	vld.idx.msk [tilespmem:v42+s11+$0x0], $0xffff  }
0xfd: {  	v46 =	vor.u32 v16, v1;
	v53 =	vld.idx.msk [tilespmem:v43+s11+$0x0], $0xffff  }
0xfe: {  	v0 =	vshll.u32 v0, $0x1;
	v41 =	vld.idx.msk [tilespmem:v10+s11+$0x0], $0xffff;
	v10 =	vor.u32 v18, v1  }
0xff: {  	v50 =	vand.u32 $0xFFFFFF00, v0;
	v43 =	vld.idx.msk [tilespmem:v59+s11+$0x0], $0xffff;
	v1 =	vor.u32 v15, v1  }
0x100: {  	v51 =	vor.u32 v63, v50;
	v52 =	vld.idx.msk [tilespmem:v44+s11+$0x0], $0xffff  }
0x101: {  	v55 =	vor.u32 v3, v50;
	v47 =	vld.idx.msk [tilespmem:v45+s11+$0x0], $0xffff  }
0x102: {  	v56 =	vor.u32 v20, v0;
	v57 =	vor.u32 v4, v50;
	v48 =	vld.idx.msk [tilespmem:v46+s11+$0x0], $0xffff  }
0x103: {  	v60 =	vor.u32 v26, v0;
	v58 =	vor.u32 v5, v50;
	v59 =	vor.u32 v24, v0;
	v42 =	vld.idx.msk [tilespmem:v10+s11+$0x0], $0xffff  }
0x104: {  	v38 =	vand.u32 v27, v60;
	v60 =	vor.u32 v6, v50;
	v46 =	vor.u32 v23, v0;
	v49 =	vld.idx.msk [tilespmem:v1+s11+$0x0], $0xffff  }
0x105: {  	v44 =	vor.u32 v30, v0;
	v45 =	vor.u32 v25, v0;
	[tilespmem:v51+s3+$0x0] =	vst.idx.add.f32.msk $0xffff, v43  }
0x106: {  	v10 =	vor.u32 v22, v0;
	v43 =	vor.u32 v61, v0;
	[tilespmem:v55+s3+$0x0] =	vst.idx.add.f32.msk $0xffff, v2  }
0x107: {  	v51 =	vor.u32 v8, v50;
	v55 =	vor.u32 v7, v50;
	[tilespmem:v57+s3+$0x0] =	vst.idx.add.f32.msk $0xffff, v52  }
0x108: {  	v52 =	vor.u32 v9, v50;
	v50 =	vand.u32 v28, v56;
	[tilespmem:v58+s3+$0x0] =	vst.idx.add.f32.msk $0xffff, v53  }
0x109: {  	s16 =	simm.s32 $0x4;
	v53 =	vand.u32 v29, v10;
	[tilespmem:v60+s3+$0x0] =	vst.idx.add.f32.msk $0xffff, v54;
	v54 =	vand.u32 v32, v59  }
.LBB2_11:
0x10a: {  	_ =	sdelay $0x1  }
0x10b: {  	[tilespmem:v55+s3+$0x0] =	vst.idx.add.f32.msk $0xffff, v36  }
0x10c: {  	[tilespmem:v51+s3+$0x0] =	vst.idx.add.f32.msk $0xffff, v37  }
0x10d: {  	v0 =	vand.u32 v11, v46;
	[tilespmem:v52+s3+$0x0] =	vst.idx.add.f32.msk $0xffff, v39  }
0x10e: {  	v1 =	vand.u32 v31, v44;
	[tilespmem:v50+s3+$0x0] =	vst.idx.add.f32.msk $0xffff, v41  }
0x10f: {  	v2 =	vand.u32 v33, v45;
	[tilespmem:v53+s3+$0x0] =	vst.idx.add.f32.msk $0xffff, v47  }
0x110: {  	v10 =	vand.u32 v62, v43;
	[tilespmem:v54+s3+$0x0] =	vst.idx.add.f32.msk $0xffff, v40  }
0x111: {  	[tilespmem:v38+s3+$0x0] =	vst.idx.add.f32.msk $0xffff, v49  }
0x112: {  	[tilespmem:v0+s3+$0x0] =	vst.idx.add.f32.msk $0xffff, v48  }
0x113: {  	[tilespmem:v1+s3+$0x0] =	vst.idx.add.f32.msk $0xffff, v35  }
0x114: {  	s17 =	smov.u32 s16;
	[tilespmem:v2+s3+$0x0] =	vst.idx.add.f32.msk $0xffff, v42  }
0x115: {  	s17 =	sshra.s32 s17, $0x2;
	[tilespmem:v10+s3+$0x0] =	vst.idx.add.f32.msk $0xffff, v34  }
0x116: {  	v0 =	vld [tilespmem:s17+$0x1E5E0];
	_ =	sdelay $0x4  }
0x117: {  	v0 =	vperm.xlane v0, v21;
	_ =	sdelay $0x1  }
0x118: {  	v1 =	vshll.u32 v0, $0x1;
	v2 =	vshll.u32 v0, $0x8;
	v0 =	vshll.u32 v0, $0x7  }
0x119: {  	v2 =	vand.u32 $0x7800, v2;
	v0 =	vand.u32 $0x380, v0  }
0x11a: {  	v0 =	vor.u32 v0, v2  }
0x11b: {  	v62 =	vor.u32 v3, v0  }
0x11c: {  	v42 =	vor.u32 v63, v0;
	v47 =	vor.u32 v4, v0;
	v46 =	vor.u32 v7, v0  }
0x11d: {  	v48 =	vor.u32 v5, v0;
	v35 =	vor.u32 v6, v0;
	v37 =	vor.u32 v8, v0  }
0x11e: {  	v39 =	vor.u32 v9, v0;
	v40 =	vor.u32 v12, v0;
	v49 =	vor.u32 v13, v0  }
0x11f: {  	v50 =	vor.u32 v14, v0;
	v51 =	vor.u32 v15, v0;
	v52 =	vor.u32 v16, v0  }
0x120: {  	v60 =	vor.u32 v17, v0;
	v54 =	vor.u32 v18, v0;
	v0 =	vor.u32 v19, v0;
	v56 =	vld.idx.msk [tilespmem:v62+s11+$0x0], $0xffff  }
0x121: {  	v10 =	vand.u32 $0xFFFFFF00, v1;
	v53 =	vor.u32 v22, v1;
	v57 =	vor.u32 v24, v1;
	v36 =	vld.idx.msk [tilespmem:v46+s11+$0x0], $0xffff  }
0x122: {  	v44 =	vor.u32 v30, v1;
	v45 =	vor.u32 v25, v1;
	v43 =	vor.u32 v61, v1;
	v37 =	vld.idx.msk [tilespmem:v37+s11+$0x0], $0xffff  }
0x123: {  	v2 =	vor.u32 v20, v1;
	v62 =	vor.u32 v26, v1;
	v46 =	vor.u32 v23, v1;
	v1 =	vld.idx.msk [tilespmem:v35+s11+$0x0], $0xffff  }
0x124: {  	v39 =	vld.idx.msk [tilespmem:v39+s11+$0x0], $0xffff  }
0x125: {  	v34 =	vld.idx.msk [tilespmem:v0+s11+$0x0], $0xffff  }
0x126: {  	v35 =	vld.idx.msk [tilespmem:v60+s11+$0x0], $0xffff  }
0x127: {  	v41 =	vld.idx.msk [tilespmem:v40+s11+$0x0], $0xffff  }
0x128: {  	v40 =	vld.idx.msk [tilespmem:v50+s11+$0x0], $0xffff  }
0x129: {  	v0 =	vld.idx.msk [tilespmem:v48+s11+$0x0], $0xffff  }
0x12a: {  	v50 =	vld.idx.msk [tilespmem:v42+s11+$0x0], $0xffff  }
0x12b: {  	v58 =	vor.u32 v63, v10;
	v59 =	vld.idx.msk [tilespmem:v47+s11+$0x0], $0xffff  }
0x12c: {  	v60 =	vor.u32 v3, v10;
	v47 =	vld.idx.msk [tilespmem:v49+s11+$0x0], $0xffff  }
0x12d: {  	v61 =	vor.u32 v4, v10;
	v42 =	vld.idx.msk [tilespmem:v54+s11+$0x0], $0xffff  }
0x12e: {  	v48 =	vld.idx.msk [tilespmem:v52+s11+$0x0], $0xffff  }
0x12f: {  	v54 =	vor.u32 v5, v10;
	v49 =	vld.idx.msk [tilespmem:v51+s11+$0x0], $0xffff  }
0x130: {  	v38 =	vand.u32 v27, v62;
	v62 =	vor.u32 v6, v10;
	[tilespmem:v58+s3+$0x0] =	vst.idx.add.f32.msk $0xffff, v50  }
0x131: {  	p0 =	sne.s32 s16, $0x11C;
	[tilespmem:v60+s3+$0x0] =	vst.idx.add.f32.msk $0xffff, v56  }
.Ltmp5:
0x132: {  	[tilespmem:v61+s3+$0x0] =	vst.idx.add.f32.msk $0xffff, v59;
	(pc) =	sbr.rel @p0 .LBB2_11-.Ltmp5, $4  }
0x133: {  	v61 =	vld [tilespmem:$0x1FF60]  }
0x134: {  	v55 =	vor.u32 v7, v10;
	[tilespmem:v54+s3+$0x0] =	vst.idx.add.f32.msk $0xffff, v0  }
0x135: {  	v53 =	vand.u32 v29, v53;
	v51 =	vor.u32 v8, v10;
	[tilespmem:v62+s3+$0x0] =	vst.idx.add.f32.msk $0xffff, v1  }
0x136: {  	s16 =	sadd.s32 $0x4, s16;
	v52 =	vor.u32 v9, v10;
	v50 =	vand.u32 v28, v2;
	v54 =	vand.u32 v32, v57;
	v62 =	vld [tilespmem:$0x1FF70]  }
0x137: {  	_ =	sdelay $0x3  }
0x138: {  	[tilespmem:v55+s3+$0x0] =	vst.idx.add.f32.msk $0xffff, v36  }
0x139: {  	[tilespmem:v51+s3+$0x0] =	vst.idx.add.f32.msk $0xffff, v37  }
0x13a: {  	v0 =	vand.u32 v11, v46;
	[tilespmem:v52+s3+$0x0] =	vst.idx.add.f32.msk $0xffff, v39  }
0x13b: {  	v1 =	vand.u32 v31, v44;
	[tilespmem:v50+s3+$0x0] =	vst.idx.add.f32.msk $0xffff, v41  }
0x13c: {  	v2 =	vand.u32 v33, v45;
	[tilespmem:v53+s3+$0x0] =	vst.idx.add.f32.msk $0xffff, v47  }
0x13d: {  	v10 =	vand.u32 v62, v43;
	[tilespmem:v54+s3+$0x0] =	vst.idx.add.f32.msk $0xffff, v40  }
0x13e: {  	[tilespmem:v38+s3+$0x0] =	vst.idx.add.f32.msk $0xffff, v49  }
0x13f: {  	[tilespmem:v0+s3+$0x0] =	vst.idx.add.f32.msk $0xffff, v48  }
0x140: {  	s15 =	sadd.s32 $0x1, s15;
	[tilespmem:v1+s3+$0x0] =	vst.idx.add.f32.msk $0xffff, v35  }
0x141: {  	p0 =	sne.s32 s15, s9;
	[tilespmem:v2+s3+$0x0] =	vst.idx.add.f32.msk $0xffff, v42  }
.Ltmp6:
0x142: {  	[tilespmem:v10+s3+$0x0] =	vst.idx.add.f32.msk $0xffff, v34;
	(pc) =	sbr.rel @p0 .LBB2_1-.Ltmp6, $4  }
0x143: {  	[hbm4b:s8+s3] =	stream.linear.scatter [tilespmem:s3], [sflag:$0x3], $0x13900, $0x38;
	[tilespmem:$0x1E680] =	vst v63  }
0x144: {  	_ =	swait.ge [sflag:s10], $0x13900  }
0x145: {  	[sflag:s10] =	ssyncset.done $0x0  }
0x146: {  	v0 =	vimm.f32 $0.0e+00;
	v10 =	vlaneseq.u32;
	[sflag:s10] =	ssyncadd.s32 $0xFFFEC700  }
0x147: {  	_ =	sfence.sel $0x180000  }
0x148: {  	[bflag:$0x0] =	sbarrier.arrive $0xFFFF  }
0x149: {  	p0 =	sne.s32 s0, $0x0;
	_ =	strace $0x9000004D  }
0x14a: {  	s0 =	sadd.s32 @!p0 $0x100000, s2;
	[bflag:$0x2] =	sbarrier.arrive $0xFFFF  }
0x14b: {  	[sflag:s0] =	ssyncadd.tile.s32 @!p0 $0x1;
	_ =	shalt  }
.Lfunc_end2:
_tile_overlayer_lowered:
.L_overlay_start_2:
0x14c: {  	(tag) =	ssettag $0x2  }
0x14d: {  	s0 =	rddreg [dreg:$0x0];
	s2 =	stileid.u32  }
0x14e: {  	s1 =	rddreg [dreg:$0x1];
	p0 =	sne.s32 s2, $0x0  }
0x14f: {  	s3 =	rddreg [dreg:$0x2];
	[bflag:$0x3] =	sbarrier.arrive $0xFFFF;
	s2 =	simm.s32 @!p0 $0x1C03  }
0x150: {  	[timem:s3], [sflag:s2] =	dma.local @!p0 [hbm:s0], s1  }
0x151: {  	s0 =	simm.s32 @!p0 $0x3  }
0x152: {  	_ =	swait.ge @!p0 [sflag:s0], s1  }
0x153: {  	s1 =	ssub.s32 @!p0 $0x0, s1;
	[sflag:s0] =	ssyncset.done @!p0 $0x0  }
0x154: {  	[sflag:s0] =	ssyncadd.s32 @!p0 s1  }
0x155: {  	[bflag:$0x3] =	sbarrier.arrive $0xFFFF  }
0x156: {  	_ =	shalt  }

// kernel: kernel.19.cloned.1.call-start
scs
__scs_entry_jumppad:
0x0: {  	(pc) =	sbr.rel $0x88, $3  }
0x1: {  	(tag) =	ssettag $0x0;
	lr =	simm.s32 $0x1  }
0x2: {  	[smem:$0x3F8F] =	sst lr;
	_ =	strace $0xD0000000  }
0x3: {  	_ = 	snop  }
0x4: {  	_ = 	snop  }
0x5: {  	_ = 	snop  }
0x6: {  	_ = 	snop  }
0x7: {  	_ = 	snop  }
__scs_overlays_trampoline_lowered:
0x8: {  	[smem:$0x3F9E] =	sst s0  }
0x9: {  	[smem:$0x3F9F] =	sst s1  }
0xa: {  	[smem:$0x3FA0] =	sst s2  }
0xb: {  	[smem:$0x3FA1] =	sst s3  }
0xc: {  	[smem:$0x3FA2] =	sst s4  }
0xd: {  	[smem:$0x3FA3] =	sst s5  }
0xe: {  	[smem:$0x3FA4] =	sst s6  }
0xf: {  	[smem:$0x3FA5] =	sst s7  }
0x10: {  	[smem:$0x3FA6] =	sst s8  }
0x11: {  	[smem:$0x3FA7] =	sst s9;
	s0 =	simm.s32 @!p0 $0x0  }
0x12: {  	s1 =	sld [smem:$0x3F8D];
	s0 =	simm.s32 @p0 $0x1  }
0x13: {  	[smem:$0x3FA8] =	sst s0;
	s0 =	simm.s32 @!p1 $0x0  }
0x14: {  	s2 =	sld [smem:$0x3F8C];
	s0 =	simm.s32 @p1 $0x1  }
0x15: {  	[smem:$0x3FA9] =	sst s0;
	s0 =	simm.s32 @!p2 $0x0  }
0x16: {  	s3 =	sld [smem:$0x3FDB];
	s0 =	simm.s32 @p2 $0x1  }
0x17: {  	s4 =	simm.s32 $0x1BF5;
	[smem:$0x3FAB] =	sst s0  }
0x18: {  	s0 =	sld [smem:$0x3F8E];
	_ =	swait.ge [sflag:s4], $0x0  }
0x19: {  	s7 =	sld [smem:$0x3F8F]  }
0x1a: {  	s8 =	sadd.s32 $0xFFFFE003, lr  }
0x1b: {  	s9 =	sadd.s32 $0xFFFFFEF7, lr;
	s5 =	simm.s32 $0xFFFFFFFF;
	p2 =	slt.u32 s8, $0xFFFFF086  }
0x1c: {  	p1 =	slt.u32 s9, $0xF7A;
	s5 =	simm.s32 @!p2 $0x0  }
0x1d: {  	s5 =	simm.s32 @p1 $0x1;
	p0 =	seq.s32 s7, s2  }
0x1e: {  	s7 =	smul.u32 @!p0 $0xF7A, s2;
	p2 =	seq.s32 @!p0 s5, $0x0  }
0x1f: {  	s9 =	smul.u32 $0xF7A, s1;
	s8 =	simm.s32 @!p0 $0x1BF5;
	p2 =	por !p2, p0  }
0x20: {  	[sflag:s8] =	ssyncset.s32 @!p0 $0xFFFFF086;
	s6 =	sadd.s32 @!p0 s3, s7;
	s7 =	simm.s32 @!p0 $0x108  }
0x21: {  	s3 =	sadd.s32 s3, s9;
	s6 =	sadd.s32 @!p0 $0x88, s6;
	s7 =	simm.s32 @p2 $0x1082  }
0x22: {  	[simem:s7], [sflag:s8] =	dma.local @!p0 [hbm:s6], $0xF7A  }
0x23: {  	s9 =	sor.u32 $0xD0000000, s2;
	s6 =	simm.s32 $0x108;
	_ =	swait.ge @!p0 [sflag:s8], $0x0  }
0x24: {  	s3 =	sadd.s32 $0x88, s3;
	s6 =	simm.s32 @!p1 $0x1082;
	[sflag:s4] =	ssyncset.s32 $0xFFFFF086  }
0x25: {  	[simem:s6], [sflag:s4] =	dma.local [hbm:s3], $0xF7A  }
0x26: {  	[smem:$0x3F8F] =	sst s1;
	(tag) =	ssettag s2;
	_ =	strace s9  }
0x27: {  	s1 =	sld [smem:$0x3F9F]  }
0x28: {  	s2 =	sld [smem:$0x3FA0]  }
0x29: {  	s4 =	sld [smem:$0x3FA2]  }
0x2a: {  	p0 =	seq.s32 s5, $0x0;
	s5 =	sld [smem:$0x3FA3]  }
0x2b: {  	s6 =	sld [smem:$0x3FA4]  }
0x2c: {  	s7 =	sld [smem:$0x3FA5]  }
0x2d: {  	s3 =	simm.s32 $0x108;
	s8 =	sld [smem:$0x3FA6]  }
0x2e: {  	s3 =	simm.s32 @!p0 $0x1082;
	s9 =	sld [smem:$0x3FA7]  }
0x2f: {  	lr =	sadd.s32 s0, s3;
	s0 =	sld [smem:$0x3F9E]  }
0x30: {  	s3 =	sld [smem:$0x3FA1]  }
0x31: {  	[smem:$0x3FAA] =	sst s10  }
0x32: {  	s10 =	sld [smem:$0x3FA8];
	_ =	sdelay $0x3  }
0x33: {  	p0 =	seq.s32 s10, $0x1;
	s10 =	sld [smem:$0x3FAA];
	_ =	sdelay $0x3  }
0x34: {  	[smem:$0x3FAA] =	sst s10  }
0x35: {  	s10 =	sld [smem:$0x3FA9];
	_ =	sdelay $0x3  }
0x36: {  	p1 =	seq.s32 s10, $0x1;
	s10 =	sld [smem:$0x3FAA];
	_ =	sdelay $0x3  }
0x37: {  	[smem:$0x3FAA] =	sst s10  }
0x38: {  	s10 =	sld [smem:$0x3FAB]  }
0x39: {  	_ = 	snop;
	(pc) =	sbr.ind lr, $3  }
0x3a: {  	_ = 	snop  }
0x3b: {  	_ = 	snop  }
0x3c: {  	p2 =	seq.s32 s10, $0x1;
	s10 =	sld [smem:$0x3FAA]  }
0x3d: {  	_ =	shalt  }
0x3e: {  	_ =	shalt  }
0x3f: {  	_ =	shalt  }
0x40: {  	_ =	shalt  }
0x41: {  	_ =	shalt  }
0x42: {  	_ =	shalt  }
0x43: {  	_ =	shalt  }
0x44: {  	_ =	shalt  }
0x45: {  	_ =	shalt  }
0x46: {  	_ =	shalt  }
0x47: {  	_ =	shalt  }
0x48: {  	_ =	shalt  }
0x49: {  	_ =	shalt  }
0x4a: {  	_ =	shalt  }
0x4b: {  	_ =	shalt  }
0x4c: {  	_ =	shalt  }
0x4d: {  	_ =	shalt  }
0x4e: {  	_ =	shalt  }
0x4f: {  	_ =	shalt  }
0x50: {  	_ =	shalt  }
0x51: {  	_ =	shalt  }
0x52: {  	_ =	shalt  }
0x53: {  	_ =	shalt  }
0x54: {  	_ =	shalt  }
0x55: {  	_ =	shalt  }
0x56: {  	_ =	shalt  }
0x57: {  	_ =	shalt  }
0x58: {  	_ =	shalt  }
0x59: {  	_ =	shalt  }
0x5a: {  	_ =	shalt  }
0x5b: {  	_ =	shalt  }
0x5c: {  	_ =	shalt  }
0x5d: {  	_ =	shalt  }
0x5e: {  	_ =	shalt  }
0x5f: {  	_ =	shalt  }
0x60: {  	_ =	shalt  }
0x61: {  	_ =	shalt  }
0x62: {  	_ =	shalt  }
0x63: {  	_ =	shalt  }
0x64: {  	_ =	shalt  }
0x65: {  	_ =	shalt  }
0x66: {  	_ =	shalt  }
0x67: {  	_ =	shalt  }
0x68: {  	_ =	shalt  }
0x69: {  	_ =	shalt  }
0x6a: {  	_ =	shalt  }
0x6b: {  	_ =	shalt  }
0x6c: {  	_ =	shalt  }
0x6d: {  	_ =	shalt  }
0x6e: {  	_ =	shalt  }
0x6f: {  	_ =	shalt  }
0x70: {  	_ =	shalt  }
0x71: {  	_ =	shalt  }
0x72: {  	_ =	shalt  }
0x73: {  	_ =	shalt  }
0x74: {  	_ =	shalt  }
0x75: {  	_ =	shalt  }
0x76: {  	_ =	shalt  }
0x77: {  	_ =	shalt  }
0x78: {  	_ =	shalt  }
0x79: {  	_ =	shalt  }
0x7a: {  	_ =	shalt  }
0x7b: {  	_ =	shalt  }
0x7c: {  	_ =	shalt  }
0x7d: {  	_ =	shalt  }
0x7e: {  	_ =	shalt  }
0x7f: {  	_ =	shalt  }
0x80: {  	_ =	shalt  }
0x81: {  	_ =	shalt  }
0x82: {  	_ =	shalt  }
0x83: {  	_ =	shalt  }
0x84: {  	_ =	shalt  }
0x85: {  	_ =	shalt  }
0x86: {  	_ =	shalt  }
0x87: {  	_ =	shalt  }
.Lfunc_end0:
.L_simem_size_0:
called_computation.3_lowered:
.L_overlay_start_0:
0x88: {  	s2 =	sld [smem:$0x3FD9]  }
0x89: {  	s3 =	sld [smem:$0x3FFE];
	_ =	sdelay $0x1  }
0x8a: {  	s1 =	srdreg.scid  }
0x8b: {  	s0 =	sand.u32 $0x1, s1  }
0x8c: {  	s17 =	sshll.u32 s0, $0xA;
	s2 =	sadd.s32 s3, s2  }
0x8d: {  	s2 =	sadd.s32 s2, s17  }
0x8e: {  	[smem:$0x3FB6] =	sst s2  }
0x8f: {  	_ = 	snop  }
0x90: {  	s2 =	sld [smem:$0x3FD0];
	(tm) =	ssettm $0x1  }
0x91: {  	s18 =	sld [smem:$0x3FFB];
	_ =	sdelay $0x3  }
0x92: {  	_ =	strace s18  }
0x93: {  	s3 =	sld [smem:$0x3FFC];
	_ =	sdelay $0x3  }
0x94: {  	_ =	strace s3  }
0x95: {  	s3 =	sld [smem:$0x3FFD];
	_ =	sdelay $0x3  }
0x96: {  	_ =	strace s3  }
0x97: {  	_ =	strace $0x8FFFFFFF  }
0x98: {  	s19 =	sld [smem:$0x3FDB];
	_ =	sdelay $0x1  }
0x99: {  	s4 =	simm.s32 $_scs_section_size  }
0x9a: {  	s5 =	simm.s32 $_size__tile_overlayer_lowered;
	s6 =	simm.s32 $_tile_overlayer_lowered  }
0x9b: {  	s22 =	simm.s32 $0x1BFF;
	s21 =	sshll.u32 s6, $0x1;
	s3 =	sadd.s32 s4, s19  }
0x9c: {  	s7 =	simm.s32 $0x0;
	s20 =	sshll.u32 s5, $0x1;
	s5 =	sadd.s32 s21, s3  }
0x9d: {  	[timem:s7], [sflag:s22] =	dma.local [hbm:s5], s20  }
0x9e: {  	_ =	swait.ge [sflag:s22], s20  }
0x9f: {  	s4 =	ssub.s32 $0x0, s20;
	[sflag:s22] =	ssyncset.done $0x0  }
0xa0: {  	[sflag:s22] =	ssyncadd.s32 s4;
	_ =	sdelay $0x1  }
0xa1: {  	s23 =	simm.s32 $0x1B8B  }
0xa2: {  	_ =	swait.ge [sflag:s23], $0x1  }
0xa3: {  	[sflag:s23] =	ssyncset.done $0x0  }
0xa4: {  	s25 =	simm.s32 $0x1B8E;
	s24 =	sld [smem:$0x3FFE];
	[sflag:s23] =	ssyncadd.s32 $0xFFFFFFFF  }
0xa5: {  	s26 =	simm.s32 $execute0_lowered;
	[smem:$0x3FD2] =	sst s25  }
0xa6: {  	s5 =	sshll.u32 s26, $0x1;
	_ =	strace $0x8000004F;
	[dreg:$0x1] =	wrdreg $0xFFFFFFFF  }
0xa7: {  	s28 =	simm.s32 $_size_execute0_lowered;
	s3 =	sadd.s32 s3, s5;
	[dreg:$0x0] =	wrdreg $0x0  }
0xa8: {  	s5 =	sshll.u32 s28, $0x1;
	[dreg:$0x2] =	wrdreg s3  }
0xa9: {  	[dreg:$0x3] =	wrdreg s5  }
0xaa: {  	[dreg:$0x4] =	wrdreg $0xC0  }
0xab: {  	_ =	task [dreg:s7], $0x5FFFF  }
0xac: {  	[dreg:$0x1] =	wrdreg $0xFFFFFFFF  }
0xad: {  	[dreg:$0x0] =	wrdreg $0x60  }
0xae: {  	[dreg:$0x2] =	wrdreg s2  }
0xaf: {  	[dreg:$0x3] =	wrdreg s24  }
0xb0: {  	[dreg:$0x4] =	wrdreg $0x9  }
0xb1: {  	_ =	task.clear_ibuf [dreg:s7], $0x5FFFF;
	_ =	strace $0x9000004F  }
0xb2: {  	s29 =	simm.s32 $0x9;
	_ =	strace $0x80000051  }
0xb3: {  	_ =	swait.ge [sflag:s29], $0x1  }
0xb4: {  	[sflag:s29] =	ssyncadd.s32 $0xFFFFFFFF  }
0xb5: {  	_ =	strace $0x90000051  }
0xb6: {  	_ =	sfence  }
0xb7: {  	s30 =	sld [smem:$0x0];
	_ =	sdelay $0x2  }
0xb8: {  	s31 =	sshll.u32 s1, $0xD;
	s1 =	sshrl.u32 s1, $0x2  }
0xb9: {  	s3 =	sand.u32 $0x4000, s31;
	s1 =	sadd.s32 s1, s30  }
0xba: {  	s0 =	sor.u32 s3, s0;
	s1 =	sshll.u32 s1, $0x11  }
0xbb: {  	s0 =	sor.u32 s1, s0  }
0xbc: {  	s0 =	sadd.s32 $0x8F2B, s0  }
0xbd: {  	[sflag:s0] =	ssyncadd.remote.s32 $0x1  }
0xbe: {  	_ =	sfence.sel $0xFFFF  }
0xbf: {  	[dreg:$0x0] =	wrdreg $0xFFFFFFFF;
	(pc) =	sbr.abs _section_cstart, $3  }
0xc0: {  	[dreg:$0x1] =	wrdreg $0xFFFFFFFF  }
0xc1: {  	_ =	task.clear_ibuf [dreg:s7], $0x2FFFF;
	_ =	strace $0x9FFFFFFF  }
0xc2: {  	(tm) =	ssettm $0x7FFFFFFF  }
0xc3: {  	_ =	shalt  }
tec
execute0_lowered:
.L_overlay_start_1:
0x0: {  	(tag) =	ssettag $0x1  }
0x1: {  	s1 =	rddreg [dreg:$0x0]  }
0x2: {  	v10 =	vlaneseq.u32;
	s5 =	rddreg [dreg:$0x1];
	s3 =	simm.s32 $0x0  }
0x3: {  	s2 =	srdreg.scid;
	v3 =	vor.u32 $0x10, v10;
	[smem:$0x7FF] =	sst s3;
	v61 =	vor.u32 $0xF0, v10  }
0x4: {  	s4 =	sand.u32 $0x1, s2;
	v4 =	vor.u32 $0x20, v10;
	v5 =	vor.u32 $0x30, v10;
	s2 =	rddreg [dreg:$0x2];
	v62 =	vor.u32 $0xFFFFFFF0, v10;
	_ =	strace $0x80000050;
	[tilespmem:$0x1FF60] =	vst v61  }
0x5: {  	s0 =	stileid.u32;
	v6 =	vor.u32 $0x40, v10;
	v7 =	vor.u32 $0x50, v10;
	v32 =	vor.u32 $0xFFFFFFA0, v10;
	[tilespmem:$0x1FF70] =	vst v62  }
0x6: {  	s31 =	sshll.u32 s0, $0x1;
	v8 =	vor.u32 $0x60, v10;
	v9 =	vor.u32 $0x70, v10;
	v29 =	vor.u32 $0xFFFFFF90, v10;
	[tilespmem:$0x1FF80] =	vst v32  }
0x7: {  	s11 =	simm.s32 $0x13A00;
	v12 =	vor.u32 $0x400, v10;
	v13 =	vor.u32 $0x410, v10;
	v28 =	vor.u32 $0xFFFFFF80, v10;
	s6 =	sor.u32 s4, s31;
	[tilespmem:$0x1FF90] =	vst v29  }
0x8: {  	s12 =	simm.s32 $0x17A00;
	v14 =	vor.u32 $0x420, v10;
	v15 =	vor.u32 $0x430, v10;
	v25 =	vor.u32 $0xE0, v10;
	s4 =	ssub.s32 $0x2, s4;
	[tilespmem:$0x1FFA0] =	vst v28;
	s7 =	smul.u32 $0x58E, s6  }
0x9: {  	s13 =	simm.s32 $0x1;
	v16 =	vor.u32 $0x440, v10;
	v17 =	vor.u32 $0x450, v10;
	v30 =	vor.u32 $0xD0, v10;
	[tilespmem:$0x1FFB0] =	vst v25;
	s6 =	smul.u32 $0x2720, s6;
	s8 =	sshrl.u32 s4, $0x1  }
0xa: {  	s14 =	simm.s32 $0x2;
	s15 =	simm.s32 $0x0;
	v18 =	vor.u32 $0x460, v10;
	v19 =	vor.u32 $0x470, v10;
	v23 =	vor.u32 $0xC0, v10;
	[tilespmem:$0x1FFC0] =	vst v30;
	s10 =	ssub.s32 s4, s8  }
0xb: {  	v20 =	vor.u32 $0x80, v10;
	v22 =	vor.u32 $0x90, v10;
	v27 =	vor.u32 $0xFFFFFFB0, v10;
	[tilespmem:$0x1FFD0] =	vst v23;
	s7 =	sadd.s32 s7, s5;
	s9 =	sadd.s32 s6, s5;
	s5 =	sadd.s32 $0x800, s1  }
0xc: {  	v0 =	vimm.f32 $0.0e+00;
	v24 =	vor.u32 $0xA0, v10;
	v26 =	vor.u32 $0xB0, v10;
	[tilespmem:$0x1FFE0] =	vst v27;
	s6 =	sadd.s32 $0x1000, s1;
	s4 =	sadd.s32 $0xE200, s7;
	s7 =	sadd.s32 $0x1800, s1  }
0xd: {  	v11 =	vor.u32 $0xFFFFFFC0, v10;
	v31 =	vor.u32 $0xFFFFFFD0, v10;
	v33 =	vor.u32 $0xFFFFFFE0, v10;
	[tilespmem:$0x1FFF0] =	vst v17;
	s8 =	sadd.s32 $0xB5800, s9;
	s9 =	smax.u32 s10, $0x1;
	s10 =	simm.s32 $0x3  }
.LBB2_1:
0xe: {  	s16 =	simm.s32 $0x20  }
0xf: {  	[tilespmem:s16+$0xFFFFFFE0] =	vst v0  }
0x10: {  	v36 =	vmovc v20;
	v34 =	vmovc v32;
	v32 =	vmov v25;
	v35 =	vmov v30;
	v1 =	vmov v23;
	[tilespmem:s16+$0x10] =	vst v0  }
0x11: {  	v20 =	vmovc v27;
	v30 =	vmovc v26;
	v27 =	vmov v22;
	v23 =	vmov v18;
	v25 =	vmov v13;
	s17 =	simm.s32 $0x0;
	[tilespmem:s16+$0x0] =	vst v0  }
.LBB2_2:
0x12: {  	s17 =	sadd.s32 $0x4, s17  }
0x13: {  	[tilespmem:s16+$0xFFFFFFF0] =	vst v0;
	s16 =	sadd.s32 $0x40, s16;
	p0 =	slt.u32 s17, $0x139C  }
.Ltmp0:
0x14: {  	[tilespmem:s16+$0xFFFFFFE0] =	vst v0;
	(pc) =	sbr.rel @p0 .LBB2_2-.Ltmp0, $3  }
0x15: {  	_ =	sdelay $0x1  }
0x16: {  	[tilespmem:s16+$0x10] =	vst v0  }
0x17: {  	[tilespmem:s16+$0x0] =	vst v0  }
0x18: {  	[tilespmem:s16+$0xFFFFFFF0] =	vst v0;
	s16 =	simm.s32 $0x0;
	s17 =	simm.s32 $0x1BA00  }
0x19: {  	[tilespmem:s17], [sflag:$0x3] =	stream.linear.gather [hbm4b:s4+s16], $0x2C70, $0x38;
	[tilespmem:$0x1E680] =	vst v63  }
0x1a: {  	_ =	swait.ge [sflag:s10], $0x2C70  }
0x1b: {  	[sflag:s10] =	ssyncset.done $0x0  }
0x1c: {  	[sflag:s10] =	ssyncadd.s32 $0xFFFFD390  }
0x1d: {  	[tilespmem:s11], [sflag:$0x1] =	stream.linear.gather [hbm4b:s1+s16], $0x4000, $0x38;
	[tilespmem:$0x1E680] =	vst v63  }
0x1e: {  	v29 =	vmov v11;
	s18 =	simm.s32 $0x1BA48;
	v21 =	vimm.s32 $0x0  }
0x1f: {  	v18 =	vmovc v20;
	v28 =	vmovc v1;
	v22 =	vmov v35;
	v13 =	vmov v34;
	v20 =	vmov v36;
	[tilespmem:s12], [sflag:$0x2] =	stream.linear.gather [hbm4b:s5+s16], $0x4000, $0x38;
	[tilespmem:$0x1E680] =	vst v63  }
.LBB2_4:
0x20: {  	v34 =	vmov s17;
	_ =	sdelay $0x1  }
0x21: {  	_ =	swait.ge [sflag:s13], $0x4000  }
0x22: {  	[sflag:s13] =	ssyncset.done $0x0  }
0x23: {  	s19 =	simm.s32 $0x0;
	[sflag:s13] =	ssyncadd.s32 $0xFFFFC000  }
0x24: {  	v35 =	vld.idx.msk [tilespmem:v34+s19+$0x0 ss:$0x1], $0xffff;
	_ =	sdelay $0x4  }
0x25: {  	v39 =	vperm.xlane v35, v21;
	_ =	sdelay $0x1  }
0x26: {  	v35 =	vshll.u32 v39, $0x8;
	v36 =	vshll.u32 v39, $0x7  }
0x27: {  	v35 =	vand.u32 $0x7800, v35;
	v36 =	vand.u32 $0x380, v36  }
0x28: {  	v43 =	vor.u32 v36, v35  }
0x29: {  	v35 =	vor.u32 v3, v43  }
0x2a: {  	v36 =	vor.u32 v7, v43  }
0x2b: {  	v38 =	vor.u32 v8, v43  }
0x2c: {  	v40 =	vor.u32 v6, v43  }
0x2d: {  	v0 =	vld [tilespmem:$0x1FF60];
	v41 =	vor.u32 v9, v43  }
0x2e: {  	v54 =	vor.u32 v19, v43;
	v51 =	vld.idx.msk [tilespmem:v35+s11+$0x0], $0xffff  }
0x2f: {  	v42 =	vor.u32 v17, v43;
	v37 =	vld.idx.msk [tilespmem:v36+s11+$0x0], $0xffff  }
0x30: {  	v44 =	vor.u32 v12, v43;
	v38 =	vld.idx.msk [tilespmem:v38+s11+$0x0], $0xffff  }
0x31: {  	v45 =	vor.u32 v14, v43;
	v1 =	vld.idx.msk [tilespmem:v40+s11+$0x0], $0xffff  }
0x32: {  	v46 =	vor.u32 v5, v43;
	v40 =	vld.idx.msk [tilespmem:v41+s11+$0x0], $0xffff  }
0x33: {  	v47 =	vor.u32 v10, v43;
	v35 =	vld.idx.msk [tilespmem:v54+s11+$0x0], $0xffff  }
0x34: {  	v48 =	vor.u32 v4, v43;
	v36 =	vld.idx.msk [tilespmem:v42+s11+$0x0], $0xffff  }
0x35: {  	v49 =	vor.u32 v25, v43;
	v42 =	vld.idx.msk [tilespmem:v44+s11+$0x0], $0xffff  }
0x36: {  	v44 =	vor.u32 v23, v43;
	v41 =	vld.idx.msk [tilespmem:v45+s11+$0x0], $0xffff  }
0x37: {  	v54 =	vld.idx.msk [tilespmem:v46+s11+$0x0], $0xffff  }
0x38: {  	v52 =	vshll.u32 v39, $0x1;
	v39 =	vor.u32 v16, v43;
	v46 =	vld.idx.msk [tilespmem:v47+s11+$0x0], $0xffff  }
0x39: {  	v53 =	vand.u32 $0xFFFFFF00, v52;
	v45 =	vor.u32 v15, v43;
	v57 =	vld.idx.msk [tilespmem:v48+s11+$0x0], $0xffff  }
0x3a: {  	v56 =	vor.u32 v10, v53;
	v48 =	vld.idx.msk [tilespmem:v49+s11+$0x0], $0xffff  }
0x3b: {  	v58 =	vor.u32 v3, v53;
	v43 =	vld.idx.msk [tilespmem:v44+s11+$0x0], $0xffff  }
0x3c: {  	v11 =	vmov v0;
	v44 =	vor.u32 v0, v52;
	v0 =	vld [tilespmem:$0x1FFA0]  }
0x3d: {  	v49 =	vld.idx.msk [tilespmem:v39+s11+$0x0], $0xffff  }
0x3e: {  	v59 =	vor.u32 v20, v52;
	v50 =	vld.idx.msk [tilespmem:v45+s11+$0x0], $0xffff  }
0x3f: {  	v61 =	vor.u32 v27, v52;
	v60 =	vor.u32 v4, v53;
	[tilespmem:v56+s3+$0x0] =	vst.idx.add.f32.msk $0xffff, v46  }
0x40: {  	v55 =	vor.u32 v30, v52;
	v62 =	vor.u32 v5, v53;
	[tilespmem:v58+s3+$0x0] =	vst.idx.add.f32.msk $0xffff, v51  }
0x41: {  	v39 =	vand.u32 v18, v55;
	v55 =	vor.u32 v6, v53;
	v51 =	vand.u32 v0, v59;
	v0 =	vld [tilespmem:$0x1FF90]  }
0x42: {  	v63 =	vor.u32 v24, v52;
	v47 =	vor.u32 v28, v52;
	v56 =	vor.u32 v7, v53  }
0x43: {  	v26 =	vld [tilespmem:$0x1FF70];
	v45 =	vor.u32 v22, v52;
	v46 =	vor.u32 v32, v52;
	v52 =	vor.u32 v8, v53  }
0x44: {  	v53 =	vor.u32 v9, v53;
	[tilespmem:v60+s3+$0x0] =	vst.idx.add.f32.msk $0xffff, v57  }
0x45: {  	[tilespmem:v62+s3+$0x0] =	vst.idx.add.f32.msk $0xffff, v54  }
0x46: {  	s19 =	simm.s32 $0x4;
	[tilespmem:v55+s3+$0x0] =	vst.idx.add.f32.msk $0xffff, v1;
	v55 =	vand.u32 v13, v63;
	v54 =	vand.u32 v0, v61  }
.LBB2_5:
0x47: {  	[tilespmem:v56+s3+$0x0] =	vst.idx.add.f32.msk $0xffff, v37  }
0x48: {  	[tilespmem:v52+s3+$0x0] =	vst.idx.add.f32.msk $0xffff, v38  }
0x49: {  	v61 =	vand.u32 v29, v47;
	[tilespmem:v53+s3+$0x0] =	vst.idx.add.f32.msk $0xffff, v40  }
0x4a: {  	v62 =	vand.u32 v31, v45;
	[tilespmem:v51+s3+$0x0] =	vst.idx.add.f32.msk $0xffff, v42  }
0x4b: {  	v63 =	vand.u32 v33, v46;
	[tilespmem:v54+s3+$0x0] =	vst.idx.add.f32.msk $0xffff, v48  }
0x4c: {  	v45 =	vand.u32 v26, v44;
	[tilespmem:v55+s3+$0x0] =	vst.idx.add.f32.msk $0xffff, v41  }
0x4d: {  	[tilespmem:v39+s3+$0x0] =	vst.idx.add.f32.msk $0xffff, v50  }
0x4e: {  	[tilespmem:v61+s3+$0x0] =	vst.idx.add.f32.msk $0xffff, v49  }
0x4f: {  	[tilespmem:v62+s3+$0x0] =	vst.idx.add.f32.msk $0xffff, v36  }
0x50: {  	s20 =	smov.u32 s19;
	[tilespmem:v63+s3+$0x0] =	vst.idx.add.f32.msk $0xffff, v43  }
0x51: {  	s20 =	sshra.s32 s20, $0x2;
	[tilespmem:v45+s3+$0x0] =	vst.idx.add.f32.msk $0xffff, v35  }
0x52: {  	v35 =	vld.idx.msk [tilespmem:v34+s20+$0x0 ss:$0x1], $0xffff;
	_ =	sdelay $0x4  }
0x53: {  	v35 =	vperm.xlane v35, v21;
	_ =	sdelay $0x1  }
0x54: {  	v36 =	vshll.u32 v35, $0x1;
	v46 =	vshll.u32 v35, $0x8;
	v35 =	vshll.u32 v35, $0x7  }
0x55: {  	v37 =	vand.u32 $0x7800, v46;
	v35 =	vand.u32 $0x380, v35  }
0x56: {  	v35 =	vor.u32 v35, v37  }
0x57: {  	v37 =	vor.u32 v3, v35  }
0x58: {  	v43 =	vor.u32 v10, v35;
	v48 =	vor.u32 v4, v35;
	v47 =	vor.u32 v7, v35  }
0x59: {  	v49 =	vor.u32 v5, v35;
	v40 =	vor.u32 v6, v35;
	v41 =	vor.u32 v8, v35  }
0x5a: {  	v42 =	vor.u32 v9, v35;
	v50 =	vor.u32 v12, v35;
	v52 =	vor.u32 v25, v35  }
0x5b: {  	v53 =	vor.u32 v14, v35;
	v56 =	vor.u32 v15, v35;
	v57 =	vor.u32 v16, v35  }
0x5c: {  	v58 =	vor.u32 v17, v35;
	v59 =	vor.u32 v23, v35;
	v35 =	vor.u32 v19, v35;
	v60 =	vld.idx.msk [tilespmem:v37+s11+$0x0], $0xffff  }
0x5d: {  	v37 =	vld.idx.msk [tilespmem:v47+s11+$0x0], $0xffff  }
0x5e: {  	v38 =	vld.idx.msk [tilespmem:v41+s11+$0x0], $0xffff  }
0x5f: {  	v62 =	vld.idx.msk [tilespmem:v40+s11+$0x0], $0xffff  }
0x60: {  	v51 =	vand.u32 $0xFFFFFF00, v36;
	v54 =	vor.u32 v20, v36;
	v55 =	vor.u32 v27, v36;
	v40 =	vld.idx.msk [tilespmem:v42+s11+$0x0], $0xffff  }
0x61: {  	v61 =	vor.u32 v24, v36;
	v63 =	vor.u32 v30, v36;
	v45 =	vor.u32 v22, v36;
	v35 =	vld.idx.msk [tilespmem:v35+s11+$0x0], $0xffff  }
0x62: {  	v46 =	vor.u32 v32, v36;
	v44 =	vor.u32 v11, v36;
	v47 =	vor.u32 v28, v36;
	v36 =	vld.idx.msk [tilespmem:v58+s11+$0x0], $0xffff  }
0x63: {  	v42 =	vld.idx.msk [tilespmem:v50+s11+$0x0], $0xffff  }
0x64: {  	v41 =	vld.idx.msk [tilespmem:v53+s11+$0x0], $0xffff  }
0x65: {  	v58 =	vld.idx.msk [tilespmem:v49+s11+$0x0], $0xffff  }
0x66: {  	v53 =	vld.idx.msk [tilespmem:v43+s11+$0x0], $0xffff  }
0x67: {  	v39 =	vand.u32 v18, v63;
	v63 =	vor.u32 v10, v51;
	v1 =	vld.idx.msk [tilespmem:v48+s11+$0x0], $0xffff  }
0x68: {  	v2 =	vor.u32 v3, v51;
	v48 =	vld.idx.msk [tilespmem:v52+s11+$0x0], $0xffff  }
0x69: {  	v0 =	vor.u32 v4, v51;
	v43 =	vld.idx.msk [tilespmem:v59+s11+$0x0], $0xffff  }
0x6a: {  	v49 =	vld.idx.msk [tilespmem:v57+s11+$0x0], $0xffff  }
0x6b: {  	v50 =	vld.idx.msk [tilespmem:v56+s11+$0x0], $0xffff  }
0x6c: {  	[tilespmem:v63+s3+$0x0] =	vst.idx.add.f32.msk $0xffff, v53  }
0x6d: {  	[tilespmem:v2+s3+$0x0] =	vst.idx.add.f32.msk $0xffff, v60  }
0x6e: {  	[tilespmem:v0+s3+$0x0] =	vst.idx.add.f32.msk $0xffff, v1  }
0x6f: {  	v0 =	vld [tilespmem:$0x1FFA0];
	_ =	sdelay $0x3  }
0x70: {  	v59 =	vor.u32 v5, v51;
	v57 =	vor.u32 v6, v51;
	v56 =	vor.u32 v7, v51  }
0x71: {  	p0 =	sne.s32 s19, $0x11C;
	v52 =	vor.u32 v8, v51;
	v53 =	vor.u32 v9, v51;
	v51 =	vand.u32 v0, v54;
	v0 =	vld [tilespmem:$0x1FF90]  }
.Ltmp1:
0x72: {  	_ = 	snop;
	(pc) =	sbr.rel @p0 .LBB2_5-.Ltmp1, $3  }
0x73: {  	_ =	sdelay $0x1  }
0x74: {  	[tilespmem:v59+s3+$0x0] =	vst.idx.add.f32.msk $0xffff, v58  }
0x75: {  	s19 =	sadd.s32 $0x4, s19;
	[tilespmem:v57+s3+$0x0] =	vst.idx.add.f32.msk $0xffff, v62;
	v54 =	vand.u32 v0, v55;
	v55 =	vand.u32 v13, v61  }
0x76: {  	_ =	sdelay $0x3  }
0x77: {  	[tilespmem:v56+s3+$0x0] =	vst.idx.add.f32.msk $0xffff, v37  }
0x78: {  	[tilespmem:v52+s3+$0x0] =	vst.idx.add.f32.msk $0xffff, v38  }
0x79: {  	v0 =	vand.u32 v29, v47;
	[tilespmem:v53+s3+$0x0] =	vst.idx.add.f32.msk $0xffff, v40  }
0x7a: {  	v1 =	vand.u32 v31, v45;
	[tilespmem:v51+s3+$0x0] =	vst.idx.add.f32.msk $0xffff, v42  }
0x7b: {  	v2 =	vand.u32 v33, v46;
	[tilespmem:v54+s3+$0x0] =	vst.idx.add.f32.msk $0xffff, v48  }
0x7c: {  	v34 =	vand.u32 v26, v44;
	[tilespmem:v55+s3+$0x0] =	vst.idx.add.f32.msk $0xffff, v41  }
0x7d: {  	[tilespmem:v39+s3+$0x0] =	vst.idx.add.f32.msk $0xffff, v50  }
0x7e: {  	[tilespmem:v0+s3+$0x0] =	vst.idx.add.f32.msk $0xffff, v49  }
0x7f: {  	[tilespmem:v1+s3+$0x0] =	vst.idx.add.f32.msk $0xffff, v36  }
0x80: {  	s19 =	sshll.u32 s16, $0xC;
	[tilespmem:v2+s3+$0x0] =	vst.idx.add.f32.msk $0xffff, v43  }
0x81: {  	s21 =	simm.s32 $0x0;
	s20 =	sadd.s32 s19, s6;
	[tilespmem:v34+s3+$0x0] =	vst.idx.add.f32.msk $0xffff, v35;
	v34 =	vmov s18  }
0x82: {  	[tilespmem:s11], [sflag:$0x1] =	stream.linear.gather [hbm4b:s20+s21], $0x4000, $0x38;
	[tilespmem:$0x1E680] =	vst v63  }
0x83: {  	_ =	swait.ge [sflag:s14], $0x4000  }
0x84: {  	[sflag:s14] =	ssyncset.done $0x0  }
0x85: {  	s31 =	simm.s32 $0x0;
	[sflag:s14] =	ssyncadd.s32 $0xFFFFC000  }
0x86: {  	v0 =	vld.idx.msk [tilespmem:v34+s31+$0x0 ss:$0x1], $0xffff;
	_ =	sdelay $0x4  }
0x87: {  	v0 =	vperm.xlane v0, v21;
	_ =	sdelay $0x1  }
0x88: {  	v1 =	vshll.u32 v0, $0x8;
	v2 =	vshll.u32 v0, $0x7  }
0x89: {  	v1 =	vand.u32 $0x7800, v1;
	v2 =	vand.u32 $0x380, v2  }
0x8a: {  	v1 =	vor.u32 v2, v1  }
0x8b: {  	v2 =	vor.u32 v3, v1  }
0x8c: {  	v53 =	vor.u32 v7, v1  }
0x8d: {  	v54 =	vor.u32 v8, v1  }
0x8e: {  	v55 =	vor.u32 v6, v1  }
0x8f: {  	v21 =	vld [tilespmem:$0x1FFA0];
	v56 =	vor.u32 v9, v1  }
0x90: {  	v57 =	vor.u32 v19, v1;
	v2 =	vld.idx.msk [tilespmem:v2+s12+$0x0], $0xffff  }
0x91: {  	v58 =	vor.u32 v17, v1;
	v37 =	vld.idx.msk [tilespmem:v53+s12+$0x0], $0xffff  }
0x92: {  	v59 =	vor.u32 v12, v1;
	v38 =	vld.idx.msk [tilespmem:v54+s12+$0x0], $0xffff  }
0x93: {  	v62 =	vor.u32 v14, v1;
	v51 =	vld.idx.msk [tilespmem:v55+s12+$0x0], $0xffff  }
0x94: {  	v49 =	vor.u32 v5, v1;
	v39 =	vld.idx.msk [tilespmem:v56+s12+$0x0], $0xffff  }
0x95: {  	v50 =	vor.u32 v10, v1;
	v35 =	vld.idx.msk [tilespmem:v57+s12+$0x0], $0xffff  }
0x96: {  	v36 =	vld.idx.msk [tilespmem:v58+s12+$0x0], $0xffff  }
0x97: {  	v56 =	vor.u32 v4, v1;
	v42 =	vld.idx.msk [tilespmem:v59+s12+$0x0], $0xffff  }
0x98: {  	v57 =	vor.u32 v25, v1;
	v40 =	vld.idx.msk [tilespmem:v62+s12+$0x0], $0xffff  }
0x99: {  	v58 =	vor.u32 v23, v1;
	v45 =	vld.idx.msk [tilespmem:v49+s12+$0x0], $0xffff  }
0x9a: {  	v0 =	vshll.u32 v0, $0x1;
	v59 =	vor.u32 v16, v1;
	v46 =	vld.idx.msk [tilespmem:v50+s12+$0x0], $0xffff  }
0x9b: {  	v26 =	vmovc v19;
	v52 =	vand.u32 $0xFFFFFF00, v0;
	v19 =	vmov v23;
	v1 =	vor.u32 v15, v1;
	v23 =	vld [tilespmem:$0x1FF90]  }
0x9c: {  	v49 =	vor.u32 v10, v52;
	v41 =	vld.idx.msk [tilespmem:v56+s12+$0x0], $0xffff  }
0x9d: {  	v62 =	vor.u32 v3, v52;
	v48 =	vld.idx.msk [tilespmem:v57+s12+$0x0], $0xffff  }
0x9e: {  	v60 =	vor.u32 v4, v52;
	v43 =	vld.idx.msk [tilespmem:v58+s12+$0x0], $0xffff  }
0x9f: {  	v63 =	vmov v14;
	v44 =	vor.u32 v11, v0;
	v61 =	vor.u32 v5, v52;
	v47 =	vld.idx.msk [tilespmem:v59+s12+$0x0], $0xffff  }
0xa0: {  	v55 =	vor.u32 v8, v52;
	v53 =	vor.u32 v9, v52;
	v56 =	vor.u32 v6, v52;
	v50 =	vld.idx.msk [tilespmem:v1+s12+$0x0], $0xffff  }
0xa1: {  	v14 =	vmov v25;
	[tilespmem:v49+s3+$0x0] =	vst.idx.add.f32.msk $0xffff, v46;
	v1 =	vor.u32 v20, v0;
	v57 =	vor.u32 v24, v0  }
0xa2: {  	v10 =	vmov v27;
	v49 =	vor.u32 v28, v0;
	v46 =	vor.u32 v22, v0;
	[tilespmem:v62+s3+$0x0] =	vst.idx.add.f32.msk $0xffff, v2  }
0xa3: {  	v25 =	vmov v13;
	v2 =	vor.u32 v27, v0;
	v62 =	vor.u32 v30, v0;
	[tilespmem:v60+s3+$0x0] =	vst.idx.add.f32.msk $0xffff, v41  }
0xa4: {  	v59 =	vmovc v30;
	v27 =	vmov v18;
	v30 =	vmov v22;
	v54 =	vand.u32 v21, v1;
	[tilespmem:v61+s3+$0x0] =	vst.idx.add.f32.msk $0xffff, v45  }
0xa5: {  	v22 =	vmov v10;
	v41 =	vand.u32 v18, v62;
	[tilespmem:v56+s3+$0x0] =	vst.idx.add.f32.msk $0xffff, v51;
	v56 =	vor.u32 v7, v52  }
0xa6: {  	v17 =	vld [tilespmem:$0x1FFF0];
	v18 =	vmovc v19;
	v19 =	vmovc v26;
	v26 =	vmov v59;
	v45 =	vor.u32 v32, v0;
	v61 =	vmov v11  }
0xa7: {  	s20 =	simm.s32 $0x4;
	v62 =	vld [tilespmem:$0x1FF70];
	v11 =	vlaneseq.u32;
	v52 =	vand.u32 v23, v2;
	v51 =	vand.u32 v13, v57;
	v13 =	vmovc v14;
	v14 =	vmovc v63  }
.LBB2_7:
0xa8: {  	_ =	sdelay $0x1  }
0xa9: {  	[tilespmem:v56+s3+$0x0] =	vst.idx.add.f32.msk $0xffff, v37  }
0xaa: {  	[tilespmem:v55+s3+$0x0] =	vst.idx.add.f32.msk $0xffff, v38  }
0xab: {  	v0 =	vand.u32 v29, v49;
	[tilespmem:v53+s3+$0x0] =	vst.idx.add.f32.msk $0xffff, v39  }
0xac: {  	v1 =	vand.u32 v31, v46;
	[tilespmem:v54+s3+$0x0] =	vst.idx.add.f32.msk $0xffff, v42  }
0xad: {  	v2 =	vand.u32 v33, v45;
	[tilespmem:v52+s3+$0x0] =	vst.idx.add.f32.msk $0xffff, v48  }
0xae: {  	v62 =	vand.u32 v62, v44;
	[tilespmem:v51+s3+$0x0] =	vst.idx.add.f32.msk $0xffff, v40  }
0xaf: {  	[tilespmem:v41+s3+$0x0] =	vst.idx.add.f32.msk $0xffff, v50  }
0xb0: {  	[tilespmem:v0+s3+$0x0] =	vst.idx.add.f32.msk $0xffff, v47  }
0xb1: {  	[tilespmem:v1+s3+$0x0] =	vst.idx.add.f32.msk $0xffff, v36  }
0xb2: {  	s21 =	smov.u32 s20;
	[tilespmem:v2+s3+$0x0] =	vst.idx.add.f32.msk $0xffff, v43  }
0xb3: {  	s21 =	sshra.s32 s21, $0x2;
	[tilespmem:v62+s3+$0x0] =	vst.idx.add.f32.msk $0xffff, v35  }
0xb4: {  	v0 =	vld.idx.msk [tilespmem:v34+s21+$0x0 ss:$0x1], $0xffff;
	_ =	sdelay $0x3  }
0xb5: {  	v1 =	vimm.s32 $0x0  }
0xb6: {  	v0 =	vperm.xlane v0, v1;
	_ =	sdelay $0x1  }
0xb7: {  	v1 =	vshll.u32 v0, $0x1;
	v2 =	vshll.u32 v0, $0x8;
	v0 =	vshll.u32 v0, $0x7  }
0xb8: {  	v2 =	vand.u32 $0x7800, v2;
	v0 =	vand.u32 $0x380, v0  }
0xb9: {  	v0 =	vor.u32 v0, v2  }
0xba: {  	v63 =	vor.u32 v3, v0  }
0xbb: {  	v43 =	vor.u32 v11, v0;
	v47 =	vor.u32 v4, v0;
	v46 =	vor.u32 v7, v0  }
0xbc: {  	v48 =	vor.u32 v5, v0;
	v36 =	vor.u32 v6, v0;
	v38 =	vor.u32 v8, v0  }
0xbd: {  	v39 =	vor.u32 v9, v0;
	v40 =	vor.u32 v12, v0;
	v50 =	vor.u32 v13, v0  }
0xbe: {  	v60 =	vor.u32 v14, v0;
	v54 =	vor.u32 v15, v0;
	v55 =	vor.u32 v16, v0  }
0xbf: {  	v62 =	vor.u32 v17, v0;
	v56 =	vor.u32 v18, v0;
	v0 =	vor.u32 v19, v0;
	v57 =	vld.idx.msk [tilespmem:v63+s12+$0x0], $0xffff  }
0xc0: {  	v51 =	vand.u32 $0xFFFFFF00, v1;
	v52 =	vor.u32 v22, v1;
	v58 =	vor.u32 v24, v1;
	v37 =	vld.idx.msk [tilespmem:v46+s12+$0x0], $0xffff  }
0xc1: {  	v49 =	vor.u32 v28, v1;
	v45 =	vor.u32 v32, v1;
	v44 =	vor.u32 v61, v1;
	v38 =	vld.idx.msk [tilespmem:v38+s12+$0x0], $0xffff  }
0xc2: {  	v2 =	vor.u32 v20, v1;
	v63 =	vor.u32 v26, v1;
	v46 =	vor.u32 v30, v1;
	v1 =	vld.idx.msk [tilespmem:v36+s12+$0x0], $0xffff  }
0xc3: {  	v39 =	vld.idx.msk [tilespmem:v39+s12+$0x0], $0xffff  }
0xc4: {  	v35 =	vld.idx.msk [tilespmem:v0+s12+$0x0], $0xffff  }
0xc5: {  	v36 =	vld.idx.msk [tilespmem:v62+s12+$0x0], $0xffff  }
0xc6: {  	v42 =	vld.idx.msk [tilespmem:v40+s12+$0x0], $0xffff  }
0xc7: {  	v40 =	vld.idx.msk [tilespmem:v60+s12+$0x0], $0xffff  }
0xc8: {  	v0 =	vld.idx.msk [tilespmem:v48+s12+$0x0], $0xffff  }
0xc9: {  	v53 =	vld.idx.msk [tilespmem:v43+s12+$0x0], $0xffff  }
0xca: {  	v59 =	vor.u32 v11, v51;
	v60 =	vld.idx.msk [tilespmem:v47+s12+$0x0], $0xffff  }
0xcb: {  	v61 =	vor.u32 v3, v51;
	v48 =	vld.idx.msk [tilespmem:v50+s12+$0x0], $0xffff  }
0xcc: {  	v43 =	vld.idx.msk [tilespmem:v56+s12+$0x0], $0xffff  }
0xcd: {  	v62 =	vor.u32 v4, v51;
	v47 =	vld.idx.msk [tilespmem:v55+s12+$0x0], $0xffff  }
0xce: {  	v50 =	vld.idx.msk [tilespmem:v54+s12+$0x0], $0xffff  }
0xcf: {  	v41 =	vand.u32 v27, v63;
	v63 =	vor.u32 v5, v51;
	[tilespmem:v59+s3+$0x0] =	vst.idx.add.f32.msk $0xffff, v53  }
0xd0: {  	p0 =	sne.s32 s20, $0x11C;
	v10 =	vor.u32 v6, v51;
	[tilespmem:v61+s3+$0x0] =	vst.idx.add.f32.msk $0xffff, v57  }
.Ltmp2:
0xd1: {  	v61 =	vld [tilespmem:$0x1FF60];
	(pc) =	sbr.rel @p0 .LBB2_7-.Ltmp2, $4  }
0xd2: {  	[tilespmem:v62+s3+$0x0] =	vst.idx.add.f32.msk $0xffff, v60  }
0xd3: {  	v52 =	vand.u32 v23, v52;
	v56 =	vor.u32 v7, v51;
	v62 =	vld [tilespmem:$0x1FF70]  }
0xd4: {  	v55 =	vor.u32 v8, v51;
	v54 =	vand.u32 v21, v2;
	[tilespmem:v63+s3+$0x0] =	vst.idx.add.f32.msk $0xffff, v0  }
0xd5: {  	s20 =	sadd.s32 $0x4, s20;
	v53 =	vor.u32 v9, v51;
	v51 =	vand.u32 v25, v58;
	[tilespmem:v10+s3+$0x0] =	vst.idx.add.f32.msk $0xffff, v1  }
0xd6: {  	_ =	sdelay $0x3  }
0xd7: {  	[tilespmem:v56+s3+$0x0] =	vst.idx.add.f32.msk $0xffff, v37  }
0xd8: {  	[tilespmem:v55+s3+$0x0] =	vst.idx.add.f32.msk $0xffff, v38  }
0xd9: {  	v0 =	vand.u32 v29, v49;
	[tilespmem:v53+s3+$0x0] =	vst.idx.add.f32.msk $0xffff, v39  }
0xda: {  	v1 =	vand.u32 v31, v46;
	[tilespmem:v54+s3+$0x0] =	vst.idx.add.f32.msk $0xffff, v42  }
0xdb: {  	v2 =	vand.u32 v33, v45;
	[tilespmem:v52+s3+$0x0] =	vst.idx.add.f32.msk $0xffff, v48  }
0xdc: {  	p0 =	seq.s32 s16, $0x4D;
	v10 =	vand.u32 v62, v44;
	[tilespmem:v51+s3+$0x0] =	vst.idx.add.f32.msk $0xffff, v40  }
.Ltmp3:
0xdd: {  	[tilespmem:v41+s3+$0x0] =	vst.idx.add.f32.msk $0xffff, v50;
	(pc) =	sbr.rel @p0 .LBB2_10-.Ltmp3, $4  }
0xde: {  	[tilespmem:v0+s3+$0x0] =	vst.idx.add.f32.msk $0xffff, v47  }
0xdf: {  	[tilespmem:v1+s3+$0x0] =	vst.idx.add.f32.msk $0xffff, v36  }
0xe0: {  	[tilespmem:v2+s3+$0x0] =	vst.idx.add.f32.msk $0xffff, v43  }
0xe1: {  	v11 =	vmov v29;
	[tilespmem:v10+s3+$0x0] =	vst.idx.add.f32.msk $0xffff, v35  }
.Ltmp4:
0xe2: {  	v25 =	vmov v13;
	v13 =	vld [tilespmem:$0x1FF80];
	(pc) =	sbr.rel .LBB2_4-.Ltmp4, $4  }
0xe3: {  	v23 =	vmov v18;
	v18 =	vld [tilespmem:$0x1FFE0]  }
0xe4: {  	s19 =	sadd.s32 s19, s7;
	v28 =	vld [tilespmem:$0x1FFD0]  }
0xe5: {  	s16 =	sadd.s32 $0x1, s16;
	s17 =	sadd.s32 $0x90, s17;
	s18 =	sadd.s32 $0x90, s18;
	v27 =	vmov v22;
	v22 =	vld [tilespmem:$0x1FFC0]  }
0xe6: {  	v29 =	vmovc v11;
	v10 =	vlaneseq.u32;
	v21 =	vimm.s32 $0x0;
	v30 =	vmov v26;
	v32 =	vld [tilespmem:$0x1FFB0];
	[tilespmem:s12], [sflag:$0x2] =	stream.linear.gather [hbm4b:s19+s3], $0x4000, $0x38  }
.LBB2_10:
0xe7: {  	_ =	swait.ge [sflag:s13], $0x4000  }
0xe8: {  	[sflag:s13] =	ssyncset.done $0x0  }
0xe9: {  	s16 =	simm.s32 $0x0;
	[sflag:s13] =	ssyncadd.s32 $0xFFFFC000  }
0xea: {  	v0 =	vld [tilespmem:s16+$0x1E5E0];
	_ =	sdelay $0x3  }
0xeb: {  	v21 =	vimm.s32 $0x0  }
0xec: {  	v0 =	vperm.xlane v0, v21;
	_ =	sdelay $0x1  }
0xed: {  	v1 =	vshll.u32 v0, $0x8;
	v2 =	vshll.u32 v0, $0x7  }
0xee: {  	v27 =	vld [tilespmem:$0x1FFE0];
	v1 =	vand.u32 $0x7800, v1;
	v2 =	vand.u32 $0x380, v2  }
0xef: {  	v23 =	vld [tilespmem:$0x1FFD0];
	v1 =	vor.u32 v2, v1  }
0xf0: {  	v30 =	vld [tilespmem:$0x1FFC0];
	v2 =	vor.u32 v3, v1  }
0xf1: {  	v25 =	vld [tilespmem:$0x1FFB0];
	v10 =	vor.u32 v7, v1  }
0xf2: {  	v28 =	vld [tilespmem:$0x1FFA0];
	v34 =	vor.u32 v8, v1  }
0xf3: {  	v29 =	vld [tilespmem:$0x1FF90];
	v35 =	vor.u32 v6, v1  }
0xf4: {  	v32 =	vld [tilespmem:$0x1FF80];
	v38 =	vor.u32 v9, v1  }
0xf5: {  	v40 =	vor.u32 v19, v1;
	v2 =	vld.idx.msk [tilespmem:v2+s11+$0x0], $0xffff  }
0xf6: {  	v41 =	vor.u32 v17, v1;
	v36 =	vld.idx.msk [tilespmem:v10+s11+$0x0], $0xffff  }
0xf7: {  	v42 =	vor.u32 v14, v1;
	v37 =	vld.idx.msk [tilespmem:v34+s11+$0x0], $0xffff  }
0xf8: {  	v43 =	vor.u32 v5, v1;
	v54 =	vld.idx.msk [tilespmem:v35+s11+$0x0], $0xffff  }
0xf9: {  	v63 =	vlaneseq.u32;
	v10 =	vor.u32 v12, v1;
	v39 =	vld.idx.msk [tilespmem:v38+s11+$0x0], $0xffff  }
0xfa: {  	v59 =	vor.u32 v63, v1;
	v34 =	vld.idx.msk [tilespmem:v40+s11+$0x0], $0xffff  }
0xfb: {  	v44 =	vor.u32 v4, v1;
	v35 =	vld.idx.msk [tilespmem:v41+s11+$0x0], $0xffff  }
0xfc: {  	v45 =	vor.u32 v13, v1;
	v40 =	vld.idx.msk [tilespmem:v42+s11+$0x0], $0xffff  }
0xfd: {  	v46 =	vor.u32 v16, v1;
	v53 =	vld.idx.msk [tilespmem:v43+s11+$0x0], $0xffff  }
0xfe: {  	v0 =	vshll.u32 v0, $0x1;
	v41 =	vld.idx.msk [tilespmem:v10+s11+$0x0], $0xffff;
	v10 =	vor.u32 v18, v1  }
0xff: {  	v50 =	vand.u32 $0xFFFFFF00, v0;
	v43 =	vld.idx.msk [tilespmem:v59+s11+$0x0], $0xffff;
	v1 =	vor.u32 v15, v1  }
0x100: {  	v51 =	vor.u32 v63, v50;
	v52 =	vld.idx.msk [tilespmem:v44+s11+$0x0], $0xffff  }
0x101: {  	v55 =	vor.u32 v3, v50;
	v47 =	vld.idx.msk [tilespmem:v45+s11+$0x0], $0xffff  }
0x102: {  	v56 =	vor.u32 v20, v0;
	v57 =	vor.u32 v4, v50;
	v48 =	vld.idx.msk [tilespmem:v46+s11+$0x0], $0xffff  }
0x103: {  	v60 =	vor.u32 v26, v0;
	v58 =	vor.u32 v5, v50;
	v59 =	vor.u32 v24, v0;
	v42 =	vld.idx.msk [tilespmem:v10+s11+$0x0], $0xffff  }
0x104: {  	v38 =	vand.u32 v27, v60;
	v60 =	vor.u32 v6, v50;
	v46 =	vor.u32 v23, v0;
	v49 =	vld.idx.msk [tilespmem:v1+s11+$0x0], $0xffff  }
0x105: {  	v44 =	vor.u32 v30, v0;
	v45 =	vor.u32 v25, v0;
	[tilespmem:v51+s3+$0x0] =	vst.idx.add.f32.msk $0xffff, v43  }
0x106: {  	v10 =	vor.u32 v22, v0;
	v43 =	vor.u32 v61, v0;
	[tilespmem:v55+s3+$0x0] =	vst.idx.add.f32.msk $0xffff, v2  }
0x107: {  	v51 =	vor.u32 v8, v50;
	v55 =	vor.u32 v7, v50;
	[tilespmem:v57+s3+$0x0] =	vst.idx.add.f32.msk $0xffff, v52  }
0x108: {  	v52 =	vor.u32 v9, v50;
	v50 =	vand.u32 v28, v56;
	[tilespmem:v58+s3+$0x0] =	vst.idx.add.f32.msk $0xffff, v53  }
0x109: {  	s16 =	simm.s32 $0x4;
	v53 =	vand.u32 v29, v10;
	[tilespmem:v60+s3+$0x0] =	vst.idx.add.f32.msk $0xffff, v54;
	v54 =	vand.u32 v32, v59  }
.LBB2_11:
0x10a: {  	_ =	sdelay $0x1  }
0x10b: {  	[tilespmem:v55+s3+$0x0] =	vst.idx.add.f32.msk $0xffff, v36  }
0x10c: {  	[tilespmem:v51+s3+$0x0] =	vst.idx.add.f32.msk $0xffff, v37  }
0x10d: {  	v0 =	vand.u32 v11, v46;
	[tilespmem:v52+s3+$0x0] =	vst.idx.add.f32.msk $0xffff, v39  }
0x10e: {  	v1 =	vand.u32 v31, v44;
	[tilespmem:v50+s3+$0x0] =	vst.idx.add.f32.msk $0xffff, v41  }
0x10f: {  	v2 =	vand.u32 v33, v45;
	[tilespmem:v53+s3+$0x0] =	vst.idx.add.f32.msk $0xffff, v47  }
0x110: {  	v10 =	vand.u32 v62, v43;
	[tilespmem:v54+s3+$0x0] =	vst.idx.add.f32.msk $0xffff, v40  }
0x111: {  	[tilespmem:v38+s3+$0x0] =	vst.idx.add.f32.msk $0xffff, v49  }
0x112: {  	[tilespmem:v0+s3+$0x0] =	vst.idx.add.f32.msk $0xffff, v48  }
0x113: {  	[tilespmem:v1+s3+$0x0] =	vst.idx.add.f32.msk $0xffff, v35  }
0x114: {  	s17 =	smov.u32 s16;
	[tilespmem:v2+s3+$0x0] =	vst.idx.add.f32.msk $0xffff, v42  }
0x115: {  	s17 =	sshra.s32 s17, $0x2;
	[tilespmem:v10+s3+$0x0] =	vst.idx.add.f32.msk $0xffff, v34  }
0x116: {  	v0 =	vld [tilespmem:s17+$0x1E5E0];
	_ =	sdelay $0x4  }
0x117: {  	v0 =	vperm.xlane v0, v21;
	_ =	sdelay $0x1  }
0x118: {  	v1 =	vshll.u32 v0, $0x1;
	v2 =	vshll.u32 v0, $0x8;
	v0 =	vshll.u32 v0, $0x7  }
0x119: {  	v2 =	vand.u32 $0x7800, v2;
	v0 =	vand.u32 $0x380, v0  }
0x11a: {  	v0 =	vor.u32 v0, v2  }
0x11b: {  	v62 =	vor.u32 v3, v0  }
0x11c: {  	v42 =	vor.u32 v63, v0;
	v47 =	vor.u32 v4, v0;
	v46 =	vor.u32 v7, v0  }
0x11d: {  	v48 =	vor.u32 v5, v0;
	v35 =	vor.u32 v6, v0;
	v37 =	vor.u32 v8, v0  }
0x11e: {  	v39 =	vor.u32 v9, v0;
	v40 =	vor.u32 v12, v0;
	v49 =	vor.u32 v13, v0  }
0x11f: {  	v50 =	vor.u32 v14, v0;
	v51 =	vor.u32 v15, v0;
	v52 =	vor.u32 v16, v0  }
0x120: {  	v60 =	vor.u32 v17, v0;
	v54 =	vor.u32 v18, v0;
	v0 =	vor.u32 v19, v0;
	v56 =	vld.idx.msk [tilespmem:v62+s11+$0x0], $0xffff  }
0x121: {  	v10 =	vand.u32 $0xFFFFFF00, v1;
	v53 =	vor.u32 v22, v1;
	v57 =	vor.u32 v24, v1;
	v36 =	vld.idx.msk [tilespmem:v46+s11+$0x0], $0xffff  }
0x122: {  	v44 =	vor.u32 v30, v1;
	v45 =	vor.u32 v25, v1;
	v43 =	vor.u32 v61, v1;
	v37 =	vld.idx.msk [tilespmem:v37+s11+$0x0], $0xffff  }
0x123: {  	v2 =	vor.u32 v20, v1;
	v62 =	vor.u32 v26, v1;
	v46 =	vor.u32 v23, v1;
	v1 =	vld.idx.msk [tilespmem:v35+s11+$0x0], $0xffff  }
0x124: {  	v39 =	vld.idx.msk [tilespmem:v39+s11+$0x0], $0xffff  }
0x125: {  	v34 =	vld.idx.msk [tilespmem:v0+s11+$0x0], $0xffff  }
0x126: {  	v35 =	vld.idx.msk [tilespmem:v60+s11+$0x0], $0xffff  }
0x127: {  	v41 =	vld.idx.msk [tilespmem:v40+s11+$0x0], $0xffff  }
0x128: {  	v40 =	vld.idx.msk [tilespmem:v50+s11+$0x0], $0xffff  }
0x129: {  	v0 =	vld.idx.msk [tilespmem:v48+s11+$0x0], $0xffff  }
0x12a: {  	v50 =	vld.idx.msk [tilespmem:v42+s11+$0x0], $0xffff  }
0x12b: {  	v58 =	vor.u32 v63, v10;
	v59 =	vld.idx.msk [tilespmem:v47+s11+$0x0], $0xffff  }
0x12c: {  	v60 =	vor.u32 v3, v10;
	v47 =	vld.idx.msk [tilespmem:v49+s11+$0x0], $0xffff  }
0x12d: {  	v61 =	vor.u32 v4, v10;
	v42 =	vld.idx.msk [tilespmem:v54+s11+$0x0], $0xffff  }
0x12e: {  	v48 =	vld.idx.msk [tilespmem:v52+s11+$0x0], $0xffff  }
0x12f: {  	v54 =	vor.u32 v5, v10;
	v49 =	vld.idx.msk [tilespmem:v51+s11+$0x0], $0xffff  }
0x130: {  	v38 =	vand.u32 v27, v62;
	v62 =	vor.u32 v6, v10;
	[tilespmem:v58+s3+$0x0] =	vst.idx.add.f32.msk $0xffff, v50  }
0x131: {  	p0 =	sne.s32 s16, $0x11C;
	[tilespmem:v60+s3+$0x0] =	vst.idx.add.f32.msk $0xffff, v56  }
.Ltmp5:
0x132: {  	[tilespmem:v61+s3+$0x0] =	vst.idx.add.f32.msk $0xffff, v59;
	(pc) =	sbr.rel @p0 .LBB2_11-.Ltmp5, $4  }
0x133: {  	v61 =	vld [tilespmem:$0x1FF60]  }
0x134: {  	v55 =	vor.u32 v7, v10;
	[tilespmem:v54+s3+$0x0] =	vst.idx.add.f32.msk $0xffff, v0  }
0x135: {  	v53 =	vand.u32 v29, v53;
	v51 =	vor.u32 v8, v10;
	[tilespmem:v62+s3+$0x0] =	vst.idx.add.f32.msk $0xffff, v1  }
0x136: {  	s16 =	sadd.s32 $0x4, s16;
	v52 =	vor.u32 v9, v10;
	v50 =	vand.u32 v28, v2;
	v54 =	vand.u32 v32, v57;
	v62 =	vld [tilespmem:$0x1FF70]  }
0x137: {  	_ =	sdelay $0x3  }
0x138: {  	[tilespmem:v55+s3+$0x0] =	vst.idx.add.f32.msk $0xffff, v36  }
0x139: {  	[tilespmem:v51+s3+$0x0] =	vst.idx.add.f32.msk $0xffff, v37  }
0x13a: {  	v0 =	vand.u32 v11, v46;
	[tilespmem:v52+s3+$0x0] =	vst.idx.add.f32.msk $0xffff, v39  }
0x13b: {  	v1 =	vand.u32 v31, v44;
	[tilespmem:v50+s3+$0x0] =	vst.idx.add.f32.msk $0xffff, v41  }
0x13c: {  	v2 =	vand.u32 v33, v45;
	[tilespmem:v53+s3+$0x0] =	vst.idx.add.f32.msk $0xffff, v47  }
0x13d: {  	v10 =	vand.u32 v62, v43;
	[tilespmem:v54+s3+$0x0] =	vst.idx.add.f32.msk $0xffff, v40  }
0x13e: {  	[tilespmem:v38+s3+$0x0] =	vst.idx.add.f32.msk $0xffff, v49  }
0x13f: {  	[tilespmem:v0+s3+$0x0] =	vst.idx.add.f32.msk $0xffff, v48  }
0x140: {  	s15 =	sadd.s32 $0x1, s15;
	[tilespmem:v1+s3+$0x0] =	vst.idx.add.f32.msk $0xffff, v35  }
0x141: {  	p0 =	sne.s32 s15, s9;
	[tilespmem:v2+s3+$0x0] =	vst.idx.add.f32.msk $0xffff, v42  }
.Ltmp6:
0x142: {  	[tilespmem:v10+s3+$0x0] =	vst.idx.add.f32.msk $0xffff, v34;
	(pc) =	sbr.rel @p0 .LBB2_1-.Ltmp6, $4  }
0x143: {  	[hbm4b:s8+s3] =	stream.linear.scatter [tilespmem:s3], [sflag:$0x3], $0x13900, $0x38;
	[tilespmem:$0x1E680] =	vst v63  }
0x144: {  	_ =	swait.ge [sflag:s10], $0x13900  }
0x145: {  	[sflag:s10] =	ssyncset.done $0x0  }
0x146: {  	v0 =	vimm.f32 $0.0e+00;
	v10 =	vlaneseq.u32;
	[sflag:s10] =	ssyncadd.s32 $0xFFFEC700  }
0x147: {  	_ =	sfence.sel $0x180000  }
0x148: {  	[bflag:$0x0] =	sbarrier.arrive $0xFFFF  }
0x149: {  	p0 =	sne.s32 s0, $0x0;
	_ =	strace $0x90000050  }
0x14a: {  	s0 =	sadd.s32 @!p0 $0x100000, s2;
	[bflag:$0x2] =	sbarrier.arrive $0xFFFF  }
0x14b: {  	[sflag:s0] =	ssyncadd.tile.s32 @!p0 $0x1;
	_ =	shalt  }
.Lfunc_end2:
_tile_overlayer_lowered:
.L_overlay_start_2:
0x14c: {  	(tag) =	ssettag $0x2  }
0x14d: {  	s0 =	rddreg [dreg:$0x0];
	s2 =	stileid.u32  }
0x14e: {  	s1 =	rddreg [dreg:$0x1];
	p0 =	sne.s32 s2, $0x0  }
0x14f: {  	s3 =	rddreg [dreg:$0x2];
	[bflag:$0x3] =	sbarrier.arrive $0xFFFF;
	s2 =	simm.s32 @!p0 $0x1C03  }
0x150: {  	[timem:s3], [sflag:s2] =	dma.local @!p0 [hbm:s0], s1  }
0x151: {  	s0 =	simm.s32 @!p0 $0x3  }
0x152: {  	_ =	swait.ge @!p0 [sflag:s0], s1  }
0x153: {  	s1 =	ssub.s32 @!p0 $0x0, s1;
	[sflag:s0] =	ssyncset.done @!p0 $0x0  }
0x154: {  	[sflag:s0] =	ssyncadd.s32 @!p0 s1  }
0x155: {  	[bflag:$0x3] =	sbarrier.arrive $0xFFFF  }
0x156: {  	_ =	shalt  }

// kernel: kernel.22.cloned.1.call-start
scs
__scs_entry_jumppad:
0x0: {  	(pc) =	sbr.rel $0x88, $3  }
0x1: {  	(tag) =	ssettag $0x0;
	lr =	simm.s32 $0x1  }
0x2: {  	[smem:$0x3F8F] =	sst lr;
	_ =	strace $0xD0000000  }
0x3: {  	_ = 	snop  }
0x4: {  	_ = 	snop  }
0x5: {  	_ = 	snop  }
0x6: {  	_ = 	snop  }
0x7: {  	_ = 	snop  }
__scs_overlays_trampoline_lowered:
0x8: {  	[smem:$0x3F9E] =	sst s0  }
0x9: {  	[smem:$0x3F9F] =	sst s1  }
0xa: {  	[smem:$0x3FA0] =	sst s2  }
0xb: {  	[smem:$0x3FA1] =	sst s3  }
0xc: {  	[smem:$0x3FA2] =	sst s4  }
0xd: {  	[smem:$0x3FA3] =	sst s5  }
0xe: {  	[smem:$0x3FA4] =	sst s6  }
0xf: {  	[smem:$0x3FA5] =	sst s7  }
0x10: {  	[smem:$0x3FA6] =	sst s8  }
0x11: {  	[smem:$0x3FA7] =	sst s9;
	s0 =	simm.s32 @!p0 $0x0  }
0x12: {  	s1 =	sld [smem:$0x3F8D];
	s0 =	simm.s32 @p0 $0x1  }
0x13: {  	[smem:$0x3FA8] =	sst s0;
	s0 =	simm.s32 @!p1 $0x0  }
0x14: {  	s2 =	sld [smem:$0x3F8C];
	s0 =	simm.s32 @p1 $0x1  }
0x15: {  	[smem:$0x3FA9] =	sst s0;
	s0 =	simm.s32 @!p2 $0x0  }
0x16: {  	s3 =	sld [smem:$0x3FDB];
	s0 =	simm.s32 @p2 $0x1  }
0x17: {  	s4 =	simm.s32 $0x1BF5;
	[smem:$0x3FAB] =	sst s0  }
0x18: {  	s0 =	sld [smem:$0x3F8E];
	_ =	swait.ge [sflag:s4], $0x0  }
0x19: {  	s7 =	sld [smem:$0x3F8F]  }
0x1a: {  	s8 =	sadd.s32 $0xFFFFE003, lr  }
0x1b: {  	s9 =	sadd.s32 $0xFFFFFEF7, lr;
	s5 =	simm.s32 $0xFFFFFFFF;
	p2 =	slt.u32 s8, $0xFFFFF086  }
0x1c: {  	p1 =	slt.u32 s9, $0xF7A;
	s5 =	simm.s32 @!p2 $0x0  }
0x1d: {  	s5 =	simm.s32 @p1 $0x1;
	p0 =	seq.s32 s7, s2  }
0x1e: {  	s7 =	smul.u32 @!p0 $0xF7A, s2;
	p2 =	seq.s32 @!p0 s5, $0x0  }
0x1f: {  	s9 =	smul.u32 $0xF7A, s1;
	s8 =	simm.s32 @!p0 $0x1BF5;
	p2 =	por !p2, p0  }
0x20: {  	[sflag:s8] =	ssyncset.s32 @!p0 $0xFFFFF086;
	s6 =	sadd.s32 @!p0 s3, s7;
	s7 =	simm.s32 @!p0 $0x108  }
0x21: {  	s3 =	sadd.s32 s3, s9;
	s6 =	sadd.s32 @!p0 $0x88, s6;
	s7 =	simm.s32 @p2 $0x1082  }
0x22: {  	[simem:s7], [sflag:s8] =	dma.local @!p0 [hbm:s6], $0xF7A  }
0x23: {  	s9 =	sor.u32 $0xD0000000, s2;
	s6 =	simm.s32 $0x108;
	_ =	swait.ge @!p0 [sflag:s8], $0x0  }
0x24: {  	s3 =	sadd.s32 $0x88, s3;
	s6 =	simm.s32 @!p1 $0x1082;
	[sflag:s4] =	ssyncset.s32 $0xFFFFF086  }
0x25: {  	[simem:s6], [sflag:s4] =	dma.local [hbm:s3], $0xF7A  }
0x26: {  	[smem:$0x3F8F] =	sst s1;
	(tag) =	ssettag s2;
	_ =	strace s9  }
0x27: {  	s1 =	sld [smem:$0x3F9F]  }
0x28: {  	s2 =	sld [smem:$0x3FA0]  }
0x29: {  	s4 =	sld [smem:$0x3FA2]  }
0x2a: {  	p0 =	seq.s32 s5, $0x0;
	s5 =	sld [smem:$0x3FA3]  }
0x2b: {  	s6 =	sld [smem:$0x3FA4]  }
0x2c: {  	s7 =	sld [smem:$0x3FA5]  }
0x2d: {  	s3 =	simm.s32 $0x108;
	s8 =	sld [smem:$0x3FA6]  }
0x2e: {  	s3 =	simm.s32 @!p0 $0x1082;
	s9 =	sld [smem:$0x3FA7]  }
0x2f: {  	lr =	sadd.s32 s0, s3;
	s0 =	sld [smem:$0x3F9E]  }
0x30: {  	s3 =	sld [smem:$0x3FA1]  }
0x31: {  	[smem:$0x3FAA] =	sst s10  }
0x32: {  	s10 =	sld [smem:$0x3FA8];
	_ =	sdelay $0x3  }
0x33: {  	p0 =	seq.s32 s10, $0x1;
	s10 =	sld [smem:$0x3FAA];
	_ =	sdelay $0x3  }
0x34: {  	[smem:$0x3FAA] =	sst s10  }
0x35: {  	s10 =	sld [smem:$0x3FA9];
	_ =	sdelay $0x3  }
0x36: {  	p1 =	seq.s32 s10, $0x1;
	s10 =	sld [smem:$0x3FAA];
	_ =	sdelay $0x3  }
0x37: {  	[smem:$0x3FAA] =	sst s10  }
0x38: {  	s10 =	sld [smem:$0x3FAB]  }
0x39: {  	_ = 	snop;
	(pc) =	sbr.ind lr, $3  }
0x3a: {  	_ = 	snop  }
0x3b: {  	_ = 	snop  }
0x3c: {  	p2 =	seq.s32 s10, $0x1;
	s10 =	sld [smem:$0x3FAA]  }
0x3d: {  	_ =	shalt  }
0x3e: {  	_ =	shalt  }
0x3f: {  	_ =	shalt  }
0x40: {  	_ =	shalt  }
0x41: {  	_ =	shalt  }
0x42: {  	_ =	shalt  }
0x43: {  	_ =	shalt  }
0x44: {  	_ =	shalt  }
0x45: {  	_ =	shalt  }
0x46: {  	_ =	shalt  }
0x47: {  	_ =	shalt  }
0x48: {  	_ =	shalt  }
0x49: {  	_ =	shalt  }
0x4a: {  	_ =	shalt  }
0x4b: {  	_ =	shalt  }
0x4c: {  	_ =	shalt  }
0x4d: {  	_ =	shalt  }
0x4e: {  	_ =	shalt  }
0x4f: {  	_ =	shalt  }
0x50: {  	_ =	shalt  }
0x51: {  	_ =	shalt  }
0x52: {  	_ =	shalt  }
0x53: {  	_ =	shalt  }
0x54: {  	_ =	shalt  }
0x55: {  	_ =	shalt  }
0x56: {  	_ =	shalt  }
0x57: {  	_ =	shalt  }
0x58: {  	_ =	shalt  }
0x59: {  	_ =	shalt  }
0x5a: {  	_ =	shalt  }
0x5b: {  	_ =	shalt  }
0x5c: {  	_ =	shalt  }
0x5d: {  	_ =	shalt  }
0x5e: {  	_ =	shalt  }
0x5f: {  	_ =	shalt  }
0x60: {  	_ =	shalt  }
0x61: {  	_ =	shalt  }
0x62: {  	_ =	shalt  }
0x63: {  	_ =	shalt  }
0x64: {  	_ =	shalt  }
0x65: {  	_ =	shalt  }
0x66: {  	_ =	shalt  }
0x67: {  	_ =	shalt  }
0x68: {  	_ =	shalt  }
0x69: {  	_ =	shalt  }
0x6a: {  	_ =	shalt  }
0x6b: {  	_ =	shalt  }
0x6c: {  	_ =	shalt  }
0x6d: {  	_ =	shalt  }
0x6e: {  	_ =	shalt  }
0x6f: {  	_ =	shalt  }
0x70: {  	_ =	shalt  }
0x71: {  	_ =	shalt  }
0x72: {  	_ =	shalt  }
0x73: {  	_ =	shalt  }
0x74: {  	_ =	shalt  }
0x75: {  	_ =	shalt  }
0x76: {  	_ =	shalt  }
0x77: {  	_ =	shalt  }
0x78: {  	_ =	shalt  }
0x79: {  	_ =	shalt  }
0x7a: {  	_ =	shalt  }
0x7b: {  	_ =	shalt  }
0x7c: {  	_ =	shalt  }
0x7d: {  	_ =	shalt  }
0x7e: {  	_ =	shalt  }
0x7f: {  	_ =	shalt  }
0x80: {  	_ =	shalt  }
0x81: {  	_ =	shalt  }
0x82: {  	_ =	shalt  }
0x83: {  	_ =	shalt  }
0x84: {  	_ =	shalt  }
0x85: {  	_ =	shalt  }
0x86: {  	_ =	shalt  }
0x87: {  	_ =	shalt  }
.Lfunc_end0:
.L_simem_size_0:
called_computation.4_lowered:
.L_overlay_start_0:
0x88: {  	s2 =	sld [smem:$0x3FD9]  }
0x89: {  	s3 =	sld [smem:$0x3FFE];
	_ =	sdelay $0x1  }
0x8a: {  	s1 =	srdreg.scid  }
0x8b: {  	s0 =	sand.u32 $0x1, s1  }
0x8c: {  	s17 =	sshll.u32 s0, $0xA;
	s2 =	sadd.s32 s3, s2  }
0x8d: {  	s2 =	sadd.s32 s2, s17  }
0x8e: {  	[smem:$0x3FB6] =	sst s2  }
0x8f: {  	_ = 	snop  }
0x90: {  	s2 =	sld [smem:$0x3FD0];
	(tm) =	ssettm $0x1  }
0x91: {  	s18 =	sld [smem:$0x3FFB];
	_ =	sdelay $0x3  }
0x92: {  	_ =	strace s18  }
0x93: {  	s3 =	sld [smem:$0x3FFC];
	_ =	sdelay $0x3  }
0x94: {  	_ =	strace s3  }
0x95: {  	s3 =	sld [smem:$0x3FFD];
	_ =	sdelay $0x3  }
0x96: {  	_ =	strace s3  }
0x97: {  	_ =	strace $0x8FFFFFFF  }
0x98: {  	s19 =	sld [smem:$0x3FDB];
	_ =	sdelay $0x1  }
0x99: {  	s4 =	simm.s32 $_scs_section_size  }
0x9a: {  	s5 =	simm.s32 $_size__tile_overlayer_lowered;
	s6 =	simm.s32 $_tile_overlayer_lowered  }
0x9b: {  	s22 =	simm.s32 $0x1BFF;
	s21 =	sshll.u32 s6, $0x1;
	s3 =	sadd.s32 s4, s19  }
0x9c: {  	s7 =	simm.s32 $0x0;
	s20 =	sshll.u32 s5, $0x1;
	s5 =	sadd.s32 s21, s3  }
0x9d: {  	[timem:s7], [sflag:s22] =	dma.local [hbm:s5], s20  }
0x9e: {  	_ =	swait.ge [sflag:s22], s20  }
0x9f: {  	s4 =	ssub.s32 $0x0, s20;
	[sflag:s22] =	ssyncset.done $0x0  }
0xa0: {  	[sflag:s22] =	ssyncadd.s32 s4;
	_ =	sdelay $0x1  }
0xa1: {  	s23 =	simm.s32 $0x1B8B  }
0xa2: {  	_ =	swait.ge [sflag:s23], $0x1  }
0xa3: {  	[sflag:s23] =	ssyncset.done $0x0  }
0xa4: {  	s25 =	simm.s32 $0x1B8E;
	s24 =	sld [smem:$0x3FFE];
	[sflag:s23] =	ssyncadd.s32 $0xFFFFFFFF  }
0xa5: {  	s26 =	simm.s32 $execute0_lowered;
	[smem:$0x3FD2] =	sst s25  }
0xa6: {  	s5 =	sshll.u32 s26, $0x1;
	_ =	strace $0x80000052;
	[dreg:$0x1] =	wrdreg $0xFFFFFFFF  }
0xa7: {  	s28 =	simm.s32 $_size_execute0_lowered;
	s3 =	sadd.s32 s3, s5;
	[dreg:$0x0] =	wrdreg $0x0  }
0xa8: {  	s5 =	sshll.u32 s28, $0x1;
	[dreg:$0x2] =	wrdreg s3  }
0xa9: {  	[dreg:$0x3] =	wrdreg s5  }
0xaa: {  	[dreg:$0x4] =	wrdreg $0xC0  }
0xab: {  	_ =	task [dreg:s7], $0x5FFFF  }
0xac: {  	[dreg:$0x1] =	wrdreg $0xFFFFFFFF  }
0xad: {  	[dreg:$0x0] =	wrdreg $0x60  }
0xae: {  	[dreg:$0x2] =	wrdreg s24  }
0xaf: {  	[dreg:$0x3] =	wrdreg s2  }
0xb0: {  	[dreg:$0x4] =	wrdreg $0x9  }
0xb1: {  	_ =	task.clear_ibuf [dreg:s7], $0x5FFFF;
	_ =	strace $0x90000052  }
0xb2: {  	s29 =	simm.s32 $0x9;
	_ =	strace $0x80000054  }
0xb3: {  	_ =	swait.ge [sflag:s29], $0x1  }
0xb4: {  	[sflag:s29] =	ssyncadd.s32 $0xFFFFFFFF  }
0xb5: {  	_ =	strace $0x90000054  }
0xb6: {  	_ =	sfence  }
0xb7: {  	s30 =	sld [smem:$0x0];
	_ =	sdelay $0x2  }
0xb8: {  	s31 =	sshll.u32 s1, $0xD;
	s1 =	sshrl.u32 s1, $0x2  }
0xb9: {  	s3 =	sand.u32 $0x4000, s31;
	s1 =	sadd.s32 s1, s30  }
0xba: {  	s0 =	sor.u32 s3, s0;
	s1 =	sshll.u32 s1, $0x11  }
0xbb: {  	s0 =	sor.u32 s1, s0  }
0xbc: {  	s0 =	sadd.s32 $0x8F2B, s0  }
0xbd: {  	[sflag:s0] =	ssyncadd.remote.s32 $0x1  }
0xbe: {  	_ =	sfence.sel $0xFFFF  }
0xbf: {  	[dreg:$0x0] =	wrdreg $0xFFFFFFFF;
	(pc) =	sbr.abs _section_cstart, $3  }
0xc0: {  	[dreg:$0x1] =	wrdreg $0xFFFFFFFF  }
0xc1: {  	_ =	task.clear_ibuf [dreg:s7], $0x2FFFF;
	_ =	strace $0x9FFFFFFF  }
0xc2: {  	(tm) =	ssettm $0x7FFFFFFF  }
0xc3: {  	_ =	shalt  }
tec
execute0_lowered:
.L_overlay_start_1:
0x0: {  	(tag) =	ssettag $0x1  }
0x1: {  	s4 =	rddreg [dreg:$0x0]  }
0x2: {  	s5 =	rddreg [dreg:$0x1]  }
0x3: {  	s0 =	rddreg [dreg:$0x2]  }
0x4: {  	s3 =	srdreg.scid;
	s2 =	simm.s32 $0x0;
	s1 =	stileid.u32  }
0x5: {  	s14 =	simm.s32 $0x2;
	s15 =	simm.s32 $0x200;
	s16 =	simm.s32 $0xA00  }
0x6: {  	s17 =	simm.s32 $0x1200;
	s18 =	simm.s32 $0x1A00;
	s19 =	simm.s32 $0x2200  }
0x7: {  	s20 =	simm.s32 $0x2A00;
	s21 =	simm.s32 $0x3200;
	s22 =	simm.s32 $0x3A00  }
0x8: {  	s23 =	simm.s32 $0x1;
	s6 =	sand.u32 $0x1, s3;
	[smem:$0x7FF] =	sst s2  }
0x9: {  	s30 =	sshll.u32 s1, $0xA;
	s3 =	sadd.s32 $0x4C00, s4;
	s7 =	sshll.u32 s6, $0x9  }
0xa: {  	_ =	strace $0x80000053;
	s6 =	ssub.s32 $0x2, s6;
	s7 =	sor.u32 s7, s30  }
0xb: {  	s31 =	sshrl.u32 s6, $0x1;
	s8 =	sshrl.u32 s7, $0x3;
	s7 =	sshll.u32 s7, $0x5  }
0xc: {  	s13 =	ssub.s32 s6, s31;
	s4 =	sadd.s32 s8, s4;
	s5 =	sadd.s32 s5, s7  }
0xd: {  	v2 =	vlaneseq.u32;
	s13 =	smax.u32 s13, $0x1;
	s4 =	sadd.s32 $0x4400, s4;
	s6 =	sadd.s32 $0x800, s5  }
0xe: {  	vm0 =	vmmov $0xffff;
	v1 =	vshrl.u32 v2, $0x3;
	s7 =	sadd.s32 $0x1000, s5;
	s8 =	sadd.s32 $0x1800, s5;
	s9 =	sadd.s32 $0x2000, s5  }
0xf: {  	v0 =	vand.u32 $0x7, v2;
	v2 =	vor.u32 $0x8, v2;
	v1 =	vmul.u32 $0x8, v1;
	s10 =	sadd.s32 $0x2800, s5;
	s11 =	sadd.s32 $0x3000, s5;
	s12 =	sadd.s32 $0x3800, s5  }
.LBB2_1:
0x10: {  	[tilespmem:s2], [sflag:$0x2] =	stream.linear.gather [hbm4b:s4+s2], $0x200, $0x38;
	[tilespmem:$0x4200] =	vst v63  }
0x11: {  	_ =	swait.ge [sflag:s14], $0x200  }
0x12: {  	[sflag:s14] =	ssyncset.done $0x0  }
0x13: {  	[sflag:s14] =	ssyncadd.s32 $0xFFFFFE00  }
0x14: {  	v3 =	vld [tilespmem:$0x0];
	_ =	sdelay $0x4  }
0x15: {  	v4 =	vshll.u32 v3, $0x1  }
0x16: {  	v3 =	vand.u32 $0x7, v3;
	v4 =	vand.u32 $0xFFFFFFF0, v4  }
0x17: {  	v3 =	vor.u32 v3, v4  }
0x18: {  	v4 =	vperm.xlane v3, v0;
	_ =	sdelay $0x1  }
0x19: {  	v3 =	vperm.xlane v3, v2;
	v4 =	vadd.s32 v1, v4;
	_ =	sdelay $0x1  }
0x1a: {  	v3 =	vadd.s32 v1, v3;
	_ =	sdelay $0x2  }
0x1b: {  	[tilespmem:s15], [sflag:$0x1] =	stream.indirect_vreg.gather [hbm4b:s3+s2], $0x80, v4, vm0, $0xb8;
	[tilespmem:$0x4200] =	vst v63  }
0x1c: {  	_ = 	snop  }
0x1d: {  	[tilespmem:s16], [sflag:$0x1] =	stream.indirect_vreg.gather [hbm4b:s3+s2], $0x80, v3, vm0, $0xb8;
	[tilespmem:$0x4200] =	vst v63  }
0x1e: {  	v3 =	vld [tilespmem:$0x10];
	_ =	sdelay $0x4  }
0x1f: {  	v33 =	vshll.u32 v3, $0x1  }
0x20: {  	v3 =	vand.u32 $0x7, v3;
	v4 =	vand.u32 $0xFFFFFFF0, v33  }
0x21: {  	v3 =	vor.u32 v3, v4  }
0x22: {  	v4 =	vperm.xlane v3, v0;
	_ =	sdelay $0x1  }
0x23: {  	v3 =	vperm.xlane v3, v2;
	v4 =	vadd.s32 v1, v4;
	_ =	sdelay $0x1  }
0x24: {  	v3 =	vadd.s32 v1, v3;
	_ =	sdelay $0x2  }
0x25: {  	[tilespmem:s17], [sflag:$0x1] =	stream.indirect_vreg.gather [hbm4b:s3+s2], $0x80, v4, vm0, $0xb8;
	[tilespmem:$0x4200] =	vst v63  }
0x26: {  	_ = 	snop  }
0x27: {  	[tilespmem:s18], [sflag:$0x1] =	stream.indirect_vreg.gather [hbm4b:s3+s2], $0x80, v3, vm0, $0xb8;
	[tilespmem:$0x4200] =	vst v63  }
0x28: {  	v3 =	vld [tilespmem:$0x20];
	_ =	sdelay $0x4  }
0x29: {  	v34 =	vshll.u32 v3, $0x1  }
0x2a: {  	v3 =	vand.u32 $0x7, v3;
	v4 =	vand.u32 $0xFFFFFFF0, v34  }
0x2b: {  	v3 =	vor.u32 v3, v4  }
0x2c: {  	v4 =	vperm.xlane v3, v0;
	_ =	sdelay $0x1  }
0x2d: {  	v3 =	vperm.xlane v3, v2;
	v4 =	vadd.s32 v1, v4;
	_ =	sdelay $0x1  }
0x2e: {  	v3 =	vadd.s32 v1, v3;
	_ =	sdelay $0x2  }
0x2f: {  	[tilespmem:s19], [sflag:$0x1] =	stream.indirect_vreg.gather [hbm4b:s3+s2], $0x80, v4, vm0, $0xb8;
	[tilespmem:$0x4200] =	vst v63  }
0x30: {  	_ = 	snop  }
0x31: {  	[tilespmem:s20], [sflag:$0x1] =	stream.indirect_vreg.gather [hbm4b:s3+s2], $0x80, v3, vm0, $0xb8;
	[tilespmem:$0x4200] =	vst v63  }
0x32: {  	v3 =	vld [tilespmem:$0x30];
	_ =	sdelay $0x4  }
0x33: {  	v35 =	vshll.u32 v3, $0x1  }
0x34: {  	v3 =	vand.u32 $0x7, v3;
	v4 =	vand.u32 $0xFFFFFFF0, v35  }
0x35: {  	v3 =	vor.u32 v3, v4  }
0x36: {  	v4 =	vperm.xlane v3, v0;
	_ =	sdelay $0x1  }
0x37: {  	v3 =	vperm.xlane v3, v2;
	v4 =	vadd.s32 v1, v4;
	_ =	sdelay $0x1  }
0x38: {  	v3 =	vadd.s32 v1, v3;
	_ =	sdelay $0x2  }
0x39: {  	[tilespmem:s21], [sflag:$0x1] =	stream.indirect_vreg.gather [hbm4b:s3+s2], $0x80, v4, vm0, $0xb8;
	[tilespmem:$0x4200] =	vst v63  }
0x3a: {  	_ = 	snop  }
0x3b: {  	[tilespmem:s22], [sflag:$0x1] =	stream.indirect_vreg.gather [hbm4b:s3+s2], $0x80, v3, vm0, $0xb8;
	[tilespmem:$0x4200] =	vst v63  }
0x3c: {  	_ =	swait.ge [sflag:s23], $0x4000  }
0x3d: {  	[sflag:s23] =	ssyncset.done $0x0  }
0x3e: {  	[sflag:s23] =	ssyncadd.s32 $0xFFFFC000  }
0x3f: {  	[hbm4b:s5+s2] =	stream.linear.scatter [tilespmem:s15], [sflag:$0x2], $0x4000, $0x38;
	[tilespmem:$0x4200] =	vst v63  }
0x40: {  	_ =	swait.ge [sflag:s14], $0x4000  }
0x41: {  	[sflag:s14] =	ssyncset.done $0x0  }
0x42: {  	[sflag:s14] =	ssyncadd.s32 $0xFFFFC000  }
0x43: {  	v3 =	vld [tilespmem:$0x40];
	_ =	sdelay $0x4  }
0x44: {  	v36 =	vshll.u32 v3, $0x1  }
0x45: {  	v3 =	vand.u32 $0x7, v3;
	v4 =	vand.u32 $0xFFFFFFF0, v36  }
0x46: {  	v3 =	vor.u32 v3, v4  }
0x47: {  	v4 =	vperm.xlane v3, v0;
	_ =	sdelay $0x1  }
0x48: {  	v3 =	vperm.xlane v3, v2;
	v4 =	vadd.s32 v1, v4;
	_ =	sdelay $0x1  }
0x49: {  	v3 =	vadd.s32 v1, v3;
	_ =	sdelay $0x2  }
0x4a: {  	[tilespmem:s15], [sflag:$0x1] =	stream.indirect_vreg.gather [hbm4b:s3+s2], $0x80, v4, vm0, $0xb8;
	[tilespmem:$0x4200] =	vst v63  }
0x4b: {  	_ = 	snop  }
0x4c: {  	[tilespmem:s16], [sflag:$0x1] =	stream.indirect_vreg.gather [hbm4b:s3+s2], $0x80, v3, vm0, $0xb8;
	[tilespmem:$0x4200] =	vst v63  }
0x4d: {  	v3 =	vld [tilespmem:$0x50];
	_ =	sdelay $0x4  }
0x4e: {  	v37 =	vshll.u32 v3, $0x1  }
0x4f: {  	v3 =	vand.u32 $0x7, v3;
	v4 =	vand.u32 $0xFFFFFFF0, v37  }
0x50: {  	v3 =	vor.u32 v3, v4  }
0x51: {  	v4 =	vperm.xlane v3, v0;
	_ =	sdelay $0x1  }
0x52: {  	v3 =	vperm.xlane v3, v2;
	v4 =	vadd.s32 v1, v4;
	_ =	sdelay $0x1  }
0x53: {  	v3 =	vadd.s32 v1, v3;
	_ =	sdelay $0x2  }
0x54: {  	[tilespmem:s17], [sflag:$0x1] =	stream.indirect_vreg.gather [hbm4b:s3+s2], $0x80, v4, vm0, $0xb8;
	[tilespmem:$0x4200] =	vst v63  }
0x55: {  	_ = 	snop  }
0x56: {  	[tilespmem:s18], [sflag:$0x1] =	stream.indirect_vreg.gather [hbm4b:s3+s2], $0x80, v3, vm0, $0xb8;
	[tilespmem:$0x4200] =	vst v63  }
0x57: {  	v3 =	vld [tilespmem:$0x60];
	_ =	sdelay $0x4  }
0x58: {  	v38 =	vshll.u32 v3, $0x1  }
0x59: {  	v3 =	vand.u32 $0x7, v3;
	v4 =	vand.u32 $0xFFFFFFF0, v38  }
0x5a: {  	v3 =	vor.u32 v3, v4  }
0x5b: {  	v4 =	vperm.xlane v3, v0;
	_ =	sdelay $0x1  }
0x5c: {  	v3 =	vperm.xlane v3, v2;
	v4 =	vadd.s32 v1, v4;
	_ =	sdelay $0x1  }
0x5d: {  	v3 =	vadd.s32 v1, v3;
	_ =	sdelay $0x2  }
0x5e: {  	[tilespmem:s19], [sflag:$0x1] =	stream.indirect_vreg.gather [hbm4b:s3+s2], $0x80, v4, vm0, $0xb8;
	[tilespmem:$0x4200] =	vst v63  }
0x5f: {  	_ = 	snop  }
0x60: {  	[tilespmem:s20], [sflag:$0x1] =	stream.indirect_vreg.gather [hbm4b:s3+s2], $0x80, v3, vm0, $0xb8;
	[tilespmem:$0x4200] =	vst v63  }
0x61: {  	v3 =	vld [tilespmem:$0x70];
	_ =	sdelay $0x4  }
0x62: {  	v39 =	vshll.u32 v3, $0x1  }
0x63: {  	v3 =	vand.u32 $0x7, v3;
	v4 =	vand.u32 $0xFFFFFFF0, v39  }
0x64: {  	v3 =	vor.u32 v3, v4  }
0x65: {  	v4 =	vperm.xlane v3, v0;
	_ =	sdelay $0x1  }
0x66: {  	v3 =	vperm.xlane v3, v2;
	v4 =	vadd.s32 v1, v4;
	_ =	sdelay $0x1  }
0x67: {  	v3 =	vadd.s32 v1, v3;
	_ =	sdelay $0x2  }
0x68: {  	[tilespmem:s21], [sflag:$0x1] =	stream.indirect_vreg.gather [hbm4b:s3+s2], $0x80, v4, vm0, $0xb8;
	[tilespmem:$0x4200] =	vst v63  }
0x69: {  	_ = 	snop  }
0x6a: {  	[tilespmem:s22], [sflag:$0x1] =	stream.indirect_vreg.gather [hbm4b:s3+s2], $0x80, v3, vm0, $0xb8;
	[tilespmem:$0x4200] =	vst v63  }
0x6b: {  	_ =	swait.ge [sflag:s23], $0x4000  }
0x6c: {  	[sflag:s23] =	ssyncset.done $0x0  }
0x6d: {  	[sflag:s23] =	ssyncadd.s32 $0xFFFFC000  }
0x6e: {  	[hbm4b:s6+s2] =	stream.linear.scatter [tilespmem:s15], [sflag:$0x2], $0x4000, $0x38;
	[tilespmem:$0x4200] =	vst v63  }
0x6f: {  	_ =	swait.ge [sflag:s14], $0x4000  }
0x70: {  	[sflag:s14] =	ssyncset.done $0x0  }
0x71: {  	[sflag:s14] =	ssyncadd.s32 $0xFFFFC000  }
0x72: {  	v3 =	vld [tilespmem:$0x80];
	_ =	sdelay $0x4  }
0x73: {  	v40 =	vshll.u32 v3, $0x1  }
0x74: {  	v3 =	vand.u32 $0x7, v3;
	v4 =	vand.u32 $0xFFFFFFF0, v40  }
0x75: {  	v3 =	vor.u32 v3, v4  }
0x76: {  	v4 =	vperm.xlane v3, v0;
	_ =	sdelay $0x1  }
0x77: {  	v3 =	vperm.xlane v3, v2;
	v4 =	vadd.s32 v1, v4;
	_ =	sdelay $0x1  }
0x78: {  	v3 =	vadd.s32 v1, v3;
	_ =	sdelay $0x2  }
0x79: {  	[tilespmem:s15], [sflag:$0x1] =	stream.indirect_vreg.gather [hbm4b:s3+s2], $0x80, v4, vm0, $0xb8;
	[tilespmem:$0x4200] =	vst v63  }
0x7a: {  	_ = 	snop  }
0x7b: {  	[tilespmem:s16], [sflag:$0x1] =	stream.indirect_vreg.gather [hbm4b:s3+s2], $0x80, v3, vm0, $0xb8;
	[tilespmem:$0x4200] =	vst v63  }
0x7c: {  	v3 =	vld [tilespmem:$0x90];
	_ =	sdelay $0x4  }
0x7d: {  	v41 =	vshll.u32 v3, $0x1  }
0x7e: {  	v3 =	vand.u32 $0x7, v3;
	v4 =	vand.u32 $0xFFFFFFF0, v41  }
0x7f: {  	v3 =	vor.u32 v3, v4  }
0x80: {  	v4 =	vperm.xlane v3, v0;
	_ =	sdelay $0x1  }
0x81: {  	v3 =	vperm.xlane v3, v2;
	v4 =	vadd.s32 v1, v4;
	_ =	sdelay $0x1  }
0x82: {  	v3 =	vadd.s32 v1, v3;
	_ =	sdelay $0x2  }
0x83: {  	[tilespmem:s17], [sflag:$0x1] =	stream.indirect_vreg.gather [hbm4b:s3+s2], $0x80, v4, vm0, $0xb8;
	[tilespmem:$0x4200] =	vst v63  }
0x84: {  	_ = 	snop  }
0x85: {  	[tilespmem:s18], [sflag:$0x1] =	stream.indirect_vreg.gather [hbm4b:s3+s2], $0x80, v3, vm0, $0xb8;
	[tilespmem:$0x4200] =	vst v63  }
0x86: {  	v3 =	vld [tilespmem:$0xA0];
	_ =	sdelay $0x4  }
0x87: {  	v42 =	vshll.u32 v3, $0x1  }
0x88: {  	v3 =	vand.u32 $0x7, v3;
	v4 =	vand.u32 $0xFFFFFFF0, v42  }
0x89: {  	v3 =	vor.u32 v3, v4  }
0x8a: {  	v4 =	vperm.xlane v3, v0;
	_ =	sdelay $0x1  }
0x8b: {  	v3 =	vperm.xlane v3, v2;
	v4 =	vadd.s32 v1, v4;
	_ =	sdelay $0x1  }
0x8c: {  	v3 =	vadd.s32 v1, v3;
	_ =	sdelay $0x2  }
0x8d: {  	[tilespmem:s19], [sflag:$0x1] =	stream.indirect_vreg.gather [hbm4b:s3+s2], $0x80, v4, vm0, $0xb8;
	[tilespmem:$0x4200] =	vst v63  }
0x8e: {  	_ = 	snop  }
0x8f: {  	[tilespmem:s20], [sflag:$0x1] =	stream.indirect_vreg.gather [hbm4b:s3+s2], $0x80, v3, vm0, $0xb8;
	[tilespmem:$0x4200] =	vst v63  }
0x90: {  	v3 =	vld [tilespmem:$0xB0];
	_ =	sdelay $0x4  }
0x91: {  	v43 =	vshll.u32 v3, $0x1  }
0x92: {  	v3 =	vand.u32 $0x7, v3;
	v4 =	vand.u32 $0xFFFFFFF0, v43  }
0x93: {  	v3 =	vor.u32 v3, v4  }
0x94: {  	v4 =	vperm.xlane v3, v0;
	_ =	sdelay $0x1  }
0x95: {  	v3 =	vperm.xlane v3, v2;
	v4 =	vadd.s32 v1, v4;
	_ =	sdelay $0x1  }
0x96: {  	v3 =	vadd.s32 v1, v3;
	_ =	sdelay $0x2  }
0x97: {  	[tilespmem:s21], [sflag:$0x1] =	stream.indirect_vreg.gather [hbm4b:s3+s2], $0x80, v4, vm0, $0xb8;
	[tilespmem:$0x4200] =	vst v63  }
0x98: {  	_ = 	snop  }
0x99: {  	[tilespmem:s22], [sflag:$0x1] =	stream.indirect_vreg.gather [hbm4b:s3+s2], $0x80, v3, vm0, $0xb8;
	[tilespmem:$0x4200] =	vst v63  }
0x9a: {  	_ =	swait.ge [sflag:s23], $0x4000  }
0x9b: {  	[sflag:s23] =	ssyncset.done $0x0  }
0x9c: {  	[sflag:s23] =	ssyncadd.s32 $0xFFFFC000  }
0x9d: {  	[hbm4b:s7+s2] =	stream.linear.scatter [tilespmem:s15], [sflag:$0x2], $0x4000, $0x38;
	[tilespmem:$0x4200] =	vst v63  }
0x9e: {  	_ =	swait.ge [sflag:s14], $0x4000  }
0x9f: {  	[sflag:s14] =	ssyncset.done $0x0  }
0xa0: {  	[sflag:s14] =	ssyncadd.s32 $0xFFFFC000  }
0xa1: {  	v3 =	vld [tilespmem:$0xC0];
	_ =	sdelay $0x4  }
0xa2: {  	v44 =	vshll.u32 v3, $0x1  }
0xa3: {  	v3 =	vand.u32 $0x7, v3;
	v4 =	vand.u32 $0xFFFFFFF0, v44  }
0xa4: {  	v3 =	vor.u32 v3, v4  }
0xa5: {  	v4 =	vperm.xlane v3, v0;
	_ =	sdelay $0x1  }
0xa6: {  	v3 =	vperm.xlane v3, v2;
	v4 =	vadd.s32 v1, v4;
	_ =	sdelay $0x1  }
0xa7: {  	v3 =	vadd.s32 v1, v3;
	_ =	sdelay $0x2  }
0xa8: {  	[tilespmem:s15], [sflag:$0x1] =	stream.indirect_vreg.gather [hbm4b:s3+s2], $0x80, v4, vm0, $0xb8;
	[tilespmem:$0x4200] =	vst v63  }
0xa9: {  	_ = 	snop  }
0xaa: {  	[tilespmem:s16], [sflag:$0x1] =	stream.indirect_vreg.gather [hbm4b:s3+s2], $0x80, v3, vm0, $0xb8;
	[tilespmem:$0x4200] =	vst v63  }
0xab: {  	v3 =	vld [tilespmem:$0xD0];
	_ =	sdelay $0x4  }
0xac: {  	v45 =	vshll.u32 v3, $0x1  }
0xad: {  	v3 =	vand.u32 $0x7, v3;
	v4 =	vand.u32 $0xFFFFFFF0, v45  }
0xae: {  	v3 =	vor.u32 v3, v4  }
0xaf: {  	v4 =	vperm.xlane v3, v0;
	_ =	sdelay $0x1  }
0xb0: {  	v3 =	vperm.xlane v3, v2;
	v4 =	vadd.s32 v1, v4;
	_ =	sdelay $0x1  }
0xb1: {  	v3 =	vadd.s32 v1, v3;
	_ =	sdelay $0x2  }
0xb2: {  	[tilespmem:s17], [sflag:$0x1] =	stream.indirect_vreg.gather [hbm4b:s3+s2], $0x80, v4, vm0, $0xb8;
	[tilespmem:$0x4200] =	vst v63  }
0xb3: {  	_ = 	snop  }
0xb4: {  	[tilespmem:s18], [sflag:$0x1] =	stream.indirect_vreg.gather [hbm4b:s3+s2], $0x80, v3, vm0, $0xb8;
	[tilespmem:$0x4200] =	vst v63  }
0xb5: {  	v3 =	vld [tilespmem:$0xE0];
	_ =	sdelay $0x4  }
0xb6: {  	v46 =	vshll.u32 v3, $0x1  }
0xb7: {  	v3 =	vand.u32 $0x7, v3;
	v4 =	vand.u32 $0xFFFFFFF0, v46  }
0xb8: {  	v3 =	vor.u32 v3, v4  }
0xb9: {  	v4 =	vperm.xlane v3, v0;
	_ =	sdelay $0x1  }
0xba: {  	v3 =	vperm.xlane v3, v2;
	v4 =	vadd.s32 v1, v4;
	_ =	sdelay $0x1  }
0xbb: {  	v3 =	vadd.s32 v1, v3;
	_ =	sdelay $0x2  }
0xbc: {  	[tilespmem:s19], [sflag:$0x1] =	stream.indirect_vreg.gather [hbm4b:s3+s2], $0x80, v4, vm0, $0xb8;
	[tilespmem:$0x4200] =	vst v63  }
0xbd: {  	_ = 	snop  }
0xbe: {  	[tilespmem:s20], [sflag:$0x1] =	stream.indirect_vreg.gather [hbm4b:s3+s2], $0x80, v3, vm0, $0xb8;
	[tilespmem:$0x4200] =	vst v63  }
0xbf: {  	v3 =	vld [tilespmem:$0xF0];
	_ =	sdelay $0x4  }
0xc0: {  	v47 =	vshll.u32 v3, $0x1  }
0xc1: {  	v3 =	vand.u32 $0x7, v3;
	v4 =	vand.u32 $0xFFFFFFF0, v47  }
0xc2: {  	v3 =	vor.u32 v3, v4  }
0xc3: {  	v4 =	vperm.xlane v3, v0;
	_ =	sdelay $0x1  }
0xc4: {  	v3 =	vperm.xlane v3, v2;
	v4 =	vadd.s32 v1, v4;
	_ =	sdelay $0x1  }
0xc5: {  	v3 =	vadd.s32 v1, v3;
	_ =	sdelay $0x2  }
0xc6: {  	[tilespmem:s21], [sflag:$0x1] =	stream.indirect_vreg.gather [hbm4b:s3+s2], $0x80, v4, vm0, $0xb8;
	[tilespmem:$0x4200] =	vst v63  }
0xc7: {  	_ = 	snop  }
0xc8: {  	[tilespmem:s22], [sflag:$0x1] =	stream.indirect_vreg.gather [hbm4b:s3+s2], $0x80, v3, vm0, $0xb8;
	[tilespmem:$0x4200] =	vst v63  }
0xc9: {  	_ =	swait.ge [sflag:s23], $0x4000  }
0xca: {  	[sflag:s23] =	ssyncset.done $0x0  }
0xcb: {  	[sflag:s23] =	ssyncadd.s32 $0xFFFFC000  }
0xcc: {  	[hbm4b:s8+s2] =	stream.linear.scatter [tilespmem:s15], [sflag:$0x2], $0x4000, $0x38;
	[tilespmem:$0x4200] =	vst v63  }
0xcd: {  	_ =	swait.ge [sflag:s14], $0x4000  }
0xce: {  	[sflag:s14] =	ssyncset.done $0x0  }
0xcf: {  	[sflag:s14] =	ssyncadd.s32 $0xFFFFC000  }
0xd0: {  	v3 =	vld [tilespmem:$0x100];
	_ =	sdelay $0x4  }
0xd1: {  	v48 =	vshll.u32 v3, $0x1  }
0xd2: {  	v3 =	vand.u32 $0x7, v3;
	v4 =	vand.u32 $0xFFFFFFF0, v48  }
0xd3: {  	v3 =	vor.u32 v3, v4  }
0xd4: {  	v4 =	vperm.xlane v3, v0;
	_ =	sdelay $0x1  }
0xd5: {  	v3 =	vperm.xlane v3, v2;
	v4 =	vadd.s32 v1, v4;
	_ =	sdelay $0x1  }
0xd6: {  	v3 =	vadd.s32 v1, v3;
	_ =	sdelay $0x2  }
0xd7: {  	[tilespmem:s15], [sflag:$0x1] =	stream.indirect_vreg.gather [hbm4b:s3+s2], $0x80, v4, vm0, $0xb8;
	[tilespmem:$0x4200] =	vst v63  }
0xd8: {  	_ = 	snop  }
0xd9: {  	[tilespmem:s16], [sflag:$0x1] =	stream.indirect_vreg.gather [hbm4b:s3+s2], $0x80, v3, vm0, $0xb8;
	[tilespmem:$0x4200] =	vst v63  }
0xda: {  	v3 =	vld [tilespmem:$0x110];
	_ =	sdelay $0x4  }
0xdb: {  	v49 =	vshll.u32 v3, $0x1  }
0xdc: {  	v3 =	vand.u32 $0x7, v3;
	v4 =	vand.u32 $0xFFFFFFF0, v49  }
0xdd: {  	v3 =	vor.u32 v3, v4  }
0xde: {  	v4 =	vperm.xlane v3, v0;
	_ =	sdelay $0x1  }
0xdf: {  	v3 =	vperm.xlane v3, v2;
	v4 =	vadd.s32 v1, v4;
	_ =	sdelay $0x1  }
0xe0: {  	v3 =	vadd.s32 v1, v3;
	_ =	sdelay $0x2  }
0xe1: {  	[tilespmem:s17], [sflag:$0x1] =	stream.indirect_vreg.gather [hbm4b:s3+s2], $0x80, v4, vm0, $0xb8;
	[tilespmem:$0x4200] =	vst v63  }
0xe2: {  	_ = 	snop  }
0xe3: {  	[tilespmem:s18], [sflag:$0x1] =	stream.indirect_vreg.gather [hbm4b:s3+s2], $0x80, v3, vm0, $0xb8;
	[tilespmem:$0x4200] =	vst v63  }
0xe4: {  	v3 =	vld [tilespmem:$0x120];
	_ =	sdelay $0x4  }
0xe5: {  	v50 =	vshll.u32 v3, $0x1  }
0xe6: {  	v3 =	vand.u32 $0x7, v3;
	v4 =	vand.u32 $0xFFFFFFF0, v50  }
0xe7: {  	v3 =	vor.u32 v3, v4  }
0xe8: {  	v4 =	vperm.xlane v3, v0;
	_ =	sdelay $0x1  }
0xe9: {  	v3 =	vperm.xlane v3, v2;
	v4 =	vadd.s32 v1, v4;
	_ =	sdelay $0x1  }
0xea: {  	v3 =	vadd.s32 v1, v3;
	_ =	sdelay $0x2  }
0xeb: {  	[tilespmem:s19], [sflag:$0x1] =	stream.indirect_vreg.gather [hbm4b:s3+s2], $0x80, v4, vm0, $0xb8;
	[tilespmem:$0x4200] =	vst v63  }
0xec: {  	_ = 	snop  }
0xed: {  	[tilespmem:s20], [sflag:$0x1] =	stream.indirect_vreg.gather [hbm4b:s3+s2], $0x80, v3, vm0, $0xb8;
	[tilespmem:$0x4200] =	vst v63  }
0xee: {  	v3 =	vld [tilespmem:$0x130];
	_ =	sdelay $0x4  }
0xef: {  	v51 =	vshll.u32 v3, $0x1  }
0xf0: {  	v3 =	vand.u32 $0x7, v3;
	v4 =	vand.u32 $0xFFFFFFF0, v51  }
0xf1: {  	v3 =	vor.u32 v3, v4  }
0xf2: {  	v4 =	vperm.xlane v3, v0;
	_ =	sdelay $0x1  }
0xf3: {  	v3 =	vperm.xlane v3, v2;
	v4 =	vadd.s32 v1, v4;
	_ =	sdelay $0x1  }
0xf4: {  	v3 =	vadd.s32 v1, v3;
	_ =	sdelay $0x2  }
0xf5: {  	[tilespmem:s21], [sflag:$0x1] =	stream.indirect_vreg.gather [hbm4b:s3+s2], $0x80, v4, vm0, $0xb8;
	[tilespmem:$0x4200] =	vst v63  }
0xf6: {  	_ = 	snop  }
0xf7: {  	[tilespmem:s22], [sflag:$0x1] =	stream.indirect_vreg.gather [hbm4b:s3+s2], $0x80, v3, vm0, $0xb8;
	[tilespmem:$0x4200] =	vst v63  }
0xf8: {  	_ =	swait.ge [sflag:s23], $0x4000  }
0xf9: {  	[sflag:s23] =	ssyncset.done $0x0  }
0xfa: {  	[sflag:s23] =	ssyncadd.s32 $0xFFFFC000  }
0xfb: {  	[hbm4b:s9+s2] =	stream.linear.scatter [tilespmem:s15], [sflag:$0x2], $0x4000, $0x38;
	[tilespmem:$0x4200] =	vst v63  }
0xfc: {  	_ =	swait.ge [sflag:s14], $0x4000  }
0xfd: {  	[sflag:s14] =	ssyncset.done $0x0  }
0xfe: {  	[sflag:s14] =	ssyncadd.s32 $0xFFFFC000  }
0xff: {  	v3 =	vld [tilespmem:$0x140];
	_ =	sdelay $0x4  }
0x100: {  	v52 =	vshll.u32 v3, $0x1  }
0x101: {  	v3 =	vand.u32 $0x7, v3;
	v4 =	vand.u32 $0xFFFFFFF0, v52  }
0x102: {  	v3 =	vor.u32 v3, v4  }
0x103: {  	v4 =	vperm.xlane v3, v0;
	_ =	sdelay $0x1  }
0x104: {  	v3 =	vperm.xlane v3, v2;
	v4 =	vadd.s32 v1, v4;
	_ =	sdelay $0x1  }
0x105: {  	v3 =	vadd.s32 v1, v3;
	_ =	sdelay $0x2  }
0x106: {  	[tilespmem:s15], [sflag:$0x1] =	stream.indirect_vreg.gather [hbm4b:s3+s2], $0x80, v4, vm0, $0xb8;
	[tilespmem:$0x4200] =	vst v63  }
0x107: {  	_ = 	snop  }
0x108: {  	[tilespmem:s16], [sflag:$0x1] =	stream.indirect_vreg.gather [hbm4b:s3+s2], $0x80, v3, vm0, $0xb8;
	[tilespmem:$0x4200] =	vst v63  }
0x109: {  	v3 =	vld [tilespmem:$0x150];
	_ =	sdelay $0x4  }
0x10a: {  	v53 =	vshll.u32 v3, $0x1  }
0x10b: {  	v3 =	vand.u32 $0x7, v3;
	v4 =	vand.u32 $0xFFFFFFF0, v53  }
0x10c: {  	v3 =	vor.u32 v3, v4  }
0x10d: {  	v4 =	vperm.xlane v3, v0;
	_ =	sdelay $0x1  }
0x10e: {  	v3 =	vperm.xlane v3, v2;
	v4 =	vadd.s32 v1, v4;
	_ =	sdelay $0x1  }
0x10f: {  	v3 =	vadd.s32 v1, v3;
	_ =	sdelay $0x2  }
0x110: {  	[tilespmem:s17], [sflag:$0x1] =	stream.indirect_vreg.gather [hbm4b:s3+s2], $0x80, v4, vm0, $0xb8;
	[tilespmem:$0x4200] =	vst v63  }
0x111: {  	_ = 	snop  }
0x112: {  	[tilespmem:s18], [sflag:$0x1] =	stream.indirect_vreg.gather [hbm4b:s3+s2], $0x80, v3, vm0, $0xb8;
	[tilespmem:$0x4200] =	vst v63  }
0x113: {  	v3 =	vld [tilespmem:$0x160];
	_ =	sdelay $0x4  }
0x114: {  	v54 =	vshll.u32 v3, $0x1  }
0x115: {  	v3 =	vand.u32 $0x7, v3;
	v4 =	vand.u32 $0xFFFFFFF0, v54  }
0x116: {  	v3 =	vor.u32 v3, v4  }
0x117: {  	v4 =	vperm.xlane v3, v0;
	_ =	sdelay $0x1  }
0x118: {  	v3 =	vperm.xlane v3, v2;
	v4 =	vadd.s32 v1, v4;
	_ =	sdelay $0x1  }
0x119: {  	v3 =	vadd.s32 v1, v3;
	_ =	sdelay $0x2  }
0x11a: {  	[tilespmem:s19], [sflag:$0x1] =	stream.indirect_vreg.gather [hbm4b:s3+s2], $0x80, v4, vm0, $0xb8;
	[tilespmem:$0x4200] =	vst v63  }
0x11b: {  	_ = 	snop  }
0x11c: {  	[tilespmem:s20], [sflag:$0x1] =	stream.indirect_vreg.gather [hbm4b:s3+s2], $0x80, v3, vm0, $0xb8;
	[tilespmem:$0x4200] =	vst v63  }
0x11d: {  	v3 =	vld [tilespmem:$0x170];
	_ =	sdelay $0x4  }
0x11e: {  	v55 =	vshll.u32 v3, $0x1  }
0x11f: {  	v3 =	vand.u32 $0x7, v3;
	v4 =	vand.u32 $0xFFFFFFF0, v55  }
0x120: {  	v3 =	vor.u32 v3, v4  }
0x121: {  	v4 =	vperm.xlane v3, v0;
	_ =	sdelay $0x1  }
0x122: {  	v3 =	vperm.xlane v3, v2;
	v4 =	vadd.s32 v1, v4;
	_ =	sdelay $0x1  }
0x123: {  	v3 =	vadd.s32 v1, v3;
	_ =	sdelay $0x2  }
0x124: {  	[tilespmem:s21], [sflag:$0x1] =	stream.indirect_vreg.gather [hbm4b:s3+s2], $0x80, v4, vm0, $0xb8;
	[tilespmem:$0x4200] =	vst v63  }
0x125: {  	_ = 	snop  }
0x126: {  	[tilespmem:s22], [sflag:$0x1] =	stream.indirect_vreg.gather [hbm4b:s3+s2], $0x80, v3, vm0, $0xb8;
	[tilespmem:$0x4200] =	vst v63  }
0x127: {  	_ =	swait.ge [sflag:s23], $0x4000  }
0x128: {  	[sflag:s23] =	ssyncset.done $0x0  }
0x129: {  	[sflag:s23] =	ssyncadd.s32 $0xFFFFC000  }
0x12a: {  	[hbm4b:s10+s2] =	stream.linear.scatter [tilespmem:s15], [sflag:$0x2], $0x4000, $0x38;
	[tilespmem:$0x4200] =	vst v63  }
0x12b: {  	_ =	swait.ge [sflag:s14], $0x4000  }
0x12c: {  	[sflag:s14] =	ssyncset.done $0x0  }
0x12d: {  	[sflag:s14] =	ssyncadd.s32 $0xFFFFC000  }
0x12e: {  	v3 =	vld [tilespmem:$0x180];
	_ =	sdelay $0x4  }
0x12f: {  	v56 =	vshll.u32 v3, $0x1  }
0x130: {  	v3 =	vand.u32 $0x7, v3;
	v4 =	vand.u32 $0xFFFFFFF0, v56  }
0x131: {  	v3 =	vor.u32 v3, v4  }
0x132: {  	v4 =	vperm.xlane v3, v0;
	_ =	sdelay $0x1  }
0x133: {  	v3 =	vperm.xlane v3, v2;
	v4 =	vadd.s32 v1, v4;
	_ =	sdelay $0x1  }
0x134: {  	v3 =	vadd.s32 v1, v3;
	_ =	sdelay $0x2  }
0x135: {  	[tilespmem:s15], [sflag:$0x1] =	stream.indirect_vreg.gather [hbm4b:s3+s2], $0x80, v4, vm0, $0xb8;
	[tilespmem:$0x4200] =	vst v63  }
0x136: {  	_ = 	snop  }
0x137: {  	[tilespmem:s16], [sflag:$0x1] =	stream.indirect_vreg.gather [hbm4b:s3+s2], $0x80, v3, vm0, $0xb8;
	[tilespmem:$0x4200] =	vst v63  }
0x138: {  	v3 =	vld [tilespmem:$0x190];
	_ =	sdelay $0x4  }
0x139: {  	v57 =	vshll.u32 v3, $0x1  }
0x13a: {  	v3 =	vand.u32 $0x7, v3;
	v4 =	vand.u32 $0xFFFFFFF0, v57  }
0x13b: {  	v3 =	vor.u32 v3, v4  }
0x13c: {  	v4 =	vperm.xlane v3, v0;
	_ =	sdelay $0x1  }
0x13d: {  	v3 =	vperm.xlane v3, v2;
	v4 =	vadd.s32 v1, v4;
	_ =	sdelay $0x1  }
0x13e: {  	v3 =	vadd.s32 v1, v3;
	_ =	sdelay $0x2  }
0x13f: {  	[tilespmem:s17], [sflag:$0x1] =	stream.indirect_vreg.gather [hbm4b:s3+s2], $0x80, v4, vm0, $0xb8;
	[tilespmem:$0x4200] =	vst v63  }
0x140: {  	_ = 	snop  }
0x141: {  	[tilespmem:s18], [sflag:$0x1] =	stream.indirect_vreg.gather [hbm4b:s3+s2], $0x80, v3, vm0, $0xb8;
	[tilespmem:$0x4200] =	vst v63  }
0x142: {  	v3 =	vld [tilespmem:$0x1A0];
	_ =	sdelay $0x4  }
0x143: {  	v58 =	vshll.u32 v3, $0x1  }
0x144: {  	v3 =	vand.u32 $0x7, v3;
	v4 =	vand.u32 $0xFFFFFFF0, v58  }
0x145: {  	v3 =	vor.u32 v3, v4  }
0x146: {  	v4 =	vperm.xlane v3, v0;
	_ =	sdelay $0x1  }
0x147: {  	v3 =	vperm.xlane v3, v2;
	v4 =	vadd.s32 v1, v4;
	_ =	sdelay $0x1  }
0x148: {  	v3 =	vadd.s32 v1, v3;
	_ =	sdelay $0x2  }
0x149: {  	[tilespmem:s19], [sflag:$0x1] =	stream.indirect_vreg.gather [hbm4b:s3+s2], $0x80, v4, vm0, $0xb8;
	[tilespmem:$0x4200] =	vst v63  }
0x14a: {  	_ = 	snop  }
0x14b: {  	[tilespmem:s20], [sflag:$0x1] =	stream.indirect_vreg.gather [hbm4b:s3+s2], $0x80, v3, vm0, $0xb8;
	[tilespmem:$0x4200] =	vst v63  }
0x14c: {  	v3 =	vld [tilespmem:$0x1B0];
	_ =	sdelay $0x4  }
0x14d: {  	v59 =	vshll.u32 v3, $0x1  }
0x14e: {  	v3 =	vand.u32 $0x7, v3;
	v4 =	vand.u32 $0xFFFFFFF0, v59  }
0x14f: {  	v3 =	vor.u32 v3, v4  }
0x150: {  	v4 =	vperm.xlane v3, v0;
	_ =	sdelay $0x1  }
0x151: {  	v3 =	vperm.xlane v3, v2;
	v4 =	vadd.s32 v1, v4;
	_ =	sdelay $0x1  }
0x152: {  	v3 =	vadd.s32 v1, v3;
	_ =	sdelay $0x2  }
0x153: {  	[tilespmem:s21], [sflag:$0x1] =	stream.indirect_vreg.gather [hbm4b:s3+s2], $0x80, v4, vm0, $0xb8;
	[tilespmem:$0x4200] =	vst v63  }
0x154: {  	_ = 	snop  }
0x155: {  	[tilespmem:s22], [sflag:$0x1] =	stream.indirect_vreg.gather [hbm4b:s3+s2], $0x80, v3, vm0, $0xb8;
	[tilespmem:$0x4200] =	vst v63  }
0x156: {  	_ =	swait.ge [sflag:s23], $0x4000  }
0x157: {  	[sflag:s23] =	ssyncset.done $0x0  }
0x158: {  	[sflag:s23] =	ssyncadd.s32 $0xFFFFC000  }
0x159: {  	[hbm4b:s11+s2] =	stream.linear.scatter [tilespmem:s15], [sflag:$0x2], $0x4000, $0x38;
	[tilespmem:$0x4200] =	vst v63  }
0x15a: {  	_ =	swait.ge [sflag:s14], $0x4000  }
0x15b: {  	[sflag:s14] =	ssyncset.done $0x0  }
0x15c: {  	[sflag:s14] =	ssyncadd.s32 $0xFFFFC000  }
0x15d: {  	v3 =	vld [tilespmem:$0x1C0];
	_ =	sdelay $0x4  }
0x15e: {  	v60 =	vshll.u32 v3, $0x1  }
0x15f: {  	v3 =	vand.u32 $0x7, v3;
	v4 =	vand.u32 $0xFFFFFFF0, v60  }
0x160: {  	v3 =	vor.u32 v3, v4  }
0x161: {  	v4 =	vperm.xlane v3, v0;
	_ =	sdelay $0x1  }
0x162: {  	v3 =	vperm.xlane v3, v2;
	v4 =	vadd.s32 v1, v4;
	_ =	sdelay $0x1  }
0x163: {  	v3 =	vadd.s32 v1, v3;
	_ =	sdelay $0x2  }
0x164: {  	[tilespmem:s15], [sflag:$0x1] =	stream.indirect_vreg.gather [hbm4b:s3+s2], $0x80, v4, vm0, $0xb8;
	[tilespmem:$0x4200] =	vst v63  }
0x165: {  	_ = 	snop  }
0x166: {  	[tilespmem:s16], [sflag:$0x1] =	stream.indirect_vreg.gather [hbm4b:s3+s2], $0x80, v3, vm0, $0xb8;
	[tilespmem:$0x4200] =	vst v63  }
0x167: {  	v3 =	vld [tilespmem:$0x1D0];
	_ =	sdelay $0x4  }
0x168: {  	v61 =	vshll.u32 v3, $0x1  }
0x169: {  	v3 =	vand.u32 $0x7, v3;
	v4 =	vand.u32 $0xFFFFFFF0, v61  }
0x16a: {  	v3 =	vor.u32 v3, v4  }
0x16b: {  	v4 =	vperm.xlane v3, v0;
	_ =	sdelay $0x1  }
0x16c: {  	v3 =	vperm.xlane v3, v2;
	v4 =	vadd.s32 v1, v4;
	_ =	sdelay $0x1  }
0x16d: {  	v3 =	vadd.s32 v1, v3;
	_ =	sdelay $0x2  }
0x16e: {  	[tilespmem:s17], [sflag:$0x1] =	stream.indirect_vreg.gather [hbm4b:s3+s2], $0x80, v4, vm0, $0xb8;
	[tilespmem:$0x4200] =	vst v63  }
0x16f: {  	_ = 	snop  }
0x170: {  	[tilespmem:s18], [sflag:$0x1] =	stream.indirect_vreg.gather [hbm4b:s3+s2], $0x80, v3, vm0, $0xb8;
	[tilespmem:$0x4200] =	vst v63  }
0x171: {  	v3 =	vld [tilespmem:$0x1E0];
	_ =	sdelay $0x4  }
0x172: {  	v62 =	vshll.u32 v3, $0x1  }
0x173: {  	v3 =	vand.u32 $0x7, v3;
	v4 =	vand.u32 $0xFFFFFFF0, v62  }
0x174: {  	v3 =	vor.u32 v3, v4  }
0x175: {  	v4 =	vperm.xlane v3, v0;
	_ =	sdelay $0x1  }
0x176: {  	v3 =	vperm.xlane v3, v2;
	v4 =	vadd.s32 v1, v4;
	_ =	sdelay $0x1  }
0x177: {  	v3 =	vadd.s32 v1, v3;
	_ =	sdelay $0x2  }
0x178: {  	[tilespmem:s19], [sflag:$0x1] =	stream.indirect_vreg.gather [hbm4b:s3+s2], $0x80, v4, vm0, $0xb8;
	[tilespmem:$0x4200] =	vst v63  }
0x179: {  	_ = 	snop  }
0x17a: {  	[tilespmem:s20], [sflag:$0x1] =	stream.indirect_vreg.gather [hbm4b:s3+s2], $0x80, v3, vm0, $0xb8;
	[tilespmem:$0x4200] =	vst v63  }
0x17b: {  	v3 =	vld [tilespmem:$0x1F0];
	_ =	sdelay $0x4  }
0x17c: {  	v63 =	vshll.u32 v3, $0x1  }
0x17d: {  	v3 =	vand.u32 $0x7, v3;
	v4 =	vand.u32 $0xFFFFFFF0, v63  }
0x17e: {  	v3 =	vor.u32 v3, v4  }
0x17f: {  	v4 =	vperm.xlane v3, v0;
	_ =	sdelay $0x1  }
0x180: {  	v3 =	vperm.xlane v3, v2;
	v4 =	vadd.s32 v1, v4;
	_ =	sdelay $0x1  }
0x181: {  	v3 =	vadd.s32 v1, v3;
	_ =	sdelay $0x2  }
0x182: {  	[tilespmem:s21], [sflag:$0x1] =	stream.indirect_vreg.gather [hbm4b:s3+s2], $0x80, v4, vm0, $0xb8;
	[tilespmem:$0x4200] =	vst v63  }
0x183: {  	_ = 	snop  }
0x184: {  	[tilespmem:s22], [sflag:$0x1] =	stream.indirect_vreg.gather [hbm4b:s3+s2], $0x80, v3, vm0, $0xb8;
	[tilespmem:$0x4200] =	vst v63  }
0x185: {  	_ =	swait.ge [sflag:s23], $0x4000  }
0x186: {  	p0 =	sne.s32 s13, $0x1;
	[sflag:s23] =	ssyncset.done $0x0  }
.Ltmp0:
0x187: {  	[sflag:s23] =	ssyncadd.s32 $0xFFFFC000;
	(pc) =	sbr.rel @p0 .LBB2_1-.Ltmp0, $4  }
0x188: {  	[hbm4b:s12+s2] =	stream.linear.scatter [tilespmem:s15], [sflag:$0x2], $0x4000, $0x38;
	[tilespmem:$0x4200] =	vst v63  }
0x189: {  	_ =	swait.ge [sflag:s14], $0x4000  }
0x18a: {  	[sflag:s14] =	ssyncset.done $0x0  }
0x18b: {  	s13 =	sadd.s32 $0xFFFFFFFF, s13;
	[sflag:s14] =	ssyncadd.s32 $0xFFFFC000  }
0x18c: {  	_ =	sfence.sel $0x180000  }
0x18d: {  	[bflag:$0x0] =	sbarrier.arrive $0xFFFF  }
0x18e: {  	p0 =	sne.s32 s1, $0x0;
	_ =	strace $0x90000053  }
0x18f: {  	s0 =	sadd.s32 @!p0 $0x100000, s0;
	[bflag:$0x2] =	sbarrier.arrive $0xFFFF  }
0x190: {  	[sflag:s0] =	ssyncadd.tile.s32 @!p0 $0x1;
	_ =	shalt  }
.Lfunc_end2:
_tile_overlayer_lowered:
.L_overlay_start_2:
0x191: {  	(tag) =	ssettag $0x2  }
0x192: {  	s0 =	rddreg [dreg:$0x0];
	s2 =	stileid.u32  }
0x193: {  	s1 =	rddreg [dreg:$0x1];
	p0 =	sne.s32 s2, $0x0  }
0x194: {  	s3 =	rddreg [dreg:$0x2];
	[bflag:$0x3] =	sbarrier.arrive $0xFFFF;
	s2 =	simm.s32 @!p0 $0x1C02  }
0x195: {  	[timem:s3], [sflag:s2] =	dma.local @!p0 [hbm:s0], s1  }
0x196: {  	s0 =	simm.s32 @!p0 $0x2  }
0x197: {  	_ =	swait.ge @!p0 [sflag:s0], s1  }
0x198: {  	s1 =	ssub.s32 @!p0 $0x0, s1;
	[sflag:s0] =	ssyncset.done @!p0 $0x0  }
0x199: {  	[sflag:s0] =	ssyncadd.s32 @!p0 s1  }
0x19a: {  	[bflag:$0x3] =	sbarrier.arrive $0xFFFF  }
0x19b: {  	_ =	shalt  }

</sc_bundles>
